<compile_context>
chip_gen: v7x
topology: tpu7x:2x2x1
jax: 0.10.2.dev20260603
libtpu: 0.0.44.dev20260713+nightly
codegen_flags: <defaults>
</compile_context>

<pallas_src>
import functools

import jax
import jax.numpy as jnp
from jax import lax
from jax.experimental import pallas as pl
from jax.experimental.pallas import tpu as pltpu
from jax.experimental.pallas import tpu_sc as plsc

B, S, D = 4, 8192, 1024
NW = 32
SPW = S // NW
CS = 8
NCH = SPW // CS
HALF = NCH // 2
NV = D // 16


def _sc_body(x_hbm, m_hbm, e_hbm, o_hbm,
             xb0, xb1, eb0, eb1, mbuf,
             in0, in1, es0, es1, ou0, ou1):
    cid = lax.axis_index("c")
    sid = lax.axis_index("s")
    wid = sid * 2 + cid
    s0 = wid * SPW

    for b in range(B):
        pltpu.sync_copy(m_hbm.at[b, pl.ds(s0, SPW)], mbuf.at[b])

    def start_in(c, xbuf, ebuf, isem, esem):
        s = s0 + c * CS
        pltpu.async_copy(e_hbm.at[pl.ds(s, CS), :], ebuf, esem)
        pltpu.async_copy(x_hbm.at[:, pl.ds(s, CS), :], xbuf, isem)

    def wait_in(xbuf, ebuf, isem, esem):
        pltpu.make_async_copy(e_hbm.at[pl.ds(0, CS), :], ebuf, esem).wait()
        pltpu.make_async_copy(x_hbm.at[:, pl.ds(0, CS), :], xbuf, isem).wait()

    def start_out(c, xbuf, osem):
        s = s0 + c * CS
        pltpu.async_copy(xbuf, o_hbm.at[:, pl.ds(s, CS), :], osem)

    def wait_out(xbuf, osem):
        pltpu.make_async_copy(xbuf, o_hbm.at[:, pl.ds(0, CS), :], osem).wait()

    def compute(mvecs, half, xbuf, ebuf):
        for r in range(CS):
            mfs = []
            for b in range(B):
                mv = mvecs[b][half * CS + r]
                mfs.append(jnp.where(mv == 0, 0.0, 1.0))

            @plsc.parallel_loop(0, NV, unroll=8)
            def _(j, r=r, mfs=mfs, xbuf=xbuf, ebuf=ebuf):
                sl = pl.ds(pl.multiple_of(j * 16, 16), 16)
                e = ebuf[r, sl]
                for b in range(B):
                    xbuf[b, r, sl] = (xbuf[b, r, sl] + e) * mfs[b]

    start_in(0, xb0, eb0, in0, es0)
    start_in(1, xb1, eb1, in1, es1)

    def body(t, _):
        c0 = 2 * t
        c1 = 2 * t + 1
        mvecs = [
            mbuf[b, pl.ds(pl.multiple_of(t * 2 * CS, 16), 16)] for b in range(B)
        ]
        wait_in(xb0, eb0, in0, es0)
        compute(mvecs, 0, xb0, eb0)
        start_out(c0, xb0, ou0)
        wait_in(xb1, eb1, in1, es1)
        compute(mvecs, 1, xb1, eb1)
        start_out(c1, xb1, ou1)

        @pl.when(t < HALF - 1)
        def _():
            wait_out(xb0, ou0)
            start_in(c0 + 2, xb0, eb0, in0, es0)
            wait_out(xb1, ou1)
            start_in(c1 + 2, xb1, eb1, in1, es1)

        return 0

    lax.fori_loop(0, HALF, body, 0)
    wait_out(xb0, ou0)
    wait_out(xb1, ou1)


def kernel(inputs, input_mask, pos_emb):
    run = functools.partial(
        pl.kernel,
        out_type=jax.ShapeDtypeStruct((B, S, D), jnp.float32),
        mesh=plsc.VectorSubcoreMesh(core_axis_name="c", subcore_axis_name="s"),
        scratch_types=[
            pltpu.VMEM((B, CS, D), jnp.float32),
            pltpu.VMEM((B, CS, D), jnp.float32),
            pltpu.VMEM((CS, D), jnp.float32),
            pltpu.VMEM((CS, D), jnp.float32),
            pltpu.VMEM((B, SPW), jnp.int32),
            pltpu.SemaphoreType.DMA,
            pltpu.SemaphoreType.DMA,
            pltpu.SemaphoreType.DMA,
            pltpu.SemaphoreType.DMA,
            pltpu.SemaphoreType.DMA,
            pltpu.SemaphoreType.DMA,
        ],
    )(_sc_body)
    return run(inputs, input_mask, pos_emb[:S])

# --- scband reference (transcript-rebuilt; emitter-appended) ---
"""Pipeline reference for scband-learned-positional-encoding-82420422410853 (READ-ONLY COPY).

The authoritative reference and input builder live on the scoring server;
editing this copy changes nothing except your own understanding.
"""

import jax, jax.numpy as jnp
import numpy as np

B, S, D = 4, 8192, 1024
MAX_LEN = 8192

def setup_inputs(seed: int = 0) -> dict:
    key = jax.random.key(seed)
    k1, k2, k3 = jax.random.split(key, 3)
    inputs = jax.random.normal(k1, (B, S, D), dtype=jnp.float32)
    input_mask = jax.random.randint(k2, (B, S), 0, 2, dtype=jnp.int32)
    # xavier_uniform for pos_emb [MAX_LEN, D]
    limit = float(np.sqrt(6.0 / (MAX_LEN + D)))
    pos_emb = jax.random.uniform(k3, (MAX_LEN, D), minval=-limit, maxval=limit, dtype=jnp.float32)
    return {"inputs": inputs, "input_mask": input_mask, "pos_emb": pos_emb}

def reference(inputs, input_mask, pos_emb):
    seq_len = inputs.shape[1]
    emb = pos_emb[:seq_len, :]          # gather/slice from learned table
    out = inputs + emb[None, :, :]      # broadcast add over batch
    # mask_outputs: zero positions where mask == 0 (batch_first=True)
    out = jnp.where((input_mask == 0)[:, :, None], 0.0, out)
    return out

if __name__ == "__main__":
    import jax
    _d = setup_inputs()
    print(jax.jit(kernel)(*tuple(_d.values())))

</pallas_src>

<mosaic_0001>
#map = affine_map<(d0, d1) -> (0, 0, 0)>
#map1 = affine_map<(d0, d1) -> (0, 0)>
module attributes {stable_mosaic.version = 14 : i64} {
  func.func @_sc_body(%arg0: i32, %arg1: i32, %arg2: memref<4x8192x1024xf32, #tpu.memory_space<hbm>>, %arg3: memref<4x8192xi32, #tpu.memory_space<hbm>>, %arg4: memref<8192x1024xf32, #tpu.memory_space<hbm>>, %arg5: memref<4x8192x1024xf32, #tpu.memory_space<hbm>>, %arg6: memref<4x8x1024xf32, #tpu.memory_space<vmem>>, %arg7: memref<4x8x1024xf32, #tpu.memory_space<vmem>>, %arg8: memref<8x1024xf32, #tpu.memory_space<vmem>>, %arg9: memref<8x1024xf32, #tpu.memory_space<vmem>>, %arg10: memref<4x256xi32, #tpu.memory_space<vmem>>, %arg11: memref<!tpu.dma_semaphore, #tpu.memory_space<semaphore_mem>>, %arg12: memref<!tpu.dma_semaphore, #tpu.memory_space<semaphore_mem>>, %arg13: memref<!tpu.dma_semaphore, #tpu.memory_space<semaphore_mem>>, %arg14: memref<!tpu.dma_semaphore, #tpu.memory_space<semaphore_mem>>, %arg15: memref<!tpu.dma_semaphore, #tpu.memory_space<semaphore_mem>>, %arg16: memref<!tpu.dma_semaphore, #tpu.memory_space<semaphore_mem>>) attributes {dimension_semantics = [#tpu.dimension_semantics<core_parallel>, #tpu.dimension_semantics<subcore_parallel>], iteration_bounds = array<i64: 2, 16>, scalar_prefetch = 0 : i64, scratch_operands = 11 : i64, tpu.core_type = #tpu.core_type<sc_vector_subcore>, window_params = [{transform_indices = #map}, {transform_indices = #map1}, {transform_indices = #map1}, {transform_indices = #map}]} {
    %mul3A = arith.constant 2 : i32
    %mul3A_0 = arith.muli %arg1, %mul3A : i32
    %add3A = arith.addi %mul3A_0, %arg0 : i32
    %mul3A_1 = arith.constant 256 : i32
    %mul3A_2 = arith.muli %add3A, %mul3A_1 : i32
    %run_scoped3A = arith.constant 0 : i32
    %run_scoped3A_3 = arith.constant 0 : i32
    "tpu.region"() ({
      %run_scoped3A_54 = tpu.sem_alloc : memref<!tpu.dma_semaphore, #tpu.memory_space<semaphore_mem>>
      %dma_start3A_55 = arith.constant 0 : i32
      %dma_start3A_56 = tpu.memref_slice %arg10[%run_scoped3A_3, %dma_start3A_55] : memref<4x256xi32, #tpu.memory_space<vmem>> -> memref<1x256xi32, #tpu.memory_space<vmem>>
      %dma_start3A_57 = tpu.memref_squeeze %dma_start3A_56 : memref<1x256xi32, #tpu.memory_space<vmem>> -> memref<256xi32, #tpu.memory_space<vmem>>
      %dma_start3A_58 = tpu.memref_slice %arg3[%run_scoped3A, %mul3A_2] : memref<4x8192xi32, #tpu.memory_space<hbm>> -> memref<1x256xi32, #tpu.memory_space<hbm>>
      %dma_start3A_59 = tpu.memref_squeeze %dma_start3A_58 : memref<1x256xi32, #tpu.memory_space<hbm>> -> memref<256xi32, #tpu.memory_space<hbm>>
      %dma_start3A_60 = arith.constant 0 : i32
      %dma_start3A_61 = tpu.memref_slice %arg10[%run_scoped3A_3, %dma_start3A_60] : memref<4x256xi32, #tpu.memory_space<vmem>> -> memref<1x256xi32, #tpu.memory_space<vmem>>
      %dma_start3A_62 = tpu.memref_squeeze %dma_start3A_61 : memref<1x256xi32, #tpu.memory_space<vmem>> -> memref<256xi32, #tpu.memory_space<vmem>>
      %dma_start3A_63 = tpu.memref_slice %arg3[%run_scoped3A, %mul3A_2] : memref<4x8192xi32, #tpu.memory_space<hbm>> -> memref<1x256xi32, #tpu.memory_space<hbm>>
      %dma_start3A_64 = tpu.memref_squeeze %dma_start3A_63 : memref<1x256xi32, #tpu.memory_space<hbm>> -> memref<256xi32, #tpu.memory_space<hbm>>
      tpu.enqueue_dma source(%dma_start3A_64 : memref<256xi32, #tpu.memory_space<hbm>>) target(%dma_start3A_62 : memref<256xi32, #tpu.memory_space<vmem>>) target_semaphore(%run_scoped3A_54 : memref<!tpu.dma_semaphore, #tpu.memory_space<semaphore_mem>>)
      %dma_wait3A_65 = arith.constant 0 : i32
      %dma_wait3A_66 = tpu.memref_slice %arg10[%run_scoped3A_3, %dma_wait3A_65] : memref<4x256xi32, #tpu.memory_space<vmem>> -> memref<1x256xi32, #tpu.memory_space<vmem>>
      %dma_wait3A_67 = tpu.memref_squeeze %dma_wait3A_66 : memref<1x256xi32, #tpu.memory_space<vmem>> -> memref<256xi32, #tpu.memory_space<vmem>>
      %dma_wait3A_68 = tpu.memref_slice %arg3[%run_scoped3A, %mul3A_2] : memref<4x8192xi32, #tpu.memory_space<hbm>> -> memref<1x256xi32, #tpu.memory_space<hbm>>
      %dma_wait3A_69 = tpu.memref_squeeze %dma_wait3A_68 : memref<1x256xi32, #tpu.memory_space<hbm>> -> memref<256xi32, #tpu.memory_space<hbm>>
      %dma_wait3A_70 = arith.constant 0 : i32
      %dma_wait3A_71 = tpu.memref_slice %arg10[%run_scoped3A_3, %dma_wait3A_70] : memref<4x256xi32, #tpu.memory_space<vmem>> -> memref<1x256xi32, #tpu.memory_space<vmem>>
      %dma_wait3A_72 = tpu.memref_squeeze %dma_wait3A_71 : memref<1x256xi32, #tpu.memory_space<vmem>> -> memref<256xi32, #tpu.memory_space<vmem>>
      %dma_wait3A_73 = tpu.memref_slice %arg3[%run_scoped3A, %mul3A_2] : memref<4x8192xi32, #tpu.memory_space<hbm>> -> memref<1x256xi32, #tpu.memory_space<hbm>>
      %dma_wait3A_74 = tpu.memref_squeeze %dma_wait3A_73 : memref<1x256xi32, #tpu.memory_space<hbm>> -> memref<256xi32, #tpu.memory_space<hbm>>
      tpu.wait_dma2 semaphore(%run_scoped3A_54 : memref<!tpu.dma_semaphore, #tpu.memory_space<semaphore_mem>>) src(%dma_wait3A_74 : memref<256xi32, #tpu.memory_space<hbm>>) dst(%dma_wait3A_72 : memref<256xi32, #tpu.memory_space<vmem>>)
      tpu.yield
    }) : () -> ()
    %run_scoped3A_4 = arith.constant 1 : i32
    %run_scoped3A_5 = arith.constant 1 : i32
    "tpu.region"() ({
      %run_scoped3A_54 = tpu.sem_alloc : memref<!tpu.dma_semaphore, #tpu.memory_space<semaphore_mem>>
      %dma_start3A_55 = arith.constant 0 : i32
      %dma_start3A_56 = tpu.memref_slice %arg10[%run_scoped3A_5, %dma_start3A_55] : memref<4x256xi32, #tpu.memory_space<vmem>> -> memref<1x256xi32, #tpu.memory_space<vmem>>
      %dma_start3A_57 = tpu.memref_squeeze %dma_start3A_56 : memref<1x256xi32, #tpu.memory_space<vmem>> -> memref<256xi32, #tpu.memory_space<vmem>>
      %dma_start3A_58 = tpu.memref_slice %arg3[%run_scoped3A_4, %mul3A_2] : memref<4x8192xi32, #tpu.memory_space<hbm>> -> memref<1x256xi32, #tpu.memory_space<hbm>>
      %dma_start3A_59 = tpu.memref_squeeze %dma_start3A_58 : memref<1x256xi32, #tpu.memory_space<hbm>> -> memref<256xi32, #tpu.memory_space<hbm>>
      %dma_start3A_60 = arith.constant 0 : i32
      %dma_start3A_61 = tpu.memref_slice %arg10[%run_scoped3A_5, %dma_start3A_60] : memref<4x256xi32, #tpu.memory_space<vmem>> -> memref<1x256xi32, #tpu.memory_space<vmem>>
      %dma_start3A_62 = tpu.memref_squeeze %dma_start3A_61 : memref<1x256xi32, #tpu.memory_space<vmem>> -> memref<256xi32, #tpu.memory_space<vmem>>
      %dma_start3A_63 = tpu.memref_slice %arg3[%run_scoped3A_4, %mul3A_2] : memref<4x8192xi32, #tpu.memory_space<hbm>> -> memref<1x256xi32, #tpu.memory_space<hbm>>
      %dma_start3A_64 = tpu.memref_squeeze %dma_start3A_63 : memref<1x256xi32, #tpu.memory_space<hbm>> -> memref<256xi32, #tpu.memory_space<hbm>>
      tpu.enqueue_dma source(%dma_start3A_64 : memref<256xi32, #tpu.memory_space<hbm>>) target(%dma_start3A_62 : memref<256xi32, #tpu.memory_space<vmem>>) target_semaphore(%run_scoped3A_54 : memref<!tpu.dma_semaphore, #tpu.memory_space<semaphore_mem>>)
      %dma_wait3A_65 = arith.constant 0 : i32
      %dma_wait3A_66 = tpu.memref_slice %arg10[%run_scoped3A_5, %dma_wait3A_65] : memref<4x256xi32, #tpu.memory_space<vmem>> -> memref<1x256xi32, #tpu.memory_space<vmem>>
      %dma_wait3A_67 = tpu.memref_squeeze %dma_wait3A_66 : memref<1x256xi32, #tpu.memory_space<vmem>> -> memref<256xi32, #tpu.memory_space<vmem>>
      %dma_wait3A_68 = tpu.memref_slice %arg3[%run_scoped3A_4, %mul3A_2] : memref<4x8192xi32, #tpu.memory_space<hbm>> -> memref<1x256xi32, #tpu.memory_space<hbm>>
      %dma_wait3A_69 = tpu.memref_squeeze %dma_wait3A_68 : memref<1x256xi32, #tpu.memory_space<hbm>> -> memref<256xi32, #tpu.memory_space<hbm>>
      %dma_wait3A_70 = arith.constant 0 : i32
      %dma_wait3A_71 = tpu.memref_slice %arg10[%run_scoped3A_5, %dma_wait3A_70] : memref<4x256xi32, #tpu.memory_space<vmem>> -> memref<1x256xi32, #tpu.memory_space<vmem>>
      %dma_wait3A_72 = tpu.memref_squeeze %dma_wait3A_71 : memref<1x256xi32, #tpu.memory_space<vmem>> -> memref<256xi32, #tpu.memory_space<vmem>>
      %dma_wait3A_73 = tpu.memref_slice %arg3[%run_scoped3A_4, %mul3A_2] : memref<4x8192xi32, #tpu.memory_space<hbm>> -> memref<1x256xi32, #tpu.memory_space<hbm>>
      %dma_wait3A_74 = tpu.memref_squeeze %dma_wait3A_73 : memref<1x256xi32, #tpu.memory_space<hbm>> -> memref<256xi32, #tpu.memory_space<hbm>>
      tpu.wait_dma2 semaphore(%run_scoped3A_54 : memref<!tpu.dma_semaphore, #tpu.memory_space<semaphore_mem>>) src(%dma_wait3A_74 : memref<256xi32, #tpu.memory_space<hbm>>) dst(%dma_wait3A_72 : memref<256xi32, #tpu.memory_space<vmem>>)
      tpu.yield
    }) : () -> ()
    %run_scoped3A_6 = arith.constant 2 : i32
    %run_scoped3A_7 = arith.constant 2 : i32
    "tpu.region"() ({
      %run_scoped3A_54 = tpu.sem_alloc : memref<!tpu.dma_semaphore, #tpu.memory_space<semaphore_mem>>
      %dma_start3A_55 = arith.constant 0 : i32
      %dma_start3A_56 = tpu.memref_slice %arg10[%run_scoped3A_7, %dma_start3A_55] : memref<4x256xi32, #tpu.memory_space<vmem>> -> memref<1x256xi32, #tpu.memory_space<vmem>>
      %dma_start3A_57 = tpu.memref_squeeze %dma_start3A_56 : memref<1x256xi32, #tpu.memory_space<vmem>> -> memref<256xi32, #tpu.memory_space<vmem>>
      %dma_start3A_58 = tpu.memref_slice %arg3[%run_scoped3A_6, %mul3A_2] : memref<4x8192xi32, #tpu.memory_space<hbm>> -> memref<1x256xi32, #tpu.memory_space<hbm>>
      %dma_start3A_59 = tpu.memref_squeeze %dma_start3A_58 : memref<1x256xi32, #tpu.memory_space<hbm>> -> memref<256xi32, #tpu.memory_space<hbm>>
      %dma_start3A_60 = arith.constant 0 : i32
      %dma_start3A_61 = tpu.memref_slice %arg10[%run_scoped3A_7, %dma_start3A_60] : memref<4x256xi32, #tpu.memory_space<vmem>> -> memref<1x256xi32, #tpu.memory_space<vmem>>
      %dma_start3A_62 = tpu.memref_squeeze %dma_start3A_61 : memref<1x256xi32, #tpu.memory_space<vmem>> -> memref<256xi32, #tpu.memory_space<vmem>>
      %dma_start3A_63 = tpu.memref_slice %arg3[%run_scoped3A_6, %mul3A_2] : memref<4x8192xi32, #tpu.memory_space<hbm>> -> memref<1x256xi32, #tpu.memory_space<hbm>>
      %dma_start3A_64 = tpu.memref_squeeze %dma_start3A_63 : memref<1x256xi32, #tpu.memory_space<hbm>> -> memref<256xi32, #tpu.memory_space<hbm>>
      tpu.enqueue_dma source(%dma_start3A_64 : memref<256xi32, #tpu.memory_space<hbm>>) target(%dma_start3A_62 : memref<256xi32, #tpu.memory_space<vmem>>) target_semaphore(%run_scoped3A_54 : memref<!tpu.dma_semaphore, #tpu.memory_space<semaphore_mem>>)
      %dma_wait3A_65 = arith.constant 0 : i32
      %dma_wait3A_66 = tpu.memref_slice %arg10[%run_scoped3A_7, %dma_wait3A_65] : memref<4x256xi32, #tpu.memory_space<vmem>> -> memref<1x256xi32, #tpu.memory_space<vmem>>
      %dma_wait3A_67 = tpu.memref_squeeze %dma_wait3A_66 : memref<1x256xi32, #tpu.memory_space<vmem>> -> memref<256xi32, #tpu.memory_space<vmem>>
      %dma_wait3A_68 = tpu.memref_slice %arg3[%run_scoped3A_6, %mul3A_2] : memref<4x8192xi32, #tpu.memory_space<hbm>> -> memref<1x256xi32, #tpu.memory_space<hbm>>
      %dma_wait3A_69 = tpu.memref_squeeze %dma_wait3A_68 : memref<1x256xi32, #tpu.memory_space<hbm>> -> memref<256xi32, #tpu.memory_space<hbm>>
      %dma_wait3A_70 = arith.constant 0 : i32
      %dma_wait3A_71 = tpu.memref_slice %arg10[%run_scoped3A_7, %dma_wait3A_70] : memref<4x256xi32, #tpu.memory_space<vmem>> -> memref<1x256xi32, #tpu.memory_space<vmem>>
      %dma_wait3A_72 = tpu.memref_squeeze %dma_wait3A_71 : memref<1x256xi32, #tpu.memory_space<vmem>> -> memref<256xi32, #tpu.memory_space<vmem>>
      %dma_wait3A_73 = tpu.memref_slice %arg3[%run_scoped3A_6, %mul3A_2] : memref<4x8192xi32, #tpu.memory_space<hbm>> -> memref<1x256xi32, #tpu.memory_space<hbm>>
      %dma_wait3A_74 = tpu.memref_squeeze %dma_wait3A_73 : memref<1x256xi32, #tpu.memory_space<hbm>> -> memref<256xi32, #tpu.memory_space<hbm>>
      tpu.wait_dma2 semaphore(%run_scoped3A_54 : memref<!tpu.dma_semaphore, #tpu.memory_space<semaphore_mem>>) src(%dma_wait3A_74 : memref<256xi32, #tpu.memory_space<hbm>>) dst(%dma_wait3A_72 : memref<256xi32, #tpu.memory_space<vmem>>)
      tpu.yield
    }) : () -> ()
    %run_scoped3A_8 = arith.constant 3 : i32
    %run_scoped3A_9 = arith.constant 3 : i32
    "tpu.region"() ({
      %run_scoped3A_54 = tpu.sem_alloc : memref<!tpu.dma_semaphore, #tpu.memory_space<semaphore_mem>>
      %dma_start3A_55 = arith.constant 0 : i32
      %dma_start3A_56 = tpu.memref_slice %arg10[%run_scoped3A_9, %dma_start3A_55] : memref<4x256xi32, #tpu.memory_space<vmem>> -> memref<1x256xi32, #tpu.memory_space<vmem>>
      %dma_start3A_57 = tpu.memref_squeeze %dma_start3A_56 : memref<1x256xi32, #tpu.memory_space<vmem>> -> memref<256xi32, #tpu.memory_space<vmem>>
      %dma_start3A_58 = tpu.memref_slice %arg3[%run_scoped3A_8, %mul3A_2] : memref<4x8192xi32, #tpu.memory_space<hbm>> -> memref<1x256xi32, #tpu.memory_space<hbm>>
      %dma_start3A_59 = tpu.memref_squeeze %dma_start3A_58 : memref<1x256xi32, #tpu.memory_space<hbm>> -> memref<256xi32, #tpu.memory_space<hbm>>
      %dma_start3A_60 = arith.constant 0 : i32
      %dma_start3A_61 = tpu.memref_slice %arg10[%run_scoped3A_9, %dma_start3A_60] : memref<4x256xi32, #tpu.memory_space<vmem>> -> memref<1x256xi32, #tpu.memory_space<vmem>>
      %dma_start3A_62 = tpu.memref_squeeze %dma_start3A_61 : memref<1x256xi32, #tpu.memory_space<vmem>> -> memref<256xi32, #tpu.memory_space<vmem>>
      %dma_start3A_63 = tpu.memref_slice %arg3[%run_scoped3A_8, %mul3A_2] : memref<4x8192xi32, #tpu.memory_space<hbm>> -> memref<1x256xi32, #tpu.memory_space<hbm>>
      %dma_start3A_64 = tpu.memref_squeeze %dma_start3A_63 : memref<1x256xi32, #tpu.memory_space<hbm>> -> memref<256xi32, #tpu.memory_space<hbm>>
      tpu.enqueue_dma source(%dma_start3A_64 : memref<256xi32, #tpu.memory_space<hbm>>) target(%dma_start3A_62 : memref<256xi32, #tpu.memory_space<vmem>>) target_semaphore(%run_scoped3A_54 : memref<!tpu.dma_semaphore, #tpu.memory_space<semaphore_mem>>)
      %dma_wait3A_65 = arith.constant 0 : i32
      %dma_wait3A_66 = tpu.memref_slice %arg10[%run_scoped3A_9, %dma_wait3A_65] : memref<4x256xi32, #tpu.memory_space<vmem>> -> memref<1x256xi32, #tpu.memory_space<vmem>>
      %dma_wait3A_67 = tpu.memref_squeeze %dma_wait3A_66 : memref<1x256xi32, #tpu.memory_space<vmem>> -> memref<256xi32, #tpu.memory_space<vmem>>
      %dma_wait3A_68 = tpu.memref_slice %arg3[%run_scoped3A_8, %mul3A_2] : memref<4x8192xi32, #tpu.memory_space<hbm>> -> memref<1x256xi32, #tpu.memory_space<hbm>>
      %dma_wait3A_69 = tpu.memref_squeeze %dma_wait3A_68 : memref<1x256xi32, #tpu.memory_space<hbm>> -> memref<256xi32, #tpu.memory_space<hbm>>
      %dma_wait3A_70 = arith.constant 0 : i32
      %dma_wait3A_71 = tpu.memref_slice %arg10[%run_scoped3A_9, %dma_wait3A_70] : memref<4x256xi32, #tpu.memory_space<vmem>> -> memref<1x256xi32, #tpu.memory_space<vmem>>
      %dma_wait3A_72 = tpu.memref_squeeze %dma_wait3A_71 : memref<1x256xi32, #tpu.memory_space<vmem>> -> memref<256xi32, #tpu.memory_space<vmem>>
      %dma_wait3A_73 = tpu.memref_slice %arg3[%run_scoped3A_8, %mul3A_2] : memref<4x8192xi32, #tpu.memory_space<hbm>> -> memref<1x256xi32, #tpu.memory_space<hbm>>
      %dma_wait3A_74 = tpu.memref_squeeze %dma_wait3A_73 : memref<1x256xi32, #tpu.memory_space<hbm>> -> memref<256xi32, #tpu.memory_space<hbm>>
      tpu.wait_dma2 semaphore(%run_scoped3A_54 : memref<!tpu.dma_semaphore, #tpu.memory_space<semaphore_mem>>) src(%dma_wait3A_74 : memref<256xi32, #tpu.memory_space<hbm>>) dst(%dma_wait3A_72 : memref<256xi32, #tpu.memory_space<vmem>>)
      tpu.yield
    }) : () -> ()
    %add3A_10 = arith.constant 0 : i32
    %add3A_11 = arith.addi %mul3A_2, %add3A_10 : i32
    %dma_start3A = arith.constant 0 : i32
    %dma_start3A_12 = tpu.memref_slice %arg4[%add3A_11, %dma_start3A] : memref<8192x1024xf32, #tpu.memory_space<hbm>> -> memref<8x1024xf32, #tpu.memory_space<hbm>>
    %dma_start3A_13 = arith.constant 0 : i32
    %dma_start3A_14 = tpu.memref_slice %arg4[%add3A_11, %dma_start3A_13] : memref<8192x1024xf32, #tpu.memory_space<hbm>> -> memref<8x1024xf32, #tpu.memory_space<hbm>>
    tpu.enqueue_dma source(%dma_start3A_14 : memref<8x1024xf32, #tpu.memory_space<hbm>>) target(%arg8 : memref<8x1024xf32, #tpu.memory_space<vmem>>) target_semaphore(%arg13 : memref<!tpu.dma_semaphore, #tpu.memory_space<semaphore_mem>>)
    %dma_start3A_15 = arith.constant 0 : i32
    %dma_start3A_16 = arith.constant 0 : i32
    %dma_start3A_17 = tpu.memref_slice %arg2[%dma_start3A_15, %add3A_11, %dma_start3A_16] : memref<4x8192x1024xf32, #tpu.memory_space<hbm>> -> memref<4x8x1024xf32, #tpu.memory_space<hbm>>
    %dma_start3A_18 = arith.constant 0 : i32
    %dma_start3A_19 = arith.constant 0 : i32
    %dma_start3A_20 = tpu.memref_slice %arg2[%dma_start3A_18, %add3A_11, %dma_start3A_19] : memref<4x8192x1024xf32, #tpu.memory_space<hbm>> -> memref<4x8x1024xf32, #tpu.memory_space<hbm>>
    tpu.enqueue_dma source(%dma_start3A_20 : memref<4x8x1024xf32, #tpu.memory_space<hbm>>) target(%arg6 : memref<4x8x1024xf32, #tpu.memory_space<vmem>>) target_semaphore(%arg11 : memref<!tpu.dma_semaphore, #tpu.memory_space<semaphore_mem>>)
    %add3A_21 = arith.constant 8 : i32
    %add3A_22 = arith.addi %mul3A_2, %add3A_21 : i32
    %dma_start3A_23 = arith.constant 0 : i32
    %dma_start3A_24 = tpu.memref_slice %arg4[%add3A_22, %dma_start3A_23] : memref<8192x1024xf32, #tpu.memory_space<hbm>> -> memref<8x1024xf32, #tpu.memory_space<hbm>>
    %dma_start3A_25 = arith.constant 0 : i32
    %dma_start3A_26 = tpu.memref_slice %arg4[%add3A_22, %dma_start3A_25] : memref<8192x1024xf32, #tpu.memory_space<hbm>> -> memref<8x1024xf32, #tpu.memory_space<hbm>>
    tpu.enqueue_dma source(%dma_start3A_26 : memref<8x1024xf32, #tpu.memory_space<hbm>>) target(%arg9 : memref<8x1024xf32, #tpu.memory_space<vmem>>) target_semaphore(%arg14 : memref<!tpu.dma_semaphore, #tpu.memory_space<semaphore_mem>>)
    %dma_start3A_27 = arith.constant 0 : i32
    %dma_start3A_28 = arith.constant 0 : i32
    %dma_start3A_29 = tpu.memref_slice %arg2[%dma_start3A_27, %add3A_22, %dma_start3A_28] : memref<4x8192x1024xf32, #tpu.memory_space<hbm>> -> memref<4x8x1024xf32, #tpu.memory_space<hbm>>
    %dma_start3A_30 = arith.constant 0 : i32
    %dma_start3A_31 = arith.constant 0 : i32
    %dma_start3A_32 = tpu.memref_slice %arg2[%dma_start3A_30, %add3A_22, %dma_start3A_31] : memref<4x8192x1024xf32, #tpu.memory_space<hbm>> -> memref<4x8x1024xf32, #tpu.memory_space<hbm>>
    tpu.enqueue_dma source(%dma_start3A_32 : memref<4x8x1024xf32, #tpu.memory_space<hbm>>) target(%arg7 : memref<4x8x1024xf32, #tpu.memory_space<vmem>>) target_semaphore(%arg12 : memref<!tpu.dma_semaphore, #tpu.memory_space<semaphore_mem>>)
    %scan3A = arith.constant 0 : i32
    %scan3A_33 = arith.constant 0 : i32
    %scan3A_34 = arith.constant 16 : i32
    %scan3A_35 = arith.addi %scan3A_33, %scan3A_34 : i32
    %scan3A_36 = arith.constant 1 : i32
    %scan3A_37 = scf.for %scan3A_54 = %scan3A_33 to %scan3A_35 step %scan3A_36 iter_args(%scan3A_55 = %scan3A) -> (i32)  : i32 {
      %mul3A_56 = arith.constant 2 : i32
      %mul3A_57 = arith.muli %mul3A_56, %scan3A_54 : i32
      %mul3A_58 = arith.constant 2 : i32
      %mul3A_59 = arith.muli %mul3A_58, %scan3A_54 : i32
      %add3A_60 = arith.constant 1 : i32
      %add3A_61 = arith.addi %mul3A_59, %add3A_60 : i32
      %mul3A_62 = arith.constant 2 : i32
      %mul3A_63 = arith.muli %scan3A_54, %mul3A_62 : i32
      %mul3A_64 = arith.constant 8 : i32
      %mul3A_65 = arith.muli %mul3A_63, %mul3A_64 : i32
      %multiple_of3A = tpu.assume_multiple %mul3A_65, 16 : i32
      %get3A = arith.constant 0 : i32
      %get3A_66 = arith.index_cast %get3A : i32 to index
      %get3A_67 = arith.index_cast %multiple_of3A : i32 to index
      %get3A_68 = tpu.vector_load %arg10[%get3A_66, %get3A_67] {strides = array<i32>} : memref<4x256xi32, #tpu.memory_space<vmem>>, vector<1x16xi32>,
      %get3A_69 = vector.shape_cast %get3A_68 : vector<1x16xi32> to vector<16xi32>
      %mul3A_70 = arith.constant 2 : i32
      %mul3A_71 = arith.muli %scan3A_54, %mul3A_70 : i32
      %mul3A_72 = arith.constant 8 : i32
      %mul3A_73 = arith.muli %mul3A_71, %mul3A_72 : i32
      %multiple_of3A_74 = tpu.assume_multiple %mul3A_73, 16 : i32
      %get3A_75 = arith.constant 1 : i32
      %get3A_76 = arith.index_cast %get3A_75 : i32 to index
      %get3A_77 = arith.index_cast %multiple_of3A_74 : i32 to index
      %get3A_78 = tpu.vector_load %arg10[%get3A_76, %get3A_77] {strides = array<i32>} : memref<4x256xi32, #tpu.memory_space<vmem>>, vector<1x16xi32>,
      %get3A_79 = vector.shape_cast %get3A_78 : vector<1x16xi32> to vector<16xi32>
      %mul3A_80 = arith.constant 2 : i32
      %mul3A_81 = arith.muli %scan3A_54, %mul3A_80 : i32
      %mul3A_82 = arith.constant 8 : i32
      %mul3A_83 = arith.muli %mul3A_81, %mul3A_82 : i32
      %multiple_of3A_84 = tpu.assume_multiple %mul3A_83, 16 : i32
      %get3A_85 = arith.constant 2 : i32
      %get3A_86 = arith.index_cast %get3A_85 : i32 to index
      %get3A_87 = arith.index_cast %multiple_of3A_84 : i32 to index
      %get3A_88 = tpu.vector_load %arg10[%get3A_86, %get3A_87] {strides = array<i32>} : memref<4x256xi32, #tpu.memory_space<vmem>>, vector<1x16xi32>,
      %get3A_89 = vector.shape_cast %get3A_88 : vector<1x16xi32> to vector<16xi32>
      %mul3A_90 = arith.constant 2 : i32
      %mul3A_91 = arith.muli %scan3A_54, %mul3A_90 : i32
      %mul3A_92 = arith.constant 8 : i32
      %mul3A_93 = arith.muli %mul3A_91, %mul3A_92 : i32
      %multiple_of3A_94 = tpu.assume_multiple %mul3A_93, 16 : i32
      %get3A_95 = arith.constant 3 : i32
      %get3A_96 = arith.index_cast %get3A_95 : i32 to index
      %get3A_97 = arith.index_cast %multiple_of3A_94 : i32 to index
      %get3A_98 = tpu.vector_load %arg10[%get3A_96, %get3A_97] {strides = array<i32>} : memref<4x256xi32, #tpu.memory_space<vmem>>, vector<1x16xi32>,
      %get3A_99 = vector.shape_cast %get3A_98 : vector<1x16xi32> to vector<16xi32>
      %dma_wait3A_100 = arith.constant 0 : i32
      %dma_wait3A_101 = arith.constant 0 : i32
      %dma_wait3A_102 = tpu.memref_slice %arg4[%dma_wait3A_100, %dma_wait3A_101] : memref<8192x1024xf32, #tpu.memory_space<hbm>> -> memref<8x1024xf32, #tpu.memory_space<hbm>>
      %dma_wait3A_103 = arith.constant 0 : i32
      %dma_wait3A_104 = arith.constant 0 : i32
      %dma_wait3A_105 = tpu.memref_slice %arg4[%dma_wait3A_103, %dma_wait3A_104] : memref<8192x1024xf32, #tpu.memory_space<hbm>> -> memref<8x1024xf32, #tpu.memory_space<hbm>>
      tpu.wait_dma2 semaphore(%arg13 : memref<!tpu.dma_semaphore, #tpu.memory_space<semaphore_mem>>) src(%dma_wait3A_105 : memref<8x1024xf32, #tpu.memory_space<hbm>>) dst(%arg8 : memref<8x1024xf32, #tpu.memory_space<vmem>>)
      %dma_wait3A_106 = arith.constant 0 : i32
      %dma_wait3A_107 = arith.constant 0 : i32
      %dma_wait3A_108 = arith.constant 0 : i32
      %dma_wait3A_109 = tpu.memref_slice %arg2[%dma_wait3A_106, %dma_wait3A_107, %dma_wait3A_108] : memref<4x8192x1024xf32, #tpu.memory_space<hbm>> -> memref<4x8x1024xf32, #tpu.memory_space<hbm>>
      %dma_wait3A_110 = arith.constant 0 : i32
      %dma_wait3A_111 = arith.constant 0 : i32
      %dma_wait3A_112 = arith.constant 0 : i32
      %dma_wait3A_113 = tpu.memref_slice %arg2[%dma_wait3A_110, %dma_wait3A_111, %dma_wait3A_112] : memref<4x8192x1024xf32, #tpu.memory_space<hbm>> -> memref<4x8x1024xf32, #tpu.memory_space<hbm>>
      tpu.wait_dma2 semaphore(%arg11 : memref<!tpu.dma_semaphore, #tpu.memory_space<semaphore_mem>>) src(%dma_wait3A_113 : memref<4x8x1024xf32, #tpu.memory_space<hbm>>) dst(%arg6 : memref<4x8x1024xf32, #tpu.memory_space<vmem>>)
      %slice3A = vector.extract_strided_slice %get3A_69 {offsets = [0], sizes = [1], strides = [1]} : vector<16xi32> to vector<1xi32>
      %squeeze3A = vector.extract %slice3A[0] : i32 from vector<1xi32>
      %eq3A = arith.constant 0 : i32
      %eq3A_114 = arith.cmpi eq, %squeeze3A, %eq3A : i32
      %jit3A = arith.constant 0.000000e+00 : f32
      %jit3A_115 = arith.constant 1.000000e+00 : f32
      %select_n3A = arith.select %eq3A_114, %jit3A, %jit3A_115 : f32
      %slice3A_116 = vector.extract_strided_slice %get3A_79 {offsets = [0], sizes = [1], strides = [1]} : vector<16xi32> to vector<1xi32>
      %squeeze3A_117 = vector.extract %slice3A_116[0] : i32 from vector<1xi32>
      %eq3A_118 = arith.constant 0 : i32
      %eq3A_119 = arith.cmpi eq, %squeeze3A_117, %eq3A_118 : i32
      %jit3A_120 = arith.constant 0.000000e+00 : f32
      %jit3A_121 = arith.constant 1.000000e+00 : f32
      %select_n3A_122 = arith.select %eq3A_119, %jit3A_120, %jit3A_121 : f32
      %slice3A_123 = vector.extract_strided_slice %get3A_89 {offsets = [0], sizes = [1], strides = [1]} : vector<16xi32> to vector<1xi32>
      %squeeze3A_124 = vector.extract %slice3A_123[0] : i32 from vector<1xi32>
      %eq3A_125 = arith.constant 0 : i32
      %eq3A_126 = arith.cmpi eq, %squeeze3A_124, %eq3A_125 : i32
      %jit3A_127 = arith.constant 0.000000e+00 : f32
      %jit3A_128 = arith.constant 1.000000e+00 : f32
      %select_n3A_129 = arith.select %eq3A_126, %jit3A_127, %jit3A_128 : f32
      %slice3A_130 = vector.extract_strided_slice %get3A_99 {offsets = [0], sizes = [1], strides = [1]} : vector<16xi32> to vector<1xi32>
      %squeeze3A_131 = vector.extract %slice3A_130[0] : i32 from vector<1xi32>
      %eq3A_132 = arith.constant 0 : i32
      %eq3A_133 = arith.cmpi eq, %squeeze3A_131, %eq3A_132 : i32
      %jit3A_134 = arith.constant 0.000000e+00 : f32
      %jit3A_135 = arith.constant 1.000000e+00 : f32
      %select_n3A_136 = arith.select %eq3A_133, %jit3A_134, %jit3A_135 : f32
      %parallel_loop3A = arith.constant 0 : i32
      %parallel_loop3A_137 = arith.constant 64 : i32
      %parallel_loop3A_138 = arith.constant 1 : i32
      scf.for %parallel_loop3A_639 = %parallel_loop3A to %parallel_loop3A_137 step %parallel_loop3A_138  : i32 {
        %parallel_loop3A_640 = arith.constant 16 : i32
        %parallel_loop3A_641 = arith.muli %parallel_loop3A_639, %parallel_loop3A_640 : i32
        %parallel_loop3A_642 = tpu.assume_multiple %parallel_loop3A_641, 16 : i32
        %parallel_loop3A_643 = arith.constant 0 : i32
        %parallel_loop3A_644 = arith.index_cast %parallel_loop3A_643 : i32 to index
        %parallel_loop3A_645 = arith.index_cast %parallel_loop3A_642 : i32 to index
        %parallel_loop3A_646 = tpu.vector_load %arg8[%parallel_loop3A_644, %parallel_loop3A_645] {strides = array<i32>} : memref<8x1024xf32, #tpu.memory_space<vmem>>, vector<1x16xf32>,
        %parallel_loop3A_647 = vector.shape_cast %parallel_loop3A_646 : vector<1x16xf32> to vector<16xf32>
        %parallel_loop3A_648 = arith.constant 0 : i32
        %parallel_loop3A_649 = arith.constant 0 : i32
        %parallel_loop3A_650 = arith.index_cast %parallel_loop3A_648 : i32 to index
        %parallel_loop3A_651 = arith.index_cast %parallel_loop3A_649 : i32 to index
        %parallel_loop3A_652 = arith.index_cast %parallel_loop3A_642 : i32 to index
        %parallel_loop3A_653 = tpu.vector_load %arg6[%parallel_loop3A_650, %parallel_loop3A_651, %parallel_loop3A_652] {strides = array<i32>} : memref<4x8x1024xf32, #tpu.memory_space<vmem>>, vector<1x1x16xf32>,
        %parallel_loop3A_654 = vector.shape_cast %parallel_loop3A_653 : vector<1x1x16xf32> to vector<16xf32>
        %parallel_loop3A_655 = arith.addf %parallel_loop3A_654, %parallel_loop3A_647 : vector<16xf32>
        %parallel_loop3A_656 = vector.broadcast %select_n3A : f32 to vector<16xf32>
        %parallel_loop3A_657 = arith.mulf %parallel_loop3A_655, %parallel_loop3A_656 : vector<16xf32>
        %parallel_loop3A_658 = arith.constant 0 : i32
        %parallel_loop3A_659 = arith.constant 0 : i32
        %parallel_loop3A_660 = arith.index_cast %parallel_loop3A_658 : i32 to index
        %parallel_loop3A_661 = arith.index_cast %parallel_loop3A_659 : i32 to index
        %parallel_loop3A_662 = arith.index_cast %parallel_loop3A_642 : i32 to index
        %parallel_loop3A_663 = tpu.vector_load %arg6[%parallel_loop3A_660, %parallel_loop3A_661, %parallel_loop3A_662] {strides = array<i32>} : memref<4x8x1024xf32, #tpu.memory_space<vmem>>, vector<1x1x16xf32>,
        %parallel_loop3A_664 = vector.shape_cast %parallel_loop3A_663 : vector<1x1x16xf32> to vector<16xf32>
        %parallel_loop3A_665 = vector.shape_cast %parallel_loop3A_657 : vector<16xf32> to vector<1x1x16xf32>
        tpu.vector_store %arg6[%parallel_loop3A_660, %parallel_loop3A_661, %parallel_loop3A_662], %parallel_loop3A_665 {strides = array<i32>} : memref<4x8x1024xf32, #tpu.memory_space<vmem>>, vector<1x1x16xf32>,
        %parallel_loop3A_666 = arith.constant 1 : i32
        %parallel_loop3A_667 = arith.constant 0 : i32
        %parallel_loop3A_668 = arith.index_cast %parallel_loop3A_666 : i32 to index
        %parallel_loop3A_669 = arith.index_cast %parallel_loop3A_667 : i32 to index
        %parallel_loop3A_670 = arith.index_cast %parallel_loop3A_642 : i32 to index
        %parallel_loop3A_671 = tpu.vector_load %arg6[%parallel_loop3A_668, %parallel_loop3A_669, %parallel_loop3A_670] {strides = array<i32>} : memref<4x8x1024xf32, #tpu.memory_space<vmem>>, vector<1x1x16xf32>,
        %parallel_loop3A_672 = vector.shape_cast %parallel_loop3A_671 : vector<1x1x16xf32> to vector<16xf32>
        %parallel_loop3A_673 = arith.addf %parallel_loop3A_672, %parallel_loop3A_647 : vector<16xf32>
        %parallel_loop3A_674 = vector.broadcast %select_n3A_122 : f32 to vector<16xf32>
        %parallel_loop3A_675 = arith.mulf %parallel_loop3A_673, %parallel_loop3A_674 : vector<16xf32>
        %parallel_loop3A_676 = arith.constant 1 : i32
        %parallel_loop3A_677 = arith.constant 0 : i32
        %parallel_loop3A_678 = arith.index_cast %parallel_loop3A_676 : i32 to index
        %parallel_loop3A_679 = arith.index_cast %parallel_loop3A_677 : i32 to index
        %parallel_loop3A_680 = arith.index_cast %parallel_loop3A_642 : i32 to index
        %parallel_loop3A_681 = tpu.vector_load %arg6[%parallel_loop3A_678, %parallel_loop3A_679, %parallel_loop3A_680] {strides = array<i32>} : memref<4x8x1024xf32, #tpu.memory_space<vmem>>, vector<1x1x16xf32>,
        %parallel_loop3A_682 = vector.shape_cast %parallel_loop3A_681 : vector<1x1x16xf32> to vector<16xf32>
        %parallel_loop3A_683 = vector.shape_cast %parallel_loop3A_675 : vector<16xf32> to vector<1x1x16xf32>
        tpu.vector_store %arg6[%parallel_loop3A_678, %parallel_loop3A_679, %parallel_loop3A_680], %parallel_loop3A_683 {strides = array<i32>} : memref<4x8x1024xf32, #tpu.memory_space<vmem>>, vector<1x1x16xf32>,
        %parallel_loop3A_684 = arith.constant 2 : i32
        %parallel_loop3A_685 = arith.constant 0 : i32
        %parallel_loop3A_686 = arith.index_cast %parallel_loop3A_684 : i32 to index
        %parallel_loop3A_687 = arith.index_cast %parallel_loop3A_685 : i32 to index
        %parallel_loop3A_688 = arith.index_cast %parallel_loop3A_642 : i32 to index
        %parallel_loop3A_689 = tpu.vector_load %arg6[%parallel_loop3A_686, %parallel_loop3A_687, %parallel_loop3A_688] {strides = array<i32>} : memref<4x8x1024xf32, #tpu.memory_space<vmem>>, vector<1x1x16xf32>,
        %parallel_loop3A_690 = vector.shape_cast %parallel_loop3A_689 : vector<1x1x16xf32> to vector<16xf32>
        %parallel_loop3A_691 = arith.addf %parallel_loop3A_690, %parallel_loop3A_647 : vector<16xf32>
        %parallel_loop3A_692 = vector.broadcast %select_n3A_129 : f32 to vector<16xf32>
        %parallel_loop3A_693 = arith.mulf %parallel_loop3A_691, %parallel_loop3A_692 : vector<16xf32>
        %parallel_loop3A_694 = arith.constant 2 : i32
        %parallel_loop3A_695 = arith.constant 0 : i32
        %parallel_loop3A_696 = arith.index_cast %parallel_loop3A_694 : i32 to index
        %parallel_loop3A_697 = arith.index_cast %parallel_loop3A_695 : i32 to index
        %parallel_loop3A_698 = arith.index_cast %parallel_loop3A_642 : i32 to index
        %parallel_loop3A_699 = tpu.vector_load %arg6[%parallel_loop3A_696, %parallel_loop3A_697, %parallel_loop3A_698] {strides = array<i32>} : memref<4x8x1024xf32, #tpu.memory_space<vmem>>, vector<1x1x16xf32>,
        %parallel_loop3A_700 = vector.shape_cast %parallel_loop3A_699 : vector<1x1x16xf32> to vector<16xf32>
        %parallel_loop3A_701 = vector.shape_cast %parallel_loop3A_693 : vector<16xf32> to vector<1x1x16xf32>
        tpu.vector_store %arg6[%parallel_loop3A_696, %parallel_loop3A_697, %parallel_loop3A_698], %parallel_loop3A_701 {strides = array<i32>} : memref<4x8x1024xf32, #tpu.memory_space<vmem>>, vector<1x1x16xf32>,
        %parallel_loop3A_702 = arith.constant 3 : i32
        %parallel_loop3A_703 = arith.constant 0 : i32
        %parallel_loop3A_704 = arith.index_cast %parallel_loop3A_702 : i32 to index
        %parallel_loop3A_705 = arith.index_cast %parallel_loop3A_703 : i32 to index
        %parallel_loop3A_706 = arith.index_cast %parallel_loop3A_642 : i32 to index
        %parallel_loop3A_707 = tpu.vector_load %arg6[%parallel_loop3A_704, %parallel_loop3A_705, %parallel_loop3A_706] {strides = array<i32>} : memref<4x8x1024xf32, #tpu.memory_space<vmem>>, vector<1x1x16xf32>,
        %parallel_loop3A_708 = vector.shape_cast %parallel_loop3A_707 : vector<1x1x16xf32> to vector<16xf32>
        %parallel_loop3A_709 = arith.addf %parallel_loop3A_708, %parallel_loop3A_647 : vector<16xf32>
        %parallel_loop3A_710 = vector.broadcast %select_n3A_136 : f32 to vector<16xf32>
        %parallel_loop3A_711 = arith.mulf %parallel_loop3A_709, %parallel_loop3A_710 : vector<16xf32>
        %parallel_loop3A_712 = arith.constant 3 : i32
        %parallel_loop3A_713 = arith.constant 0 : i32
        %parallel_loop3A_714 = arith.index_cast %parallel_loop3A_712 : i32 to index
        %parallel_loop3A_715 = arith.index_cast %parallel_loop3A_713 : i32 to index
        %parallel_loop3A_716 = arith.index_cast %parallel_loop3A_642 : i32 to index
        %parallel_loop3A_717 = tpu.vector_load %arg6[%parallel_loop3A_714, %parallel_loop3A_715, %parallel_loop3A_716] {strides = array<i32>} : memref<4x8x1024xf32, #tpu.memory_space<vmem>>, vector<1x1x16xf32>,
        %parallel_loop3A_718 = vector.shape_cast %parallel_loop3A_717 : vector<1x1x16xf32> to vector<16xf32>
        %parallel_loop3A_719 = vector.shape_cast %parallel_loop3A_711 : vector<16xf32> to vector<1x1x16xf32>
        tpu.vector_store %arg6[%parallel_loop3A_714, %parallel_loop3A_715, %parallel_loop3A_716], %parallel_loop3A_719 {strides = array<i32>} : memref<4x8x1024xf32, #tpu.memory_space<vmem>>, vector<1x1x16xf32>,
      } {sc.loop_unroll_factor = 8 : i64, sc.parallel_access}
      %slice3A_139 = vector.extract_strided_slice %get3A_69 {offsets = [1], sizes = [1], strides = [1]} : vector<16xi32> to vector<1xi32>
      %squeeze3A_140 = vector.extract %slice3A_139[0] : i32 from vector<1xi32>
      %eq3A_141 = arith.constant 0 : i32
      %eq3A_142 = arith.cmpi eq, %squeeze3A_140, %eq3A_141 : i32
      %jit3A_143 = arith.constant 0.000000e+00 : f32
      %jit3A_144 = arith.constant 1.000000e+00 : f32
      %select_n3A_145 = arith.select %eq3A_142, %jit3A_143, %jit3A_144 : f32
      %slice3A_146 = vector.extract_strided_slice %get3A_79 {offsets = [1], sizes = [1], strides = [1]} : vector<16xi32> to vector<1xi32>
      %squeeze3A_147 = vector.extract %slice3A_146[0] : i32 from vector<1xi32>
      %eq3A_148 = arith.constant 0 : i32
      %eq3A_149 = arith.cmpi eq, %squeeze3A_147, %eq3A_148 : i32
      %jit3A_150 = arith.constant 0.000000e+00 : f32
      %jit3A_151 = arith.constant 1.000000e+00 : f32
      %select_n3A_152 = arith.select %eq3A_149, %jit3A_150, %jit3A_151 : f32
      %slice3A_153 = vector.extract_strided_slice %get3A_89 {offsets = [1], sizes = [1], strides = [1]} : vector<16xi32> to vector<1xi32>
      %squeeze3A_154 = vector.extract %slice3A_153[0] : i32 from vector<1xi32>
      %eq3A_155 = arith.constant 0 : i32
      %eq3A_156 = arith.cmpi eq, %squeeze3A_154, %eq3A_155 : i32
      %jit3A_157 = arith.constant 0.000000e+00 : f32
      %jit3A_158 = arith.constant 1.000000e+00 : f32
      %select_n3A_159 = arith.select %eq3A_156, %jit3A_157, %jit3A_158 : f32
      %slice3A_160 = vector.extract_strided_slice %get3A_99 {offsets = [1], sizes = [1], strides = [1]} : vector<16xi32> to vector<1xi32>
      %squeeze3A_161 = vector.extract %slice3A_160[0] : i32 from vector<1xi32>
      %eq3A_162 = arith.constant 0 : i32
      %eq3A_163 = arith.cmpi eq, %squeeze3A_161, %eq3A_162 : i32
      %jit3A_164 = arith.constant 0.000000e+00 : f32
      %jit3A_165 = arith.constant 1.000000e+00 : f32
      %select_n3A_166 = arith.select %eq3A_163, %jit3A_164, %jit3A_165 : f32
      %parallel_loop3A_167 = arith.constant 0 : i32
      %parallel_loop3A_168 = arith.constant 64 : i32
      %parallel_loop3A_169 = arith.constant 1 : i32
      scf.for %parallel_loop3A_639 = %parallel_loop3A_167 to %parallel_loop3A_168 step %parallel_loop3A_169  : i32 {
        %parallel_loop3A_640 = arith.constant 16 : i32
        %parallel_loop3A_641 = arith.muli %parallel_loop3A_639, %parallel_loop3A_640 : i32
        %parallel_loop3A_642 = tpu.assume_multiple %parallel_loop3A_641, 16 : i32
        %parallel_loop3A_643 = arith.constant 1 : i32
        %parallel_loop3A_644 = arith.index_cast %parallel_loop3A_643 : i32 to index
        %parallel_loop3A_645 = arith.index_cast %parallel_loop3A_642 : i32 to index
        %parallel_loop3A_646 = tpu.vector_load %arg8[%parallel_loop3A_644, %parallel_loop3A_645] {strides = array<i32>} : memref<8x1024xf32, #tpu.memory_space<vmem>>, vector<1x16xf32>,
        %parallel_loop3A_647 = vector.shape_cast %parallel_loop3A_646 : vector<1x16xf32> to vector<16xf32>
        %parallel_loop3A_648 = arith.constant 0 : i32
        %parallel_loop3A_649 = arith.constant 1 : i32
        %parallel_loop3A_650 = arith.index_cast %parallel_loop3A_648 : i32 to index
        %parallel_loop3A_651 = arith.index_cast %parallel_loop3A_649 : i32 to index
        %parallel_loop3A_652 = arith.index_cast %parallel_loop3A_642 : i32 to index
        %parallel_loop3A_653 = tpu.vector_load %arg6[%parallel_loop3A_650, %parallel_loop3A_651, %parallel_loop3A_652] {strides = array<i32>} : memref<4x8x1024xf32, #tpu.memory_space<vmem>>, vector<1x1x16xf32>,
        %parallel_loop3A_654 = vector.shape_cast %parallel_loop3A_653 : vector<1x1x16xf32> to vector<16xf32>
        %parallel_loop3A_655 = arith.addf %parallel_loop3A_654, %parallel_loop3A_647 : vector<16xf32>
        %parallel_loop3A_656 = vector.broadcast %select_n3A_145 : f32 to vector<16xf32>
        %parallel_loop3A_657 = arith.mulf %parallel_loop3A_655, %parallel_loop3A_656 : vector<16xf32>
        %parallel_loop3A_658 = arith.constant 0 : i32
        %parallel_loop3A_659 = arith.constant 1 : i32
        %parallel_loop3A_660 = arith.index_cast %parallel_loop3A_658 : i32 to index
        %parallel_loop3A_661 = arith.index_cast %parallel_loop3A_659 : i32 to index
        %parallel_loop3A_662 = arith.index_cast %parallel_loop3A_642 : i32 to index
        %parallel_loop3A_663 = tpu.vector_load %arg6[%parallel_loop3A_660, %parallel_loop3A_661, %parallel_loop3A_662] {strides = array<i32>} : memref<4x8x1024xf32, #tpu.memory_space<vmem>>, vector<1x1x16xf32>,
        %parallel_loop3A_664 = vector.shape_cast %parallel_loop3A_663 : vector<1x1x16xf32> to vector<16xf32>
        %parallel_loop3A_665 = vector.shape_cast %parallel_loop3A_657 : vector<16xf32> to vector<1x1x16xf32>
        tpu.vector_store %arg6[%parallel_loop3A_660, %parallel_loop3A_661, %parallel_loop3A_662], %parallel_loop3A_665 {strides = array<i32>} : memref<4x8x1024xf32, #tpu.memory_space<vmem>>, vector<1x1x16xf32>,
        %parallel_loop3A_666 = arith.constant 1 : i32
        %parallel_loop3A_667 = arith.constant 1 : i32
        %parallel_loop3A_668 = arith.index_cast %parallel_loop3A_666 : i32 to index
        %parallel_loop3A_669 = arith.index_cast %parallel_loop3A_667 : i32 to index
        %parallel_loop3A_670 = arith.index_cast %parallel_loop3A_642 : i32 to index
        %parallel_loop3A_671 = tpu.vector_load %arg6[%parallel_loop3A_668, %parallel_loop3A_669, %parallel_loop3A_670] {strides = array<i32>} : memref<4x8x1024xf32, #tpu.memory_space<vmem>>, vector<1x1x16xf32>,
        %parallel_loop3A_672 = vector.shape_cast %parallel_loop3A_671 : vector<1x1x16xf32> to vector<16xf32>
        %parallel_loop3A_673 = arith.addf %parallel_loop3A_672, %parallel_loop3A_647 : vector<16xf32>
        %parallel_loop3A_674 = vector.broadcast %select_n3A_152 : f32 to vector<16xf32>
        %parallel_loop3A_675 = arith.mulf %parallel_loop3A_673, %parallel_loop3A_674 : vector<16xf32>
        %parallel_loop3A_676 = arith.constant 1 : i32
        %parallel_loop3A_677 = arith.constant 1 : i32
        %parallel_loop3A_678 = arith.index_cast %parallel_loop3A_676 : i32 to index
        %parallel_loop3A_679 = arith.index_cast %parallel_loop3A_677 : i32 to index
        %parallel_loop3A_680 = arith.index_cast %parallel_loop3A_642 : i32 to index
        %parallel_loop3A_681 = tpu.vector_load %arg6[%parallel_loop3A_678, %parallel_loop3A_679, %parallel_loop3A_680] {strides = array<i32>} : memref<4x8x1024xf32, #tpu.memory_space<vmem>>, vector<1x1x16xf32>,
        %parallel_loop3A_682 = vector.shape_cast %parallel_loop3A_681 : vector<1x1x16xf32> to vector<16xf32>
        %parallel_loop3A_683 = vector.shape_cast %parallel_loop3A_675 : vector<16xf32> to vector<1x1x16xf32>
        tpu.vector_store %arg6[%parallel_loop3A_678, %parallel_loop3A_679, %parallel_loop3A_680], %parallel_loop3A_683 {strides = array<i32>} : memref<4x8x1024xf32, #tpu.memory_space<vmem>>, vector<1x1x16xf32>,
        %parallel_loop3A_684 = arith.constant 2 : i32
        %parallel_loop3A_685 = arith.constant 1 : i32
        %parallel_loop3A_686 = arith.index_cast %parallel_loop3A_684 : i32 to index
        %parallel_loop3A_687 = arith.index_cast %parallel_loop3A_685 : i32 to index
        %parallel_loop3A_688 = arith.index_cast %parallel_loop3A_642 : i32 to index
        %parallel_loop3A_689 = tpu.vector_load %arg6[%parallel_loop3A_686, %parallel_loop3A_687, %parallel_loop3A_688] {strides = array<i32>} : memref<4x8x1024xf32, #tpu.memory_space<vmem>>, vector<1x1x16xf32>,
        %parallel_loop3A_690 = vector.shape_cast %parallel_loop3A_689 : vector<1x1x16xf32> to vector<16xf32>
        %parallel_loop3A_691 = arith.addf %parallel_loop3A_690, %parallel_loop3A_647 : vector<16xf32>
        %parallel_loop3A_692 = vector.broadcast %select_n3A_159 : f32 to vector<16xf32>
        %parallel_loop3A_693 = arith.mulf %parallel_loop3A_691, %parallel_loop3A_692 : vector<16xf32>
        %parallel_loop3A_694 = arith.constant 2 : i32
        %parallel_loop3A_695 = arith.constant 1 : i32
        %parallel_loop3A_696 = arith.index_cast %parallel_loop3A_694 : i32 to index
        %parallel_loop3A_697 = arith.index_cast %parallel_loop3A_695 : i32 to index
        %parallel_loop3A_698 = arith.index_cast %parallel_loop3A_642 : i32 to index
        %parallel_loop3A_699 = tpu.vector_load %arg6[%parallel_loop3A_696, %parallel_loop3A_697, %parallel_loop3A_698] {strides = array<i32>} : memref<4x8x1024xf32, #tpu.memory_space<vmem>>, vector<1x1x16xf32>,
        %parallel_loop3A_700 = vector.shape_cast %parallel_loop3A_699 : vector<1x1x16xf32> to vector<16xf32>
        %parallel_loop3A_701 = vector.shape_cast %parallel_loop3A_693 : vector<16xf32> to vector<1x1x16xf32>
        tpu.vector_store %arg6[%parallel_loop3A_696, %parallel_loop3A_697, %parallel_loop3A_698], %parallel_loop3A_701 {strides = array<i32>} : memref<4x8x1024xf32, #tpu.memory_space<vmem>>, vector<1x1x16xf32>,
        %parallel_loop3A_702 = arith.constant 3 : i32
        %parallel_loop3A_703 = arith.constant 1 : i32
        %parallel_loop3A_704 = arith.index_cast %parallel_loop3A_702 : i32 to index
        %parallel_loop3A_705 = arith.index_cast %parallel_loop3A_703 : i32 to index
        %parallel_loop3A_706 = arith.index_cast %parallel_loop3A_642 : i32 to index
        %parallel_loop3A_707 = tpu.vector_load %arg6[%parallel_loop3A_704, %parallel_loop3A_705, %parallel_loop3A_706] {strides = array<i32>} : memref<4x8x1024xf32, #tpu.memory_space<vmem>>, vector<1x1x16xf32>,
        %parallel_loop3A_708 = vector.shape_cast %parallel_loop3A_707 : vector<1x1x16xf32> to vector<16xf32>
        %parallel_loop3A_709 = arith.addf %parallel_loop3A_708, %parallel_loop3A_647 : vector<16xf32>
        %parallel_loop3A_710 = vector.broadcast %select_n3A_166 : f32 to vector<16xf32>
        %parallel_loop3A_711 = arith.mulf %parallel_loop3A_709, %parallel_loop3A_710 : vector<16xf32>
        %parallel_loop3A_712 = arith.constant 3 : i32
        %parallel_loop3A_713 = arith.constant 1 : i32
        %parallel_loop3A_714 = arith.index_cast %parallel_loop3A_712 : i32 to index
        %parallel_loop3A_715 = arith.index_cast %parallel_loop3A_713 : i32 to index
        %parallel_loop3A_716 = arith.index_cast %parallel_loop3A_642 : i32 to index
        %parallel_loop3A_717 = tpu.vector_load %arg6[%parallel_loop3A_714, %parallel_loop3A_715, %parallel_loop3A_716] {strides = array<i32>} : memref<4x8x1024xf32, #tpu.memory_space<vmem>>, vector<1x1x16xf32>,
        %parallel_loop3A_718 = vector.shape_cast %parallel_loop3A_717 : vector<1x1x16xf32> to vector<16xf32>
        %parallel_loop3A_719 = vector.shape_cast %parallel_loop3A_711 : vector<16xf32> to vector<1x1x16xf32>
        tpu.vector_store %arg6[%parallel_loop3A_714, %parallel_loop3A_715, %parallel_loop3A_716], %parallel_loop3A_719 {strides = array<i32>} : memref<4x8x1024xf32, #tpu.memory_space<vmem>>, vector<1x1x16xf32>,
      } {sc.loop_unroll_factor = 8 : i64, sc.parallel_access}
      %slice3A_170 = vector.extract_strided_slice %get3A_69 {offsets = [2], sizes = [1], strides = [1]} : vector<16xi32> to vector<1xi32>
      %squeeze3A_171 = vector.extract %slice3A_170[0] : i32 from vector<1xi32>
      %eq3A_172 = arith.constant 0 : i32
      %eq3A_173 = arith.cmpi eq, %squeeze3A_171, %eq3A_172 : i32
      %jit3A_174 = arith.constant 0.000000e+00 : f32
      %jit3A_175 = arith.constant 1.000000e+00 : f32
      %select_n3A_176 = arith.select %eq3A_173, %jit3A_174, %jit3A_175 : f32
      %slice3A_177 = vector.extract_strided_slice %get3A_79 {offsets = [2], sizes = [1], strides = [1]} : vector<16xi32> to vector<1xi32>
      %squeeze3A_178 = vector.extract %slice3A_177[0] : i32 from vector<1xi32>
      %eq3A_179 = arith.constant 0 : i32
      %eq3A_180 = arith.cmpi eq, %squeeze3A_178, %eq3A_179 : i32
      %jit3A_181 = arith.constant 0.000000e+00 : f32
      %jit3A_182 = arith.constant 1.000000e+00 : f32
      %select_n3A_183 = arith.select %eq3A_180, %jit3A_181, %jit3A_182 : f32
      %slice3A_184 = vector.extract_strided_slice %get3A_89 {offsets = [2], sizes = [1], strides = [1]} : vector<16xi32> to vector<1xi32>
      %squeeze3A_185 = vector.extract %slice3A_184[0] : i32 from vector<1xi32>
      %eq3A_186 = arith.constant 0 : i32
      %eq3A_187 = arith.cmpi eq, %squeeze3A_185, %eq3A_186 : i32
      %jit3A_188 = arith.constant 0.000000e+00 : f32
      %jit3A_189 = arith.constant 1.000000e+00 : f32
      %select_n3A_190 = arith.select %eq3A_187, %jit3A_188, %jit3A_189 : f32
      %slice3A_191 = vector.extract_strided_slice %get3A_99 {offsets = [2], sizes = [1], strides = [1]} : vector<16xi32> to vector<1xi32>
      %squeeze3A_192 = vector.extract %slice3A_191[0] : i32 from vector<1xi32>
      %eq3A_193 = arith.constant 0 : i32
      %eq3A_194 = arith.cmpi eq, %squeeze3A_192, %eq3A_193 : i32
      %jit3A_195 = arith.constant 0.000000e+00 : f32
      %jit3A_196 = arith.constant 1.000000e+00 : f32
      %select_n3A_197 = arith.select %eq3A_194, %jit3A_195, %jit3A_196 : f32
      %parallel_loop3A_198 = arith.constant 0 : i32
      %parallel_loop3A_199 = arith.constant 64 : i32
      %parallel_loop3A_200 = arith.constant 1 : i32
      scf.for %parallel_loop3A_639 = %parallel_loop3A_198 to %parallel_loop3A_199 step %parallel_loop3A_200  : i32 {
        %parallel_loop3A_640 = arith.constant 16 : i32
        %parallel_loop3A_641 = arith.muli %parallel_loop3A_639, %parallel_loop3A_640 : i32
        %parallel_loop3A_642 = tpu.assume_multiple %parallel_loop3A_641, 16 : i32
        %parallel_loop3A_643 = arith.constant 2 : i32
        %parallel_loop3A_644 = arith.index_cast %parallel_loop3A_643 : i32 to index
        %parallel_loop3A_645 = arith.index_cast %parallel_loop3A_642 : i32 to index
        %parallel_loop3A_646 = tpu.vector_load %arg8[%parallel_loop3A_644, %parallel_loop3A_645] {strides = array<i32>} : memref<8x1024xf32, #tpu.memory_space<vmem>>, vector<1x16xf32>,
        %parallel_loop3A_647 = vector.shape_cast %parallel_loop3A_646 : vector<1x16xf32> to vector<16xf32>
        %parallel_loop3A_648 = arith.constant 0 : i32
        %parallel_loop3A_649 = arith.constant 2 : i32
        %parallel_loop3A_650 = arith.index_cast %parallel_loop3A_648 : i32 to index
        %parallel_loop3A_651 = arith.index_cast %parallel_loop3A_649 : i32 to index
        %parallel_loop3A_652 = arith.index_cast %parallel_loop3A_642 : i32 to index
        %parallel_loop3A_653 = tpu.vector_load %arg6[%parallel_loop3A_650, %parallel_loop3A_651, %parallel_loop3A_652] {strides = array<i32>} : memref<4x8x1024xf32, #tpu.memory_space<vmem>>, vector<1x1x16xf32>,
        %parallel_loop3A_654 = vector.shape_cast %parallel_loop3A_653 : vector<1x1x16xf32> to vector<16xf32>
        %parallel_loop3A_655 = arith.addf %parallel_loop3A_654, %parallel_loop3A_647 : vector<16xf32>
        %parallel_loop3A_656 = vector.broadcast %select_n3A_176 : f32 to vector<16xf32>
        %parallel_loop3A_657 = arith.mulf %parallel_loop3A_655, %parallel_loop3A_656 : vector<16xf32>
        %parallel_loop3A_658 = arith.constant 0 : i32
        %parallel_loop3A_659 = arith.constant 2 : i32
        %parallel_loop3A_660 = arith.index_cast %parallel_loop3A_658 : i32 to index
        %parallel_loop3A_661 = arith.index_cast %parallel_loop3A_659 : i32 to index
        %parallel_loop3A_662 = arith.index_cast %parallel_loop3A_642 : i32 to index
        %parallel_loop3A_663 = tpu.vector_load %arg6[%parallel_loop3A_660, %parallel_loop3A_661, %parallel_loop3A_662] {strides = array<i32>} : memref<4x8x1024xf32, #tpu.memory_space<vmem>>, vector<1x1x16xf32>,
        %parallel_loop3A_664 = vector.shape_cast %parallel_loop3A_663 : vector<1x1x16xf32> to vector<16xf32>
        %parallel_loop3A_665 = vector.shape_cast %parallel_loop3A_657 : vector<16xf32> to vector<1x1x16xf32>
        tpu.vector_store %arg6[%parallel_loop3A_660, %parallel_loop3A_661, %parallel_loop3A_662], %parallel_loop3A_665 {strides = array<i32>} : memref<4x8x1024xf32, #tpu.memory_space<vmem>>, vector<1x1x16xf32>,
        %parallel_loop3A_666 = arith.constant 1 : i32
        %parallel_loop3A_667 = arith.constant 2 : i32
        %parallel_loop3A_668 = arith.index_cast %parallel_loop3A_666 : i32 to index
        %parallel_loop3A_669 = arith.index_cast %parallel_loop3A_667 : i32 to index
        %parallel_loop3A_670 = arith.index_cast %parallel_loop3A_642 : i32 to index
        %parallel_loop3A_671 = tpu.vector_load %arg6[%parallel_loop3A_668, %parallel_loop3A_669, %parallel_loop3A_670] {strides = array<i32>} : memref<4x8x1024xf32, #tpu.memory_space<vmem>>, vector<1x1x16xf32>,
        %parallel_loop3A_672 = vector.shape_cast %parallel_loop3A_671 : vector<1x1x16xf32> to vector<16xf32>
        %parallel_loop3A_673 = arith.addf %parallel_loop3A_672, %parallel_loop3A_647 : vector<16xf32>
        %parallel_loop3A_674 = vector.broadcast %select_n3A_183 : f32 to vector<16xf32>
        %parallel_loop3A_675 = arith.mulf %parallel_loop3A_673, %parallel_loop3A_674 : vector<16xf32>
        %parallel_loop3A_676 = arith.constant 1 : i32
        %parallel_loop3A_677 = arith.constant 2 : i32
        %parallel_loop3A_678 = arith.index_cast %parallel_loop3A_676 : i32 to index
        %parallel_loop3A_679 = arith.index_cast %parallel_loop3A_677 : i32 to index
        %parallel_loop3A_680 = arith.index_cast %parallel_loop3A_642 : i32 to index
        %parallel_loop3A_681 = tpu.vector_load %arg6[%parallel_loop3A_678, %parallel_loop3A_679, %parallel_loop3A_680] {strides = array<i32>} : memref<4x8x1024xf32, #tpu.memory_space<vmem>>, vector<1x1x16xf32>,
        %parallel_loop3A_682 = vector.shape_cast %parallel_loop3A_681 : vector<1x1x16xf32> to vector<16xf32>
        %parallel_loop3A_683 = vector.shape_cast %parallel_loop3A_675 : vector<16xf32> to vector<1x1x16xf32>
        tpu.vector_store %arg6[%parallel_loop3A_678, %parallel_loop3A_679, %parallel_loop3A_680], %parallel_loop3A_683 {strides = array<i32>} : memref<4x8x1024xf32, #tpu.memory_space<vmem>>, vector<1x1x16xf32>,
        %parallel_loop3A_684 = arith.constant 2 : i32
        %parallel_loop3A_685 = arith.constant 2 : i32
        %parallel_loop3A_686 = arith.index_cast %parallel_loop3A_684 : i32 to index
        %parallel_loop3A_687 = arith.index_cast %parallel_loop3A_685 : i32 to index
        %parallel_loop3A_688 = arith.index_cast %parallel_loop3A_642 : i32 to index
        %parallel_loop3A_689 = tpu.vector_load %arg6[%parallel_loop3A_686, %parallel_loop3A_687, %parallel_loop3A_688] {strides = array<i32>} : memref<4x8x1024xf32, #tpu.memory_space<vmem>>, vector<1x1x16xf32>,
        %parallel_loop3A_690 = vector.shape_cast %parallel_loop3A_689 : vector<1x1x16xf32> to vector<16xf32>
        %parallel_loop3A_691 = arith.addf %parallel_loop3A_690, %parallel_loop3A_647 : vector<16xf32>
        %parallel_loop3A_692 = vector.broadcast %select_n3A_190 : f32 to vector<16xf32>
        %parallel_loop3A_693 = arith.mulf %parallel_loop3A_691, %parallel_loop3A_692 : vector<16xf32>
        %parallel_loop3A_694 = arith.constant 2 : i32
        %parallel_loop3A_695 = arith.constant 2 : i32
        %parallel_loop3A_696 = arith.index_cast %parallel_loop3A_694 : i32 to index
        %parallel_loop3A_697 = arith.index_cast %parallel_loop3A_695 : i32 to index
        %parallel_loop3A_698 = arith.index_cast %parallel_loop3A_642 : i32 to index
        %parallel_loop3A_699 = tpu.vector_load %arg6[%parallel_loop3A_696, %parallel_loop3A_697, %parallel_loop3A_698] {strides = array<i32>} : memref<4x8x1024xf32, #tpu.memory_space<vmem>>, vector<1x1x16xf32>,
        %parallel_loop3A_700 = vector.shape_cast %parallel_loop3A_699 : vector<1x1x16xf32> to vector<16xf32>
        %parallel_loop3A_701 = vector.shape_cast %parallel_loop3A_693 : vector<16xf32> to vector<1x1x16xf32>
        tpu.vector_store %arg6[%parallel_loop3A_696, %parallel_loop3A_697, %parallel_loop3A_698], %parallel_loop3A_701 {strides = array<i32>} : memref<4x8x1024xf32, #tpu.memory_space<vmem>>, vector<1x1x16xf32>,
        %parallel_loop3A_702 = arith.constant 3 : i32
        %parallel_loop3A_703 = arith.constant 2 : i32
        %parallel_loop3A_704 = arith.index_cast %parallel_loop3A_702 : i32 to index
        %parallel_loop3A_705 = arith.index_cast %parallel_loop3A_703 : i32 to index
        %parallel_loop3A_706 = arith.index_cast %parallel_loop3A_642 : i32 to index
        %parallel_loop3A_707 = tpu.vector_load %arg6[%parallel_loop3A_704, %parallel_loop3A_705, %parallel_loop3A_706] {strides = array<i32>} : memref<4x8x1024xf32, #tpu.memory_space<vmem>>, vector<1x1x16xf32>,
        %parallel_loop3A_708 = vector.shape_cast %parallel_loop3A_707 : vector<1x1x16xf32> to vector<16xf32>
        %parallel_loop3A_709 = arith.addf %parallel_loop3A_708, %parallel_loop3A_647 : vector<16xf32>
        %parallel_loop3A_710 = vector.broadcast %select_n3A_197 : f32 to vector<16xf32>
        %parallel_loop3A_711 = arith.mulf %parallel_loop3A_709, %parallel_loop3A_710 : vector<16xf32>
        %parallel_loop3A_712 = arith.constant 3 : i32
        %parallel_loop3A_713 = arith.constant 2 : i32
        %parallel_loop3A_714 = arith.index_cast %parallel_loop3A_712 : i32 to index
        %parallel_loop3A_715 = arith.index_cast %parallel_loop3A_713 : i32 to index
        %parallel_loop3A_716 = arith.index_cast %parallel_loop3A_642 : i32 to index
        %parallel_loop3A_717 = tpu.vector_load %arg6[%parallel_loop3A_714, %parallel_loop3A_715, %parallel_loop3A_716] {strides = array<i32>} : memref<4x8x1024xf32, #tpu.memory_space<vmem>>, vector<1x1x16xf32>,
        %parallel_loop3A_718 = vector.shape_cast %parallel_loop3A_717 : vector<1x1x16xf32> to vector<16xf32>
        %parallel_loop3A_719 = vector.shape_cast %parallel_loop3A_711 : vector<16xf32> to vector<1x1x16xf32>
        tpu.vector_store %arg6[%parallel_loop3A_714, %parallel_loop3A_715, %parallel_loop3A_716], %parallel_loop3A_719 {strides = array<i32>} : memref<4x8x1024xf32, #tpu.memory_space<vmem>>, vector<1x1x16xf32>,
      } {sc.loop_unroll_factor = 8 : i64, sc.parallel_access}
      %slice3A_201 = vector.extract_strided_slice %get3A_69 {offsets = [3], sizes = [1], strides = [1]} : vector<16xi32> to vector<1xi32>
      %squeeze3A_202 = vector.extract %slice3A_201[0] : i32 from vector<1xi32>
      %eq3A_203 = arith.constant 0 : i32
      %eq3A_204 = arith.cmpi eq, %squeeze3A_202, %eq3A_203 : i32
      %jit3A_205 = arith.constant 0.000000e+00 : f32
      %jit3A_206 = arith.constant 1.000000e+00 : f32
      %select_n3A_207 = arith.select %eq3A_204, %jit3A_205, %jit3A_206 : f32
      %slice3A_208 = vector.extract_strided_slice %get3A_79 {offsets = [3], sizes = [1], strides = [1]} : vector<16xi32> to vector<1xi32>
      %squeeze3A_209 = vector.extract %slice3A_208[0] : i32 from vector<1xi32>
      %eq3A_210 = arith.constant 0 : i32
      %eq3A_211 = arith.cmpi eq, %squeeze3A_209, %eq3A_210 : i32
      %jit3A_212 = arith.constant 0.000000e+00 : f32
      %jit3A_213 = arith.constant 1.000000e+00 : f32
      %select_n3A_214 = arith.select %eq3A_211, %jit3A_212, %jit3A_213 : f32
      %slice3A_215 = vector.extract_strided_slice %get3A_89 {offsets = [3], sizes = [1], strides = [1]} : vector<16xi32> to vector<1xi32>
      %squeeze3A_216 = vector.extract %slice3A_215[0] : i32 from vector<1xi32>
      %eq3A_217 = arith.constant 0 : i32
      %eq3A_218 = arith.cmpi eq, %squeeze3A_216, %eq3A_217 : i32
      %jit3A_219 = arith.constant 0.000000e+00 : f32
      %jit3A_220 = arith.constant 1.000000e+00 : f32
      %select_n3A_221 = arith.select %eq3A_218, %jit3A_219, %jit3A_220 : f32
      %slice3A_222 = vector.extract_strided_slice %get3A_99 {offsets = [3], sizes = [1], strides = [1]} : vector<16xi32> to vector<1xi32>
      %squeeze3A_223 = vector.extract %slice3A_222[0] : i32 from vector<1xi32>
      %eq3A_224 = arith.constant 0 : i32
      %eq3A_225 = arith.cmpi eq, %squeeze3A_223, %eq3A_224 : i32
      %jit3A_226 = arith.constant 0.000000e+00 : f32
      %jit3A_227 = arith.constant 1.000000e+00 : f32
      %select_n3A_228 = arith.select %eq3A_225, %jit3A_226, %jit3A_227 : f32
      %parallel_loop3A_229 = arith.constant 0 : i32
      %parallel_loop3A_230 = arith.constant 64 : i32
      %parallel_loop3A_231 = arith.constant 1 : i32
      scf.for %parallel_loop3A_639 = %parallel_loop3A_229 to %parallel_loop3A_230 step %parallel_loop3A_231  : i32 {
        %parallel_loop3A_640 = arith.constant 16 : i32
        %parallel_loop3A_641 = arith.muli %parallel_loop3A_639, %parallel_loop3A_640 : i32
        %parallel_loop3A_642 = tpu.assume_multiple %parallel_loop3A_641, 16 : i32
        %parallel_loop3A_643 = arith.constant 3 : i32
        %parallel_loop3A_644 = arith.index_cast %parallel_loop3A_643 : i32 to index
        %parallel_loop3A_645 = arith.index_cast %parallel_loop3A_642 : i32 to index
        %parallel_loop3A_646 = tpu.vector_load %arg8[%parallel_loop3A_644, %parallel_loop3A_645] {strides = array<i32>} : memref<8x1024xf32, #tpu.memory_space<vmem>>, vector<1x16xf32>,
        %parallel_loop3A_647 = vector.shape_cast %parallel_loop3A_646 : vector<1x16xf32> to vector<16xf32>
        %parallel_loop3A_648 = arith.constant 0 : i32
        %parallel_loop3A_649 = arith.constant 3 : i32
        %parallel_loop3A_650 = arith.index_cast %parallel_loop3A_648 : i32 to index
        %parallel_loop3A_651 = arith.index_cast %parallel_loop3A_649 : i32 to index
        %parallel_loop3A_652 = arith.index_cast %parallel_loop3A_642 : i32 to index
        %parallel_loop3A_653 = tpu.vector_load %arg6[%parallel_loop3A_650, %parallel_loop3A_651, %parallel_loop3A_652] {strides = array<i32>} : memref<4x8x1024xf32, #tpu.memory_space<vmem>>, vector<1x1x16xf32>,
        %parallel_loop3A_654 = vector.shape_cast %parallel_loop3A_653 : vector<1x1x16xf32> to vector<16xf32>
        %parallel_loop3A_655 = arith.addf %parallel_loop3A_654, %parallel_loop3A_647 : vector<16xf32>
        %parallel_loop3A_656 = vector.broadcast %select_n3A_207 : f32 to vector<16xf32>
        %parallel_loop3A_657 = arith.mulf %parallel_loop3A_655, %parallel_loop3A_656 : vector<16xf32>
        %parallel_loop3A_658 = arith.constant 0 : i32
        %parallel_loop3A_659 = arith.constant 3 : i32
        %parallel_loop3A_660 = arith.index_cast %parallel_loop3A_658 : i32 to index
        %parallel_loop3A_661 = arith.index_cast %parallel_loop3A_659 : i32 to index
        %parallel_loop3A_662 = arith.index_cast %parallel_loop3A_642 : i32 to index
        %parallel_loop3A_663 = tpu.vector_load %arg6[%parallel_loop3A_660, %parallel_loop3A_661, %parallel_loop3A_662] {strides = array<i32>} : memref<4x8x1024xf32, #tpu.memory_space<vmem>>, vector<1x1x16xf32>,
        %parallel_loop3A_664 = vector.shape_cast %parallel_loop3A_663 : vector<1x1x16xf32> to vector<16xf32>
        %parallel_loop3A_665 = vector.shape_cast %parallel_loop3A_657 : vector<16xf32> to vector<1x1x16xf32>
        tpu.vector_store %arg6[%parallel_loop3A_660, %parallel_loop3A_661, %parallel_loop3A_662], %parallel_loop3A_665 {strides = array<i32>} : memref<4x8x1024xf32, #tpu.memory_space<vmem>>, vector<1x1x16xf32>,
        %parallel_loop3A_666 = arith.constant 1 : i32
        %parallel_loop3A_667 = arith.constant 3 : i32
        %parallel_loop3A_668 = arith.index_cast %parallel_loop3A_666 : i32 to index
        %parallel_loop3A_669 = arith.index_cast %parallel_loop3A_667 : i32 to index
        %parallel_loop3A_670 = arith.index_cast %parallel_loop3A_642 : i32 to index
        %parallel_loop3A_671 = tpu.vector_load %arg6[%parallel_loop3A_668, %parallel_loop3A_669, %parallel_loop3A_670] {strides = array<i32>} : memref<4x8x1024xf32, #tpu.memory_space<vmem>>, vector<1x1x16xf32>,
        %parallel_loop3A_672 = vector.shape_cast %parallel_loop3A_671 : vector<1x1x16xf32> to vector<16xf32>
        %parallel_loop3A_673 = arith.addf %parallel_loop3A_672, %parallel_loop3A_647 : vector<16xf32>
        %parallel_loop3A_674 = vector.broadcast %select_n3A_214 : f32 to vector<16xf32>
        %parallel_loop3A_675 = arith.mulf %parallel_loop3A_673, %parallel_loop3A_674 : vector<16xf32>
        %parallel_loop3A_676 = arith.constant 1 : i32
        %parallel_loop3A_677 = arith.constant 3 : i32
        %parallel_loop3A_678 = arith.index_cast %parallel_loop3A_676 : i32 to index
        %parallel_loop3A_679 = arith.index_cast %parallel_loop3A_677 : i32 to index
        %parallel_loop3A_680 = arith.index_cast %parallel_loop3A_642 : i32 to index
        %parallel_loop3A_681 = tpu.vector_load %arg6[%parallel_loop3A_678, %parallel_loop3A_679, %parallel_loop3A_680] {strides = array<i32>} : memref<4x8x1024xf32, #tpu.memory_space<vmem>>, vector<1x1x16xf32>,
        %parallel_loop3A_682 = vector.shape_cast %parallel_loop3A_681 : vector<1x1x16xf32> to vector<16xf32>
        %parallel_loop3A_683 = vector.shape_cast %parallel_loop3A_675 : vector<16xf32> to vector<1x1x16xf32>
        tpu.vector_store %arg6[%parallel_loop3A_678, %parallel_loop3A_679, %parallel_loop3A_680], %parallel_loop3A_683 {strides = array<i32>} : memref<4x8x1024xf32, #tpu.memory_space<vmem>>, vector<1x1x16xf32>,
        %parallel_loop3A_684 = arith.constant 2 : i32
        %parallel_loop3A_685 = arith.constant 3 : i32
        %parallel_loop3A_686 = arith.index_cast %parallel_loop3A_684 : i32 to index
        %parallel_loop3A_687 = arith.index_cast %parallel_loop3A_685 : i32 to index
        %parallel_loop3A_688 = arith.index_cast %parallel_loop3A_642 : i32 to index
        %parallel_loop3A_689 = tpu.vector_load %arg6[%parallel_loop3A_686, %parallel_loop3A_687, %parallel_loop3A_688] {strides = array<i32>} : memref<4x8x1024xf32, #tpu.memory_space<vmem>>, vector<1x1x16xf32>,
        %parallel_loop3A_690 = vector.shape_cast %parallel_loop3A_689 : vector<1x1x16xf32> to vector<16xf32>
        %parallel_loop3A_691 = arith.addf %parallel_loop3A_690, %parallel_loop3A_647 : vector<16xf32>
        %parallel_loop3A_692 = vector.broadcast %select_n3A_221 : f32 to vector<16xf32>
        %parallel_loop3A_693 = arith.mulf %parallel_loop3A_691, %parallel_loop3A_692 : vector<16xf32>
        %parallel_loop3A_694 = arith.constant 2 : i32
        %parallel_loop3A_695 = arith.constant 3 : i32
        %parallel_loop3A_696 = arith.index_cast %parallel_loop3A_694 : i32 to index
        %parallel_loop3A_697 = arith.index_cast %parallel_loop3A_695 : i32 to index
        %parallel_loop3A_698 = arith.index_cast %parallel_loop3A_642 : i32 to index
        %parallel_loop3A_699 = tpu.vector_load %arg6[%parallel_loop3A_696, %parallel_loop3A_697, %parallel_loop3A_698] {strides = array<i32>} : memref<4x8x1024xf32, #tpu.memory_space<vmem>>, vector<1x1x16xf32>,
        %parallel_loop3A_700 = vector.shape_cast %parallel_loop3A_699 : vector<1x1x16xf32> to vector<16xf32>
        %parallel_loop3A_701 = vector.shape_cast %parallel_loop3A_693 : vector<16xf32> to vector<1x1x16xf32>
        tpu.vector_store %arg6[%parallel_loop3A_696, %parallel_loop3A_697, %parallel_loop3A_698], %parallel_loop3A_701 {strides = array<i32>} : memref<4x8x1024xf32, #tpu.memory_space<vmem>>, vector<1x1x16xf32>,
        %parallel_loop3A_702 = arith.constant 3 : i32
        %parallel_loop3A_703 = arith.constant 3 : i32
        %parallel_loop3A_704 = arith.index_cast %parallel_loop3A_702 : i32 to index
        %parallel_loop3A_705 = arith.index_cast %parallel_loop3A_703 : i32 to index
        %parallel_loop3A_706 = arith.index_cast %parallel_loop3A_642 : i32 to index
        %parallel_loop3A_707 = tpu.vector_load %arg6[%parallel_loop3A_704, %parallel_loop3A_705, %parallel_loop3A_706] {strides = array<i32>} : memref<4x8x1024xf32, #tpu.memory_space<vmem>>, vector<1x1x16xf32>,
        %parallel_loop3A_708 = vector.shape_cast %parallel_loop3A_707 : vector<1x1x16xf32> to vector<16xf32>
        %parallel_loop3A_709 = arith.addf %parallel_loop3A_708, %parallel_loop3A_647 : vector<16xf32>
        %parallel_loop3A_710 = vector.broadcast %select_n3A_228 : f32 to vector<16xf32>
        %parallel_loop3A_711 = arith.mulf %parallel_loop3A_709, %parallel_loop3A_710 : vector<16xf32>
        %parallel_loop3A_712 = arith.constant 3 : i32
        %parallel_loop3A_713 = arith.constant 3 : i32
        %parallel_loop3A_714 = arith.index_cast %parallel_loop3A_712 : i32 to index
        %parallel_loop3A_715 = arith.index_cast %parallel_loop3A_713 : i32 to index
        %parallel_loop3A_716 = arith.index_cast %parallel_loop3A_642 : i32 to index
        %parallel_loop3A_717 = tpu.vector_load %arg6[%parallel_loop3A_714, %parallel_loop3A_715, %parallel_loop3A_716] {strides = array<i32>} : memref<4x8x1024xf32, #tpu.memory_space<vmem>>, vector<1x1x16xf32>,
        %parallel_loop3A_718 = vector.shape_cast %parallel_loop3A_717 : vector<1x1x16xf32> to vector<16xf32>
        %parallel_loop3A_719 = vector.shape_cast %parallel_loop3A_711 : vector<16xf32> to vector<1x1x16xf32>
        tpu.vector_store %arg6[%parallel_loop3A_714, %parallel_loop3A_715, %parallel_loop3A_716], %parallel_loop3A_719 {strides = array<i32>} : memref<4x8x1024xf32, #tpu.memory_space<vmem>>, vector<1x1x16xf32>,
      } {sc.loop_unroll_factor = 8 : i64, sc.parallel_access}
      %slice3A_232 = vector.extract_strided_slice %get3A_69 {offsets = [4], sizes = [1], strides = [1]} : vector<16xi32> to vector<1xi32>
      %squeeze3A_233 = vector.extract %slice3A_232[0] : i32 from vector<1xi32>
      %eq3A_234 = arith.constant 0 : i32
      %eq3A_235 = arith.cmpi eq, %squeeze3A_233, %eq3A_234 : i32
      %jit3A_236 = arith.constant 0.000000e+00 : f32
      %jit3A_237 = arith.constant 1.000000e+00 : f32
      %select_n3A_238 = arith.select %eq3A_235, %jit3A_236, %jit3A_237 : f32
      %slice3A_239 = vector.extract_strided_slice %get3A_79 {offsets = [4], sizes = [1], strides = [1]} : vector<16xi32> to vector<1xi32>
      %squeeze3A_240 = vector.extract %slice3A_239[0] : i32 from vector<1xi32>
      %eq3A_241 = arith.constant 0 : i32
      %eq3A_242 = arith.cmpi eq, %squeeze3A_240, %eq3A_241 : i32
      %jit3A_243 = arith.constant 0.000000e+00 : f32
      %jit3A_244 = arith.constant 1.000000e+00 : f32
      %select_n3A_245 = arith.select %eq3A_242, %jit3A_243, %jit3A_244 : f32
      %slice3A_246 = vector.extract_strided_slice %get3A_89 {offsets = [4], sizes = [1], strides = [1]} : vector<16xi32> to vector<1xi32>
      %squeeze3A_247 = vector.extract %slice3A_246[0] : i32 from vector<1xi32>
      %eq3A_248 = arith.constant 0 : i32
      %eq3A_249 = arith.cmpi eq, %squeeze3A_247, %eq3A_248 : i32
      %jit3A_250 = arith.constant 0.000000e+00 : f32
      %jit3A_251 = arith.constant 1.000000e+00 : f32
      %select_n3A_252 = arith.select %eq3A_249, %jit3A_250, %jit3A_251 : f32
      %slice3A_253 = vector.extract_strided_slice %get3A_99 {offsets = [4], sizes = [1], strides = [1]} : vector<16xi32> to vector<1xi32>
      %squeeze3A_254 = vector.extract %slice3A_253[0] : i32 from vector<1xi32>
      %eq3A_255 = arith.constant 0 : i32
      %eq3A_256 = arith.cmpi eq, %squeeze3A_254, %eq3A_255 : i32
      %jit3A_257 = arith.constant 0.000000e+00 : f32
      %jit3A_258 = arith.constant 1.000000e+00 : f32
      %select_n3A_259 = arith.select %eq3A_256, %jit3A_257, %jit3A_258 : f32
      %parallel_loop3A_260 = arith.constant 0 : i32
      %parallel_loop3A_261 = arith.constant 64 : i32
      %parallel_loop3A_262 = arith.constant 1 : i32
      scf.for %parallel_loop3A_639 = %parallel_loop3A_260 to %parallel_loop3A_261 step %parallel_loop3A_262  : i32 {
        %parallel_loop3A_640 = arith.constant 16 : i32
        %parallel_loop3A_641 = arith.muli %parallel_loop3A_639, %parallel_loop3A_640 : i32
        %parallel_loop3A_642 = tpu.assume_multiple %parallel_loop3A_641, 16 : i32
        %parallel_loop3A_643 = arith.constant 4 : i32
        %parallel_loop3A_644 = arith.index_cast %parallel_loop3A_643 : i32 to index
        %parallel_loop3A_645 = arith.index_cast %parallel_loop3A_642 : i32 to index
        %parallel_loop3A_646 = tpu.vector_load %arg8[%parallel_loop3A_644, %parallel_loop3A_645] {strides = array<i32>} : memref<8x1024xf32, #tpu.memory_space<vmem>>, vector<1x16xf32>,
        %parallel_loop3A_647 = vector.shape_cast %parallel_loop3A_646 : vector<1x16xf32> to vector<16xf32>
        %parallel_loop3A_648 = arith.constant 0 : i32
        %parallel_loop3A_649 = arith.constant 4 : i32
        %parallel_loop3A_650 = arith.index_cast %parallel_loop3A_648 : i32 to index
        %parallel_loop3A_651 = arith.index_cast %parallel_loop3A_649 : i32 to index
        %parallel_loop3A_652 = arith.index_cast %parallel_loop3A_642 : i32 to index
        %parallel_loop3A_653 = tpu.vector_load %arg6[%parallel_loop3A_650, %parallel_loop3A_651, %parallel_loop3A_652] {strides = array<i32>} : memref<4x8x1024xf32, #tpu.memory_space<vmem>>, vector<1x1x16xf32>,
        %parallel_loop3A_654 = vector.shape_cast %parallel_loop3A_653 : vector<1x1x16xf32> to vector<16xf32>
        %parallel_loop3A_655 = arith.addf %parallel_loop3A_654, %parallel_loop3A_647 : vector<16xf32>
        %parallel_loop3A_656 = vector.broadcast %select_n3A_238 : f32 to vector<16xf32>
        %parallel_loop3A_657 = arith.mulf %parallel_loop3A_655, %parallel_loop3A_656 : vector<16xf32>
        %parallel_loop3A_658 = arith.constant 0 : i32
        %parallel_loop3A_659 = arith.constant 4 : i32
        %parallel_loop3A_660 = arith.index_cast %parallel_loop3A_658 : i32 to index
        %parallel_loop3A_661 = arith.index_cast %parallel_loop3A_659 : i32 to index
        %parallel_loop3A_662 = arith.index_cast %parallel_loop3A_642 : i32 to index
        %parallel_loop3A_663 = tpu.vector_load %arg6[%parallel_loop3A_660, %parallel_loop3A_661, %parallel_loop3A_662] {strides = array<i32>} : memref<4x8x1024xf32, #tpu.memory_space<vmem>>, vector<1x1x16xf32>,
        %parallel_loop3A_664 = vector.shape_cast %parallel_loop3A_663 : vector<1x1x16xf32> to vector<16xf32>
        %parallel_loop3A_665 = vector.shape_cast %parallel_loop3A_657 : vector<16xf32> to vector<1x1x16xf32>
        tpu.vector_store %arg6[%parallel_loop3A_660, %parallel_loop3A_661, %parallel_loop3A_662], %parallel_loop3A_665 {strides = array<i32>} : memref<4x8x1024xf32, #tpu.memory_space<vmem>>, vector<1x1x16xf32>,
        %parallel_loop3A_666 = arith.constant 1 : i32
        %parallel_loop3A_667 = arith.constant 4 : i32
        %parallel_loop3A_668 = arith.index_cast %parallel_loop3A_666 : i32 to index
        %parallel_loop3A_669 = arith.index_cast %parallel_loop3A_667 : i32 to index
        %parallel_loop3A_670 = arith.index_cast %parallel_loop3A_642 : i32 to index
        %parallel_loop3A_671 = tpu.vector_load %arg6[%parallel_loop3A_668, %parallel_loop3A_669, %parallel_loop3A_670] {strides = array<i32>} : memref<4x8x1024xf32, #tpu.memory_space<vmem>>, vector<1x1x16xf32>,
        %parallel_loop3A_672 = vector.shape_cast %parallel_loop3A_671 : vector<1x1x16xf32> to vector<16xf32>
        %parallel_loop3A_673 = arith.addf %parallel_loop3A_672, %parallel_loop3A_647 : vector<16xf32>
        %parallel_loop3A_674 = vector.broadcast %select_n3A_245 : f32 to vector<16xf32>
        %parallel_loop3A_675 = arith.mulf %parallel_loop3A_673, %parallel_loop3A_674 : vector<16xf32>
        %parallel_loop3A_676 = arith.constant 1 : i32
        %parallel_loop3A_677 = arith.constant 4 : i32
        %parallel_loop3A_678 = arith.index_cast %parallel_loop3A_676 : i32 to index
        %parallel_loop3A_679 = arith.index_cast %parallel_loop3A_677 : i32 to index
        %parallel_loop3A_680 = arith.index_cast %parallel_loop3A_642 : i32 to index
        %parallel_loop3A_681 = tpu.vector_load %arg6[%parallel_loop3A_678, %parallel_loop3A_679, %parallel_loop3A_680] {strides = array<i32>} : memref<4x8x1024xf32, #tpu.memory_space<vmem>>, vector<1x1x16xf32>,
        %parallel_loop3A_682 = vector.shape_cast %parallel_loop3A_681 : vector<1x1x16xf32> to vector<16xf32>
        %parallel_loop3A_683 = vector.shape_cast %parallel_loop3A_675 : vector<16xf32> to vector<1x1x16xf32>
        tpu.vector_store %arg6[%parallel_loop3A_678, %parallel_loop3A_679, %parallel_loop3A_680], %parallel_loop3A_683 {strides = array<i32>} : memref<4x8x1024xf32, #tpu.memory_space<vmem>>, vector<1x1x16xf32>,
        %parallel_loop3A_684 = arith.constant 2 : i32
        %parallel_loop3A_685 = arith.constant 4 : i32
        %parallel_loop3A_686 = arith.index_cast %parallel_loop3A_684 : i32 to index
        %parallel_loop3A_687 = arith.index_cast %parallel_loop3A_685 : i32 to index
        %parallel_loop3A_688 = arith.index_cast %parallel_loop3A_642 : i32 to index
        %parallel_loop3A_689 = tpu.vector_load %arg6[%parallel_loop3A_686, %parallel_loop3A_687, %parallel_loop3A_688] {strides = array<i32>} : memref<4x8x1024xf32, #tpu.memory_space<vmem>>, vector<1x1x16xf32>,
        %parallel_loop3A_690 = vector.shape_cast %parallel_loop3A_689 : vector<1x1x16xf32> to vector<16xf32>
        %parallel_loop3A_691 = arith.addf %parallel_loop3A_690, %parallel_loop3A_647 : vector<16xf32>
        %parallel_loop3A_692 = vector.broadcast %select_n3A_252 : f32 to vector<16xf32>
        %parallel_loop3A_693 = arith.mulf %parallel_loop3A_691, %parallel_loop3A_692 : vector<16xf32>
        %parallel_loop3A_694 = arith.constant 2 : i32
        %parallel_loop3A_695 = arith.constant 4 : i32
        %parallel_loop3A_696 = arith.index_cast %parallel_loop3A_694 : i32 to index
        %parallel_loop3A_697 = arith.index_cast %parallel_loop3A_695 : i32 to index
        %parallel_loop3A_698 = arith.index_cast %parallel_loop3A_642 : i32 to index
        %parallel_loop3A_699 = tpu.vector_load %arg6[%parallel_loop3A_696, %parallel_loop3A_697, %parallel_loop3A_698] {strides = array<i32>} : memref<4x8x1024xf32, #tpu.memory_space<vmem>>, vector<1x1x16xf32>,
        %parallel_loop3A_700 = vector.shape_cast %parallel_loop3A_699 : vector<1x1x16xf32> to vector<16xf32>
        %parallel_loop3A_701 = vector.shape_cast %parallel_loop3A_693 : vector<16xf32> to vector<1x1x16xf32>
        tpu.vector_store %arg6[%parallel_loop3A_696, %parallel_loop3A_697, %parallel_loop3A_698], %parallel_loop3A_701 {strides = array<i32>} : memref<4x8x1024xf32, #tpu.memory_space<vmem>>, vector<1x1x16xf32>,
        %parallel_loop3A_702 = arith.constant 3 : i32
        %parallel_loop3A_703 = arith.constant 4 : i32
        %parallel_loop3A_704 = arith.index_cast %parallel_loop3A_702 : i32 to index
        %parallel_loop3A_705 = arith.index_cast %parallel_loop3A_703 : i32 to index
        %parallel_loop3A_706 = arith.index_cast %parallel_loop3A_642 : i32 to index
        %parallel_loop3A_707 = tpu.vector_load %arg6[%parallel_loop3A_704, %parallel_loop3A_705, %parallel_loop3A_706] {strides = array<i32>} : memref<4x8x1024xf32, #tpu.memory_space<vmem>>, vector<1x1x16xf32>,
        %parallel_loop3A_708 = vector.shape_cast %parallel_loop3A_707 : vector<1x1x16xf32> to vector<16xf32>
        %parallel_loop3A_709 = arith.addf %parallel_loop3A_708, %parallel_loop3A_647 : vector<16xf32>
        %parallel_loop3A_710 = vector.broadcast %select_n3A_259 : f32 to vector<16xf32>
        %parallel_loop3A_711 = arith.mulf %parallel_loop3A_709, %parallel_loop3A_710 : vector<16xf32>
        %parallel_loop3A_712 = arith.constant 3 : i32
        %parallel_loop3A_713 = arith.constant 4 : i32
        %parallel_loop3A_714 = arith.index_cast %parallel_loop3A_712 : i32 to index
        %parallel_loop3A_715 = arith.index_cast %parallel_loop3A_713 : i32 to index
        %parallel_loop3A_716 = arith.index_cast %parallel_loop3A_642 : i32 to index
        %parallel_loop3A_717 = tpu.vector_load %arg6[%parallel_loop3A_714, %parallel_loop3A_715, %parallel_loop3A_716] {strides = array<i32>} : memref<4x8x1024xf32, #tpu.memory_space<vmem>>, vector<1x1x16xf32>,
        %parallel_loop3A_718 = vector.shape_cast %parallel_loop3A_717 : vector<1x1x16xf32> to vector<16xf32>
        %parallel_loop3A_719 = vector.shape_cast %parallel_loop3A_711 : vector<16xf32> to vector<1x1x16xf32>
        tpu.vector_store %arg6[%parallel_loop3A_714, %parallel_loop3A_715, %parallel_loop3A_716], %parallel_loop3A_719 {strides = array<i32>} : memref<4x8x1024xf32, #tpu.memory_space<vmem>>, vector<1x1x16xf32>,
      } {sc.loop_unroll_factor = 8 : i64, sc.parallel_access}
      %slice3A_263 = vector.extract_strided_slice %get3A_69 {offsets = [5], sizes = [1], strides = [1]} : vector<16xi32> to vector<1xi32>
      %squeeze3A_264 = vector.extract %slice3A_263[0] : i32 from vector<1xi32>
      %eq3A_265 = arith.constant 0 : i32
      %eq3A_266 = arith.cmpi eq, %squeeze3A_264, %eq3A_265 : i32
      %jit3A_267 = arith.constant 0.000000e+00 : f32
      %jit3A_268 = arith.constant 1.000000e+00 : f32
      %select_n3A_269 = arith.select %eq3A_266, %jit3A_267, %jit3A_268 : f32
      %slice3A_270 = vector.extract_strided_slice %get3A_79 {offsets = [5], sizes = [1], strides = [1]} : vector<16xi32> to vector<1xi32>
      %squeeze3A_271 = vector.extract %slice3A_270[0] : i32 from vector<1xi32>
      %eq3A_272 = arith.constant 0 : i32
      %eq3A_273 = arith.cmpi eq, %squeeze3A_271, %eq3A_272 : i32
      %jit3A_274 = arith.constant 0.000000e+00 : f32
      %jit3A_275 = arith.constant 1.000000e+00 : f32
      %select_n3A_276 = arith.select %eq3A_273, %jit3A_274, %jit3A_275 : f32
      %slice3A_277 = vector.extract_strided_slice %get3A_89 {offsets = [5], sizes = [1], strides = [1]} : vector<16xi32> to vector<1xi32>
      %squeeze3A_278 = vector.extract %slice3A_277[0] : i32 from vector<1xi32>
      %eq3A_279 = arith.constant 0 : i32
      %eq3A_280 = arith.cmpi eq, %squeeze3A_278, %eq3A_279 : i32
      %jit3A_281 = arith.constant 0.000000e+00 : f32
      %jit3A_282 = arith.constant 1.000000e+00 : f32
      %select_n3A_283 = arith.select %eq3A_280, %jit3A_281, %jit3A_282 : f32
      %slice3A_284 = vector.extract_strided_slice %get3A_99 {offsets = [5], sizes = [1], strides = [1]} : vector<16xi32> to vector<1xi32>
      %squeeze3A_285 = vector.extract %slice3A_284[0] : i32 from vector<1xi32>
      %eq3A_286 = arith.constant 0 : i32
      %eq3A_287 = arith.cmpi eq, %squeeze3A_285, %eq3A_286 : i32
      %jit3A_288 = arith.constant 0.000000e+00 : f32
      %jit3A_289 = arith.constant 1.000000e+00 : f32
      %select_n3A_290 = arith.select %eq3A_287, %jit3A_288, %jit3A_289 : f32
      %parallel_loop3A_291 = arith.constant 0 : i32
      %parallel_loop3A_292 = arith.constant 64 : i32
      %parallel_loop3A_293 = arith.constant 1 : i32
      scf.for %parallel_loop3A_639 = %parallel_loop3A_291 to %parallel_loop3A_292 step %parallel_loop3A_293  : i32 {
        %parallel_loop3A_640 = arith.constant 16 : i32
        %parallel_loop3A_641 = arith.muli %parallel_loop3A_639, %parallel_loop3A_640 : i32
        %parallel_loop3A_642 = tpu.assume_multiple %parallel_loop3A_641, 16 : i32
        %parallel_loop3A_643 = arith.constant 5 : i32
        %parallel_loop3A_644 = arith.index_cast %parallel_loop3A_643 : i32 to index
        %parallel_loop3A_645 = arith.index_cast %parallel_loop3A_642 : i32 to index
        %parallel_loop3A_646 = tpu.vector_load %arg8[%parallel_loop3A_644, %parallel_loop3A_645] {strides = array<i32>} : memref<8x1024xf32, #tpu.memory_space<vmem>>, vector<1x16xf32>,
        %parallel_loop3A_647 = vector.shape_cast %parallel_loop3A_646 : vector<1x16xf32> to vector<16xf32>
        %parallel_loop3A_648 = arith.constant 0 : i32
        %parallel_loop3A_649 = arith.constant 5 : i32
        %parallel_loop3A_650 = arith.index_cast %parallel_loop3A_648 : i32 to index
        %parallel_loop3A_651 = arith.index_cast %parallel_loop3A_649 : i32 to index
        %parallel_loop3A_652 = arith.index_cast %parallel_loop3A_642 : i32 to index
        %parallel_loop3A_653 = tpu.vector_load %arg6[%parallel_loop3A_650, %parallel_loop3A_651, %parallel_loop3A_652] {strides = array<i32>} : memref<4x8x1024xf32, #tpu.memory_space<vmem>>, vector<1x1x16xf32>,
        %parallel_loop3A_654 = vector.shape_cast %parallel_loop3A_653 : vector<1x1x16xf32> to vector<16xf32>
        %parallel_loop3A_655 = arith.addf %parallel_loop3A_654, %parallel_loop3A_647 : vector<16xf32>
        %parallel_loop3A_656 = vector.broadcast %select_n3A_269 : f32 to vector<16xf32>
        %parallel_loop3A_657 = arith.mulf %parallel_loop3A_655, %parallel_loop3A_656 : vector<16xf32>
        %parallel_loop3A_658 = arith.constant 0 : i32
        %parallel_loop3A_659 = arith.constant 5 : i32
        %parallel_loop3A_660 = arith.index_cast %parallel_loop3A_658 : i32 to index
        %parallel_loop3A_661 = arith.index_cast %parallel_loop3A_659 : i32 to index
        %parallel_loop3A_662 = arith.index_cast %parallel_loop3A_642 : i32 to index
        %parallel_loop3A_663 = tpu.vector_load %arg6[%parallel_loop3A_660, %parallel_loop3A_661, %parallel_loop3A_662] {strides = array<i32>} : memref<4x8x1024xf32, #tpu.memory_space<vmem>>, vector<1x1x16xf32>,
        %parallel_loop3A_664 = vector.shape_cast %parallel_loop3A_663 : vector<1x1x16xf32> to vector<16xf32>
        %parallel_loop3A_665 = vector.shape_cast %parallel_loop3A_657 : vector<16xf32> to vector<1x1x16xf32>
        tpu.vector_store %arg6[%parallel_loop3A_660, %parallel_loop3A_661, %parallel_loop3A_662], %parallel_loop3A_665 {strides = array<i32>} : memref<4x8x1024xf32, #tpu.memory_space<vmem>>, vector<1x1x16xf32>,
        %parallel_loop3A_666 = arith.constant 1 : i32
        %parallel_loop3A_667 = arith.constant 5 : i32
        %parallel_loop3A_668 = arith.index_cast %parallel_loop3A_666 : i32 to index
        %parallel_loop3A_669 = arith.index_cast %parallel_loop3A_667 : i32 to index
        %parallel_loop3A_670 = arith.index_cast %parallel_loop3A_642 : i32 to index
        %parallel_loop3A_671 = tpu.vector_load %arg6[%parallel_loop3A_668, %parallel_loop3A_669, %parallel_loop3A_670] {strides = array<i32>} : memref<4x8x1024xf32, #tpu.memory_space<vmem>>, vector<1x1x16xf32>,
        %parallel_loop3A_672 = vector.shape_cast %parallel_loop3A_671 : vector<1x1x16xf32> to vector<16xf32>
        %parallel_loop3A_673 = arith.addf %parallel_loop3A_672, %parallel_loop3A_647 : vector<16xf32>
        %parallel_loop3A_674 = vector.broadcast %select_n3A_276 : f32 to vector<16xf32>
        %parallel_loop3A_675 = arith.mulf %parallel_loop3A_673, %parallel_loop3A_674 : vector<16xf32>
        %parallel_loop3A_676 = arith.constant 1 : i32
        %parallel_loop3A_677 = arith.constant 5 : i32
        %parallel_loop3A_678 = arith.index_cast %parallel_loop3A_676 : i32 to index
        %parallel_loop3A_679 = arith.index_cast %parallel_loop3A_677 : i32 to index
        %parallel_loop3A_680 = arith.index_cast %parallel_loop3A_642 : i32 to index
        %parallel_loop3A_681 = tpu.vector_load %arg6[%parallel_loop3A_678, %parallel_loop3A_679, %parallel_loop3A_680] {strides = array<i32>} : memref<4x8x1024xf32, #tpu.memory_space<vmem>>, vector<1x1x16xf32>,
        %parallel_loop3A_682 = vector.shape_cast %parallel_loop3A_681 : vector<1x1x16xf32> to vector<16xf32>
        %parallel_loop3A_683 = vector.shape_cast %parallel_loop3A_675 : vector<16xf32> to vector<1x1x16xf32>
        tpu.vector_store %arg6[%parallel_loop3A_678, %parallel_loop3A_679, %parallel_loop3A_680], %parallel_loop3A_683 {strides = array<i32>} : memref<4x8x1024xf32, #tpu.memory_space<vmem>>, vector<1x1x16xf32>,
        %parallel_loop3A_684 = arith.constant 2 : i32
        %parallel_loop3A_685 = arith.constant 5 : i32
        %parallel_loop3A_686 = arith.index_cast %parallel_loop3A_684 : i32 to index
        %parallel_loop3A_687 = arith.index_cast %parallel_loop3A_685 : i32 to index
        %parallel_loop3A_688 = arith.index_cast %parallel_loop3A_642 : i32 to index
        %parallel_loop3A_689 = tpu.vector_load %arg6[%parallel_loop3A_686, %parallel_loop3A_687, %parallel_loop3A_688] {strides = array<i32>} : memref<4x8x1024xf32, #tpu.memory_space<vmem>>, vector<1x1x16xf32>,
        %parallel_loop3A_690 = vector.shape_cast %parallel_loop3A_689 : vector<1x1x16xf32> to vector<16xf32>
        %parallel_loop3A_691 = arith.addf %parallel_loop3A_690, %parallel_loop3A_647 : vector<16xf32>
        %parallel_loop3A_692 = vector.broadcast %select_n3A_283 : f32 to vector<16xf32>
        %parallel_loop3A_693 = arith.mulf %parallel_loop3A_691, %parallel_loop3A_692 : vector<16xf32>
        %parallel_loop3A_694 = arith.constant 2 : i32
        %parallel_loop3A_695 = arith.constant 5 : i32
        %parallel_loop3A_696 = arith.index_cast %parallel_loop3A_694 : i32 to index
        %parallel_loop3A_697 = arith.index_cast %parallel_loop3A_695 : i32 to index
        %parallel_loop3A_698 = arith.index_cast %parallel_loop3A_642 : i32 to index
        %parallel_loop3A_699 = tpu.vector_load %arg6[%parallel_loop3A_696, %parallel_loop3A_697, %parallel_loop3A_698] {strides = array<i32>} : memref<4x8x1024xf32, #tpu.memory_space<vmem>>, vector<1x1x16xf32>,
        %parallel_loop3A_700 = vector.shape_cast %parallel_loop3A_699 : vector<1x1x16xf32> to vector<16xf32>
        %parallel_loop3A_701 = vector.shape_cast %parallel_loop3A_693 : vector<16xf32> to vector<1x1x16xf32>
        tpu.vector_store %arg6[%parallel_loop3A_696, %parallel_loop3A_697, %parallel_loop3A_698], %parallel_loop3A_701 {strides = array<i32>} : memref<4x8x1024xf32, #tpu.memory_space<vmem>>, vector<1x1x16xf32>,
        %parallel_loop3A_702 = arith.constant 3 : i32
        %parallel_loop3A_703 = arith.constant 5 : i32
        %parallel_loop3A_704 = arith.index_cast %parallel_loop3A_702 : i32 to index
        %parallel_loop3A_705 = arith.index_cast %parallel_loop3A_703 : i32 to index
        %parallel_loop3A_706 = arith.index_cast %parallel_loop3A_642 : i32 to index
        %parallel_loop3A_707 = tpu.vector_load %arg6[%parallel_loop3A_704, %parallel_loop3A_705, %parallel_loop3A_706] {strides = array<i32>} : memref<4x8x1024xf32, #tpu.memory_space<vmem>>, vector<1x1x16xf32>,
        %parallel_loop3A_708 = vector.shape_cast %parallel_loop3A_707 : vector<1x1x16xf32> to vector<16xf32>
        %parallel_loop3A_709 = arith.addf %parallel_loop3A_708, %parallel_loop3A_647 : vector<16xf32>
        %parallel_loop3A_710 = vector.broadcast %select_n3A_290 : f32 to vector<16xf32>
        %parallel_loop3A_711 = arith.mulf %parallel_loop3A_709, %parallel_loop3A_710 : vector<16xf32>
        %parallel_loop3A_712 = arith.constant 3 : i32
        %parallel_loop3A_713 = arith.constant 5 : i32
        %parallel_loop3A_714 = arith.index_cast %parallel_loop3A_712 : i32 to index
        %parallel_loop3A_715 = arith.index_cast %parallel_loop3A_713 : i32 to index
        %parallel_loop3A_716 = arith.index_cast %parallel_loop3A_642 : i32 to index
        %parallel_loop3A_717 = tpu.vector_load %arg6[%parallel_loop3A_714, %parallel_loop3A_715, %parallel_loop3A_716] {strides = array<i32>} : memref<4x8x1024xf32, #tpu.memory_space<vmem>>, vector<1x1x16xf32>,
        %parallel_loop3A_718 = vector.shape_cast %parallel_loop3A_717 : vector<1x1x16xf32> to vector<16xf32>
        %parallel_loop3A_719 = vector.shape_cast %parallel_loop3A_711 : vector<16xf32> to vector<1x1x16xf32>
        tpu.vector_store %arg6[%parallel_loop3A_714, %parallel_loop3A_715, %parallel_loop3A_716], %parallel_loop3A_719 {strides = array<i32>} : memref<4x8x1024xf32, #tpu.memory_space<vmem>>, vector<1x1x16xf32>,
      } {sc.loop_unroll_factor = 8 : i64, sc.parallel_access}
      %slice3A_294 = vector.extract_strided_slice %get3A_69 {offsets = [6], sizes = [1], strides = [1]} : vector<16xi32> to vector<1xi32>
      %squeeze3A_295 = vector.extract %slice3A_294[0] : i32 from vector<1xi32>
      %eq3A_296 = arith.constant 0 : i32
      %eq3A_297 = arith.cmpi eq, %squeeze3A_295, %eq3A_296 : i32
      %jit3A_298 = arith.constant 0.000000e+00 : f32
      %jit3A_299 = arith.constant 1.000000e+00 : f32
      %select_n3A_300 = arith.select %eq3A_297, %jit3A_298, %jit3A_299 : f32
      %slice3A_301 = vector.extract_strided_slice %get3A_79 {offsets = [6], sizes = [1], strides = [1]} : vector<16xi32> to vector<1xi32>
      %squeeze3A_302 = vector.extract %slice3A_301[0] : i32 from vector<1xi32>
      %eq3A_303 = arith.constant 0 : i32
      %eq3A_304 = arith.cmpi eq, %squeeze3A_302, %eq3A_303 : i32
      %jit3A_305 = arith.constant 0.000000e+00 : f32
      %jit3A_306 = arith.constant 1.000000e+00 : f32
      %select_n3A_307 = arith.select %eq3A_304, %jit3A_305, %jit3A_306 : f32
      %slice3A_308 = vector.extract_strided_slice %get3A_89 {offsets = [6], sizes = [1], strides = [1]} : vector<16xi32> to vector<1xi32>
      %squeeze3A_309 = vector.extract %slice3A_308[0] : i32 from vector<1xi32>
      %eq3A_310 = arith.constant 0 : i32
      %eq3A_311 = arith.cmpi eq, %squeeze3A_309, %eq3A_310 : i32
      %jit3A_312 = arith.constant 0.000000e+00 : f32
      %jit3A_313 = arith.constant 1.000000e+00 : f32
      %select_n3A_314 = arith.select %eq3A_311, %jit3A_312, %jit3A_313 : f32
      %slice3A_315 = vector.extract_strided_slice %get3A_99 {offsets = [6], sizes = [1], strides = [1]} : vector<16xi32> to vector<1xi32>
      %squeeze3A_316 = vector.extract %slice3A_315[0] : i32 from vector<1xi32>
      %eq3A_317 = arith.constant 0 : i32
      %eq3A_318 = arith.cmpi eq, %squeeze3A_316, %eq3A_317 : i32
      %jit3A_319 = arith.constant 0.000000e+00 : f32
      %jit3A_320 = arith.constant 1.000000e+00 : f32
      %select_n3A_321 = arith.select %eq3A_318, %jit3A_319, %jit3A_320 : f32
      %parallel_loop3A_322 = arith.constant 0 : i32
      %parallel_loop3A_323 = arith.constant 64 : i32
      %parallel_loop3A_324 = arith.constant 1 : i32
      scf.for %parallel_loop3A_639 = %parallel_loop3A_322 to %parallel_loop3A_323 step %parallel_loop3A_324  : i32 {
        %parallel_loop3A_640 = arith.constant 16 : i32
        %parallel_loop3A_641 = arith.muli %parallel_loop3A_639, %parallel_loop3A_640 : i32
        %parallel_loop3A_642 = tpu.assume_multiple %parallel_loop3A_641, 16 : i32
        %parallel_loop3A_643 = arith.constant 6 : i32
        %parallel_loop3A_644 = arith.index_cast %parallel_loop3A_643 : i32 to index
        %parallel_loop3A_645 = arith.index_cast %parallel_loop3A_642 : i32 to index
        %parallel_loop3A_646 = tpu.vector_load %arg8[%parallel_loop3A_644, %parallel_loop3A_645] {strides = array<i32>} : memref<8x1024xf32, #tpu.memory_space<vmem>>, vector<1x16xf32>,
        %parallel_loop3A_647 = vector.shape_cast %parallel_loop3A_646 : vector<1x16xf32> to vector<16xf32>
        %parallel_loop3A_648 = arith.constant 0 : i32
        %parallel_loop3A_649 = arith.constant 6 : i32
        %parallel_loop3A_650 = arith.index_cast %parallel_loop3A_648 : i32 to index
        %parallel_loop3A_651 = arith.index_cast %parallel_loop3A_649 : i32 to index
        %parallel_loop3A_652 = arith.index_cast %parallel_loop3A_642 : i32 to index
        %parallel_loop3A_653 = tpu.vector_load %arg6[%parallel_loop3A_650, %parallel_loop3A_651, %parallel_loop3A_652] {strides = array<i32>} : memref<4x8x1024xf32, #tpu.memory_space<vmem>>, vector<1x1x16xf32>,
        %parallel_loop3A_654 = vector.shape_cast %parallel_loop3A_653 : vector<1x1x16xf32> to vector<16xf32>
        %parallel_loop3A_655 = arith.addf %parallel_loop3A_654, %parallel_loop3A_647 : vector<16xf32>
        %parallel_loop3A_656 = vector.broadcast %select_n3A_300 : f32 to vector<16xf32>
        %parallel_loop3A_657 = arith.mulf %parallel_loop3A_655, %parallel_loop3A_656 : vector<16xf32>
        %parallel_loop3A_658 = arith.constant 0 : i32
        %parallel_loop3A_659 = arith.constant 6 : i32
        %parallel_loop3A_660 = arith.index_cast %parallel_loop3A_658 : i32 to index
        %parallel_loop3A_661 = arith.index_cast %parallel_loop3A_659 : i32 to index
        %parallel_loop3A_662 = arith.index_cast %parallel_loop3A_642 : i32 to index
        %parallel_loop3A_663 = tpu.vector_load %arg6[%parallel_loop3A_660, %parallel_loop3A_661, %parallel_loop3A_662] {strides = array<i32>} : memref<4x8x1024xf32, #tpu.memory_space<vmem>>, vector<1x1x16xf32>,
        %parallel_loop3A_664 = vector.shape_cast %parallel_loop3A_663 : vector<1x1x16xf32> to vector<16xf32>
        %parallel_loop3A_665 = vector.shape_cast %parallel_loop3A_657 : vector<16xf32> to vector<1x1x16xf32>
        tpu.vector_store %arg6[%parallel_loop3A_660, %parallel_loop3A_661, %parallel_loop3A_662], %parallel_loop3A_665 {strides = array<i32>} : memref<4x8x1024xf32, #tpu.memory_space<vmem>>, vector<1x1x16xf32>,
        %parallel_loop3A_666 = arith.constant 1 : i32
        %parallel_loop3A_667 = arith.constant 6 : i32
        %parallel_loop3A_668 = arith.index_cast %parallel_loop3A_666 : i32 to index
        %parallel_loop3A_669 = arith.index_cast %parallel_loop3A_667 : i32 to index
        %parallel_loop3A_670 = arith.index_cast %parallel_loop3A_642 : i32 to index
        %parallel_loop3A_671 = tpu.vector_load %arg6[%parallel_loop3A_668, %parallel_loop3A_669, %parallel_loop3A_670] {strides = array<i32>} : memref<4x8x1024xf32, #tpu.memory_space<vmem>>, vector<1x1x16xf32>,
        %parallel_loop3A_672 = vector.shape_cast %parallel_loop3A_671 : vector<1x1x16xf32> to vector<16xf32>
        %parallel_loop3A_673 = arith.addf %parallel_loop3A_672, %parallel_loop3A_647 : vector<16xf32>
        %parallel_loop3A_674 = vector.broadcast %select_n3A_307 : f32 to vector<16xf32>
        %parallel_loop3A_675 = arith.mulf %parallel_loop3A_673, %parallel_loop3A_674 : vector<16xf32>
        %parallel_loop3A_676 = arith.constant 1 : i32
        %parallel_loop3A_677 = arith.constant 6 : i32
        %parallel_loop3A_678 = arith.index_cast %parallel_loop3A_676 : i32 to index
        %parallel_loop3A_679 = arith.index_cast %parallel_loop3A_677 : i32 to index
        %parallel_loop3A_680 = arith.index_cast %parallel_loop3A_642 : i32 to index
        %parallel_loop3A_681 = tpu.vector_load %arg6[%parallel_loop3A_678, %parallel_loop3A_679, %parallel_loop3A_680] {strides = array<i32>} : memref<4x8x1024xf32, #tpu.memory_space<vmem>>, vector<1x1x16xf32>,
        %parallel_loop3A_682 = vector.shape_cast %parallel_loop3A_681 : vector<1x1x16xf32> to vector<16xf32>
        %parallel_loop3A_683 = vector.shape_cast %parallel_loop3A_675 : vector<16xf32> to vector<1x1x16xf32>
        tpu.vector_store %arg6[%parallel_loop3A_678, %parallel_loop3A_679, %parallel_loop3A_680], %parallel_loop3A_683 {strides = array<i32>} : memref<4x8x1024xf32, #tpu.memory_space<vmem>>, vector<1x1x16xf32>,
        %parallel_loop3A_684 = arith.constant 2 : i32
        %parallel_loop3A_685 = arith.constant 6 : i32
        %parallel_loop3A_686 = arith.index_cast %parallel_loop3A_684 : i32 to index
        %parallel_loop3A_687 = arith.index_cast %parallel_loop3A_685 : i32 to index
        %parallel_loop3A_688 = arith.index_cast %parallel_loop3A_642 : i32 to index
        %parallel_loop3A_689 = tpu.vector_load %arg6[%parallel_loop3A_686, %parallel_loop3A_687, %parallel_loop3A_688] {strides = array<i32>} : memref<4x8x1024xf32, #tpu.memory_space<vmem>>, vector<1x1x16xf32>,
        %parallel_loop3A_690 = vector.shape_cast %parallel_loop3A_689 : vector<1x1x16xf32> to vector<16xf32>
        %parallel_loop3A_691 = arith.addf %parallel_loop3A_690, %parallel_loop3A_647 : vector<16xf32>
        %parallel_loop3A_692 = vector.broadcast %select_n3A_314 : f32 to vector<16xf32>
        %parallel_loop3A_693 = arith.mulf %parallel_loop3A_691, %parallel_loop3A_692 : vector<16xf32>
        %parallel_loop3A_694 = arith.constant 2 : i32
        %parallel_loop3A_695 = arith.constant 6 : i32
        %parallel_loop3A_696 = arith.index_cast %parallel_loop3A_694 : i32 to index
        %parallel_loop3A_697 = arith.index_cast %parallel_loop3A_695 : i32 to index
        %parallel_loop3A_698 = arith.index_cast %parallel_loop3A_642 : i32 to index
        %parallel_loop3A_699 = tpu.vector_load %arg6[%parallel_loop3A_696, %parallel_loop3A_697, %parallel_loop3A_698] {strides = array<i32>} : memref<4x8x1024xf32, #tpu.memory_space<vmem>>, vector<1x1x16xf32>,
        %parallel_loop3A_700 = vector.shape_cast %parallel_loop3A_699 : vector<1x1x16xf32> to vector<16xf32>
        %parallel_loop3A_701 = vector.shape_cast %parallel_loop3A_693 : vector<16xf32> to vector<1x1x16xf32>
        tpu.vector_store %arg6[%parallel_loop3A_696, %parallel_loop3A_697, %parallel_loop3A_698], %parallel_loop3A_701 {strides = array<i32>} : memref<4x8x1024xf32, #tpu.memory_space<vmem>>, vector<1x1x16xf32>,
        %parallel_loop3A_702 = arith.constant 3 : i32
        %parallel_loop3A_703 = arith.constant 6 : i32
        %parallel_loop3A_704 = arith.index_cast %parallel_loop3A_702 : i32 to index
        %parallel_loop3A_705 = arith.index_cast %parallel_loop3A_703 : i32 to index
        %parallel_loop3A_706 = arith.index_cast %parallel_loop3A_642 : i32 to index
        %parallel_loop3A_707 = tpu.vector_load %arg6[%parallel_loop3A_704, %parallel_loop3A_705, %parallel_loop3A_706] {strides = array<i32>} : memref<4x8x1024xf32, #tpu.memory_space<vmem>>, vector<1x1x16xf32>,
        %parallel_loop3A_708 = vector.shape_cast %parallel_loop3A_707 : vector<1x1x16xf32> to vector<16xf32>
        %parallel_loop3A_709 = arith.addf %parallel_loop3A_708, %parallel_loop3A_647 : vector<16xf32>
        %parallel_loop3A_710 = vector.broadcast %select_n3A_321 : f32 to vector<16xf32>
        %parallel_loop3A_711 = arith.mulf %parallel_loop3A_709, %parallel_loop3A_710 : vector<16xf32>
        %parallel_loop3A_712 = arith.constant 3 : i32
        %parallel_loop3A_713 = arith.constant 6 : i32
        %parallel_loop3A_714 = arith.index_cast %parallel_loop3A_712 : i32 to index
        %parallel_loop3A_715 = arith.index_cast %parallel_loop3A_713 : i32 to index
        %parallel_loop3A_716 = arith.index_cast %parallel_loop3A_642 : i32 to index
        %parallel_loop3A_717 = tpu.vector_load %arg6[%parallel_loop3A_714, %parallel_loop3A_715, %parallel_loop3A_716] {strides = array<i32>} : memref<4x8x1024xf32, #tpu.memory_space<vmem>>, vector<1x1x16xf32>,
        %parallel_loop3A_718 = vector.shape_cast %parallel_loop3A_717 : vector<1x1x16xf32> to vector<16xf32>
        %parallel_loop3A_719 = vector.shape_cast %parallel_loop3A_711 : vector<16xf32> to vector<1x1x16xf32>
        tpu.vector_store %arg6[%parallel_loop3A_714, %parallel_loop3A_715, %parallel_loop3A_716], %parallel_loop3A_719 {strides = array<i32>} : memref<4x8x1024xf32, #tpu.memory_space<vmem>>, vector<1x1x16xf32>,
      } {sc.loop_unroll_factor = 8 : i64, sc.parallel_access}
      %slice3A_325 = vector.extract_strided_slice %get3A_69 {offsets = [7], sizes = [1], strides = [1]} : vector<16xi32> to vector<1xi32>
      %squeeze3A_326 = vector.extract %slice3A_325[0] : i32 from vector<1xi32>
      %eq3A_327 = arith.constant 0 : i32
      %eq3A_328 = arith.cmpi eq, %squeeze3A_326, %eq3A_327 : i32
      %jit3A_329 = arith.constant 0.000000e+00 : f32
      %jit3A_330 = arith.constant 1.000000e+00 : f32
      %select_n3A_331 = arith.select %eq3A_328, %jit3A_329, %jit3A_330 : f32
      %slice3A_332 = vector.extract_strided_slice %get3A_79 {offsets = [7], sizes = [1], strides = [1]} : vector<16xi32> to vector<1xi32>
      %squeeze3A_333 = vector.extract %slice3A_332[0] : i32 from vector<1xi32>
      %eq3A_334 = arith.constant 0 : i32
      %eq3A_335 = arith.cmpi eq, %squeeze3A_333, %eq3A_334 : i32
      %jit3A_336 = arith.constant 0.000000e+00 : f32
      %jit3A_337 = arith.constant 1.000000e+00 : f32
      %select_n3A_338 = arith.select %eq3A_335, %jit3A_336, %jit3A_337 : f32
      %slice3A_339 = vector.extract_strided_slice %get3A_89 {offsets = [7], sizes = [1], strides = [1]} : vector<16xi32> to vector<1xi32>
      %squeeze3A_340 = vector.extract %slice3A_339[0] : i32 from vector<1xi32>
      %eq3A_341 = arith.constant 0 : i32
      %eq3A_342 = arith.cmpi eq, %squeeze3A_340, %eq3A_341 : i32
      %jit3A_343 = arith.constant 0.000000e+00 : f32
      %jit3A_344 = arith.constant 1.000000e+00 : f32
      %select_n3A_345 = arith.select %eq3A_342, %jit3A_343, %jit3A_344 : f32
      %slice3A_346 = vector.extract_strided_slice %get3A_99 {offsets = [7], sizes = [1], strides = [1]} : vector<16xi32> to vector<1xi32>
      %squeeze3A_347 = vector.extract %slice3A_346[0] : i32 from vector<1xi32>
      %eq3A_348 = arith.constant 0 : i32
      %eq3A_349 = arith.cmpi eq, %squeeze3A_347, %eq3A_348 : i32
      %jit3A_350 = arith.constant 0.000000e+00 : f32
      %jit3A_351 = arith.constant 1.000000e+00 : f32
      %select_n3A_352 = arith.select %eq3A_349, %jit3A_350, %jit3A_351 : f32
      %parallel_loop3A_353 = arith.constant 0 : i32
      %parallel_loop3A_354 = arith.constant 64 : i32
      %parallel_loop3A_355 = arith.constant 1 : i32
      scf.for %parallel_loop3A_639 = %parallel_loop3A_353 to %parallel_loop3A_354 step %parallel_loop3A_355  : i32 {
        %parallel_loop3A_640 = arith.constant 16 : i32
        %parallel_loop3A_641 = arith.muli %parallel_loop3A_639, %parallel_loop3A_640 : i32
        %parallel_loop3A_642 = tpu.assume_multiple %parallel_loop3A_641, 16 : i32
        %parallel_loop3A_643 = arith.constant 7 : i32
        %parallel_loop3A_644 = arith.index_cast %parallel_loop3A_643 : i32 to index
        %parallel_loop3A_645 = arith.index_cast %parallel_loop3A_642 : i32 to index
        %parallel_loop3A_646 = tpu.vector_load %arg8[%parallel_loop3A_644, %parallel_loop3A_645] {strides = array<i32>} : memref<8x1024xf32, #tpu.memory_space<vmem>>, vector<1x16xf32>,
        %parallel_loop3A_647 = vector.shape_cast %parallel_loop3A_646 : vector<1x16xf32> to vector<16xf32>
        %parallel_loop3A_648 = arith.constant 0 : i32
        %parallel_loop3A_649 = arith.constant 7 : i32
        %parallel_loop3A_650 = arith.index_cast %parallel_loop3A_648 : i32 to index
        %parallel_loop3A_651 = arith.index_cast %parallel_loop3A_649 : i32 to index
        %parallel_loop3A_652 = arith.index_cast %parallel_loop3A_642 : i32 to index
        %parallel_loop3A_653 = tpu.vector_load %arg6[%parallel_loop3A_650, %parallel_loop3A_651, %parallel_loop3A_652] {strides = array<i32>} : memref<4x8x1024xf32, #tpu.memory_space<vmem>>, vector<1x1x16xf32>,
        %parallel_loop3A_654 = vector.shape_cast %parallel_loop3A_653 : vector<1x1x16xf32> to vector<16xf32>
        %parallel_loop3A_655 = arith.addf %parallel_loop3A_654, %parallel_loop3A_647 : vector<16xf32>
        %parallel_loop3A_656 = vector.broadcast %select_n3A_331 : f32 to vector<16xf32>
        %parallel_loop3A_657 = arith.mulf %parallel_loop3A_655, %parallel_loop3A_656 : vector<16xf32>
        %parallel_loop3A_658 = arith.constant 0 : i32
        %parallel_loop3A_659 = arith.constant 7 : i32
        %parallel_loop3A_660 = arith.index_cast %parallel_loop3A_658 : i32 to index
        %parallel_loop3A_661 = arith.index_cast %parallel_loop3A_659 : i32 to index
        %parallel_loop3A_662 = arith.index_cast %parallel_loop3A_642 : i32 to index
        %parallel_loop3A_663 = tpu.vector_load %arg6[%parallel_loop3A_660, %parallel_loop3A_661, %parallel_loop3A_662] {strides = array<i32>} : memref<4x8x1024xf32, #tpu.memory_space<vmem>>, vector<1x1x16xf32>,
        %parallel_loop3A_664 = vector.shape_cast %parallel_loop3A_663 : vector<1x1x16xf32> to vector<16xf32>
        %parallel_loop3A_665 = vector.shape_cast %parallel_loop3A_657 : vector<16xf32> to vector<1x1x16xf32>
        tpu.vector_store %arg6[%parallel_loop3A_660, %parallel_loop3A_661, %parallel_loop3A_662], %parallel_loop3A_665 {strides = array<i32>} : memref<4x8x1024xf32, #tpu.memory_space<vmem>>, vector<1x1x16xf32>,
        %parallel_loop3A_666 = arith.constant 1 : i32
        %parallel_loop3A_667 = arith.constant 7 : i32
        %parallel_loop3A_668 = arith.index_cast %parallel_loop3A_666 : i32 to index
        %parallel_loop3A_669 = arith.index_cast %parallel_loop3A_667 : i32 to index
        %parallel_loop3A_670 = arith.index_cast %parallel_loop3A_642 : i32 to index
        %parallel_loop3A_671 = tpu.vector_load %arg6[%parallel_loop3A_668, %parallel_loop3A_669, %parallel_loop3A_670] {strides = array<i32>} : memref<4x8x1024xf32, #tpu.memory_space<vmem>>, vector<1x1x16xf32>,
        %parallel_loop3A_672 = vector.shape_cast %parallel_loop3A_671 : vector<1x1x16xf32> to vector<16xf32>
        %parallel_loop3A_673 = arith.addf %parallel_loop3A_672, %parallel_loop3A_647 : vector<16xf32>
        %parallel_loop3A_674 = vector.broadcast %select_n3A_338 : f32 to vector<16xf32>
        %parallel_loop3A_675 = arith.mulf %parallel_loop3A_673, %parallel_loop3A_674 : vector<16xf32>
        %parallel_loop3A_676 = arith.constant 1 : i32
        %parallel_loop3A_677 = arith.constant 7 : i32
        %parallel_loop3A_678 = arith.index_cast %parallel_loop3A_676 : i32 to index
        %parallel_loop3A_679 = arith.index_cast %parallel_loop3A_677 : i32 to index
        %parallel_loop3A_680 = arith.index_cast %parallel_loop3A_642 : i32 to index
        %parallel_loop3A_681 = tpu.vector_load %arg6[%parallel_loop3A_678, %parallel_loop3A_679, %parallel_loop3A_680] {strides = array<i32>} : memref<4x8x1024xf32, #tpu.memory_space<vmem>>, vector<1x1x16xf32>,
        %parallel_loop3A_682 = vector.shape_cast %parallel_loop3A_681 : vector<1x1x16xf32> to vector<16xf32>
        %parallel_loop3A_683 = vector.shape_cast %parallel_loop3A_675 : vector<16xf32> to vector<1x1x16xf32>
        tpu.vector_store %arg6[%parallel_loop3A_678, %parallel_loop3A_679, %parallel_loop3A_680], %parallel_loop3A_683 {strides = array<i32>} : memref<4x8x1024xf32, #tpu.memory_space<vmem>>, vector<1x1x16xf32>,
        %parallel_loop3A_684 = arith.constant 2 : i32
        %parallel_loop3A_685 = arith.constant 7 : i32
        %parallel_loop3A_686 = arith.index_cast %parallel_loop3A_684 : i32 to index
        %parallel_loop3A_687 = arith.index_cast %parallel_loop3A_685 : i32 to index
        %parallel_loop3A_688 = arith.index_cast %parallel_loop3A_642 : i32 to index
        %parallel_loop3A_689 = tpu.vector_load %arg6[%parallel_loop3A_686, %parallel_loop3A_687, %parallel_loop3A_688] {strides = array<i32>} : memref<4x8x1024xf32, #tpu.memory_space<vmem>>, vector<1x1x16xf32>,
        %parallel_loop3A_690 = vector.shape_cast %parallel_loop3A_689 : vector<1x1x16xf32> to vector<16xf32>
        %parallel_loop3A_691 = arith.addf %parallel_loop3A_690, %parallel_loop3A_647 : vector<16xf32>
        %parallel_loop3A_692 = vector.broadcast %select_n3A_345 : f32 to vector<16xf32>
        %parallel_loop3A_693 = arith.mulf %parallel_loop3A_691, %parallel_loop3A_692 : vector<16xf32>
        %parallel_loop3A_694 = arith.constant 2 : i32
        %parallel_loop3A_695 = arith.constant 7 : i32
        %parallel_loop3A_696 = arith.index_cast %parallel_loop3A_694 : i32 to index
        %parallel_loop3A_697 = arith.index_cast %parallel_loop3A_695 : i32 to index
        %parallel_loop3A_698 = arith.index_cast %parallel_loop3A_642 : i32 to index
        %parallel_loop3A_699 = tpu.vector_load %arg6[%parallel_loop3A_696, %parallel_loop3A_697, %parallel_loop3A_698] {strides = array<i32>} : memref<4x8x1024xf32, #tpu.memory_space<vmem>>, vector<1x1x16xf32>,
        %parallel_loop3A_700 = vector.shape_cast %parallel_loop3A_699 : vector<1x1x16xf32> to vector<16xf32>
        %parallel_loop3A_701 = vector.shape_cast %parallel_loop3A_693 : vector<16xf32> to vector<1x1x16xf32>
        tpu.vector_store %arg6[%parallel_loop3A_696, %parallel_loop3A_697, %parallel_loop3A_698], %parallel_loop3A_701 {strides = array<i32>} : memref<4x8x1024xf32, #tpu.memory_space<vmem>>, vector<1x1x16xf32>,
        %parallel_loop3A_702 = arith.constant 3 : i32
        %parallel_loop3A_703 = arith.constant 7 : i32
        %parallel_loop3A_704 = arith.index_cast %parallel_loop3A_702 : i32 to index
        %parallel_loop3A_705 = arith.index_cast %parallel_loop3A_703 : i32 to index
        %parallel_loop3A_706 = arith.index_cast %parallel_loop3A_642 : i32 to index
        %parallel_loop3A_707 = tpu.vector_load %arg6[%parallel_loop3A_704, %parallel_loop3A_705, %parallel_loop3A_706] {strides = array<i32>} : memref<4x8x1024xf32, #tpu.memory_space<vmem>>, vector<1x1x16xf32>,
        %parallel_loop3A_708 = vector.shape_cast %parallel_loop3A_707 : vector<1x1x16xf32> to vector<16xf32>
        %parallel_loop3A_709 = arith.addf %parallel_loop3A_708, %parallel_loop3A_647 : vector<16xf32>
        %parallel_loop3A_710 = vector.broadcast %select_n3A_352 : f32 to vector<16xf32>
        %parallel_loop3A_711 = arith.mulf %parallel_loop3A_709, %parallel_loop3A_710 : vector<16xf32>
        %parallel_loop3A_712 = arith.constant 3 : i32
        %parallel_loop3A_713 = arith.constant 7 : i32
        %parallel_loop3A_714 = arith.index_cast %parallel_loop3A_712 : i32 to index
        %parallel_loop3A_715 = arith.index_cast %parallel_loop3A_713 : i32 to index
        %parallel_loop3A_716 = arith.index_cast %parallel_loop3A_642 : i32 to index
        %parallel_loop3A_717 = tpu.vector_load %arg6[%parallel_loop3A_714, %parallel_loop3A_715, %parallel_loop3A_716] {strides = array<i32>} : memref<4x8x1024xf32, #tpu.memory_space<vmem>>, vector<1x1x16xf32>,
        %parallel_loop3A_718 = vector.shape_cast %parallel_loop3A_717 : vector<1x1x16xf32> to vector<16xf32>
        %parallel_loop3A_719 = vector.shape_cast %parallel_loop3A_711 : vector<16xf32> to vector<1x1x16xf32>
        tpu.vector_store %arg6[%parallel_loop3A_714, %parallel_loop3A_715, %parallel_loop3A_716], %parallel_loop3A_719 {strides = array<i32>} : memref<4x8x1024xf32, #tpu.memory_space<vmem>>, vector<1x1x16xf32>,
      } {sc.loop_unroll_factor = 8 : i64, sc.parallel_access}
      %mul3A_356 = arith.constant 8 : i32
      %mul3A_357 = arith.muli %mul3A_57, %mul3A_356 : i32
      %add3A_358 = arith.addi %mul3A_2, %mul3A_357 : i32
      %dma_start3A_359 = arith.constant 0 : i32
      %dma_start3A_360 = arith.constant 0 : i32
      %dma_start3A_361 = tpu.memref_slice %arg5[%dma_start3A_359, %add3A_358, %dma_start3A_360] : memref<4x8192x1024xf32, #tpu.memory_space<hbm>> -> memref<4x8x1024xf32, #tpu.memory_space<hbm>>
      %dma_start3A_362 = arith.constant 0 : i32
      %dma_start3A_363 = arith.constant 0 : i32
      %dma_start3A_364 = tpu.memref_slice %arg5[%dma_start3A_362, %add3A_358, %dma_start3A_363] : memref<4x8192x1024xf32, #tpu.memory_space<hbm>> -> memref<4x8x1024xf32, #tpu.memory_space<hbm>>
      tpu.enqueue_dma source(%arg6 : memref<4x8x1024xf32, #tpu.memory_space<vmem>>) target(%dma_start3A_364 : memref<4x8x1024xf32, #tpu.memory_space<hbm>>) target_semaphore(%arg15 : memref<!tpu.dma_semaphore, #tpu.memory_space<semaphore_mem>>)
      %dma_wait3A_365 = arith.constant 0 : i32
      %dma_wait3A_366 = arith.constant 0 : i32
      %dma_wait3A_367 = tpu.memref_slice %arg4[%dma_wait3A_365, %dma_wait3A_366] : memref<8192x1024xf32, #tpu.memory_space<hbm>> -> memref<8x1024xf32, #tpu.memory_space<hbm>>
      %dma_wait3A_368 = arith.constant 0 : i32
      %dma_wait3A_369 = arith.constant 0 : i32
      %dma_wait3A_370 = tpu.memref_slice %arg4[%dma_wait3A_368, %dma_wait3A_369] : memref<8192x1024xf32, #tpu.memory_space<hbm>> -> memref<8x1024xf32, #tpu.memory_space<hbm>>
      tpu.wait_dma2 semaphore(%arg14 : memref<!tpu.dma_semaphore, #tpu.memory_space<semaphore_mem>>) src(%dma_wait3A_370 : memref<8x1024xf32, #tpu.memory_space<hbm>>) dst(%arg9 : memref<8x1024xf32, #tpu.memory_space<vmem>>)
      %dma_wait3A_371 = arith.constant 0 : i32
      %dma_wait3A_372 = arith.constant 0 : i32
      %dma_wait3A_373 = arith.constant 0 : i32
      %dma_wait3A_374 = tpu.memref_slice %arg2[%dma_wait3A_371, %dma_wait3A_372, %dma_wait3A_373] : memref<4x8192x1024xf32, #tpu.memory_space<hbm>> -> memref<4x8x1024xf32, #tpu.memory_space<hbm>>
      %dma_wait3A_375 = arith.constant 0 : i32
      %dma_wait3A_376 = arith.constant 0 : i32
      %dma_wait3A_377 = arith.constant 0 : i32
      %dma_wait3A_378 = tpu.memref_slice %arg2[%dma_wait3A_375, %dma_wait3A_376, %dma_wait3A_377] : memref<4x8192x1024xf32, #tpu.memory_space<hbm>> -> memref<4x8x1024xf32, #tpu.memory_space<hbm>>
      tpu.wait_dma2 semaphore(%arg12 : memref<!tpu.dma_semaphore, #tpu.memory_space<semaphore_mem>>) src(%dma_wait3A_378 : memref<4x8x1024xf32, #tpu.memory_space<hbm>>) dst(%arg7 : memref<4x8x1024xf32, #tpu.memory_space<vmem>>)
      %slice3A_379 = vector.extract_strided_slice %get3A_69 {offsets = [8], sizes = [1], strides = [1]} : vector<16xi32> to vector<1xi32>
      %squeeze3A_380 = vector.extract %slice3A_379[0] : i32 from vector<1xi32>
      %eq3A_381 = arith.constant 0 : i32
      %eq3A_382 = arith.cmpi eq, %squeeze3A_380, %eq3A_381 : i32
      %jit3A_383 = arith.constant 0.000000e+00 : f32
      %jit3A_384 = arith.constant 1.000000e+00 : f32
      %select_n3A_385 = arith.select %eq3A_382, %jit3A_383, %jit3A_384 : f32
      %slice3A_386 = vector.extract_strided_slice %get3A_79 {offsets = [8], sizes = [1], strides = [1]} : vector<16xi32> to vector<1xi32>
      %squeeze3A_387 = vector.extract %slice3A_386[0] : i32 from vector<1xi32>
      %eq3A_388 = arith.constant 0 : i32
      %eq3A_389 = arith.cmpi eq, %squeeze3A_387, %eq3A_388 : i32
      %jit3A_390 = arith.constant 0.000000e+00 : f32
      %jit3A_391 = arith.constant 1.000000e+00 : f32
      %select_n3A_392 = arith.select %eq3A_389, %jit3A_390, %jit3A_391 : f32
      %slice3A_393 = vector.extract_strided_slice %get3A_89 {offsets = [8], sizes = [1], strides = [1]} : vector<16xi32> to vector<1xi32>
      %squeeze3A_394 = vector.extract %slice3A_393[0] : i32 from vector<1xi32>
      %eq3A_395 = arith.constant 0 : i32
      %eq3A_396 = arith.cmpi eq, %squeeze3A_394, %eq3A_395 : i32
      %jit3A_397 = arith.constant 0.000000e+00 : f32
      %jit3A_398 = arith.constant 1.000000e+00 : f32
      %select_n3A_399 = arith.select %eq3A_396, %jit3A_397, %jit3A_398 : f32
      %slice3A_400 = vector.extract_strided_slice %get3A_99 {offsets = [8], sizes = [1], strides = [1]} : vector<16xi32> to vector<1xi32>
      %squeeze3A_401 = vector.extract %slice3A_400[0] : i32 from vector<1xi32>
      %eq3A_402 = arith.constant 0 : i32
      %eq3A_403 = arith.cmpi eq, %squeeze3A_401, %eq3A_402 : i32
      %jit3A_404 = arith.constant 0.000000e+00 : f32
      %jit3A_405 = arith.constant 1.000000e+00 : f32
      %select_n3A_406 = arith.select %eq3A_403, %jit3A_404, %jit3A_405 : f32
      %parallel_loop3A_407 = arith.constant 0 : i32
      %parallel_loop3A_408 = arith.constant 64 : i32
      %parallel_loop3A_409 = arith.constant 1 : i32
      scf.for %parallel_loop3A_639 = %parallel_loop3A_407 to %parallel_loop3A_408 step %parallel_loop3A_409  : i32 {
        %parallel_loop3A_640 = arith.constant 16 : i32
        %parallel_loop3A_641 = arith.muli %parallel_loop3A_639, %parallel_loop3A_640 : i32
        %parallel_loop3A_642 = tpu.assume_multiple %parallel_loop3A_641, 16 : i32
        %parallel_loop3A_643 = arith.constant 0 : i32
        %parallel_loop3A_644 = arith.index_cast %parallel_loop3A_643 : i32 to index
        %parallel_loop3A_645 = arith.index_cast %parallel_loop3A_642 : i32 to index
        %parallel_loop3A_646 = tpu.vector_load %arg9[%parallel_loop3A_644, %parallel_loop3A_645] {strides = array<i32>} : memref<8x1024xf32, #tpu.memory_space<vmem>>, vector<1x16xf32>,
        %parallel_loop3A_647 = vector.shape_cast %parallel_loop3A_646 : vector<1x16xf32> to vector<16xf32>
        %parallel_loop3A_648 = arith.constant 0 : i32
        %parallel_loop3A_649 = arith.constant 0 : i32
        %parallel_loop3A_650 = arith.index_cast %parallel_loop3A_648 : i32 to index
        %parallel_loop3A_651 = arith.index_cast %parallel_loop3A_649 : i32 to index
        %parallel_loop3A_652 = arith.index_cast %parallel_loop3A_642 : i32 to index
        %parallel_loop3A_653 = tpu.vector_load %arg7[%parallel_loop3A_650, %parallel_loop3A_651, %parallel_loop3A_652] {strides = array<i32>} : memref<4x8x1024xf32, #tpu.memory_space<vmem>>, vector<1x1x16xf32>,
        %parallel_loop3A_654 = vector.shape_cast %parallel_loop3A_653 : vector<1x1x16xf32> to vector<16xf32>
        %parallel_loop3A_655 = arith.addf %parallel_loop3A_654, %parallel_loop3A_647 : vector<16xf32>
        %parallel_loop3A_656 = vector.broadcast %select_n3A_385 : f32 to vector<16xf32>
        %parallel_loop3A_657 = arith.mulf %parallel_loop3A_655, %parallel_loop3A_656 : vector<16xf32>
        %parallel_loop3A_658 = arith.constant 0 : i32
        %parallel_loop3A_659 = arith.constant 0 : i32
        %parallel_loop3A_660 = arith.index_cast %parallel_loop3A_658 : i32 to index
        %parallel_loop3A_661 = arith.index_cast %parallel_loop3A_659 : i32 to index
        %parallel_loop3A_662 = arith.index_cast %parallel_loop3A_642 : i32 to index
        %parallel_loop3A_663 = tpu.vector_load %arg7[%parallel_loop3A_660, %parallel_loop3A_661, %parallel_loop3A_662] {strides = array<i32>} : memref<4x8x1024xf32, #tpu.memory_space<vmem>>, vector<1x1x16xf32>,
        %parallel_loop3A_664 = vector.shape_cast %parallel_loop3A_663 : vector<1x1x16xf32> to vector<16xf32>
        %parallel_loop3A_665 = vector.shape_cast %parallel_loop3A_657 : vector<16xf32> to vector<1x1x16xf32>
        tpu.vector_store %arg7[%parallel_loop3A_660, %parallel_loop3A_661, %parallel_loop3A_662], %parallel_loop3A_665 {strides = array<i32>} : memref<4x8x1024xf32, #tpu.memory_space<vmem>>, vector<1x1x16xf32>,
        %parallel_loop3A_666 = arith.constant 1 : i32
        %parallel_loop3A_667 = arith.constant 0 : i32
        %parallel_loop3A_668 = arith.index_cast %parallel_loop3A_666 : i32 to index
        %parallel_loop3A_669 = arith.index_cast %parallel_loop3A_667 : i32 to index
        %parallel_loop3A_670 = arith.index_cast %parallel_loop3A_642 : i32 to index
        %parallel_loop3A_671 = tpu.vector_load %arg7[%parallel_loop3A_668, %parallel_loop3A_669, %parallel_loop3A_670] {strides = array<i32>} : memref<4x8x1024xf32, #tpu.memory_space<vmem>>, vector<1x1x16xf32>,
        %parallel_loop3A_672 = vector.shape_cast %parallel_loop3A_671 : vector<1x1x16xf32> to vector<16xf32>
        %parallel_loop3A_673 = arith.addf %parallel_loop3A_672, %parallel_loop3A_647 : vector<16xf32>
        %parallel_loop3A_674 = vector.broadcast %select_n3A_392 : f32 to vector<16xf32>
        %parallel_loop3A_675 = arith.mulf %parallel_loop3A_673, %parallel_loop3A_674 : vector<16xf32>
        %parallel_loop3A_676 = arith.constant 1 : i32
        %parallel_loop3A_677 = arith.constant 0 : i32
        %parallel_loop3A_678 = arith.index_cast %parallel_loop3A_676 : i32 to index
        %parallel_loop3A_679 = arith.index_cast %parallel_loop3A_677 : i32 to index
        %parallel_loop3A_680 = arith.index_cast %parallel_loop3A_642 : i32 to index
        %parallel_loop3A_681 = tpu.vector_load %arg7[%parallel_loop3A_678, %parallel_loop3A_679, %parallel_loop3A_680] {strides = array<i32>} : memref<4x8x1024xf32, #tpu.memory_space<vmem>>, vector<1x1x16xf32>,
        %parallel_loop3A_682 = vector.shape_cast %parallel_loop3A_681 : vector<1x1x16xf32> to vector<16xf32>
        %parallel_loop3A_683 = vector.shape_cast %parallel_loop3A_675 : vector<16xf32> to vector<1x1x16xf32>
        tpu.vector_store %arg7[%parallel_loop3A_678, %parallel_loop3A_679, %parallel_loop3A_680], %parallel_loop3A_683 {strides = array<i32>} : memref<4x8x1024xf32, #tpu.memory_space<vmem>>, vector<1x1x16xf32>,
        %parallel_loop3A_684 = arith.constant 2 : i32
        %parallel_loop3A_685 = arith.constant 0 : i32
        %parallel_loop3A_686 = arith.index_cast %parallel_loop3A_684 : i32 to index
        %parallel_loop3A_687 = arith.index_cast %parallel_loop3A_685 : i32 to index
        %parallel_loop3A_688 = arith.index_cast %parallel_loop3A_642 : i32 to index
        %parallel_loop3A_689 = tpu.vector_load %arg7[%parallel_loop3A_686, %parallel_loop3A_687, %parallel_loop3A_688] {strides = array<i32>} : memref<4x8x1024xf32, #tpu.memory_space<vmem>>, vector<1x1x16xf32>,
        %parallel_loop3A_690 = vector.shape_cast %parallel_loop3A_689 : vector<1x1x16xf32> to vector<16xf32>
        %parallel_loop3A_691 = arith.addf %parallel_loop3A_690, %parallel_loop3A_647 : vector<16xf32>
        %parallel_loop3A_692 = vector.broadcast %select_n3A_399 : f32 to vector<16xf32>
        %parallel_loop3A_693 = arith.mulf %parallel_loop3A_691, %parallel_loop3A_692 : vector<16xf32>
        %parallel_loop3A_694 = arith.constant 2 : i32
        %parallel_loop3A_695 = arith.constant 0 : i32
        %parallel_loop3A_696 = arith.index_cast %parallel_loop3A_694 : i32 to index
        %parallel_loop3A_697 = arith.index_cast %parallel_loop3A_695 : i32 to index
        %parallel_loop3A_698 = arith.index_cast %parallel_loop3A_642 : i32 to index
        %parallel_loop3A_699 = tpu.vector_load %arg7[%parallel_loop3A_696, %parallel_loop3A_697, %parallel_loop3A_698] {strides = array<i32>} : memref<4x8x1024xf32, #tpu.memory_space<vmem>>, vector<1x1x16xf32>,
        %parallel_loop3A_700 = vector.shape_cast %parallel_loop3A_699 : vector<1x1x16xf32> to vector<16xf32>
        %parallel_loop3A_701 = vector.shape_cast %parallel_loop3A_693 : vector<16xf32> to vector<1x1x16xf32>
        tpu.vector_store %arg7[%parallel_loop3A_696, %parallel_loop3A_697, %parallel_loop3A_698], %parallel_loop3A_701 {strides = array<i32>} : memref<4x8x1024xf32, #tpu.memory_space<vmem>>, vector<1x1x16xf32>,
        %parallel_loop3A_702 = arith.constant 3 : i32
        %parallel_loop3A_703 = arith.constant 0 : i32
        %parallel_loop3A_704 = arith.index_cast %parallel_loop3A_702 : i32 to index
        %parallel_loop3A_705 = arith.index_cast %parallel_loop3A_703 : i32 to index
        %parallel_loop3A_706 = arith.index_cast %parallel_loop3A_642 : i32 to index
        %parallel_loop3A_707 = tpu.vector_load %arg7[%parallel_loop3A_704, %parallel_loop3A_705, %parallel_loop3A_706] {strides = array<i32>} : memref<4x8x1024xf32, #tpu.memory_space<vmem>>, vector<1x1x16xf32>,
        %parallel_loop3A_708 = vector.shape_cast %parallel_loop3A_707 : vector<1x1x16xf32> to vector<16xf32>
        %parallel_loop3A_709 = arith.addf %parallel_loop3A_708, %parallel_loop3A_647 : vector<16xf32>
        %parallel_loop3A_710 = vector.broadcast %select_n3A_406 : f32 to vector<16xf32>
        %parallel_loop3A_711 = arith.mulf %parallel_loop3A_709, %parallel_loop3A_710 : vector<16xf32>
        %parallel_loop3A_712 = arith.constant 3 : i32
        %parallel_loop3A_713 = arith.constant 0 : i32
        %parallel_loop3A_714 = arith.index_cast %parallel_loop3A_712 : i32 to index
        %parallel_loop3A_715 = arith.index_cast %parallel_loop3A_713 : i32 to index
        %parallel_loop3A_716 = arith.index_cast %parallel_loop3A_642 : i32 to index
        %parallel_loop3A_717 = tpu.vector_load %arg7[%parallel_loop3A_714, %parallel_loop3A_715, %parallel_loop3A_716] {strides = array<i32>} : memref<4x8x1024xf32, #tpu.memory_space<vmem>>, vector<1x1x16xf32>,
        %parallel_loop3A_718 = vector.shape_cast %parallel_loop3A_717 : vector<1x1x16xf32> to vector<16xf32>
        %parallel_loop3A_719 = vector.shape_cast %parallel_loop3A_711 : vector<16xf32> to vector<1x1x16xf32>
        tpu.vector_store %arg7[%parallel_loop3A_714, %parallel_loop3A_715, %parallel_loop3A_716], %parallel_loop3A_719 {strides = array<i32>} : memref<4x8x1024xf32, #tpu.memory_space<vmem>>, vector<1x1x16xf32>,
      } {sc.loop_unroll_factor = 8 : i64, sc.parallel_access}
      %slice3A_410 = vector.extract_strided_slice %get3A_69 {offsets = [9], sizes = [1], strides = [1]} : vector<16xi32> to vector<1xi32>
      %squeeze3A_411 = vector.extract %slice3A_410[0] : i32 from vector<1xi32>
      %eq3A_412 = arith.constant 0 : i32
      %eq3A_413 = arith.cmpi eq, %squeeze3A_411, %eq3A_412 : i32
      %jit3A_414 = arith.constant 0.000000e+00 : f32
      %jit3A_415 = arith.constant 1.000000e+00 : f32
      %select_n3A_416 = arith.select %eq3A_413, %jit3A_414, %jit3A_415 : f32
      %slice3A_417 = vector.extract_strided_slice %get3A_79 {offsets = [9], sizes = [1], strides = [1]} : vector<16xi32> to vector<1xi32>
      %squeeze3A_418 = vector.extract %slice3A_417[0] : i32 from vector<1xi32>
      %eq3A_419 = arith.constant 0 : i32
      %eq3A_420 = arith.cmpi eq, %squeeze3A_418, %eq3A_419 : i32
      %jit3A_421 = arith.constant 0.000000e+00 : f32
      %jit3A_422 = arith.constant 1.000000e+00 : f32
      %select_n3A_423 = arith.select %eq3A_420, %jit3A_421, %jit3A_422 : f32
      %slice3A_424 = vector.extract_strided_slice %get3A_89 {offsets = [9], sizes = [1], strides = [1]} : vector<16xi32> to vector<1xi32>
      %squeeze3A_425 = vector.extract %slice3A_424[0] : i32 from vector<1xi32>
      %eq3A_426 = arith.constant 0 : i32
      %eq3A_427 = arith.cmpi eq, %squeeze3A_425, %eq3A_426 : i32
      %jit3A_428 = arith.constant 0.000000e+00 : f32
      %jit3A_429 = arith.constant 1.000000e+00 : f32
      %select_n3A_430 = arith.select %eq3A_427, %jit3A_428, %jit3A_429 : f32
      %slice3A_431 = vector.extract_strided_slice %get3A_99 {offsets = [9], sizes = [1], strides = [1]} : vector<16xi32> to vector<1xi32>
      %squeeze3A_432 = vector.extract %slice3A_431[0] : i32 from vector<1xi32>
      %eq3A_433 = arith.constant 0 : i32
      %eq3A_434 = arith.cmpi eq, %squeeze3A_432, %eq3A_433 : i32
      %jit3A_435 = arith.constant 0.000000e+00 : f32
      %jit3A_436 = arith.constant 1.000000e+00 : f32
      %select_n3A_437 = arith.select %eq3A_434, %jit3A_435, %jit3A_436 : f32
      %parallel_loop3A_438 = arith.constant 0 : i32
      %parallel_loop3A_439 = arith.constant 64 : i32
      %parallel_loop3A_440 = arith.constant 1 : i32
      scf.for %parallel_loop3A_639 = %parallel_loop3A_438 to %parallel_loop3A_439 step %parallel_loop3A_440  : i32 {
        %parallel_loop3A_640 = arith.constant 16 : i32
        %parallel_loop3A_641 = arith.muli %parallel_loop3A_639, %parallel_loop3A_640 : i32
        %parallel_loop3A_642 = tpu.assume_multiple %parallel_loop3A_641, 16 : i32
        %parallel_loop3A_643 = arith.constant 1 : i32
        %parallel_loop3A_644 = arith.index_cast %parallel_loop3A_643 : i32 to index
        %parallel_loop3A_645 = arith.index_cast %parallel_loop3A_642 : i32 to index
        %parallel_loop3A_646 = tpu.vector_load %arg9[%parallel_loop3A_644, %parallel_loop3A_645] {strides = array<i32>} : memref<8x1024xf32, #tpu.memory_space<vmem>>, vector<1x16xf32>,
        %parallel_loop3A_647 = vector.shape_cast %parallel_loop3A_646 : vector<1x16xf32> to vector<16xf32>
        %parallel_loop3A_648 = arith.constant 0 : i32
        %parallel_loop3A_649 = arith.constant 1 : i32
        %parallel_loop3A_650 = arith.index_cast %parallel_loop3A_648 : i32 to index
        %parallel_loop3A_651 = arith.index_cast %parallel_loop3A_649 : i32 to index
        %parallel_loop3A_652 = arith.index_cast %parallel_loop3A_642 : i32 to index
        %parallel_loop3A_653 = tpu.vector_load %arg7[%parallel_loop3A_650, %parallel_loop3A_651, %parallel_loop3A_652] {strides = array<i32>} : memref<4x8x1024xf32, #tpu.memory_space<vmem>>, vector<1x1x16xf32>,
        %parallel_loop3A_654 = vector.shape_cast %parallel_loop3A_653 : vector<1x1x16xf32> to vector<16xf32>
        %parallel_loop3A_655 = arith.addf %parallel_loop3A_654, %parallel_loop3A_647 : vector<16xf32>
        %parallel_loop3A_656 = vector.broadcast %select_n3A_416 : f32 to vector<16xf32>
        %parallel_loop3A_657 = arith.mulf %parallel_loop3A_655, %parallel_loop3A_656 : vector<16xf32>
        %parallel_loop3A_658 = arith.constant 0 : i32
        %parallel_loop3A_659 = arith.constant 1 : i32
        %parallel_loop3A_660 = arith.index_cast %parallel_loop3A_658 : i32 to index
        %parallel_loop3A_661 = arith.index_cast %parallel_loop3A_659 : i32 to index
        %parallel_loop3A_662 = arith.index_cast %parallel_loop3A_642 : i32 to index
        %parallel_loop3A_663 = tpu.vector_load %arg7[%parallel_loop3A_660, %parallel_loop3A_661, %parallel_loop3A_662] {strides = array<i32>} : memref<4x8x1024xf32, #tpu.memory_space<vmem>>, vector<1x1x16xf32>,
        %parallel_loop3A_664 = vector.shape_cast %parallel_loop3A_663 : vector<1x1x16xf32> to vector<16xf32>
        %parallel_loop3A_665 = vector.shape_cast %parallel_loop3A_657 : vector<16xf32> to vector<1x1x16xf32>
        tpu.vector_store %arg7[%parallel_loop3A_660, %parallel_loop3A_661, %parallel_loop3A_662], %parallel_loop3A_665 {strides = array<i32>} : memref<4x8x1024xf32, #tpu.memory_space<vmem>>, vector<1x1x16xf32>,
        %parallel_loop3A_666 = arith.constant 1 : i32
        %parallel_loop3A_667 = arith.constant 1 : i32
        %parallel_loop3A_668 = arith.index_cast %parallel_loop3A_666 : i32 to index
        %parallel_loop3A_669 = arith.index_cast %parallel_loop3A_667 : i32 to index
        %parallel_loop3A_670 = arith.index_cast %parallel_loop3A_642 : i32 to index
        %parallel_loop3A_671 = tpu.vector_load %arg7[%parallel_loop3A_668, %parallel_loop3A_669, %parallel_loop3A_670] {strides = array<i32>} : memref<4x8x1024xf32, #tpu.memory_space<vmem>>, vector<1x1x16xf32>,
        %parallel_loop3A_672 = vector.shape_cast %parallel_loop3A_671 : vector<1x1x16xf32> to vector<16xf32>
        %parallel_loop3A_673 = arith.addf %parallel_loop3A_672, %parallel_loop3A_647 : vector<16xf32>
        %parallel_loop3A_674 = vector.broadcast %select_n3A_423 : f32 to vector<16xf32>
        %parallel_loop3A_675 = arith.mulf %parallel_loop3A_673, %parallel_loop3A_674 : vector<16xf32>
        %parallel_loop3A_676 = arith.constant 1 : i32
        %parallel_loop3A_677 = arith.constant 1 : i32
        %parallel_loop3A_678 = arith.index_cast %parallel_loop3A_676 : i32 to index
        %parallel_loop3A_679 = arith.index_cast %parallel_loop3A_677 : i32 to index
        %parallel_loop3A_680 = arith.index_cast %parallel_loop3A_642 : i32 to index
        %parallel_loop3A_681 = tpu.vector_load %arg7[%parallel_loop3A_678, %parallel_loop3A_679, %parallel_loop3A_680] {strides = array<i32>} : memref<4x8x1024xf32, #tpu.memory_space<vmem>>, vector<1x1x16xf32>,
        %parallel_loop3A_682 = vector.shape_cast %parallel_loop3A_681 : vector<1x1x16xf32> to vector<16xf32>
        %parallel_loop3A_683 = vector.shape_cast %parallel_loop3A_675 : vector<16xf32> to vector<1x1x16xf32>
        tpu.vector_store %arg7[%parallel_loop3A_678, %parallel_loop3A_679, %parallel_loop3A_680], %parallel_loop3A_683 {strides = array<i32>} : memref<4x8x1024xf32, #tpu.memory_space<vmem>>, vector<1x1x16xf32>,
        %parallel_loop3A_684 = arith.constant 2 : i32
        %parallel_loop3A_685 = arith.constant 1 : i32
        %parallel_loop3A_686 = arith.index_cast %parallel_loop3A_684 : i32 to index
        %parallel_loop3A_687 = arith.index_cast %parallel_loop3A_685 : i32 to index
        %parallel_loop3A_688 = arith.index_cast %parallel_loop3A_642 : i32 to index
        %parallel_loop3A_689 = tpu.vector_load %arg7[%parallel_loop3A_686, %parallel_loop3A_687, %parallel_loop3A_688] {strides = array<i32>} : memref<4x8x1024xf32, #tpu.memory_space<vmem>>, vector<1x1x16xf32>,
        %parallel_loop3A_690 = vector.shape_cast %parallel_loop3A_689 : vector<1x1x16xf32> to vector<16xf32>
        %parallel_loop3A_691 = arith.addf %parallel_loop3A_690, %parallel_loop3A_647 : vector<16xf32>
        %parallel_loop3A_692 = vector.broadcast %select_n3A_430 : f32 to vector<16xf32>
        %parallel_loop3A_693 = arith.mulf %parallel_loop3A_691, %parallel_loop3A_692 : vector<16xf32>
        %parallel_loop3A_694 = arith.constant 2 : i32
        %parallel_loop3A_695 = arith.constant 1 : i32
        %parallel_loop3A_696 = arith.index_cast %parallel_loop3A_694 : i32 to index
        %parallel_loop3A_697 = arith.index_cast %parallel_loop3A_695 : i32 to index
        %parallel_loop3A_698 = arith.index_cast %parallel_loop3A_642 : i32 to index
        %parallel_loop3A_699 = tpu.vector_load %arg7[%parallel_loop3A_696, %parallel_loop3A_697, %parallel_loop3A_698] {strides = array<i32>} : memref<4x8x1024xf32, #tpu.memory_space<vmem>>, vector<1x1x16xf32>,
        %parallel_loop3A_700 = vector.shape_cast %parallel_loop3A_699 : vector<1x1x16xf32> to vector<16xf32>
        %parallel_loop3A_701 = vector.shape_cast %parallel_loop3A_693 : vector<16xf32> to vector<1x1x16xf32>
        tpu.vector_store %arg7[%parallel_loop3A_696, %parallel_loop3A_697, %parallel_loop3A_698], %parallel_loop3A_701 {strides = array<i32>} : memref<4x8x1024xf32, #tpu.memory_space<vmem>>, vector<1x1x16xf32>,
        %parallel_loop3A_702 = arith.constant 3 : i32
        %parallel_loop3A_703 = arith.constant 1 : i32
        %parallel_loop3A_704 = arith.index_cast %parallel_loop3A_702 : i32 to index
        %parallel_loop3A_705 = arith.index_cast %parallel_loop3A_703 : i32 to index
        %parallel_loop3A_706 = arith.index_cast %parallel_loop3A_642 : i32 to index
        %parallel_loop3A_707 = tpu.vector_load %arg7[%parallel_loop3A_704, %parallel_loop3A_705, %parallel_loop3A_706] {strides = array<i32>} : memref<4x8x1024xf32, #tpu.memory_space<vmem>>, vector<1x1x16xf32>,
        %parallel_loop3A_708 = vector.shape_cast %parallel_loop3A_707 : vector<1x1x16xf32> to vector<16xf32>
        %parallel_loop3A_709 = arith.addf %parallel_loop3A_708, %parallel_loop3A_647 : vector<16xf32>
        %parallel_loop3A_710 = vector.broadcast %select_n3A_437 : f32 to vector<16xf32>
        %parallel_loop3A_711 = arith.mulf %parallel_loop3A_709, %parallel_loop3A_710 : vector<16xf32>
        %parallel_loop3A_712 = arith.constant 3 : i32
        %parallel_loop3A_713 = arith.constant 1 : i32
        %parallel_loop3A_714 = arith.index_cast %parallel_loop3A_712 : i32 to index
        %parallel_loop3A_715 = arith.index_cast %parallel_loop3A_713 : i32 to index
        %parallel_loop3A_716 = arith.index_cast %parallel_loop3A_642 : i32 to index
        %parallel_loop3A_717 = tpu.vector_load %arg7[%parallel_loop3A_714, %parallel_loop3A_715, %parallel_loop3A_716] {strides = array<i32>} : memref<4x8x1024xf32, #tpu.memory_space<vmem>>, vector<1x1x16xf32>,
        %parallel_loop3A_718 = vector.shape_cast %parallel_loop3A_717 : vector<1x1x16xf32> to vector<16xf32>
        %parallel_loop3A_719 = vector.shape_cast %parallel_loop3A_711 : vector<16xf32> to vector<1x1x16xf32>
        tpu.vector_store %arg7[%parallel_loop3A_714, %parallel_loop3A_715, %parallel_loop3A_716], %parallel_loop3A_719 {strides = array<i32>} : memref<4x8x1024xf32, #tpu.memory_space<vmem>>, vector<1x1x16xf32>,
      } {sc.loop_unroll_factor = 8 : i64, sc.parallel_access}
      %slice3A_441 = vector.extract_strided_slice %get3A_69 {offsets = [10], sizes = [1], strides = [1]} : vector<16xi32> to vector<1xi32>
      %squeeze3A_442 = vector.extract %slice3A_441[0] : i32 from vector<1xi32>
      %eq3A_443 = arith.constant 0 : i32
      %eq3A_444 = arith.cmpi eq, %squeeze3A_442, %eq3A_443 : i32
      %jit3A_445 = arith.constant 0.000000e+00 : f32
      %jit3A_446 = arith.constant 1.000000e+00 : f32
      %select_n3A_447 = arith.select %eq3A_444, %jit3A_445, %jit3A_446 : f32
      %slice3A_448 = vector.extract_strided_slice %get3A_79 {offsets = [10], sizes = [1], strides = [1]} : vector<16xi32> to vector<1xi32>
      %squeeze3A_449 = vector.extract %slice3A_448[0] : i32 from vector<1xi32>
      %eq3A_450 = arith.constant 0 : i32
      %eq3A_451 = arith.cmpi eq, %squeeze3A_449, %eq3A_450 : i32
      %jit3A_452 = arith.constant 0.000000e+00 : f32
      %jit3A_453 = arith.constant 1.000000e+00 : f32
      %select_n3A_454 = arith.select %eq3A_451, %jit3A_452, %jit3A_453 : f32
      %slice3A_455 = vector.extract_strided_slice %get3A_89 {offsets = [10], sizes = [1], strides = [1]} : vector<16xi32> to vector<1xi32>
      %squeeze3A_456 = vector.extract %slice3A_455[0] : i32 from vector<1xi32>
      %eq3A_457 = arith.constant 0 : i32
      %eq3A_458 = arith.cmpi eq, %squeeze3A_456, %eq3A_457 : i32
      %jit3A_459 = arith.constant 0.000000e+00 : f32
      %jit3A_460 = arith.constant 1.000000e+00 : f32
      %select_n3A_461 = arith.select %eq3A_458, %jit3A_459, %jit3A_460 : f32
      %slice3A_462 = vector.extract_strided_slice %get3A_99 {offsets = [10], sizes = [1], strides = [1]} : vector<16xi32> to vector<1xi32>
      %squeeze3A_463 = vector.extract %slice3A_462[0] : i32 from vector<1xi32>
      %eq3A_464 = arith.constant 0 : i32
      %eq3A_465 = arith.cmpi eq, %squeeze3A_463, %eq3A_464 : i32
      %jit3A_466 = arith.constant 0.000000e+00 : f32
      %jit3A_467 = arith.constant 1.000000e+00 : f32
      %select_n3A_468 = arith.select %eq3A_465, %jit3A_466, %jit3A_467 : f32
      %parallel_loop3A_469 = arith.constant 0 : i32
      %parallel_loop3A_470 = arith.constant 64 : i32
      %parallel_loop3A_471 = arith.constant 1 : i32
      scf.for %parallel_loop3A_639 = %parallel_loop3A_469 to %parallel_loop3A_470 step %parallel_loop3A_471  : i32 {
        %parallel_loop3A_640 = arith.constant 16 : i32
        %parallel_loop3A_641 = arith.muli %parallel_loop3A_639, %parallel_loop3A_640 : i32
        %parallel_loop3A_642 = tpu.assume_multiple %parallel_loop3A_641, 16 : i32
        %parallel_loop3A_643 = arith.constant 2 : i32
        %parallel_loop3A_644 = arith.index_cast %parallel_loop3A_643 : i32 to index
        %parallel_loop3A_645 = arith.index_cast %parallel_loop3A_642 : i32 to index
        %parallel_loop3A_646 = tpu.vector_load %arg9[%parallel_loop3A_644, %parallel_loop3A_645] {strides = array<i32>} : memref<8x1024xf32, #tpu.memory_space<vmem>>, vector<1x16xf32>,
        %parallel_loop3A_647 = vector.shape_cast %parallel_loop3A_646 : vector<1x16xf32> to vector<16xf32>
        %parallel_loop3A_648 = arith.constant 0 : i32
        %parallel_loop3A_649 = arith.constant 2 : i32
        %parallel_loop3A_650 = arith.index_cast %parallel_loop3A_648 : i32 to index
        %parallel_loop3A_651 = arith.index_cast %parallel_loop3A_649 : i32 to index
        %parallel_loop3A_652 = arith.index_cast %parallel_loop3A_642 : i32 to index
        %parallel_loop3A_653 = tpu.vector_load %arg7[%parallel_loop3A_650, %parallel_loop3A_651, %parallel_loop3A_652] {strides = array<i32>} : memref<4x8x1024xf32, #tpu.memory_space<vmem>>, vector<1x1x16xf32>,
        %parallel_loop3A_654 = vector.shape_cast %parallel_loop3A_653 : vector<1x1x16xf32> to vector<16xf32>
        %parallel_loop3A_655 = arith.addf %parallel_loop3A_654, %parallel_loop3A_647 : vector<16xf32>
        %parallel_loop3A_656 = vector.broadcast %select_n3A_447 : f32 to vector<16xf32>
        %parallel_loop3A_657 = arith.mulf %parallel_loop3A_655, %parallel_loop3A_656 : vector<16xf32>
        %parallel_loop3A_658 = arith.constant 0 : i32
        %parallel_loop3A_659 = arith.constant 2 : i32
        %parallel_loop3A_660 = arith.index_cast %parallel_loop3A_658 : i32 to index
        %parallel_loop3A_661 = arith.index_cast %parallel_loop3A_659 : i32 to index
        %parallel_loop3A_662 = arith.index_cast %parallel_loop3A_642 : i32 to index
        %parallel_loop3A_663 = tpu.vector_load %arg7[%parallel_loop3A_660, %parallel_loop3A_661, %parallel_loop3A_662] {strides = array<i32>} : memref<4x8x1024xf32, #tpu.memory_space<vmem>>, vector<1x1x16xf32>,
        %parallel_loop3A_664 = vector.shape_cast %parallel_loop3A_663 : vector<1x1x16xf32> to vector<16xf32>
        %parallel_loop3A_665 = vector.shape_cast %parallel_loop3A_657 : vector<16xf32> to vector<1x1x16xf32>
        tpu.vector_store %arg7[%parallel_loop3A_660, %parallel_loop3A_661, %parallel_loop3A_662], %parallel_loop3A_665 {strides = array<i32>} : memref<4x8x1024xf32, #tpu.memory_space<vmem>>, vector<1x1x16xf32>,
        %parallel_loop3A_666 = arith.constant 1 : i32
        %parallel_loop3A_667 = arith.constant 2 : i32
        %parallel_loop3A_668 = arith.index_cast %parallel_loop3A_666 : i32 to index
        %parallel_loop3A_669 = arith.index_cast %parallel_loop3A_667 : i32 to index
        %parallel_loop3A_670 = arith.index_cast %parallel_loop3A_642 : i32 to index
        %parallel_loop3A_671 = tpu.vector_load %arg7[%parallel_loop3A_668, %parallel_loop3A_669, %parallel_loop3A_670] {strides = array<i32>} : memref<4x8x1024xf32, #tpu.memory_space<vmem>>, vector<1x1x16xf32>,
        %parallel_loop3A_672 = vector.shape_cast %parallel_loop3A_671 : vector<1x1x16xf32> to vector<16xf32>
        %parallel_loop3A_673 = arith.addf %parallel_loop3A_672, %parallel_loop3A_647 : vector<16xf32>
        %parallel_loop3A_674 = vector.broadcast %select_n3A_454 : f32 to vector<16xf32>
        %parallel_loop3A_675 = arith.mulf %parallel_loop3A_673, %parallel_loop3A_674 : vector<16xf32>
        %parallel_loop3A_676 = arith.constant 1 : i32
        %parallel_loop3A_677 = arith.constant 2 : i32
        %parallel_loop3A_678 = arith.index_cast %parallel_loop3A_676 : i32 to index
        %parallel_loop3A_679 = arith.index_cast %parallel_loop3A_677 : i32 to index
        %parallel_loop3A_680 = arith.index_cast %parallel_loop3A_642 : i32 to index
        %parallel_loop3A_681 = tpu.vector_load %arg7[%parallel_loop3A_678, %parallel_loop3A_679, %parallel_loop3A_680] {strides = array<i32>} : memref<4x8x1024xf32, #tpu.memory_space<vmem>>, vector<1x1x16xf32>,
        %parallel_loop3A_682 = vector.shape_cast %parallel_loop3A_681 : vector<1x1x16xf32> to vector<16xf32>
        %parallel_loop3A_683 = vector.shape_cast %parallel_loop3A_675 : vector<16xf32> to vector<1x1x16xf32>
        tpu.vector_store %arg7[%parallel_loop3A_678, %parallel_loop3A_679, %parallel_loop3A_680], %parallel_loop3A_683 {strides = array<i32>} : memref<4x8x1024xf32, #tpu.memory_space<vmem>>, vector<1x1x16xf32>,
        %parallel_loop3A_684 = arith.constant 2 : i32
        %parallel_loop3A_685 = arith.constant 2 : i32
        %parallel_loop3A_686 = arith.index_cast %parallel_loop3A_684 : i32 to index
        %parallel_loop3A_687 = arith.index_cast %parallel_loop3A_685 : i32 to index
        %parallel_loop3A_688 = arith.index_cast %parallel_loop3A_642 : i32 to index
        %parallel_loop3A_689 = tpu.vector_load %arg7[%parallel_loop3A_686, %parallel_loop3A_687, %parallel_loop3A_688] {strides = array<i32>} : memref<4x8x1024xf32, #tpu.memory_space<vmem>>, vector<1x1x16xf32>,
        %parallel_loop3A_690 = vector.shape_cast %parallel_loop3A_689 : vector<1x1x16xf32> to vector<16xf32>
        %parallel_loop3A_691 = arith.addf %parallel_loop3A_690, %parallel_loop3A_647 : vector<16xf32>
        %parallel_loop3A_692 = vector.broadcast %select_n3A_461 : f32 to vector<16xf32>
        %parallel_loop3A_693 = arith.mulf %parallel_loop3A_691, %parallel_loop3A_692 : vector<16xf32>
        %parallel_loop3A_694 = arith.constant 2 : i32
        %parallel_loop3A_695 = arith.constant 2 : i32
        %parallel_loop3A_696 = arith.index_cast %parallel_loop3A_694 : i32 to index
        %parallel_loop3A_697 = arith.index_cast %parallel_loop3A_695 : i32 to index
        %parallel_loop3A_698 = arith.index_cast %parallel_loop3A_642 : i32 to index
        %parallel_loop3A_699 = tpu.vector_load %arg7[%parallel_loop3A_696, %parallel_loop3A_697, %parallel_loop3A_698] {strides = array<i32>} : memref<4x8x1024xf32, #tpu.memory_space<vmem>>, vector<1x1x16xf32>,
        %parallel_loop3A_700 = vector.shape_cast %parallel_loop3A_699 : vector<1x1x16xf32> to vector<16xf32>
        %parallel_loop3A_701 = vector.shape_cast %parallel_loop3A_693 : vector<16xf32> to vector<1x1x16xf32>
        tpu.vector_store %arg7[%parallel_loop3A_696, %parallel_loop3A_697, %parallel_loop3A_698], %parallel_loop3A_701 {strides = array<i32>} : memref<4x8x1024xf32, #tpu.memory_space<vmem>>, vector<1x1x16xf32>,
        %parallel_loop3A_702 = arith.constant 3 : i32
        %parallel_loop3A_703 = arith.constant 2 : i32
        %parallel_loop3A_704 = arith.index_cast %parallel_loop3A_702 : i32 to index
        %parallel_loop3A_705 = arith.index_cast %parallel_loop3A_703 : i32 to index
        %parallel_loop3A_706 = arith.index_cast %parallel_loop3A_642 : i32 to index
        %parallel_loop3A_707 = tpu.vector_load %arg7[%parallel_loop3A_704, %parallel_loop3A_705, %parallel_loop3A_706] {strides = array<i32>} : memref<4x8x1024xf32, #tpu.memory_space<vmem>>, vector<1x1x16xf32>,
        %parallel_loop3A_708 = vector.shape_cast %parallel_loop3A_707 : vector<1x1x16xf32> to vector<16xf32>
        %parallel_loop3A_709 = arith.addf %parallel_loop3A_708, %parallel_loop3A_647 : vector<16xf32>
        %parallel_loop3A_710 = vector.broadcast %select_n3A_468 : f32 to vector<16xf32>
        %parallel_loop3A_711 = arith.mulf %parallel_loop3A_709, %parallel_loop3A_710 : vector<16xf32>
        %parallel_loop3A_712 = arith.constant 3 : i32
        %parallel_loop3A_713 = arith.constant 2 : i32
        %parallel_loop3A_714 = arith.index_cast %parallel_loop3A_712 : i32 to index
        %parallel_loop3A_715 = arith.index_cast %parallel_loop3A_713 : i32 to index
        %parallel_loop3A_716 = arith.index_cast %parallel_loop3A_642 : i32 to index
        %parallel_loop3A_717 = tpu.vector_load %arg7[%parallel_loop3A_714, %parallel_loop3A_715, %parallel_loop3A_716] {strides = array<i32>} : memref<4x8x1024xf32, #tpu.memory_space<vmem>>, vector<1x1x16xf32>,
        %parallel_loop3A_718 = vector.shape_cast %parallel_loop3A_717 : vector<1x1x16xf32> to vector<16xf32>
        %parallel_loop3A_719 = vector.shape_cast %parallel_loop3A_711 : vector<16xf32> to vector<1x1x16xf32>
        tpu.vector_store %arg7[%parallel_loop3A_714, %parallel_loop3A_715, %parallel_loop3A_716], %parallel_loop3A_719 {strides = array<i32>} : memref<4x8x1024xf32, #tpu.memory_space<vmem>>, vector<1x1x16xf32>,
      } {sc.loop_unroll_factor = 8 : i64, sc.parallel_access}
      %slice3A_472 = vector.extract_strided_slice %get3A_69 {offsets = [11], sizes = [1], strides = [1]} : vector<16xi32> to vector<1xi32>
      %squeeze3A_473 = vector.extract %slice3A_472[0] : i32 from vector<1xi32>
      %eq3A_474 = arith.constant 0 : i32
      %eq3A_475 = arith.cmpi eq, %squeeze3A_473, %eq3A_474 : i32
      %jit3A_476 = arith.constant 0.000000e+00 : f32
      %jit3A_477 = arith.constant 1.000000e+00 : f32
      %select_n3A_478 = arith.select %eq3A_475, %jit3A_476, %jit3A_477 : f32
      %slice3A_479 = vector.extract_strided_slice %get3A_79 {offsets = [11], sizes = [1], strides = [1]} : vector<16xi32> to vector<1xi32>
      %squeeze3A_480 = vector.extract %slice3A_479[0] : i32 from vector<1xi32>
      %eq3A_481 = arith.constant 0 : i32
      %eq3A_482 = arith.cmpi eq, %squeeze3A_480, %eq3A_481 : i32
      %jit3A_483 = arith.constant 0.000000e+00 : f32
      %jit3A_484 = arith.constant 1.000000e+00 : f32
      %select_n3A_485 = arith.select %eq3A_482, %jit3A_483, %jit3A_484 : f32
      %slice3A_486 = vector.extract_strided_slice %get3A_89 {offsets = [11], sizes = [1], strides = [1]} : vector<16xi32> to vector<1xi32>
      %squeeze3A_487 = vector.extract %slice3A_486[0] : i32 from vector<1xi32>
      %eq3A_488 = arith.constant 0 : i32
      %eq3A_489 = arith.cmpi eq, %squeeze3A_487, %eq3A_488 : i32
      %jit3A_490 = arith.constant 0.000000e+00 : f32
      %jit3A_491 = arith.constant 1.000000e+00 : f32
      %select_n3A_492 = arith.select %eq3A_489, %jit3A_490, %jit3A_491 : f32
      %slice3A_493 = vector.extract_strided_slice %get3A_99 {offsets = [11], sizes = [1], strides = [1]} : vector<16xi32> to vector<1xi32>
      %squeeze3A_494 = vector.extract %slice3A_493[0] : i32 from vector<1xi32>
      %eq3A_495 = arith.constant 0 : i32
      %eq3A_496 = arith.cmpi eq, %squeeze3A_494, %eq3A_495 : i32
      %jit3A_497 = arith.constant 0.000000e+00 : f32
      %jit3A_498 = arith.constant 1.000000e+00 : f32
      %select_n3A_499 = arith.select %eq3A_496, %jit3A_497, %jit3A_498 : f32
      %parallel_loop3A_500 = arith.constant 0 : i32
      %parallel_loop3A_501 = arith.constant 64 : i32
      %parallel_loop3A_502 = arith.constant 1 : i32
      scf.for %parallel_loop3A_639 = %parallel_loop3A_500 to %parallel_loop3A_501 step %parallel_loop3A_502  : i32 {
        %parallel_loop3A_640 = arith.constant 16 : i32
        %parallel_loop3A_641 = arith.muli %parallel_loop3A_639, %parallel_loop3A_640 : i32
        %parallel_loop3A_642 = tpu.assume_multiple %parallel_loop3A_641, 16 : i32
        %parallel_loop3A_643 = arith.constant 3 : i32
        %parallel_loop3A_644 = arith.index_cast %parallel_loop3A_643 : i32 to index
        %parallel_loop3A_645 = arith.index_cast %parallel_loop3A_642 : i32 to index
        %parallel_loop3A_646 = tpu.vector_load %arg9[%parallel_loop3A_644, %parallel_loop3A_645] {strides = array<i32>} : memref<8x1024xf32, #tpu.memory_space<vmem>>, vector<1x16xf32>,
        %parallel_loop3A_647 = vector.shape_cast %parallel_loop3A_646 : vector<1x16xf32> to vector<16xf32>
        %parallel_loop3A_648 = arith.constant 0 : i32
        %parallel_loop3A_649 = arith.constant 3 : i32
        %parallel_loop3A_650 = arith.index_cast %parallel_loop3A_648 : i32 to index
        %parallel_loop3A_651 = arith.index_cast %parallel_loop3A_649 : i32 to index
        %parallel_loop3A_652 = arith.index_cast %parallel_loop3A_642 : i32 to index
        %parallel_loop3A_653 = tpu.vector_load %arg7[%parallel_loop3A_650, %parallel_loop3A_651, %parallel_loop3A_652] {strides = array<i32>} : memref<4x8x1024xf32, #tpu.memory_space<vmem>>, vector<1x1x16xf32>,
        %parallel_loop3A_654 = vector.shape_cast %parallel_loop3A_653 : vector<1x1x16xf32> to vector<16xf32>
        %parallel_loop3A_655 = arith.addf %parallel_loop3A_654, %parallel_loop3A_647 : vector<16xf32>
        %parallel_loop3A_656 = vector.broadcast %select_n3A_478 : f32 to vector<16xf32>
        %parallel_loop3A_657 = arith.mulf %parallel_loop3A_655, %parallel_loop3A_656 : vector<16xf32>
        %parallel_loop3A_658 = arith.constant 0 : i32
        %parallel_loop3A_659 = arith.constant 3 : i32
        %parallel_loop3A_660 = arith.index_cast %parallel_loop3A_658 : i32 to index
        %parallel_loop3A_661 = arith.index_cast %parallel_loop3A_659 : i32 to index
        %parallel_loop3A_662 = arith.index_cast %parallel_loop3A_642 : i32 to index
        %parallel_loop3A_663 = tpu.vector_load %arg7[%parallel_loop3A_660, %parallel_loop3A_661, %parallel_loop3A_662] {strides = array<i32>} : memref<4x8x1024xf32, #tpu.memory_space<vmem>>, vector<1x1x16xf32>,
        %parallel_loop3A_664 = vector.shape_cast %parallel_loop3A_663 : vector<1x1x16xf32> to vector<16xf32>
        %parallel_loop3A_665 = vector.shape_cast %parallel_loop3A_657 : vector<16xf32> to vector<1x1x16xf32>
        tpu.vector_store %arg7[%parallel_loop3A_660, %parallel_loop3A_661, %parallel_loop3A_662], %parallel_loop3A_665 {strides = array<i32>} : memref<4x8x1024xf32, #tpu.memory_space<vmem>>, vector<1x1x16xf32>,
        %parallel_loop3A_666 = arith.constant 1 : i32
        %parallel_loop3A_667 = arith.constant 3 : i32
        %parallel_loop3A_668 = arith.index_cast %parallel_loop3A_666 : i32 to index
        %parallel_loop3A_669 = arith.index_cast %parallel_loop3A_667 : i32 to index
        %parallel_loop3A_670 = arith.index_cast %parallel_loop3A_642 : i32 to index
        %parallel_loop3A_671 = tpu.vector_load %arg7[%parallel_loop3A_668, %parallel_loop3A_669, %parallel_loop3A_670] {strides = array<i32>} : memref<4x8x1024xf32, #tpu.memory_space<vmem>>, vector<1x1x16xf32>,
        %parallel_loop3A_672 = vector.shape_cast %parallel_loop3A_671 : vector<1x1x16xf32> to vector<16xf32>
        %parallel_loop3A_673 = arith.addf %parallel_loop3A_672, %parallel_loop3A_647 : vector<16xf32>
        %parallel_loop3A_674 = vector.broadcast %select_n3A_485 : f32 to vector<16xf32>
        %parallel_loop3A_675 = arith.mulf %parallel_loop3A_673, %parallel_loop3A_674 : vector<16xf32>
        %parallel_loop3A_676 = arith.constant 1 : i32
        %parallel_loop3A_677 = arith.constant 3 : i32
        %parallel_loop3A_678 = arith.index_cast %parallel_loop3A_676 : i32 to index
        %parallel_loop3A_679 = arith.index_cast %parallel_loop3A_677 : i32 to index
        %parallel_loop3A_680 = arith.index_cast %parallel_loop3A_642 : i32 to index
        %parallel_loop3A_681 = tpu.vector_load %arg7[%parallel_loop3A_678, %parallel_loop3A_679, %parallel_loop3A_680] {strides = array<i32>} : memref<4x8x1024xf32, #tpu.memory_space<vmem>>, vector<1x1x16xf32>,
        %parallel_loop3A_682 = vector.shape_cast %parallel_loop3A_681 : vector<1x1x16xf32> to vector<16xf32>
        %parallel_loop3A_683 = vector.shape_cast %parallel_loop3A_675 : vector<16xf32> to vector<1x1x16xf32>
        tpu.vector_store %arg7[%parallel_loop3A_678, %parallel_loop3A_679, %parallel_loop3A_680], %parallel_loop3A_683 {strides = array<i32>} : memref<4x8x1024xf32, #tpu.memory_space<vmem>>, vector<1x1x16xf32>,
        %parallel_loop3A_684 = arith.constant 2 : i32
        %parallel_loop3A_685 = arith.constant 3 : i32
        %parallel_loop3A_686 = arith.index_cast %parallel_loop3A_684 : i32 to index
        %parallel_loop3A_687 = arith.index_cast %parallel_loop3A_685 : i32 to index
        %parallel_loop3A_688 = arith.index_cast %parallel_loop3A_642 : i32 to index
        %parallel_loop3A_689 = tpu.vector_load %arg7[%parallel_loop3A_686, %parallel_loop3A_687, %parallel_loop3A_688] {strides = array<i32>} : memref<4x8x1024xf32, #tpu.memory_space<vmem>>, vector<1x1x16xf32>,
        %parallel_loop3A_690 = vector.shape_cast %parallel_loop3A_689 : vector<1x1x16xf32> to vector<16xf32>
        %parallel_loop3A_691 = arith.addf %parallel_loop3A_690, %parallel_loop3A_647 : vector<16xf32>
        %parallel_loop3A_692 = vector.broadcast %select_n3A_492 : f32 to vector<16xf32>
        %parallel_loop3A_693 = arith.mulf %parallel_loop3A_691, %parallel_loop3A_692 : vector<16xf32>
        %parallel_loop3A_694 = arith.constant 2 : i32
        %parallel_loop3A_695 = arith.constant 3 : i32
        %parallel_loop3A_696 = arith.index_cast %parallel_loop3A_694 : i32 to index
        %parallel_loop3A_697 = arith.index_cast %parallel_loop3A_695 : i32 to index
        %parallel_loop3A_698 = arith.index_cast %parallel_loop3A_642 : i32 to index
        %parallel_loop3A_699 = tpu.vector_load %arg7[%parallel_loop3A_696, %parallel_loop3A_697, %parallel_loop3A_698] {strides = array<i32>} : memref<4x8x1024xf32, #tpu.memory_space<vmem>>, vector<1x1x16xf32>,
        %parallel_loop3A_700 = vector.shape_cast %parallel_loop3A_699 : vector<1x1x16xf32> to vector<16xf32>
        %parallel_loop3A_701 = vector.shape_cast %parallel_loop3A_693 : vector<16xf32> to vector<1x1x16xf32>
        tpu.vector_store %arg7[%parallel_loop3A_696, %parallel_loop3A_697, %parallel_loop3A_698], %parallel_loop3A_701 {strides = array<i32>} : memref<4x8x1024xf32, #tpu.memory_space<vmem>>, vector<1x1x16xf32>,
        %parallel_loop3A_702 = arith.constant 3 : i32
        %parallel_loop3A_703 = arith.constant 3 : i32
        %parallel_loop3A_704 = arith.index_cast %parallel_loop3A_702 : i32 to index
        %parallel_loop3A_705 = arith.index_cast %parallel_loop3A_703 : i32 to index
        %parallel_loop3A_706 = arith.index_cast %parallel_loop3A_642 : i32 to index
        %parallel_loop3A_707 = tpu.vector_load %arg7[%parallel_loop3A_704, %parallel_loop3A_705, %parallel_loop3A_706] {strides = array<i32>} : memref<4x8x1024xf32, #tpu.memory_space<vmem>>, vector<1x1x16xf32>,
        %parallel_loop3A_708 = vector.shape_cast %parallel_loop3A_707 : vector<1x1x16xf32> to vector<16xf32>
        %parallel_loop3A_709 = arith.addf %parallel_loop3A_708, %parallel_loop3A_647 : vector<16xf32>
        %parallel_loop3A_710 = vector.broadcast %select_n3A_499 : f32 to vector<16xf32>
        %parallel_loop3A_711 = arith.mulf %parallel_loop3A_709, %parallel_loop3A_710 : vector<16xf32>
        %parallel_loop3A_712 = arith.constant 3 : i32
        %parallel_loop3A_713 = arith.constant 3 : i32
        %parallel_loop3A_714 = arith.index_cast %parallel_loop3A_712 : i32 to index
        %parallel_loop3A_715 = arith.index_cast %parallel_loop3A_713 : i32 to index
        %parallel_loop3A_716 = arith.index_cast %parallel_loop3A_642 : i32 to index
        %parallel_loop3A_717 = tpu.vector_load %arg7[%parallel_loop3A_714, %parallel_loop3A_715, %parallel_loop3A_716] {strides = array<i32>} : memref<4x8x1024xf32, #tpu.memory_space<vmem>>, vector<1x1x16xf32>,
        %parallel_loop3A_718 = vector.shape_cast %parallel_loop3A_717 : vector<1x1x16xf32> to vector<16xf32>
        %parallel_loop3A_719 = vector.shape_cast %parallel_loop3A_711 : vector<16xf32> to vector<1x1x16xf32>
        tpu.vector_store %arg7[%parallel_loop3A_714, %parallel_loop3A_715, %parallel_loop3A_716], %parallel_loop3A_719 {strides = array<i32>} : memref<4x8x1024xf32, #tpu.memory_space<vmem>>, vector<1x1x16xf32>,
      } {sc.loop_unroll_factor = 8 : i64, sc.parallel_access}
      %slice3A_503 = vector.extract_strided_slice %get3A_69 {offsets = [12], sizes = [1], strides = [1]} : vector<16xi32> to vector<1xi32>
      %squeeze3A_504 = vector.extract %slice3A_503[0] : i32 from vector<1xi32>
      %eq3A_505 = arith.constant 0 : i32
      %eq3A_506 = arith.cmpi eq, %squeeze3A_504, %eq3A_505 : i32
      %jit3A_507 = arith.constant 0.000000e+00 : f32
      %jit3A_508 = arith.constant 1.000000e+00 : f32
      %select_n3A_509 = arith.select %eq3A_506, %jit3A_507, %jit3A_508 : f32
      %slice3A_510 = vector.extract_strided_slice %get3A_79 {offsets = [12], sizes = [1], strides = [1]} : vector<16xi32> to vector<1xi32>
      %squeeze3A_511 = vector.extract %slice3A_510[0] : i32 from vector<1xi32>
      %eq3A_512 = arith.constant 0 : i32
      %eq3A_513 = arith.cmpi eq, %squeeze3A_511, %eq3A_512 : i32
      %jit3A_514 = arith.constant 0.000000e+00 : f32
      %jit3A_515 = arith.constant 1.000000e+00 : f32
      %select_n3A_516 = arith.select %eq3A_513, %jit3A_514, %jit3A_515 : f32
      %slice3A_517 = vector.extract_strided_slice %get3A_89 {offsets = [12], sizes = [1], strides = [1]} : vector<16xi32> to vector<1xi32>
      %squeeze3A_518 = vector.extract %slice3A_517[0] : i32 from vector<1xi32>
      %eq3A_519 = arith.constant 0 : i32
      %eq3A_520 = arith.cmpi eq, %squeeze3A_518, %eq3A_519 : i32
      %jit3A_521 = arith.constant 0.000000e+00 : f32
      %jit3A_522 = arith.constant 1.000000e+00 : f32
      %select_n3A_523 = arith.select %eq3A_520, %jit3A_521, %jit3A_522 : f32
      %slice3A_524 = vector.extract_strided_slice %get3A_99 {offsets = [12], sizes = [1], strides = [1]} : vector<16xi32> to vector<1xi32>
      %squeeze3A_525 = vector.extract %slice3A_524[0] : i32 from vector<1xi32>
      %eq3A_526 = arith.constant 0 : i32
      %eq3A_527 = arith.cmpi eq, %squeeze3A_525, %eq3A_526 : i32
      %jit3A_528 = arith.constant 0.000000e+00 : f32
      %jit3A_529 = arith.constant 1.000000e+00 : f32
      %select_n3A_530 = arith.select %eq3A_527, %jit3A_528, %jit3A_529 : f32
      %parallel_loop3A_531 = arith.constant 0 : i32
      %parallel_loop3A_532 = arith.constant 64 : i32
      %parallel_loop3A_533 = arith.constant 1 : i32
      scf.for %parallel_loop3A_639 = %parallel_loop3A_531 to %parallel_loop3A_532 step %parallel_loop3A_533  : i32 {
        %parallel_loop3A_640 = arith.constant 16 : i32
        %parallel_loop3A_641 = arith.muli %parallel_loop3A_639, %parallel_loop3A_640 : i32
        %parallel_loop3A_642 = tpu.assume_multiple %parallel_loop3A_641, 16 : i32
        %parallel_loop3A_643 = arith.constant 4 : i32
        %parallel_loop3A_644 = arith.index_cast %parallel_loop3A_643 : i32 to index
        %parallel_loop3A_645 = arith.index_cast %parallel_loop3A_642 : i32 to index
        %parallel_loop3A_646 = tpu.vector_load %arg9[%parallel_loop3A_644, %parallel_loop3A_645] {strides = array<i32>} : memref<8x1024xf32, #tpu.memory_space<vmem>>, vector<1x16xf32>,
        %parallel_loop3A_647 = vector.shape_cast %parallel_loop3A_646 : vector<1x16xf32> to vector<16xf32>
        %parallel_loop3A_648 = arith.constant 0 : i32
        %parallel_loop3A_649 = arith.constant 4 : i32
        %parallel_loop3A_650 = arith.index_cast %parallel_loop3A_648 : i32 to index
        %parallel_loop3A_651 = arith.index_cast %parallel_loop3A_649 : i32 to index
        %parallel_loop3A_652 = arith.index_cast %parallel_loop3A_642 : i32 to index
        %parallel_loop3A_653 = tpu.vector_load %arg7[%parallel_loop3A_650, %parallel_loop3A_651, %parallel_loop3A_652] {strides = array<i32>} : memref<4x8x1024xf32, #tpu.memory_space<vmem>>, vector<1x1x16xf32>,
        %parallel_loop3A_654 = vector.shape_cast %parallel_loop3A_653 : vector<1x1x16xf32> to vector<16xf32>
        %parallel_loop3A_655 = arith.addf %parallel_loop3A_654, %parallel_loop3A_647 : vector<16xf32>
        %parallel_loop3A_656 = vector.broadcast %select_n3A_509 : f32 to vector<16xf32>
        %parallel_loop3A_657 = arith.mulf %parallel_loop3A_655, %parallel_loop3A_656 : vector<16xf32>
        %parallel_loop3A_658 = arith.constant 0 : i32
        %parallel_loop3A_659 = arith.constant 4 : i32
        %parallel_loop3A_660 = arith.index_cast %parallel_loop3A_658 : i32 to index
        %parallel_loop3A_661 = arith.index_cast %parallel_loop3A_659 : i32 to index
        %parallel_loop3A_662 = arith.index_cast %parallel_loop3A_642 : i32 to index
        %parallel_loop3A_663 = tpu.vector_load %arg7[%parallel_loop3A_660, %parallel_loop3A_661, %parallel_loop3A_662] {strides = array<i32>} : memref<4x8x1024xf32, #tpu.memory_space<vmem>>, vector<1x1x16xf32>,
        %parallel_loop3A_664 = vector.shape_cast %parallel_loop3A_663 : vector<1x1x16xf32> to vector<16xf32>
        %parallel_loop3A_665 = vector.shape_cast %parallel_loop3A_657 : vector<16xf32> to vector<1x1x16xf32>
        tpu.vector_store %arg7[%parallel_loop3A_660, %parallel_loop3A_661, %parallel_loop3A_662], %parallel_loop3A_665 {strides = array<i32>} : memref<4x8x1024xf32, #tpu.memory_space<vmem>>, vector<1x1x16xf32>,
        %parallel_loop3A_666 = arith.constant 1 : i32
        %parallel_loop3A_667 = arith.constant 4 : i32
        %parallel_loop3A_668 = arith.index_cast %parallel_loop3A_666 : i32 to index
        %parallel_loop3A_669 = arith.index_cast %parallel_loop3A_667 : i32 to index
        %parallel_loop3A_670 = arith.index_cast %parallel_loop3A_642 : i32 to index
        %parallel_loop3A_671 = tpu.vector_load %arg7[%parallel_loop3A_668, %parallel_loop3A_669, %parallel_loop3A_670] {strides = array<i32>} : memref<4x8x1024xf32, #tpu.memory_space<vmem>>, vector<1x1x16xf32>,
        %parallel_loop3A_672 = vector.shape_cast %parallel_loop3A_671 : vector<1x1x16xf32> to vector<16xf32>
        %parallel_loop3A_673 = arith.addf %parallel_loop3A_672, %parallel_loop3A_647 : vector<16xf32>
        %parallel_loop3A_674 = vector.broadcast %select_n3A_516 : f32 to vector<16xf32>
        %parallel_loop3A_675 = arith.mulf %parallel_loop3A_673, %parallel_loop3A_674 : vector<16xf32>
        %parallel_loop3A_676 = arith.constant 1 : i32
        %parallel_loop3A_677 = arith.constant 4 : i32
        %parallel_loop3A_678 = arith.index_cast %parallel_loop3A_676 : i32 to index
        %parallel_loop3A_679 = arith.index_cast %parallel_loop3A_677 : i32 to index
        %parallel_loop3A_680 = arith.index_cast %parallel_loop3A_642 : i32 to index
        %parallel_loop3A_681 = tpu.vector_load %arg7[%parallel_loop3A_678, %parallel_loop3A_679, %parallel_loop3A_680] {strides = array<i32>} : memref<4x8x1024xf32, #tpu.memory_space<vmem>>, vector<1x1x16xf32>,
        %parallel_loop3A_682 = vector.shape_cast %parallel_loop3A_681 : vector<1x1x16xf32> to vector<16xf32>
        %parallel_loop3A_683 = vector.shape_cast %parallel_loop3A_675 : vector<16xf32> to vector<1x1x16xf32>
        tpu.vector_store %arg7[%parallel_loop3A_678, %parallel_loop3A_679, %parallel_loop3A_680], %parallel_loop3A_683 {strides = array<i32>} : memref<4x8x1024xf32, #tpu.memory_space<vmem>>, vector<1x1x16xf32>,
        %parallel_loop3A_684 = arith.constant 2 : i32
        %parallel_loop3A_685 = arith.constant 4 : i32
        %parallel_loop3A_686 = arith.index_cast %parallel_loop3A_684 : i32 to index
        %parallel_loop3A_687 = arith.index_cast %parallel_loop3A_685 : i32 to index
        %parallel_loop3A_688 = arith.index_cast %parallel_loop3A_642 : i32 to index
        %parallel_loop3A_689 = tpu.vector_load %arg7[%parallel_loop3A_686, %parallel_loop3A_687, %parallel_loop3A_688] {strides = array<i32>} : memref<4x8x1024xf32, #tpu.memory_space<vmem>>, vector<1x1x16xf32>,
        %parallel_loop3A_690 = vector.shape_cast %parallel_loop3A_689 : vector<1x1x16xf32> to vector<16xf32>
        %parallel_loop3A_691 = arith.addf %parallel_loop3A_690, %parallel_loop3A_647 : vector<16xf32>
        %parallel_loop3A_692 = vector.broadcast %select_n3A_523 : f32 to vector<16xf32>
        %parallel_loop3A_693 = arith.mulf %parallel_loop3A_691, %parallel_loop3A_692 : vector<16xf32>
        %parallel_loop3A_694 = arith.constant 2 : i32
        %parallel_loop3A_695 = arith.constant 4 : i32
        %parallel_loop3A_696 = arith.index_cast %parallel_loop3A_694 : i32 to index
        %parallel_loop3A_697 = arith.index_cast %parallel_loop3A_695 : i32 to index
        %parallel_loop3A_698 = arith.index_cast %parallel_loop3A_642 : i32 to index
        %parallel_loop3A_699 = tpu.vector_load %arg7[%parallel_loop3A_696, %parallel_loop3A_697, %parallel_loop3A_698] {strides = array<i32>} : memref<4x8x1024xf32, #tpu.memory_space<vmem>>, vector<1x1x16xf32>,
        %parallel_loop3A_700 = vector.shape_cast %parallel_loop3A_699 : vector<1x1x16xf32> to vector<16xf32>
        %parallel_loop3A_701 = vector.shape_cast %parallel_loop3A_693 : vector<16xf32> to vector<1x1x16xf32>
        tpu.vector_store %arg7[%parallel_loop3A_696, %parallel_loop3A_697, %parallel_loop3A_698], %parallel_loop3A_701 {strides = array<i32>} : memref<4x8x1024xf32, #tpu.memory_space<vmem>>, vector<1x1x16xf32>,
        %parallel_loop3A_702 = arith.constant 3 : i32
        %parallel_loop3A_703 = arith.constant 4 : i32
        %parallel_loop3A_704 = arith.index_cast %parallel_loop3A_702 : i32 to index
        %parallel_loop3A_705 = arith.index_cast %parallel_loop3A_703 : i32 to index
        %parallel_loop3A_706 = arith.index_cast %parallel_loop3A_642 : i32 to index
        %parallel_loop3A_707 = tpu.vector_load %arg7[%parallel_loop3A_704, %parallel_loop3A_705, %parallel_loop3A_706] {strides = array<i32>} : memref<4x8x1024xf32, #tpu.memory_space<vmem>>, vector<1x1x16xf32>,
        %parallel_loop3A_708 = vector.shape_cast %parallel_loop3A_707 : vector<1x1x16xf32> to vector<16xf32>
        %parallel_loop3A_709 = arith.addf %parallel_loop3A_708, %parallel_loop3A_647 : vector<16xf32>
        %parallel_loop3A_710 = vector.broadcast %select_n3A_530 : f32 to vector<16xf32>
        %parallel_loop3A_711 = arith.mulf %parallel_loop3A_709, %parallel_loop3A_710 : vector<16xf32>
        %parallel_loop3A_712 = arith.constant 3 : i32
        %parallel_loop3A_713 = arith.constant 4 : i32
        %parallel_loop3A_714 = arith.index_cast %parallel_loop3A_712 : i32 to index
        %parallel_loop3A_715 = arith.index_cast %parallel_loop3A_713 : i32 to index
        %parallel_loop3A_716 = arith.index_cast %parallel_loop3A_642 : i32 to index
        %parallel_loop3A_717 = tpu.vector_load %arg7[%parallel_loop3A_714, %parallel_loop3A_715, %parallel_loop3A_716] {strides = array<i32>} : memref<4x8x1024xf32, #tpu.memory_space<vmem>>, vector<1x1x16xf32>,
        %parallel_loop3A_718 = vector.shape_cast %parallel_loop3A_717 : vector<1x1x16xf32> to vector<16xf32>
        %parallel_loop3A_719 = vector.shape_cast %parallel_loop3A_711 : vector<16xf32> to vector<1x1x16xf32>
        tpu.vector_store %arg7[%parallel_loop3A_714, %parallel_loop3A_715, %parallel_loop3A_716], %parallel_loop3A_719 {strides = array<i32>} : memref<4x8x1024xf32, #tpu.memory_space<vmem>>, vector<1x1x16xf32>,
      } {sc.loop_unroll_factor = 8 : i64, sc.parallel_access}
      %slice3A_534 = vector.extract_strided_slice %get3A_69 {offsets = [13], sizes = [1], strides = [1]} : vector<16xi32> to vector<1xi32>
      %squeeze3A_535 = vector.extract %slice3A_534[0] : i32 from vector<1xi32>
      %eq3A_536 = arith.constant 0 : i32
      %eq3A_537 = arith.cmpi eq, %squeeze3A_535, %eq3A_536 : i32
      %jit3A_538 = arith.constant 0.000000e+00 : f32
      %jit3A_539 = arith.constant 1.000000e+00 : f32
      %select_n3A_540 = arith.select %eq3A_537, %jit3A_538, %jit3A_539 : f32
      %slice3A_541 = vector.extract_strided_slice %get3A_79 {offsets = [13], sizes = [1], strides = [1]} : vector<16xi32> to vector<1xi32>
      %squeeze3A_542 = vector.extract %slice3A_541[0] : i32 from vector<1xi32>
      %eq3A_543 = arith.constant 0 : i32
      %eq3A_544 = arith.cmpi eq, %squeeze3A_542, %eq3A_543 : i32
      %jit3A_545 = arith.constant 0.000000e+00 : f32
      %jit3A_546 = arith.constant 1.000000e+00 : f32
      %select_n3A_547 = arith.select %eq3A_544, %jit3A_545, %jit3A_546 : f32
      %slice3A_548 = vector.extract_strided_slice %get3A_89 {offsets = [13], sizes = [1], strides = [1]} : vector<16xi32> to vector<1xi32>
      %squeeze3A_549 = vector.extract %slice3A_548[0] : i32 from vector<1xi32>
      %eq3A_550 = arith.constant 0 : i32
      %eq3A_551 = arith.cmpi eq, %squeeze3A_549, %eq3A_550 : i32
      %jit3A_552 = arith.constant 0.000000e+00 : f32
      %jit3A_553 = arith.constant 1.000000e+00 : f32
      %select_n3A_554 = arith.select %eq3A_551, %jit3A_552, %jit3A_553 : f32
      %slice3A_555 = vector.extract_strided_slice %get3A_99 {offsets = [13], sizes = [1], strides = [1]} : vector<16xi32> to vector<1xi32>
      %squeeze3A_556 = vector.extract %slice3A_555[0] : i32 from vector<1xi32>
      %eq3A_557 = arith.constant 0 : i32
      %eq3A_558 = arith.cmpi eq, %squeeze3A_556, %eq3A_557 : i32
      %jit3A_559 = arith.constant 0.000000e+00 : f32
      %jit3A_560 = arith.constant 1.000000e+00 : f32
      %select_n3A_561 = arith.select %eq3A_558, %jit3A_559, %jit3A_560 : f32
      %parallel_loop3A_562 = arith.constant 0 : i32
      %parallel_loop3A_563 = arith.constant 64 : i32
      %parallel_loop3A_564 = arith.constant 1 : i32
      scf.for %parallel_loop3A_639 = %parallel_loop3A_562 to %parallel_loop3A_563 step %parallel_loop3A_564  : i32 {
        %parallel_loop3A_640 = arith.constant 16 : i32
        %parallel_loop3A_641 = arith.muli %parallel_loop3A_639, %parallel_loop3A_640 : i32
        %parallel_loop3A_642 = tpu.assume_multiple %parallel_loop3A_641, 16 : i32
        %parallel_loop3A_643 = arith.constant 5 : i32
        %parallel_loop3A_644 = arith.index_cast %parallel_loop3A_643 : i32 to index
        %parallel_loop3A_645 = arith.index_cast %parallel_loop3A_642 : i32 to index
        %parallel_loop3A_646 = tpu.vector_load %arg9[%parallel_loop3A_644, %parallel_loop3A_645] {strides = array<i32>} : memref<8x1024xf32, #tpu.memory_space<vmem>>, vector<1x16xf32>,
        %parallel_loop3A_647 = vector.shape_cast %parallel_loop3A_646 : vector<1x16xf32> to vector<16xf32>
        %parallel_loop3A_648 = arith.constant 0 : i32
        %parallel_loop3A_649 = arith.constant 5 : i32
        %parallel_loop3A_650 = arith.index_cast %parallel_loop3A_648 : i32 to index
        %parallel_loop3A_651 = arith.index_cast %parallel_loop3A_649 : i32 to index
        %parallel_loop3A_652 = arith.index_cast %parallel_loop3A_642 : i32 to index
        %parallel_loop3A_653 = tpu.vector_load %arg7[%parallel_loop3A_650, %parallel_loop3A_651, %parallel_loop3A_652] {strides = array<i32>} : memref<4x8x1024xf32, #tpu.memory_space<vmem>>, vector<1x1x16xf32>,
        %parallel_loop3A_654 = vector.shape_cast %parallel_loop3A_653 : vector<1x1x16xf32> to vector<16xf32>
        %parallel_loop3A_655 = arith.addf %parallel_loop3A_654, %parallel_loop3A_647 : vector<16xf32>
        %parallel_loop3A_656 = vector.broadcast %select_n3A_540 : f32 to vector<16xf32>
        %parallel_loop3A_657 = arith.mulf %parallel_loop3A_655, %parallel_loop3A_656 : vector<16xf32>
        %parallel_loop3A_658 = arith.constant 0 : i32
        %parallel_loop3A_659 = arith.constant 5 : i32
        %parallel_loop3A_660 = arith.index_cast %parallel_loop3A_658 : i32 to index
        %parallel_loop3A_661 = arith.index_cast %parallel_loop3A_659 : i32 to index
        %parallel_loop3A_662 = arith.index_cast %parallel_loop3A_642 : i32 to index
        %parallel_loop3A_663 = tpu.vector_load %arg7[%parallel_loop3A_660, %parallel_loop3A_661, %parallel_loop3A_662] {strides = array<i32>} : memref<4x8x1024xf32, #tpu.memory_space<vmem>>, vector<1x1x16xf32>,
        %parallel_loop3A_664 = vector.shape_cast %parallel_loop3A_663 : vector<1x1x16xf32> to vector<16xf32>
        %parallel_loop3A_665 = vector.shape_cast %parallel_loop3A_657 : vector<16xf32> to vector<1x1x16xf32>
        tpu.vector_store %arg7[%parallel_loop3A_660, %parallel_loop3A_661, %parallel_loop3A_662], %parallel_loop3A_665 {strides = array<i32>} : memref<4x8x1024xf32, #tpu.memory_space<vmem>>, vector<1x1x16xf32>,
        %parallel_loop3A_666 = arith.constant 1 : i32
        %parallel_loop3A_667 = arith.constant 5 : i32
        %parallel_loop3A_668 = arith.index_cast %parallel_loop3A_666 : i32 to index
        %parallel_loop3A_669 = arith.index_cast %parallel_loop3A_667 : i32 to index
        %parallel_loop3A_670 = arith.index_cast %parallel_loop3A_642 : i32 to index
        %parallel_loop3A_671 = tpu.vector_load %arg7[%parallel_loop3A_668, %parallel_loop3A_669, %parallel_loop3A_670] {strides = array<i32>} : memref<4x8x1024xf32, #tpu.memory_space<vmem>>, vector<1x1x16xf32>,
        %parallel_loop3A_672 = vector.shape_cast %parallel_loop3A_671 : vector<1x1x16xf32> to vector<16xf32>
        %parallel_loop3A_673 = arith.addf %parallel_loop3A_672, %parallel_loop3A_647 : vector<16xf32>
        %parallel_loop3A_674 = vector.broadcast %select_n3A_547 : f32 to vector<16xf32>
        %parallel_loop3A_675 = arith.mulf %parallel_loop3A_673, %parallel_loop3A_674 : vector<16xf32>
        %parallel_loop3A_676 = arith.constant 1 : i32
        %parallel_loop3A_677 = arith.constant 5 : i32
        %parallel_loop3A_678 = arith.index_cast %parallel_loop3A_676 : i32 to index
        %parallel_loop3A_679 = arith.index_cast %parallel_loop3A_677 : i32 to index
        %parallel_loop3A_680 = arith.index_cast %parallel_loop3A_642 : i32 to index
        %parallel_loop3A_681 = tpu.vector_load %arg7[%parallel_loop3A_678, %parallel_loop3A_679, %parallel_loop3A_680] {strides = array<i32>} : memref<4x8x1024xf32, #tpu.memory_space<vmem>>, vector<1x1x16xf32>,
        %parallel_loop3A_682 = vector.shape_cast %parallel_loop3A_681 : vector<1x1x16xf32> to vector<16xf32>
        %parallel_loop3A_683 = vector.shape_cast %parallel_loop3A_675 : vector<16xf32> to vector<1x1x16xf32>
        tpu.vector_store %arg7[%parallel_loop3A_678, %parallel_loop3A_679, %parallel_loop3A_680], %parallel_loop3A_683 {strides = array<i32>} : memref<4x8x1024xf32, #tpu.memory_space<vmem>>, vector<1x1x16xf32>,
        %parallel_loop3A_684 = arith.constant 2 : i32
        %parallel_loop3A_685 = arith.constant 5 : i32
        %parallel_loop3A_686 = arith.index_cast %parallel_loop3A_684 : i32 to index
        %parallel_loop3A_687 = arith.index_cast %parallel_loop3A_685 : i32 to index
        %parallel_loop3A_688 = arith.index_cast %parallel_loop3A_642 : i32 to index
        %parallel_loop3A_689 = tpu.vector_load %arg7[%parallel_loop3A_686, %parallel_loop3A_687, %parallel_loop3A_688] {strides = array<i32>} : memref<4x8x1024xf32, #tpu.memory_space<vmem>>, vector<1x1x16xf32>,
        %parallel_loop3A_690 = vector.shape_cast %parallel_loop3A_689 : vector<1x1x16xf32> to vector<16xf32>
        %parallel_loop3A_691 = arith.addf %parallel_loop3A_690, %parallel_loop3A_647 : vector<16xf32>
        %parallel_loop3A_692 = vector.broadcast %select_n3A_554 : f32 to vector<16xf32>
        %parallel_loop3A_693 = arith.mulf %parallel_loop3A_691, %parallel_loop3A_692 : vector<16xf32>
        %parallel_loop3A_694 = arith.constant 2 : i32
        %parallel_loop3A_695 = arith.constant 5 : i32
        %parallel_loop3A_696 = arith.index_cast %parallel_loop3A_694 : i32 to index
        %parallel_loop3A_697 = arith.index_cast %parallel_loop3A_695 : i32 to index
        %parallel_loop3A_698 = arith.index_cast %parallel_loop3A_642 : i32 to index
        %parallel_loop3A_699 = tpu.vector_load %arg7[%parallel_loop3A_696, %parallel_loop3A_697, %parallel_loop3A_698] {strides = array<i32>} : memref<4x8x1024xf32, #tpu.memory_space<vmem>>, vector<1x1x16xf32>,
        %parallel_loop3A_700 = vector.shape_cast %parallel_loop3A_699 : vector<1x1x16xf32> to vector<16xf32>
        %parallel_loop3A_701 = vector.shape_cast %parallel_loop3A_693 : vector<16xf32> to vector<1x1x16xf32>
        tpu.vector_store %arg7[%parallel_loop3A_696, %parallel_loop3A_697, %parallel_loop3A_698], %parallel_loop3A_701 {strides = array<i32>} : memref<4x8x1024xf32, #tpu.memory_space<vmem>>, vector<1x1x16xf32>,
        %parallel_loop3A_702 = arith.constant 3 : i32
        %parallel_loop3A_703 = arith.constant 5 : i32
        %parallel_loop3A_704 = arith.index_cast %parallel_loop3A_702 : i32 to index
        %parallel_loop3A_705 = arith.index_cast %parallel_loop3A_703 : i32 to index
        %parallel_loop3A_706 = arith.index_cast %parallel_loop3A_642 : i32 to index
        %parallel_loop3A_707 = tpu.vector_load %arg7[%parallel_loop3A_704, %parallel_loop3A_705, %parallel_loop3A_706] {strides = array<i32>} : memref<4x8x1024xf32, #tpu.memory_space<vmem>>, vector<1x1x16xf32>,
        %parallel_loop3A_708 = vector.shape_cast %parallel_loop3A_707 : vector<1x1x16xf32> to vector<16xf32>
        %parallel_loop3A_709 = arith.addf %parallel_loop3A_708, %parallel_loop3A_647 : vector<16xf32>
        %parallel_loop3A_710 = vector.broadcast %select_n3A_561 : f32 to vector<16xf32>
        %parallel_loop3A_711 = arith.mulf %parallel_loop3A_709, %parallel_loop3A_710 : vector<16xf32>
        %parallel_loop3A_712 = arith.constant 3 : i32
        %parallel_loop3A_713 = arith.constant 5 : i32
        %parallel_loop3A_714 = arith.index_cast %parallel_loop3A_712 : i32 to index
        %parallel_loop3A_715 = arith.index_cast %parallel_loop3A_713 : i32 to index
        %parallel_loop3A_716 = arith.index_cast %parallel_loop3A_642 : i32 to index
        %parallel_loop3A_717 = tpu.vector_load %arg7[%parallel_loop3A_714, %parallel_loop3A_715, %parallel_loop3A_716] {strides = array<i32>} : memref<4x8x1024xf32, #tpu.memory_space<vmem>>, vector<1x1x16xf32>,
        %parallel_loop3A_718 = vector.shape_cast %parallel_loop3A_717 : vector<1x1x16xf32> to vector<16xf32>
        %parallel_loop3A_719 = vector.shape_cast %parallel_loop3A_711 : vector<16xf32> to vector<1x1x16xf32>
        tpu.vector_store %arg7[%parallel_loop3A_714, %parallel_loop3A_715, %parallel_loop3A_716], %parallel_loop3A_719 {strides = array<i32>} : memref<4x8x1024xf32, #tpu.memory_space<vmem>>, vector<1x1x16xf32>,
      } {sc.loop_unroll_factor = 8 : i64, sc.parallel_access}
      %slice3A_565 = vector.extract_strided_slice %get3A_69 {offsets = [14], sizes = [1], strides = [1]} : vector<16xi32> to vector<1xi32>
      %squeeze3A_566 = vector.extract %slice3A_565[0] : i32 from vector<1xi32>
      %eq3A_567 = arith.constant 0 : i32
      %eq3A_568 = arith.cmpi eq, %squeeze3A_566, %eq3A_567 : i32
      %jit3A_569 = arith.constant 0.000000e+00 : f32
      %jit3A_570 = arith.constant 1.000000e+00 : f32
      %select_n3A_571 = arith.select %eq3A_568, %jit3A_569, %jit3A_570 : f32
      %slice3A_572 = vector.extract_strided_slice %get3A_79 {offsets = [14], sizes = [1], strides = [1]} : vector<16xi32> to vector<1xi32>
      %squeeze3A_573 = vector.extract %slice3A_572[0] : i32 from vector<1xi32>
      %eq3A_574 = arith.constant 0 : i32
      %eq3A_575 = arith.cmpi eq, %squeeze3A_573, %eq3A_574 : i32
      %jit3A_576 = arith.constant 0.000000e+00 : f32
      %jit3A_577 = arith.constant 1.000000e+00 : f32
      %select_n3A_578 = arith.select %eq3A_575, %jit3A_576, %jit3A_577 : f32
      %slice3A_579 = vector.extract_strided_slice %get3A_89 {offsets = [14], sizes = [1], strides = [1]} : vector<16xi32> to vector<1xi32>
      %squeeze3A_580 = vector.extract %slice3A_579[0] : i32 from vector<1xi32>
      %eq3A_581 = arith.constant 0 : i32
      %eq3A_582 = arith.cmpi eq, %squeeze3A_580, %eq3A_581 : i32
      %jit3A_583 = arith.constant 0.000000e+00 : f32
      %jit3A_584 = arith.constant 1.000000e+00 : f32
      %select_n3A_585 = arith.select %eq3A_582, %jit3A_583, %jit3A_584 : f32
      %slice3A_586 = vector.extract_strided_slice %get3A_99 {offsets = [14], sizes = [1], strides = [1]} : vector<16xi32> to vector<1xi32>
      %squeeze3A_587 = vector.extract %slice3A_586[0] : i32 from vector<1xi32>
      %eq3A_588 = arith.constant 0 : i32
      %eq3A_589 = arith.cmpi eq, %squeeze3A_587, %eq3A_588 : i32
      %jit3A_590 = arith.constant 0.000000e+00 : f32
      %jit3A_591 = arith.constant 1.000000e+00 : f32
      %select_n3A_592 = arith.select %eq3A_589, %jit3A_590, %jit3A_591 : f32
      %parallel_loop3A_593 = arith.constant 0 : i32
      %parallel_loop3A_594 = arith.constant 64 : i32
      %parallel_loop3A_595 = arith.constant 1 : i32
      scf.for %parallel_loop3A_639 = %parallel_loop3A_593 to %parallel_loop3A_594 step %parallel_loop3A_595  : i32 {
        %parallel_loop3A_640 = arith.constant 16 : i32
        %parallel_loop3A_641 = arith.muli %parallel_loop3A_639, %parallel_loop3A_640 : i32
        %parallel_loop3A_642 = tpu.assume_multiple %parallel_loop3A_641, 16 : i32
        %parallel_loop3A_643 = arith.constant 6 : i32
        %parallel_loop3A_644 = arith.index_cast %parallel_loop3A_643 : i32 to index
        %parallel_loop3A_645 = arith.index_cast %parallel_loop3A_642 : i32 to index
        %parallel_loop3A_646 = tpu.vector_load %arg9[%parallel_loop3A_644, %parallel_loop3A_645] {strides = array<i32>} : memref<8x1024xf32, #tpu.memory_space<vmem>>, vector<1x16xf32>,
        %parallel_loop3A_647 = vector.shape_cast %parallel_loop3A_646 : vector<1x16xf32> to vector<16xf32>
        %parallel_loop3A_648 = arith.constant 0 : i32
        %parallel_loop3A_649 = arith.constant 6 : i32
        %parallel_loop3A_650 = arith.index_cast %parallel_loop3A_648 : i32 to index
        %parallel_loop3A_651 = arith.index_cast %parallel_loop3A_649 : i32 to index
        %parallel_loop3A_652 = arith.index_cast %parallel_loop3A_642 : i32 to index
        %parallel_loop3A_653 = tpu.vector_load %arg7[%parallel_loop3A_650, %parallel_loop3A_651, %parallel_loop3A_652] {strides = array<i32>} : memref<4x8x1024xf32, #tpu.memory_space<vmem>>, vector<1x1x16xf32>,
        %parallel_loop3A_654 = vector.shape_cast %parallel_loop3A_653 : vector<1x1x16xf32> to vector<16xf32>
        %parallel_loop3A_655 = arith.addf %parallel_loop3A_654, %parallel_loop3A_647 : vector<16xf32>
        %parallel_loop3A_656 = vector.broadcast %select_n3A_571 : f32 to vector<16xf32>
        %parallel_loop3A_657 = arith.mulf %parallel_loop3A_655, %parallel_loop3A_656 : vector<16xf32>
        %parallel_loop3A_658 = arith.constant 0 : i32
        %parallel_loop3A_659 = arith.constant 6 : i32
        %parallel_loop3A_660 = arith.index_cast %parallel_loop3A_658 : i32 to index
        %parallel_loop3A_661 = arith.index_cast %parallel_loop3A_659 : i32 to index
        %parallel_loop3A_662 = arith.index_cast %parallel_loop3A_642 : i32 to index
        %parallel_loop3A_663 = tpu.vector_load %arg7[%parallel_loop3A_660, %parallel_loop3A_661, %parallel_loop3A_662] {strides = array<i32>} : memref<4x8x1024xf32, #tpu.memory_space<vmem>>, vector<1x1x16xf32>,
        %parallel_loop3A_664 = vector.shape_cast %parallel_loop3A_663 : vector<1x1x16xf32> to vector<16xf32>
        %parallel_loop3A_665 = vector.shape_cast %parallel_loop3A_657 : vector<16xf32> to vector<1x1x16xf32>
        tpu.vector_store %arg7[%parallel_loop3A_660, %parallel_loop3A_661, %parallel_loop3A_662], %parallel_loop3A_665 {strides = array<i32>} : memref<4x8x1024xf32, #tpu.memory_space<vmem>>, vector<1x1x16xf32>,
        %parallel_loop3A_666 = arith.constant 1 : i32
        %parallel_loop3A_667 = arith.constant 6 : i32
        %parallel_loop3A_668 = arith.index_cast %parallel_loop3A_666 : i32 to index
        %parallel_loop3A_669 = arith.index_cast %parallel_loop3A_667 : i32 to index
        %parallel_loop3A_670 = arith.index_cast %parallel_loop3A_642 : i32 to index
        %parallel_loop3A_671 = tpu.vector_load %arg7[%parallel_loop3A_668, %parallel_loop3A_669, %parallel_loop3A_670] {strides = array<i32>} : memref<4x8x1024xf32, #tpu.memory_space<vmem>>, vector<1x1x16xf32>,
        %parallel_loop3A_672 = vector.shape_cast %parallel_loop3A_671 : vector<1x1x16xf32> to vector<16xf32>
        %parallel_loop3A_673 = arith.addf %parallel_loop3A_672, %parallel_loop3A_647 : vector<16xf32>
        %parallel_loop3A_674 = vector.broadcast %select_n3A_578 : f32 to vector<16xf32>
        %parallel_loop3A_675 = arith.mulf %parallel_loop3A_673, %parallel_loop3A_674 : vector<16xf32>
        %parallel_loop3A_676 = arith.constant 1 : i32
        %parallel_loop3A_677 = arith.constant 6 : i32
        %parallel_loop3A_678 = arith.index_cast %parallel_loop3A_676 : i32 to index
        %parallel_loop3A_679 = arith.index_cast %parallel_loop3A_677 : i32 to index
        %parallel_loop3A_680 = arith.index_cast %parallel_loop3A_642 : i32 to index
        %parallel_loop3A_681 = tpu.vector_load %arg7[%parallel_loop3A_678, %parallel_loop3A_679, %parallel_loop3A_680] {strides = array<i32>} : memref<4x8x1024xf32, #tpu.memory_space<vmem>>, vector<1x1x16xf32>,
        %parallel_loop3A_682 = vector.shape_cast %parallel_loop3A_681 : vector<1x1x16xf32> to vector<16xf32>
        %parallel_loop3A_683 = vector.shape_cast %parallel_loop3A_675 : vector<16xf32> to vector<1x1x16xf32>
        tpu.vector_store %arg7[%parallel_loop3A_678, %parallel_loop3A_679, %parallel_loop3A_680], %parallel_loop3A_683 {strides = array<i32>} : memref<4x8x1024xf32, #tpu.memory_space<vmem>>, vector<1x1x16xf32>,
        %parallel_loop3A_684 = arith.constant 2 : i32
        %parallel_loop3A_685 = arith.constant 6 : i32
        %parallel_loop3A_686 = arith.index_cast %parallel_loop3A_684 : i32 to index
        %parallel_loop3A_687 = arith.index_cast %parallel_loop3A_685 : i32 to index
        %parallel_loop3A_688 = arith.index_cast %parallel_loop3A_642 : i32 to index
        %parallel_loop3A_689 = tpu.vector_load %arg7[%parallel_loop3A_686, %parallel_loop3A_687, %parallel_loop3A_688] {strides = array<i32>} : memref<4x8x1024xf32, #tpu.memory_space<vmem>>, vector<1x1x16xf32>,
        %parallel_loop3A_690 = vector.shape_cast %parallel_loop3A_689 : vector<1x1x16xf32> to vector<16xf32>
        %parallel_loop3A_691 = arith.addf %parallel_loop3A_690, %parallel_loop3A_647 : vector<16xf32>
        %parallel_loop3A_692 = vector.broadcast %select_n3A_585 : f32 to vector<16xf32>
        %parallel_loop3A_693 = arith.mulf %parallel_loop3A_691, %parallel_loop3A_692 : vector<16xf32>
        %parallel_loop3A_694 = arith.constant 2 : i32
        %parallel_loop3A_695 = arith.constant 6 : i32
        %parallel_loop3A_696 = arith.index_cast %parallel_loop3A_694 : i32 to index
        %parallel_loop3A_697 = arith.index_cast %parallel_loop3A_695 : i32 to index
        %parallel_loop3A_698 = arith.index_cast %parallel_loop3A_642 : i32 to index
        %parallel_loop3A_699 = tpu.vector_load %arg7[%parallel_loop3A_696, %parallel_loop3A_697, %parallel_loop3A_698] {strides = array<i32>} : memref<4x8x1024xf32, #tpu.memory_space<vmem>>, vector<1x1x16xf32>,
        %parallel_loop3A_700 = vector.shape_cast %parallel_loop3A_699 : vector<1x1x16xf32> to vector<16xf32>
        %parallel_loop3A_701 = vector.shape_cast %parallel_loop3A_693 : vector<16xf32> to vector<1x1x16xf32>
        tpu.vector_store %arg7[%parallel_loop3A_696, %parallel_loop3A_697, %parallel_loop3A_698], %parallel_loop3A_701 {strides = array<i32>} : memref<4x8x1024xf32, #tpu.memory_space<vmem>>, vector<1x1x16xf32>,
        %parallel_loop3A_702 = arith.constant 3 : i32
        %parallel_loop3A_703 = arith.constant 6 : i32
        %parallel_loop3A_704 = arith.index_cast %parallel_loop3A_702 : i32 to index
        %parallel_loop3A_705 = arith.index_cast %parallel_loop3A_703 : i32 to index
        %parallel_loop3A_706 = arith.index_cast %parallel_loop3A_642 : i32 to index
        %parallel_loop3A_707 = tpu.vector_load %arg7[%parallel_loop3A_704, %parallel_loop3A_705, %parallel_loop3A_706] {strides = array<i32>} : memref<4x8x1024xf32, #tpu.memory_space<vmem>>, vector<1x1x16xf32>,
        %parallel_loop3A_708 = vector.shape_cast %parallel_loop3A_707 : vector<1x1x16xf32> to vector<16xf32>
        %parallel_loop3A_709 = arith.addf %parallel_loop3A_708, %parallel_loop3A_647 : vector<16xf32>
        %parallel_loop3A_710 = vector.broadcast %select_n3A_592 : f32 to vector<16xf32>
        %parallel_loop3A_711 = arith.mulf %parallel_loop3A_709, %parallel_loop3A_710 : vector<16xf32>
        %parallel_loop3A_712 = arith.constant 3 : i32
        %parallel_loop3A_713 = arith.constant 6 : i32
        %parallel_loop3A_714 = arith.index_cast %parallel_loop3A_712 : i32 to index
        %parallel_loop3A_715 = arith.index_cast %parallel_loop3A_713 : i32 to index
        %parallel_loop3A_716 = arith.index_cast %parallel_loop3A_642 : i32 to index
        %parallel_loop3A_717 = tpu.vector_load %arg7[%parallel_loop3A_714, %parallel_loop3A_715, %parallel_loop3A_716] {strides = array<i32>} : memref<4x8x1024xf32, #tpu.memory_space<vmem>>, vector<1x1x16xf32>,
        %parallel_loop3A_718 = vector.shape_cast %parallel_loop3A_717 : vector<1x1x16xf32> to vector<16xf32>
        %parallel_loop3A_719 = vector.shape_cast %parallel_loop3A_711 : vector<16xf32> to vector<1x1x16xf32>
        tpu.vector_store %arg7[%parallel_loop3A_714, %parallel_loop3A_715, %parallel_loop3A_716], %parallel_loop3A_719 {strides = array<i32>} : memref<4x8x1024xf32, #tpu.memory_space<vmem>>, vector<1x1x16xf32>,
      } {sc.loop_unroll_factor = 8 : i64, sc.parallel_access}
      %slice3A_596 = vector.extract_strided_slice %get3A_69 {offsets = [15], sizes = [1], strides = [1]} : vector<16xi32> to vector<1xi32>
      %squeeze3A_597 = vector.extract %slice3A_596[0] : i32 from vector<1xi32>
      %eq3A_598 = arith.constant 0 : i32
      %eq3A_599 = arith.cmpi eq, %squeeze3A_597, %eq3A_598 : i32
      %jit3A_600 = arith.constant 0.000000e+00 : f32
      %jit3A_601 = arith.constant 1.000000e+00 : f32
      %select_n3A_602 = arith.select %eq3A_599, %jit3A_600, %jit3A_601 : f32
      %slice3A_603 = vector.extract_strided_slice %get3A_79 {offsets = [15], sizes = [1], strides = [1]} : vector<16xi32> to vector<1xi32>
      %squeeze3A_604 = vector.extract %slice3A_603[0] : i32 from vector<1xi32>
      %eq3A_605 = arith.constant 0 : i32
      %eq3A_606 = arith.cmpi eq, %squeeze3A_604, %eq3A_605 : i32
      %jit3A_607 = arith.constant 0.000000e+00 : f32
      %jit3A_608 = arith.constant 1.000000e+00 : f32
      %select_n3A_609 = arith.select %eq3A_606, %jit3A_607, %jit3A_608 : f32
      %slice3A_610 = vector.extract_strided_slice %get3A_89 {offsets = [15], sizes = [1], strides = [1]} : vector<16xi32> to vector<1xi32>
      %squeeze3A_611 = vector.extract %slice3A_610[0] : i32 from vector<1xi32>
      %eq3A_612 = arith.constant 0 : i32
      %eq3A_613 = arith.cmpi eq, %squeeze3A_611, %eq3A_612 : i32
      %jit3A_614 = arith.constant 0.000000e+00 : f32
      %jit3A_615 = arith.constant 1.000000e+00 : f32
      %select_n3A_616 = arith.select %eq3A_613, %jit3A_614, %jit3A_615 : f32
      %slice3A_617 = vector.extract_strided_slice %get3A_99 {offsets = [15], sizes = [1], strides = [1]} : vector<16xi32> to vector<1xi32>
      %squeeze3A_618 = vector.extract %slice3A_617[0] : i32 from vector<1xi32>
      %eq3A_619 = arith.constant 0 : i32
      %eq3A_620 = arith.cmpi eq, %squeeze3A_618, %eq3A_619 : i32
      %jit3A_621 = arith.constant 0.000000e+00 : f32
      %jit3A_622 = arith.constant 1.000000e+00 : f32
      %select_n3A_623 = arith.select %eq3A_620, %jit3A_621, %jit3A_622 : f32
      %parallel_loop3A_624 = arith.constant 0 : i32
      %parallel_loop3A_625 = arith.constant 64 : i32
      %parallel_loop3A_626 = arith.constant 1 : i32
      scf.for %parallel_loop3A_639 = %parallel_loop3A_624 to %parallel_loop3A_625 step %parallel_loop3A_626  : i32 {
        %parallel_loop3A_640 = arith.constant 16 : i32
        %parallel_loop3A_641 = arith.muli %parallel_loop3A_639, %parallel_loop3A_640 : i32
        %parallel_loop3A_642 = tpu.assume_multiple %parallel_loop3A_641, 16 : i32
        %parallel_loop3A_643 = arith.constant 7 : i32
        %parallel_loop3A_644 = arith.index_cast %parallel_loop3A_643 : i32 to index
        %parallel_loop3A_645 = arith.index_cast %parallel_loop3A_642 : i32 to index
        %parallel_loop3A_646 = tpu.vector_load %arg9[%parallel_loop3A_644, %parallel_loop3A_645] {strides = array<i32>} : memref<8x1024xf32, #tpu.memory_space<vmem>>, vector<1x16xf32>,
        %parallel_loop3A_647 = vector.shape_cast %parallel_loop3A_646 : vector<1x16xf32> to vector<16xf32>
        %parallel_loop3A_648 = arith.constant 0 : i32
        %parallel_loop3A_649 = arith.constant 7 : i32
        %parallel_loop3A_650 = arith.index_cast %parallel_loop3A_648 : i32 to index
        %parallel_loop3A_651 = arith.index_cast %parallel_loop3A_649 : i32 to index
        %parallel_loop3A_652 = arith.index_cast %parallel_loop3A_642 : i32 to index
        %parallel_loop3A_653 = tpu.vector_load %arg7[%parallel_loop3A_650, %parallel_loop3A_651, %parallel_loop3A_652] {strides = array<i32>} : memref<4x8x1024xf32, #tpu.memory_space<vmem>>, vector<1x1x16xf32>,
        %parallel_loop3A_654 = vector.shape_cast %parallel_loop3A_653 : vector<1x1x16xf32> to vector<16xf32>
        %parallel_loop3A_655 = arith.addf %parallel_loop3A_654, %parallel_loop3A_647 : vector<16xf32>
        %parallel_loop3A_656 = vector.broadcast %select_n3A_602 : f32 to vector<16xf32>
        %parallel_loop3A_657 = arith.mulf %parallel_loop3A_655, %parallel_loop3A_656 : vector<16xf32>
        %parallel_loop3A_658 = arith.constant 0 : i32
        %parallel_loop3A_659 = arith.constant 7 : i32
        %parallel_loop3A_660 = arith.index_cast %parallel_loop3A_658 : i32 to index
        %parallel_loop3A_661 = arith.index_cast %parallel_loop3A_659 : i32 to index
        %parallel_loop3A_662 = arith.index_cast %parallel_loop3A_642 : i32 to index
        %parallel_loop3A_663 = tpu.vector_load %arg7[%parallel_loop3A_660, %parallel_loop3A_661, %parallel_loop3A_662] {strides = array<i32>} : memref<4x8x1024xf32, #tpu.memory_space<vmem>>, vector<1x1x16xf32>,
        %parallel_loop3A_664 = vector.shape_cast %parallel_loop3A_663 : vector<1x1x16xf32> to vector<16xf32>
        %parallel_loop3A_665 = vector.shape_cast %parallel_loop3A_657 : vector<16xf32> to vector<1x1x16xf32>
        tpu.vector_store %arg7[%parallel_loop3A_660, %parallel_loop3A_661, %parallel_loop3A_662], %parallel_loop3A_665 {strides = array<i32>} : memref<4x8x1024xf32, #tpu.memory_space<vmem>>, vector<1x1x16xf32>,
        %parallel_loop3A_666 = arith.constant 1 : i32
        %parallel_loop3A_667 = arith.constant 7 : i32
        %parallel_loop3A_668 = arith.index_cast %parallel_loop3A_666 : i32 to index
        %parallel_loop3A_669 = arith.index_cast %parallel_loop3A_667 : i32 to index
        %parallel_loop3A_670 = arith.index_cast %parallel_loop3A_642 : i32 to index
        %parallel_loop3A_671 = tpu.vector_load %arg7[%parallel_loop3A_668, %parallel_loop3A_669, %parallel_loop3A_670] {strides = array<i32>} : memref<4x8x1024xf32, #tpu.memory_space<vmem>>, vector<1x1x16xf32>,
        %parallel_loop3A_672 = vector.shape_cast %parallel_loop3A_671 : vector<1x1x16xf32> to vector<16xf32>
        %parallel_loop3A_673 = arith.addf %parallel_loop3A_672, %parallel_loop3A_647 : vector<16xf32>
        %parallel_loop3A_674 = vector.broadcast %select_n3A_609 : f32 to vector<16xf32>
        %parallel_loop3A_675 = arith.mulf %parallel_loop3A_673, %parallel_loop3A_674 : vector<16xf32>
        %parallel_loop3A_676 = arith.constant 1 : i32
        %parallel_loop3A_677 = arith.constant 7 : i32
        %parallel_loop3A_678 = arith.index_cast %parallel_loop3A_676 : i32 to index
        %parallel_loop3A_679 = arith.index_cast %parallel_loop3A_677 : i32 to index
        %parallel_loop3A_680 = arith.index_cast %parallel_loop3A_642 : i32 to index
        %parallel_loop3A_681 = tpu.vector_load %arg7[%parallel_loop3A_678, %parallel_loop3A_679, %parallel_loop3A_680] {strides = array<i32>} : memref<4x8x1024xf32, #tpu.memory_space<vmem>>, vector<1x1x16xf32>,
        %parallel_loop3A_682 = vector.shape_cast %parallel_loop3A_681 : vector<1x1x16xf32> to vector<16xf32>
        %parallel_loop3A_683 = vector.shape_cast %parallel_loop3A_675 : vector<16xf32> to vector<1x1x16xf32>
        tpu.vector_store %arg7[%parallel_loop3A_678, %parallel_loop3A_679, %parallel_loop3A_680], %parallel_loop3A_683 {strides = array<i32>} : memref<4x8x1024xf32, #tpu.memory_space<vmem>>, vector<1x1x16xf32>,
        %parallel_loop3A_684 = arith.constant 2 : i32
        %parallel_loop3A_685 = arith.constant 7 : i32
        %parallel_loop3A_686 = arith.index_cast %parallel_loop3A_684 : i32 to index
        %parallel_loop3A_687 = arith.index_cast %parallel_loop3A_685 : i32 to index
        %parallel_loop3A_688 = arith.index_cast %parallel_loop3A_642 : i32 to index
        %parallel_loop3A_689 = tpu.vector_load %arg7[%parallel_loop3A_686, %parallel_loop3A_687, %parallel_loop3A_688] {strides = array<i32>} : memref<4x8x1024xf32, #tpu.memory_space<vmem>>, vector<1x1x16xf32>,
        %parallel_loop3A_690 = vector.shape_cast %parallel_loop3A_689 : vector<1x1x16xf32> to vector<16xf32>
        %parallel_loop3A_691 = arith.addf %parallel_loop3A_690, %parallel_loop3A_647 : vector<16xf32>
        %parallel_loop3A_692 = vector.broadcast %select_n3A_616 : f32 to vector<16xf32>
        %parallel_loop3A_693 = arith.mulf %parallel_loop3A_691, %parallel_loop3A_692 : vector<16xf32>
        %parallel_loop3A_694 = arith.constant 2 : i32
        %parallel_loop3A_695 = arith.constant 7 : i32
        %parallel_loop3A_696 = arith.index_cast %parallel_loop3A_694 : i32 to index
        %parallel_loop3A_697 = arith.index_cast %parallel_loop3A_695 : i32 to index
        %parallel_loop3A_698 = arith.index_cast %parallel_loop3A_642 : i32 to index
        %parallel_loop3A_699 = tpu.vector_load %arg7[%parallel_loop3A_696, %parallel_loop3A_697, %parallel_loop3A_698] {strides = array<i32>} : memref<4x8x1024xf32, #tpu.memory_space<vmem>>, vector<1x1x16xf32>,
        %parallel_loop3A_700 = vector.shape_cast %parallel_loop3A_699 : vector<1x1x16xf32> to vector<16xf32>
        %parallel_loop3A_701 = vector.shape_cast %parallel_loop3A_693 : vector<16xf32> to vector<1x1x16xf32>
        tpu.vector_store %arg7[%parallel_loop3A_696, %parallel_loop3A_697, %parallel_loop3A_698], %parallel_loop3A_701 {strides = array<i32>} : memref<4x8x1024xf32, #tpu.memory_space<vmem>>, vector<1x1x16xf32>,
        %parallel_loop3A_702 = arith.constant 3 : i32
        %parallel_loop3A_703 = arith.constant 7 : i32
        %parallel_loop3A_704 = arith.index_cast %parallel_loop3A_702 : i32 to index
        %parallel_loop3A_705 = arith.index_cast %parallel_loop3A_703 : i32 to index
        %parallel_loop3A_706 = arith.index_cast %parallel_loop3A_642 : i32 to index
        %parallel_loop3A_707 = tpu.vector_load %arg7[%parallel_loop3A_704, %parallel_loop3A_705, %parallel_loop3A_706] {strides = array<i32>} : memref<4x8x1024xf32, #tpu.memory_space<vmem>>, vector<1x1x16xf32>,
        %parallel_loop3A_708 = vector.shape_cast %parallel_loop3A_707 : vector<1x1x16xf32> to vector<16xf32>
        %parallel_loop3A_709 = arith.addf %parallel_loop3A_708, %parallel_loop3A_647 : vector<16xf32>
        %parallel_loop3A_710 = vector.broadcast %select_n3A_623 : f32 to vector<16xf32>
        %parallel_loop3A_711 = arith.mulf %parallel_loop3A_709, %parallel_loop3A_710 : vector<16xf32>
        %parallel_loop3A_712 = arith.constant 3 : i32
        %parallel_loop3A_713 = arith.constant 7 : i32
        %parallel_loop3A_714 = arith.index_cast %parallel_loop3A_712 : i32 to index
        %parallel_loop3A_715 = arith.index_cast %parallel_loop3A_713 : i32 to index
        %parallel_loop3A_716 = arith.index_cast %parallel_loop3A_642 : i32 to index
        %parallel_loop3A_717 = tpu.vector_load %arg7[%parallel_loop3A_714, %parallel_loop3A_715, %parallel_loop3A_716] {strides = array<i32>} : memref<4x8x1024xf32, #tpu.memory_space<vmem>>, vector<1x1x16xf32>,
        %parallel_loop3A_718 = vector.shape_cast %parallel_loop3A_717 : vector<1x1x16xf32> to vector<16xf32>
        %parallel_loop3A_719 = vector.shape_cast %parallel_loop3A_711 : vector<16xf32> to vector<1x1x16xf32>
        tpu.vector_store %arg7[%parallel_loop3A_714, %parallel_loop3A_715, %parallel_loop3A_716], %parallel_loop3A_719 {strides = array<i32>} : memref<4x8x1024xf32, #tpu.memory_space<vmem>>, vector<1x1x16xf32>,
      } {sc.loop_unroll_factor = 8 : i64, sc.parallel_access}
      %mul3A_627 = arith.constant 8 : i32
      %mul3A_628 = arith.muli %add3A_61, %mul3A_627 : i32
      %add3A_629 = arith.addi %mul3A_2, %mul3A_628 : i32
      %dma_start3A_630 = arith.constant 0 : i32
      %dma_start3A_631 = arith.constant 0 : i32
      %dma_start3A_632 = tpu.memref_slice %arg5[%dma_start3A_630, %add3A_629, %dma_start3A_631] : memref<4x8192x1024xf32, #tpu.memory_space<hbm>> -> memref<4x8x1024xf32, #tpu.memory_space<hbm>>
      %dma_start3A_633 = arith.constant 0 : i32
      %dma_start3A_634 = arith.constant 0 : i32
      %dma_start3A_635 = tpu.memref_slice %arg5[%dma_start3A_633, %add3A_629, %dma_start3A_634] : memref<4x8192x1024xf32, #tpu.memory_space<hbm>> -> memref<4x8x1024xf32, #tpu.memory_space<hbm>>
      tpu.enqueue_dma source(%arg7 : memref<4x8x1024xf32, #tpu.memory_space<vmem>>) target(%dma_start3A_635 : memref<4x8x1024xf32, #tpu.memory_space<hbm>>) target_semaphore(%arg16 : memref<!tpu.dma_semaphore, #tpu.memory_space<semaphore_mem>>)
      %lt3A = arith.constant 15 : i32
      %lt3A_636 = arith.cmpi slt, %scan3A_54, %lt3A : i32
      %convert_element_type3A = arith.extui %lt3A_636 : i1 to i32
      %cond3A = arith.constant 0 : i32
      %cond3A_637 = arith.cmpi ne, %convert_element_type3A, %cond3A : i32
      scf.if %cond3A_637 {
        %dma_wait3A_639 = arith.constant 0 : i32
        %dma_wait3A_640 = arith.constant 0 : i32
        %dma_wait3A_641 = arith.constant 0 : i32
        %dma_wait3A_642 = tpu.memref_slice %arg5[%dma_wait3A_639, %dma_wait3A_640, %dma_wait3A_641] : memref<4x8192x1024xf32, #tpu.memory_space<hbm>> -> memref<4x8x1024xf32, #tpu.memory_space<hbm>>
        %dma_wait3A_643 = arith.constant 0 : i32
        %dma_wait3A_644 = arith.constant 0 : i32
        %dma_wait3A_645 = arith.constant 0 : i32
        %dma_wait3A_646 = tpu.memref_slice %arg5[%dma_wait3A_643, %dma_wait3A_644, %dma_wait3A_645] : memref<4x8192x1024xf32, #tpu.memory_space<hbm>> -> memref<4x8x1024xf32, #tpu.memory_space<hbm>>
        tpu.wait_dma2 semaphore(%arg15 : memref<!tpu.dma_semaphore, #tpu.memory_space<semaphore_mem>>) src(%arg6 : memref<4x8x1024xf32, #tpu.memory_space<vmem>>) dst(%dma_wait3A_646 : memref<4x8x1024xf32, #tpu.memory_space<hbm>>)
        %add3A_647 = arith.constant 2 : i32
        %add3A_648 = arith.addi %mul3A_57, %add3A_647 : i32
        %mul3A_649 = arith.constant 8 : i32
        %mul3A_650 = arith.muli %add3A_648, %mul3A_649 : i32
        %add3A_651 = arith.addi %mul3A_2, %mul3A_650 : i32
        %dma_start3A_652 = arith.constant 0 : i32
        %dma_start3A_653 = tpu.memref_slice %arg4[%add3A_651, %dma_start3A_652] : memref<8192x1024xf32, #tpu.memory_space<hbm>> -> memref<8x1024xf32, #tpu.memory_space<hbm>>
        %dma_start3A_654 = arith.constant 0 : i32
        %dma_start3A_655 = tpu.memref_slice %arg4[%add3A_651, %dma_start3A_654] : memref<8192x1024xf32, #tpu.memory_space<hbm>> -> memref<8x1024xf32, #tpu.memory_space<hbm>>
        tpu.enqueue_dma source(%dma_start3A_655 : memref<8x1024xf32, #tpu.memory_space<hbm>>) target(%arg8 : memref<8x1024xf32, #tpu.memory_space<vmem>>) target_semaphore(%arg13 : memref<!tpu.dma_semaphore, #tpu.memory_space<semaphore_mem>>)
        %dma_start3A_656 = arith.constant 0 : i32
        %dma_start3A_657 = arith.constant 0 : i32
        %dma_start3A_658 = tpu.memref_slice %arg2[%dma_start3A_656, %add3A_651, %dma_start3A_657] : memref<4x8192x1024xf32, #tpu.memory_space<hbm>> -> memref<4x8x1024xf32, #tpu.memory_space<hbm>>
        %dma_start3A_659 = arith.constant 0 : i32
        %dma_start3A_660 = arith.constant 0 : i32
        %dma_start3A_661 = tpu.memref_slice %arg2[%dma_start3A_659, %add3A_651, %dma_start3A_660] : memref<4x8192x1024xf32, #tpu.memory_space<hbm>> -> memref<4x8x1024xf32, #tpu.memory_space<hbm>>
        tpu.enqueue_dma source(%dma_start3A_661 : memref<4x8x1024xf32, #tpu.memory_space<hbm>>) target(%arg6 : memref<4x8x1024xf32, #tpu.memory_space<vmem>>) target_semaphore(%arg11 : memref<!tpu.dma_semaphore, #tpu.memory_space<semaphore_mem>>)
        %dma_wait3A_662 = arith.constant 0 : i32
        %dma_wait3A_663 = arith.constant 0 : i32
        %dma_wait3A_664 = arith.constant 0 : i32
        %dma_wait3A_665 = tpu.memref_slice %arg5[%dma_wait3A_662, %dma_wait3A_663, %dma_wait3A_664] : memref<4x8192x1024xf32, #tpu.memory_space<hbm>> -> memref<4x8x1024xf32, #tpu.memory_space<hbm>>
        %dma_wait3A_666 = arith.constant 0 : i32
        %dma_wait3A_667 = arith.constant 0 : i32
        %dma_wait3A_668 = arith.constant 0 : i32
        %dma_wait3A_669 = tpu.memref_slice %arg5[%dma_wait3A_666, %dma_wait3A_667, %dma_wait3A_668] : memref<4x8192x1024xf32, #tpu.memory_space<hbm>> -> memref<4x8x1024xf32, #tpu.memory_space<hbm>>
        tpu.wait_dma2 semaphore(%arg16 : memref<!tpu.dma_semaphore, #tpu.memory_space<semaphore_mem>>) src(%arg7 : memref<4x8x1024xf32, #tpu.memory_space<vmem>>) dst(%dma_wait3A_669 : memref<4x8x1024xf32, #tpu.memory_space<hbm>>)
        %add3A_670 = arith.constant 2 : i32
        %add3A_671 = arith.addi %add3A_61, %add3A_670 : i32
        %mul3A_672 = arith.constant 8 : i32
        %mul3A_673 = arith.muli %add3A_671, %mul3A_672 : i32
        %add3A_674 = arith.addi %mul3A_2, %mul3A_673 : i32
        %dma_start3A_675 = arith.constant 0 : i32
        %dma_start3A_676 = tpu.memref_slice %arg4[%add3A_674, %dma_start3A_675] : memref<8192x1024xf32, #tpu.memory_space<hbm>> -> memref<8x1024xf32, #tpu.memory_space<hbm>>
        %dma_start3A_677 = arith.constant 0 : i32
        %dma_start3A_678 = tpu.memref_slice %arg4[%add3A_674, %dma_start3A_677] : memref<8192x1024xf32, #tpu.memory_space<hbm>> -> memref<8x1024xf32, #tpu.memory_space<hbm>>
        tpu.enqueue_dma source(%dma_start3A_678 : memref<8x1024xf32, #tpu.memory_space<hbm>>) target(%arg9 : memref<8x1024xf32, #tpu.memory_space<vmem>>) target_semaphore(%arg14 : memref<!tpu.dma_semaphore, #tpu.memory_space<semaphore_mem>>)
        %dma_start3A_679 = arith.constant 0 : i32
        %dma_start3A_680 = arith.constant 0 : i32
        %dma_start3A_681 = tpu.memref_slice %arg2[%dma_start3A_679, %add3A_674, %dma_start3A_680] : memref<4x8192x1024xf32, #tpu.memory_space<hbm>> -> memref<4x8x1024xf32, #tpu.memory_space<hbm>>
        %dma_start3A_682 = arith.constant 0 : i32
        %dma_start3A_683 = arith.constant 0 : i32
        %dma_start3A_684 = tpu.memref_slice %arg2[%dma_start3A_682, %add3A_674, %dma_start3A_683] : memref<4x8192x1024xf32, #tpu.memory_space<hbm>> -> memref<4x8x1024xf32, #tpu.memory_space<hbm>>
        tpu.enqueue_dma source(%dma_start3A_684 : memref<4x8x1024xf32, #tpu.memory_space<hbm>>) target(%arg7 : memref<4x8x1024xf32, #tpu.memory_space<vmem>>) target_semaphore(%arg12 : memref<!tpu.dma_semaphore, #tpu.memory_space<semaphore_mem>>)
      } else {
      }
      %scan3A_638 = arith.constant 0 : i32
      scf.yield %scan3A_638 : i32
    }
    %scan3A_38 = arith.constant 16 : i32
    %dma_wait3A = arith.constant 0 : i32
    %dma_wait3A_39 = arith.constant 0 : i32
    %dma_wait3A_40 = arith.constant 0 : i32
    %dma_wait3A_41 = tpu.memref_slice %arg5[%dma_wait3A, %dma_wait3A_39, %dma_wait3A_40] : memref<4x8192x1024xf32, #tpu.memory_space<hbm>> -> memref<4x8x1024xf32, #tpu.memory_space<hbm>>
    %dma_wait3A_42 = arith.constant 0 : i32
    %dma_wait3A_43 = arith.constant 0 : i32
    %dma_wait3A_44 = arith.constant 0 : i32
    %dma_wait3A_45 = tpu.memref_slice %arg5[%dma_wait3A_42, %dma_wait3A_43, %dma_wait3A_44] : memref<4x8192x1024xf32, #tpu.memory_space<hbm>> -> memref<4x8x1024xf32, #tpu.memory_space<hbm>>
    tpu.wait_dma2 semaphore(%arg15 : memref<!tpu.dma_semaphore, #tpu.memory_space<semaphore_mem>>) src(%arg6 : memref<4x8x1024xf32, #tpu.memory_space<vmem>>) dst(%dma_wait3A_45 : memref<4x8x1024xf32, #tpu.memory_space<hbm>>)
    %dma_wait3A_46 = arith.constant 0 : i32
    %dma_wait3A_47 = arith.constant 0 : i32
    %dma_wait3A_48 = arith.constant 0 : i32
    %dma_wait3A_49 = tpu.memref_slice %arg5[%dma_wait3A_46, %dma_wait3A_47, %dma_wait3A_48] : memref<4x8192x1024xf32, #tpu.memory_space<hbm>> -> memref<4x8x1024xf32, #tpu.memory_space<hbm>>
    %dma_wait3A_50 = arith.constant 0 : i32
    %dma_wait3A_51 = arith.constant 0 : i32
    %dma_wait3A_52 = arith.constant 0 : i32
    %dma_wait3A_53 = tpu.memref_slice %arg5[%dma_wait3A_50, %dma_wait3A_51, %dma_wait3A_52] : memref<4x8192x1024xf32, #tpu.memory_space<hbm>> -> memref<4x8x1024xf32, #tpu.memory_space<hbm>>
    tpu.wait_dma2 semaphore(%arg16 : memref<!tpu.dma_semaphore, #tpu.memory_space<semaphore_mem>>) src(%arg7 : memref<4x8x1024xf32, #tpu.memory_space<vmem>>) dst(%dma_wait3A_53 : memref<4x8x1024xf32, #tpu.memory_space<hbm>>)
    return
  }
}

</mosaic_0001>

<sc_bundles>
// kernel: kernel.3.cloned.1.call-start
scs
__scs_entry_jumppad:
0x0: {  	(pc) =	sbr.rel $0x88, $3  }
0x1: {  	(tag) =	ssettag $0x0;
	lr =	simm.s32 $0x1  }
0x2: {  	[smem:$0x3F9E] =	sst lr;
	_ =	strace $0xD0000000  }
0x3: {  	_ = 	snop  }
0x4: {  	_ = 	snop  }
0x5: {  	_ = 	snop  }
0x6: {  	_ = 	snop  }
0x7: {  	_ = 	snop  }
__scs_overlays_trampoline_lowered:
0x8: {  	[smem:$0x3FAD] =	sst s0  }
0x9: {  	[smem:$0x3FAE] =	sst s1  }
0xa: {  	[smem:$0x3FAF] =	sst s2  }
0xb: {  	[smem:$0x3FB0] =	sst s3  }
0xc: {  	[smem:$0x3FB1] =	sst s4  }
0xd: {  	[smem:$0x3FB2] =	sst s5  }
0xe: {  	[smem:$0x3FB3] =	sst s6  }
0xf: {  	[smem:$0x3FB4] =	sst s7  }
0x10: {  	[smem:$0x3FB5] =	sst s8  }
0x11: {  	[smem:$0x3FB6] =	sst s9;
	s0 =	simm.s32 @!p0 $0x0  }
0x12: {  	s1 =	sld [smem:$0x3F9C];
	s0 =	simm.s32 @p0 $0x1  }
0x13: {  	[smem:$0x3FB7] =	sst s0;
	s0 =	simm.s32 @!p1 $0x0  }
0x14: {  	s2 =	sld [smem:$0x3F9B];
	s0 =	simm.s32 @p1 $0x1  }
0x15: {  	[smem:$0x3FB8] =	sst s0;
	s0 =	simm.s32 @!p2 $0x0  }
0x16: {  	s3 =	sld [smem:$0x3FDB];
	s0 =	simm.s32 @p2 $0x1  }
0x17: {  	s4 =	simm.s32 $0x1BF5;
	[smem:$0x3FBA] =	sst s0  }
0x18: {  	s0 =	sld [smem:$0x3F9D];
	_ =	swait.ge [sflag:s4], $0x0  }
0x19: {  	s7 =	sld [smem:$0x3F9E]  }
0x1a: {  	s8 =	sadd.s32 $0xFFFFE003, lr  }
0x1b: {  	s9 =	sadd.s32 $0xFFFFFEF7, lr;
	s5 =	simm.s32 $0xFFFFFFFF;
	p2 =	slt.u32 s8, $0xFFFFF086  }
0x1c: {  	p1 =	slt.u32 s9, $0xF7A;
	s5 =	simm.s32 @!p2 $0x0  }
0x1d: {  	s5 =	simm.s32 @p1 $0x1;
	p0 =	seq.s32 s7, s2  }
0x1e: {  	s7 =	smul.u32 @!p0 $0xF7A, s2;
	p2 =	seq.s32 @!p0 s5, $0x0  }
0x1f: {  	s9 =	smul.u32 $0xF7A, s1;
	s8 =	simm.s32 @!p0 $0x1BF5;
	p2 =	por !p2, p0  }
0x20: {  	[sflag:s8] =	ssyncset.s32 @!p0 $0xFFFFF086;
	s6 =	sadd.s32 @!p0 s3, s7;
	s7 =	simm.s32 @!p0 $0x108  }
0x21: {  	s3 =	sadd.s32 s3, s9;
	s6 =	sadd.s32 @!p0 $0x88, s6;
	s7 =	simm.s32 @p2 $0x1082  }
0x22: {  	[simem:s7], [sflag:s8] =	dma.local @!p0 [hbm:s6], $0xF7A  }
0x23: {  	s9 =	sor.u32 $0xD0000000, s2;
	s6 =	simm.s32 $0x108;
	_ =	swait.ge @!p0 [sflag:s8], $0x0  }
0x24: {  	s3 =	sadd.s32 $0x88, s3;
	s6 =	simm.s32 @!p1 $0x1082;
	[sflag:s4] =	ssyncset.s32 $0xFFFFF086  }
0x25: {  	[simem:s6], [sflag:s4] =	dma.local [hbm:s3], $0xF7A  }
0x26: {  	[smem:$0x3F9E] =	sst s1;
	(tag) =	ssettag s2;
	_ =	strace s9  }
0x27: {  	s1 =	sld [smem:$0x3FAE]  }
0x28: {  	s2 =	sld [smem:$0x3FAF]  }
0x29: {  	s4 =	sld [smem:$0x3FB1]  }
0x2a: {  	p0 =	seq.s32 s5, $0x0;
	s5 =	sld [smem:$0x3FB2]  }
0x2b: {  	s6 =	sld [smem:$0x3FB3]  }
0x2c: {  	s7 =	sld [smem:$0x3FB4]  }
0x2d: {  	s3 =	simm.s32 $0x108;
	s8 =	sld [smem:$0x3FB5]  }
0x2e: {  	s3 =	simm.s32 @!p0 $0x1082;
	s9 =	sld [smem:$0x3FB6]  }
0x2f: {  	lr =	sadd.s32 s0, s3;
	s0 =	sld [smem:$0x3FAD]  }
0x30: {  	s3 =	sld [smem:$0x3FB0]  }
0x31: {  	[smem:$0x3FB9] =	sst s10  }
0x32: {  	s10 =	sld [smem:$0x3FB7];
	_ =	sdelay $0x3  }
0x33: {  	p0 =	seq.s32 s10, $0x1;
	s10 =	sld [smem:$0x3FB9];
	_ =	sdelay $0x3  }
0x34: {  	[smem:$0x3FB9] =	sst s10  }
0x35: {  	s10 =	sld [smem:$0x3FB8];
	_ =	sdelay $0x3  }
0x36: {  	p1 =	seq.s32 s10, $0x1;
	s10 =	sld [smem:$0x3FB9];
	_ =	sdelay $0x3  }
0x37: {  	[smem:$0x3FB9] =	sst s10  }
0x38: {  	s10 =	sld [smem:$0x3FBA]  }
0x39: {  	_ = 	snop;
	(pc) =	sbr.ind lr, $3  }
0x3a: {  	_ = 	snop  }
0x3b: {  	_ = 	snop  }
0x3c: {  	p2 =	seq.s32 s10, $0x1;
	s10 =	sld [smem:$0x3FB9]  }
0x3d: {  	_ =	shalt  }
0x3e: {  	_ =	shalt  }
0x3f: {  	_ =	shalt  }
0x40: {  	_ =	shalt  }
0x41: {  	_ =	shalt  }
0x42: {  	_ =	shalt  }
0x43: {  	_ =	shalt  }
0x44: {  	_ =	shalt  }
0x45: {  	_ =	shalt  }
0x46: {  	_ =	shalt  }
0x47: {  	_ =	shalt  }
0x48: {  	_ =	shalt  }
0x49: {  	_ =	shalt  }
0x4a: {  	_ =	shalt  }
0x4b: {  	_ =	shalt  }
0x4c: {  	_ =	shalt  }
0x4d: {  	_ =	shalt  }
0x4e: {  	_ =	shalt  }
0x4f: {  	_ =	shalt  }
0x50: {  	_ =	shalt  }
0x51: {  	_ =	shalt  }
0x52: {  	_ =	shalt  }
0x53: {  	_ =	shalt  }
0x54: {  	_ =	shalt  }
0x55: {  	_ =	shalt  }
0x56: {  	_ =	shalt  }
0x57: {  	_ =	shalt  }
0x58: {  	_ =	shalt  }
0x59: {  	_ =	shalt  }
0x5a: {  	_ =	shalt  }
0x5b: {  	_ =	shalt  }
0x5c: {  	_ =	shalt  }
0x5d: {  	_ =	shalt  }
0x5e: {  	_ =	shalt  }
0x5f: {  	_ =	shalt  }
0x60: {  	_ =	shalt  }
0x61: {  	_ =	shalt  }
0x62: {  	_ =	shalt  }
0x63: {  	_ =	shalt  }
0x64: {  	_ =	shalt  }
0x65: {  	_ =	shalt  }
0x66: {  	_ =	shalt  }
0x67: {  	_ =	shalt  }
0x68: {  	_ =	shalt  }
0x69: {  	_ =	shalt  }
0x6a: {  	_ =	shalt  }
0x6b: {  	_ =	shalt  }
0x6c: {  	_ =	shalt  }
0x6d: {  	_ =	shalt  }
0x6e: {  	_ =	shalt  }
0x6f: {  	_ =	shalt  }
0x70: {  	_ =	shalt  }
0x71: {  	_ =	shalt  }
0x72: {  	_ =	shalt  }
0x73: {  	_ =	shalt  }
0x74: {  	_ =	shalt  }
0x75: {  	_ =	shalt  }
0x76: {  	_ =	shalt  }
0x77: {  	_ =	shalt  }
0x78: {  	_ =	shalt  }
0x79: {  	_ =	shalt  }
0x7a: {  	_ =	shalt  }
0x7b: {  	_ =	shalt  }
0x7c: {  	_ =	shalt  }
0x7d: {  	_ =	shalt  }
0x7e: {  	_ =	shalt  }
0x7f: {  	_ =	shalt  }
0x80: {  	_ =	shalt  }
0x81: {  	_ =	shalt  }
0x82: {  	_ =	shalt  }
0x83: {  	_ =	shalt  }
0x84: {  	_ =	shalt  }
0x85: {  	_ =	shalt  }
0x86: {  	_ =	shalt  }
0x87: {  	_ =	shalt  }
.Lfunc_end0:
.L_simem_size_0:
called_computation_lowered:
.L_overlay_start_0:
0x88: {  	s2 =	sld [smem:$0x3FD9]  }
0x89: {  	s3 =	sld [smem:$0x3FFE];
	_ =	sdelay $0x1  }
0x8a: {  	s1 =	srdreg.scid  }
0x8b: {  	s0 =	sand.u32 $0x1, s1  }
0x8c: {  	s18 =	sshll.u32 s0, $0xA;
	s2 =	sadd.s32 s3, s2  }
0x8d: {  	s2 =	sadd.s32 s2, s18  }
0x8e: {  	[smem:$0x3FC5] =	sst s2  }
0x8f: {  	_ = 	snop  }
0x90: {  	s2 =	sld [smem:$0x3FC9]  }
0x91: {  	s19 =	sld [smem:$0x3FC8]  }
0x92: {  	s4 =	sld [smem:$0x3FC7]  }
0x93: {  	s5 =	sld [smem:$0x3FD0];
	(tm) =	ssettm $0x1  }
0x94: {  	s6 =	sld [smem:$0x3FFB];
	_ =	sdelay $0x3  }
0x95: {  	_ =	strace s6  }
0x96: {  	s6 =	sld [smem:$0x3FFC];
	_ =	sdelay $0x3  }
0x97: {  	_ =	strace s6  }
0x98: {  	s6 =	sld [smem:$0x3FFD];
	_ =	sdelay $0x3  }
0x99: {  	_ =	strace s6  }
0x9a: {  	_ =	strace $0x8FFFFFFF  }
0x9b: {  	s20 =	sld [smem:$0x3FDB];
	_ =	sdelay $0x1  }
0x9c: {  	s7 =	simm.s32 $_scs_section_size  }
0x9d: {  	s8 =	simm.s32 $_size__tile_overlayer_lowered;
	s9 =	simm.s32 $_tile_overlayer_lowered  }
0x9e: {  	s23 =	simm.s32 $0x1BFF;
	s22 =	sshll.u32 s9, $0x1;
	s6 =	sadd.s32 s7, s20  }
0x9f: {  	s10 =	simm.s32 $0x0;
	s21 =	sshll.u32 s8, $0x1;
	s8 =	sadd.s32 s22, s6  }
0xa0: {  	[timem:s10], [sflag:s23] =	dma.local [hbm:s8], s21  }
0xa1: {  	_ =	swait.ge [sflag:s23], s21  }
0xa2: {  	s7 =	ssub.s32 $0x0, s21;
	[sflag:s23] =	ssyncset.done $0x0  }
0xa3: {  	[sflag:s23] =	ssyncadd.s32 s7;
	_ =	sdelay $0x1  }
0xa4: {  	s24 =	simm.s32 $0x1B8B  }
0xa5: {  	_ =	swait.ge [sflag:s24], $0x1  }
0xa6: {  	[sflag:s24] =	ssyncset.done $0x0  }
0xa7: {  	s25 =	simm.s32 $0x1B8E;
	[sflag:s24] =	ssyncadd.s32 $0xFFFFFFFF  }
0xa8: {  	s26 =	simm.s32 $execute0_lowered;
	[smem:$0x3FD2] =	sst s25  }
0xa9: {  	s7 =	sshll.u32 s26, $0x1;
	_ =	strace $0x80000046;
	[dreg:$0x1] =	wrdreg $0xFFFFFFFF  }
0xaa: {  	s28 =	simm.s32 $_size_execute0_lowered;
	s6 =	sadd.s32 s6, s7;
	[dreg:$0x0] =	wrdreg $0x0  }
0xab: {  	s7 =	sshll.u32 s28, $0x1;
	[dreg:$0x2] =	wrdreg s6  }
0xac: {  	[dreg:$0x3] =	wrdreg s7  }
0xad: {  	[dreg:$0x4] =	wrdreg $0xC0  }
0xae: {  	_ =	task [dreg:s10], $0x5FFFF  }
0xaf: {  	[dreg:$0x1] =	wrdreg $0xFFFFFFFF  }
0xb0: {  	[dreg:$0x0] =	wrdreg $0x60  }
0xb1: {  	[dreg:$0x2] =	wrdreg s2  }
0xb2: {  	[dreg:$0x3] =	wrdreg s19  }
0xb3: {  	[dreg:$0x4] =	wrdreg s4  }
0xb4: {  	[dreg:$0x5] =	wrdreg s5  }
0xb5: {  	[dreg:$0x6] =	wrdreg $0x9  }
0xb6: {  	_ =	task.clear_ibuf [dreg:s10], $0x7FFFF;
	_ =	strace $0x90000046  }
0xb7: {  	s29 =	simm.s32 $0x9;
	_ =	strace $0x80000048  }
0xb8: {  	_ =	swait.ge [sflag:s29], $0x1  }
0xb9: {  	[sflag:s29] =	ssyncadd.s32 $0xFFFFFFFF  }
0xba: {  	_ =	strace $0x90000048  }
0xbb: {  	_ =	sfence  }
0xbc: {  	s30 =	sld [smem:$0x0];
	_ =	sdelay $0x2  }
0xbd: {  	s31 =	sshll.u32 s1, $0xD;
	s1 =	sshrl.u32 s1, $0x2  }
0xbe: {  	s3 =	sand.u32 $0x4000, s31;
	s1 =	sadd.s32 s1, s30  }
0xbf: {  	s0 =	sor.u32 s3, s0;
	s1 =	sshll.u32 s1, $0x11  }
0xc0: {  	s0 =	sor.u32 s1, s0  }
0xc1: {  	s0 =	sadd.s32 $0x8F2B, s0  }
0xc2: {  	[sflag:s0] =	ssyncadd.remote.s32 $0x1  }
0xc3: {  	_ =	sfence.sel $0xFFFF  }
0xc4: {  	[dreg:$0x0] =	wrdreg $0xFFFFFFFF;
	(pc) =	sbr.abs _section_cstart, $3  }
0xc5: {  	[dreg:$0x1] =	wrdreg $0xFFFFFFFF  }
0xc6: {  	_ =	task.clear_ibuf [dreg:s10], $0x2FFFF;
	_ =	strace $0x9FFFFFFF  }
0xc7: {  	(tm) =	ssettm $0x7FFFFFFF  }
tec
execute0_lowered:
.L_overlay_start_1:
0x0: {  	(tag) =	ssettag $0x1  }
0x1: {  	s0 =	rddreg [dreg:$0x0]  }
0x2: {  	s1 =	rddreg [dreg:$0x1]  }
0x3: {  	s3 =	rddreg [dreg:$0x2];
	s2 =	srdreg.scid  }
0x4: {  	s4 =	rddreg [dreg:$0x3];
	s5 =	stileid.u32;
	s31 =	simm.s32 $0x10000  }
0x5: {  	s28 =	simm.s32 $0x2;
	s29 =	simm.s32 $0x5;
	s30 =	simm.s32 $0x6  }
0x6: {  	s2 =	sand.u32 $0x1, s2;
	s6 =	sshll.u32 s5, $0x9;
	s5 =	simm.s32 $0x0  }
0x7: {  	s7 =	sshll.u32 s2, $0x8;
	s2 =	ssub.s32 $0x2, s2;
	[smem:$0x7FF] =	sst s5  }
0x8: {  	s6 =	sor.u32 s7, s6;
	s18 =	sshrl.u32 s2, $0x1;
	_ =	strace $0x80000047  }
0x9: {  	s8 =	sshrl.u32 s6, $0x1;
	s2 =	ssub.s32 s2, s18;
	s19 =	sshll.u32 s6, $0x7  }
0xa: {  	s15 =	sor.u32 $0x10, s6;
	s16 =	sor.u32 $0x18, s6;
	s7 =	sadd.s32 s1, s8  }
0xb: {  	s11 =	sadd.s32 s3, s19;
	s20 =	sor.u32 $0x400, s19;
	s1 =	sadd.s32 s0, s19  }
0xc: {  	s23 =	smax.u32 s2, $0x1;
	s2 =	simm.s32 $0x800000;
	s19 =	simm.s32 $0x12000  }
0xd: {  	s8 =	sadd.s32 $0x10, s7;
	s9 =	sadd.s32 $0x20, s7;
	[dreg:$0x5] =	wrdreg s11  }
0xe: {  	s10 =	sadd.s32 $0x30, s7;
	[dreg:$0x6] =	wrdreg s1;
	s21 =	sadd.s32 s3, s20  }
0xf: {  	s22 =	sadd.s32 s0, s20;
	[dreg:$0x9] =	wrdreg s23;
	s24 =	sadd.s32 $0x40, s7  }
.Ltmp0:
0x10: {  	s1 =	simm.s32 $0x2000;
	[dreg:$0x7] =	wrdreg s21;
	(pc) =	sbr.rel .LBB2_1-.Ltmp0, $4  }
0x11: {  	s20 =	simm.s32 $0x8000;
	s11 =	simm.s32 $0x0;
	[dreg:$0x8] =	wrdreg s22  }
0x12: {  	[dreg:$0xa] =	wrdreg s24;
	s21 =	simm.s32 $0x7;
	s25 =	sadd.s32 $0x40, s8  }
0x13: {  	s26 =	sadd.s32 $0x40, s9;
	s22 =	simm.s32 $0x3;
	[dreg:$0xb] =	wrdreg s25  }
0x14: {  	s24 =	simm.s32 $0x1;
	[dreg:$0xc] =	wrdreg s26;
	s25 =	simm.s32 $0x4  }
.LBB2_36:
0x15: {  	_ =	swait.ge [sflag:s30], $0x8000  }
0x16: {  	s11 =	sadd.s32 $0x1, s11;
	s12 =	rddreg [dreg:$0x9]  }
0x17: {  	p0 =	sne.s32 s11, s12  }
.Ltmp1:
0x18: {  	_ = 	snop;
	(pc) =	sbr.rel @!p0 .LBB2_37-.Ltmp1, $3  }
0x19: {  	_ =	sdelay $0x1  }
0x1a: {  	[sflag:s30] =	ssyncset.done $0x0  }
0x1b: {  	[sflag:s30] =	ssyncadd.s32 $0xFFFF8000  }
.LBB2_1:
0x1c: {  	s12 =	simm.s32 $0x14000  }
0x1d: {  	[tilespmem:s12], [sflag:$0x7] =	stream.linear.gather [hbm4b:s7+s5], $0x80, $0x38;
	[tilespmem:$0x14400] =	vst v63  }
0x1e: {  	s23 =	rddreg [dreg:$0xa];
	s13 =	simm.s32 $0x14200  }
0x1f: {  	[tilespmem:s13], [sflag:$0x7] =	stream.linear.gather [hbm4b:s23+s5], $0x80, $0x38;
	[tilespmem:$0x14400] =	vst v63  }
0x20: {  	_ =	swait.ge [sflag:s21], $0x100  }
0x21: {  	[sflag:s21] =	ssyncset.done $0x0  }
0x22: {  	s26 =	simm.s32 $0x14080;
	[sflag:s21] =	ssyncadd.s32 $0xFFFFFF00  }
0x23: {  	[tilespmem:s26], [sflag:$0x7] =	stream.linear.gather [hbm4b:s8+s5], $0x80, $0x38;
	[tilespmem:$0x14400] =	vst v63  }
0x24: {  	s14 =	simm.s32 $0x14280;
	s13 =	rddreg [dreg:$0xb]  }
0x25: {  	[tilespmem:s14], [sflag:$0x7] =	stream.linear.gather [hbm4b:s13+s5], $0x80, $0x38;
	[tilespmem:$0x14400] =	vst v63  }
0x26: {  	_ =	swait.ge [sflag:s21], $0x100  }
0x27: {  	[sflag:s21] =	ssyncset.done $0x0  }
0x28: {  	s17 =	simm.s32 $0x14100;
	[sflag:s21] =	ssyncadd.s32 $0xFFFFFF00  }
0x29: {  	[tilespmem:s17], [sflag:$0x7] =	stream.linear.gather [hbm4b:s9+s5], $0x80, $0x38;
	[tilespmem:$0x14400] =	vst v63  }
0x2a: {  	s23 =	simm.s32 $0x14300;
	s18 =	rddreg [dreg:$0xc]  }
0x2b: {  	[tilespmem:s23], [sflag:$0x7] =	stream.linear.gather [hbm4b:s18+s5], $0x80, $0x38;
	[tilespmem:$0x14400] =	vst v63  }
0x2c: {  	_ =	swait.ge [sflag:s21], $0x100  }
0x2d: {  	[sflag:s21] =	ssyncset.done $0x0  }
0x2e: {  	s26 =	simm.s32 $0x14180;
	[sflag:s21] =	ssyncadd.s32 $0xFFFFFF00  }
0x2f: {  	[tilespmem:s26], [sflag:$0x7] =	stream.linear.gather [hbm4b:s10+s5], $0x80, $0x38;
	[tilespmem:$0x14400] =	vst v63  }
0x30: {  	s13 =	sadd.s32 $0x40, s10;
	s14 =	simm.s32 $0x14380  }
0x31: {  	[tilespmem:s14], [sflag:$0x7] =	stream.linear.gather [hbm4b:s13+s5], $0x80, $0x38;
	[tilespmem:$0x14400] =	vst v63  }
0x32: {  	_ =	swait.ge [sflag:s21], $0x100  }
0x33: {  	[sflag:s21] =	ssyncset.done $0x0  }
0x34: {  	s17 =	rddreg [dreg:$0x5];
	[sflag:s21] =	ssyncadd.s32 $0xFFFFFF00  }
0x35: {  	[tilespmem:s31], [sflag:$0x3] =	stream.linear.gather [hbm4b:s17+s5], $0x2000, $0x38;
	[tilespmem:$0x14400] =	vst v63  }
0x36: {  	s18 =	rddreg [dreg:$0x6]  }
0x37: {  	[tilespmem:s5], [sflag:$0x1] =	stream.strided.gather [hbm4b:s18+s1], $0x8000, s2, s1, $0x38;
	[tilespmem:$0x14400] =	vst v63  }
0x38: {  	s23 =	rddreg [dreg:$0x7]  }
0x39: {  	[tilespmem:s19], [sflag:$0x4] =	stream.linear.gather [hbm4b:s23+s5], $0x2000, $0x38;
	[tilespmem:$0x14400] =	vst v63  }
0x3a: {  	s12 =	simm.s32 $0x0;
	s26 =	rddreg [dreg:$0x8]  }
0x3b: {  	[tilespmem:s20], [sflag:$0x2] =	stream.strided.gather [hbm4b:s26+s1], $0x8000, s2, s1, $0x38;
	[tilespmem:$0x14400] =	vst v63  }
.LBB2_2:
0x3c: {  	s13 =	sshll.u32 s12, $0x4;
	s14 =	sshll.u32 s12, $0x6  }
0x3d: {  	s17 =	sand.u32 $0x70, s13;
	s14 =	sand.u32 $0x200, s14  }
0x3e: {  	s14 =	sor.u32 s17, s14  }
0x3f: {  	v3 =	vld [tilespmem:s14+$0x14000]  }
0x40: {  	v2 =	vld [tilespmem:s14+$0x14080]  }
0x41: {  	v1 =	vld [tilespmem:s14+$0x14100]  }
0x42: {  	v0 =	vld [tilespmem:s14+$0x14180];
	_ =	swait.ge [sflag:s22], $0x2000  }
0x43: {  	[sflag:s22] =	ssyncset.done $0x0  }
0x44: {  	[sflag:s22] =	ssyncadd.s32 $0xFFFFE000  }
0x45: {  	_ =	swait.ge [sflag:s24], $0x8000  }
0x46: {  	(v2sf) =	vpush v3, $0x0  }
0x47: {  	(v2sf) =	vpush v2, $0x0  }
0x48: {  	(v2sf) =	vpush v1, $0x0  }
0x49: {  	(v2sf) =	vpush v0, $0x0  }
0x4a: {  	[sflag:s24] =	ssyncset.done $0x0  }
0x4b: {  	s14 =	simm.s32 $0x0;
	[sflag:s24] =	ssyncadd.s32 $0xFFFF8000  }
0x4c: {  	v4 =	vld [tilespmem:s14+$0x10070]  }
0x4d: {  	v5 =	vld [tilespmem:s14+$0x6070]  }
0x4e: {  	v9 =	vld [tilespmem:s14+$0x10000]  }
0x4f: {  	v6 =	vld [tilespmem:s14+$0x0]  }
0x50: {  	v7 =	vld [tilespmem:s14+$0x2000]  }
0x51: {  	v8 =	vld [tilespmem:s14+$0x4000]  }
0x52: {  	v10 =	vld [tilespmem:s14+$0x6000]  }
0x53: {  	v11 =	vld [tilespmem:s14+$0x10010]  }
0x54: {  	v12 =	vld [tilespmem:s14+$0x10]  }
0x55: {  	v13 =	vld [tilespmem:s14+$0x2010];
	s17 =	spop (v2sf)  }
0x56: {  	v14 =	vld [tilespmem:s14+$0x4010];
	s18 =	spop (v2sf)  }
0x57: {  	v15 =	vld [tilespmem:s14+$0x6010];
	p1 =	seq.s32 s17, $0x0;
	s17 =	simm.f32 $0.0e+00;
	s23 =	spop (v2sf)  }
0x58: {  	v17 =	vld [tilespmem:s14+$0x10020];
	v18 =	vadd.f32 v6, v9;
	s17 =	simm.s32 @!p1 $0x3F800000;
	s26 =	spop (v2sf)  }
0x59: {  	v19 =	vld [tilespmem:s14+$0x20];
	v16 =	vadd.f32 v5, v4;
	v12 =	vadd.f32 v12, v11;
	v6 =	vmov s17;
	p0 =	seq.s32 s26, $0x0;
	s26 =	simm.f32 $0.0e+00  }
0x5a: {  	v21 =	vld [tilespmem:s14+$0x2020];
	v20 =	vadd.f32 v7, v9;
	v22 =	vadd.f32 v8, v9;
	v18 =	vmul.f32 v18, v6;
	s26 =	simm.s32 @!p0 $0x3F800000  }
0x5b: {  	v23 =	vld [tilespmem:s14+$0x4020];
	v9 =	vadd.f32 v10, v9;
	v12 =	vmul.f32 v12, v6;
	p0 =	seq.s32 s18, $0x0;
	s18 =	simm.f32 $0.0e+00;
	v5 =	vmov s26  }
0x5c: {  	v61 =	vld [tilespmem:s14+$0x10030];
	s18 =	simm.s32 @!p0 $0x3F800000;
	p0 =	seq.s32 s23, $0x0;
	s23 =	simm.f32 $0.0e+00;
	[tilespmem:s14+$0x0] =	vst v18;
	v16 =	vmul.f32 v16, v5  }
0x5d: {  	v62 =	vld [tilespmem:s14+$0x40];
	[tilespmem:s14+$0x10] =	vst v12;
	s23 =	simm.s32 @!p0 $0x3F800000;
	v7 =	vmov s18;
	v9 =	vmul.f32 v9, v5  }
0x5e: {  	v10 =	vld [tilespmem:s14+$0x6020];
	v13 =	vadd.f32 v13, v11;
	v8 =	vmov s23;
	[tilespmem:s14+$0x6070] =	vst v16;
	v16 =	vmul.f32 v20, v7  }
0x5f: {  	v14 =	vadd.f32 v14, v11;
	v11 =	vadd.f32 v15, v11;
	v15 =	vld [tilespmem:s14+$0x6030];
	v18 =	vmul.f32 v22, v8;
	[tilespmem:s14+$0x6000] =	vst v9  }
0x60: {  	v9 =	vmul.f32 v13, v7;
	[tilespmem:s14+$0x2000] =	vst v16;
	v16 =	vld [tilespmem:s14+$0x30]  }
0x61: {  	v12 =	vmul.f32 v14, v8;
	v14 =	vadd.f32 v19, v17;
	[tilespmem:s14+$0x4000] =	vst v18;
	v18 =	vld [tilespmem:s14+$0x2030]  }
0x62: {  	v13 =	vld [tilespmem:s14+$0x4030];
	[tilespmem:s14+$0x2010] =	vst v9;
	v9 =	vmul.f32 v11, v5;
	v11 =	vadd.f32 v21, v17  }
0x63: {  	v19 =	vld [tilespmem:s14+$0x10040];
	[tilespmem:s14+$0x4010] =	vst v12;
	v12 =	vmul.f32 v14, v6;
	v14 =	vadd.f32 v23, v17  }
0x64: {  	v10 =	vadd.f32 v10, v17;
	v17 =	vld [tilespmem:s14+$0x6040];
	[tilespmem:s14+$0x6010] =	vst v9;
	v9 =	vmul.f32 v11, v7  }
0x65: {  	v11 =	vld [tilespmem:s14+$0x2040];
	[tilespmem:s14+$0x20] =	vst v12;
	v12 =	vmul.f32 v14, v8;
	v14 =	vadd.f32 v16, v61  }
0x66: {  	[tilespmem:s14+$0x2020] =	vst v9;
	v9 =	vmul.f32 v10, v5;
	v16 =	vld [tilespmem:s14+$0x4040];
	v10 =	vadd.f32 v18, v61  }
0x67: {  	v13 =	vadd.f32 v13, v61;
	[tilespmem:s14+$0x4020] =	vst v12;
	v18 =	vld [tilespmem:s14+$0x10050];
	v12 =	vmul.f32 v14, v6  }
0x68: {  	[tilespmem:s14+$0x6020] =	vst v9;
	v9 =	vmul.f32 v10, v7;
	v10 =	vadd.f32 v15, v61;
	v15 =	vld [tilespmem:s14+$0x2050]  }
0x69: {  	v14 =	vld [tilespmem:s14+$0x50];
	[tilespmem:s14+$0x30] =	vst v12;
	v12 =	vmul.f32 v13, v8;
	v13 =	vadd.f32 v62, v19  }
0x6a: {  	v63 =	vld [tilespmem:s14+$0x4050];
	[tilespmem:s14+$0x2030] =	vst v9;
	v9 =	vmul.f32 v10, v5;
	v10 =	vadd.f32 v11, v19  }
0x6b: {  	[tilespmem:s14+$0x4030] =	vst v12;
	v11 =	vmul.f32 v13, v6;
	v12 =	vadd.f32 v16, v19;
	v13 =	vld [tilespmem:s14+$0x6050]  }
0x6c: {  	[tilespmem:s14+$0x6030] =	vst v9;
	v10 =	vmul.f32 v10, v7;
	v16 =	vadd.f32 v17, v19;
	v9 =	vld [tilespmem:s14+$0x10060]  }
0x6d: {  	v17 =	vld [tilespmem:s14+$0x60];
	v15 =	vadd.f32 v15, v18;
	[tilespmem:s14+$0x40] =	vst v11;
	v11 =	vmul.f32 v12, v8  }
0x6e: {  	v12 =	vadd.f32 v14, v18;
	[tilespmem:s14+$0x2040] =	vst v10;
	v10 =	vmul.f32 v16, v5;
	v14 =	vld [tilespmem:s14+$0x2060]  }
0x6f: {  	v16 =	vadd.f32 v63, v18;
	v15 =	vmul.f32 v15, v7;
	[tilespmem:s14+$0x4040] =	vst v11;
	v11 =	vld [tilespmem:s14+$0x4060]  }
0x70: {  	v12 =	vmul.f32 v12, v6;
	[tilespmem:s14+$0x6040] =	vst v10;
	v18 =	vadd.f32 v13, v18;
	v13 =	vld [tilespmem:s14+$0x6060]  }
0x71: {  	v10 =	vld [tilespmem:s14+$0x70];
	v16 =	vmul.f32 v16, v8;
	[tilespmem:s14+$0x2050] =	vst v15  }
0x72: {  	s17 =	simm.s32 $0x0;
	s18 =	simm.s32 $0x1000;
	v17 =	vadd.f32 v17, v9;
	[tilespmem:s14+$0x50] =	vst v12;
	v12 =	vld [tilespmem:s14+$0x2070];
	v15 =	vmul.f32 v18, v5  }
.LBB2_3:
0x73: {  	s23 =	sshra.s32 s18, $0x2;
	[tilespmem:s14+$0x4050] =	vst v16;
	v14 =	vadd.f32 v14, v9;
	v16 =	vld [tilespmem:s14+$0x4070]  }
0x74: {  	s17 =	sadd.s32 $0x8, s17;
	v18 =	vld [tilespmem:s23+$0x10070];
	[tilespmem:s14+$0x6050] =	vst v15;
	v15 =	vmul.f32 v17, v6;
	v11 =	vadd.f32 v11, v9  }
0x75: {  	p0 =	slt.u32 s17, $0x38;
	v17 =	vld [tilespmem:s23+$0x6070];
	v14 =	vmul.f32 v14, v7;
	v9 =	vadd.f32 v13, v9  }
0x76: {  	v13 =	vld [tilespmem:s23+$0x10000];
	[tilespmem:s14+$0x60] =	vst v15;
	v11 =	vmul.f32 v11, v8;
	v10 =	vadd.f32 v10, v4  }
0x77: {  	v15 =	vld [tilespmem:s23+$0x0];
	[tilespmem:s14+$0x2060] =	vst v14;
	v9 =	vmul.f32 v9, v5;
	v12 =	vadd.f32 v12, v4  }
0x78: {  	v14 =	vld [tilespmem:s23+$0x2000];
	[tilespmem:s14+$0x4060] =	vst v11;
	v10 =	vmul.f32 v10, v6;
	v11 =	vadd.f32 v16, v4  }
0x79: {  	v16 =	vld [tilespmem:s23+$0x4000];
	[tilespmem:s14+$0x6060] =	vst v9;
	v9 =	vmul.f32 v12, v7;
	v4 =	vmov v18  }
0x7a: {  	v12 =	vld [tilespmem:s23+$0x6000];
	v17 =	vadd.f32 v17, v4;
	[tilespmem:s14+$0x70] =	vst v10;
	v10 =	vmul.f32 v11, v8  }
0x7b: {  	v11 =	vld [tilespmem:s23+$0x10010];
	[tilespmem:s14+$0x2070] =	vst v9  }
0x7c: {  	v9 =	vadd.f32 v15, v13;
	v15 =	vld [tilespmem:s23+$0x10];
	v17 =	vmul.f32 v17, v5;
	[tilespmem:s14+$0x4070] =	vst v10;
	s14 =	smov.u32 s23  }
0x7d: {  	v10 =	vadd.f32 v14, v13;
	v14 =	vld [tilespmem:s14+$0x2010]  }
0x7e: {  	v9 =	vmul.f32 v9, v6;
	v16 =	vadd.f32 v16, v13;
	v18 =	vld [tilespmem:s14+$0x4010];
	[tilespmem:s14+$0x6070] =	vst v17  }
0x7f: {  	v10 =	vmul.f32 v10, v7;
	v12 =	vadd.f32 v12, v13;
	v13 =	vld [tilespmem:s14+$0x6010]  }
0x80: {  	[tilespmem:s14+$0x0] =	vst v9;
	v9 =	vmul.f32 v16, v8;
	v16 =	vld [tilespmem:s14+$0x10020]  }
0x81: {  	[tilespmem:s14+$0x2000] =	vst v10;
	v10 =	vmul.f32 v12, v5;
	v12 =	vadd.f32 v15, v11;
	v15 =	vld [tilespmem:s14+$0x20]  }
0x82: {  	[tilespmem:s14+$0x4000] =	vst v9;
	v9 =	vadd.f32 v14, v11;
	v14 =	vld [tilespmem:s14+$0x2020]  }
0x83: {  	[tilespmem:s14+$0x6000] =	vst v10;
	v10 =	vmul.f32 v12, v6;
	v12 =	vadd.f32 v18, v11;
	v17 =	vld [tilespmem:s14+$0x4020]  }
0x84: {  	v9 =	vmul.f32 v9, v7;
	v11 =	vadd.f32 v13, v11;
	v13 =	vld [tilespmem:s14+$0x6020]  }
0x85: {  	[tilespmem:s14+$0x10] =	vst v10;
	v10 =	vmul.f32 v12, v8;
	v12 =	vld [tilespmem:s14+$0x10030]  }
0x86: {  	[tilespmem:s14+$0x2010] =	vst v9;
	v9 =	vmul.f32 v11, v5;
	v11 =	vadd.f32 v15, v16;
	v15 =	vld [tilespmem:s14+$0x30]  }
0x87: {  	[tilespmem:s14+$0x4010] =	vst v10;
	v10 =	vadd.f32 v14, v16;
	v14 =	vld [tilespmem:s14+$0x2030]  }
0x88: {  	[tilespmem:s14+$0x6010] =	vst v9;
	v9 =	vmul.f32 v11, v6;
	v11 =	vadd.f32 v17, v16;
	v17 =	vld [tilespmem:s14+$0x4030]  }
0x89: {  	v10 =	vmul.f32 v10, v7;
	v13 =	vadd.f32 v13, v16;
	v16 =	vld [tilespmem:s14+$0x6030]  }
0x8a: {  	[tilespmem:s14+$0x20] =	vst v9;
	v9 =	vmul.f32 v11, v8;
	v11 =	vld [tilespmem:s14+$0x10040]  }
0x8b: {  	[tilespmem:s14+$0x2020] =	vst v10;
	v10 =	vmul.f32 v13, v5;
	v13 =	vadd.f32 v15, v12;
	v15 =	vld [tilespmem:s14+$0x40]  }
0x8c: {  	[tilespmem:s14+$0x4020] =	vst v9;
	v9 =	vadd.f32 v14, v12;
	v14 =	vld [tilespmem:s14+$0x2040]  }
0x8d: {  	[tilespmem:s14+$0x6020] =	vst v10;
	v10 =	vmul.f32 v13, v6;
	v13 =	vadd.f32 v17, v12;
	v17 =	vld [tilespmem:s14+$0x4040]  }
0x8e: {  	v9 =	vmul.f32 v9, v7;
	v12 =	vadd.f32 v16, v12;
	v16 =	vld [tilespmem:s14+$0x6040]  }
0x8f: {  	[tilespmem:s14+$0x30] =	vst v10;
	v10 =	vmul.f32 v13, v8;
	v13 =	vld [tilespmem:s14+$0x10050]  }
0x90: {  	[tilespmem:s14+$0x2030] =	vst v9;
	v9 =	vmul.f32 v12, v5;
	v12 =	vadd.f32 v15, v11;
	v15 =	vld [tilespmem:s14+$0x50]  }
0x91: {  	[tilespmem:s14+$0x4030] =	vst v10;
	v10 =	vadd.f32 v14, v11;
	v14 =	vld [tilespmem:s14+$0x2050]  }
0x92: {  	[tilespmem:s14+$0x6030] =	vst v9;
	v9 =	vmul.f32 v12, v6;
	v12 =	vadd.f32 v17, v11;
	v17 =	vld [tilespmem:s14+$0x4050]  }
0x93: {  	v10 =	vmul.f32 v10, v7;
	v11 =	vadd.f32 v16, v11;
	v16 =	vld [tilespmem:s14+$0x6050]  }
0x94: {  	[tilespmem:s14+$0x40] =	vst v9;
	v12 =	vmul.f32 v12, v8;
	v9 =	vld [tilespmem:s14+$0x10060]  }
0x95: {  	[tilespmem:s14+$0x2040] =	vst v10;
	v10 =	vmul.f32 v11, v5;
	v11 =	vadd.f32 v15, v13;
	v18 =	vld [tilespmem:s14+$0x60]  }
.Ltmp2:
0x96: {  	[tilespmem:s14+$0x4040] =	vst v12;
	v12 =	vadd.f32 v14, v13;
	v14 =	vld [tilespmem:s14+$0x2060];
	(pc) =	sbr.rel @p0 .LBB2_3-.Ltmp2, $4  }
0x97: {  	[tilespmem:s14+$0x6040] =	vst v10;
	v10 =	vmul.f32 v11, v6;
	v15 =	vadd.f32 v17, v13;
	v11 =	vld [tilespmem:s14+$0x4060]  }
0x98: {  	v12 =	vmul.f32 v12, v7;
	v17 =	vadd.f32 v16, v13;
	v13 =	vld [tilespmem:s14+$0x6060]  }
0x99: {  	[tilespmem:s14+$0x50] =	vst v10;
	v16 =	vmul.f32 v15, v8;
	v10 =	vld [tilespmem:s14+$0x70]  }
0x9a: {  	s18 =	sadd.s32 $0x1000, s18;
	[tilespmem:s14+$0x2050] =	vst v12;
	v15 =	vmul.f32 v17, v5;
	v17 =	vadd.f32 v18, v9;
	v12 =	vld [tilespmem:s14+$0x2070]  }
0x9b: {  	v14 =	vadd.f32 v14, v9;
	v18 =	vld [tilespmem:s14+$0x4070]  }
0x9c: {  	[tilespmem:s14+$0x4050] =	vst v16;
	v16 =	vmul.f32 v17, v6;
	v11 =	vadd.f32 v11, v9  }
0x9d: {  	[tilespmem:s14+$0x6050] =	vst v15;
	v14 =	vmul.f32 v14, v7;
	v9 =	vadd.f32 v13, v9  }
0x9e: {  	[tilespmem:s14+$0x60] =	vst v16;
	v11 =	vmul.f32 v11, v8;
	v10 =	vadd.f32 v10, v4  }
0x9f: {  	(v2sf) =	vpush v3, $0x1;
	[tilespmem:s14+$0x2060] =	vst v14;
	v5 =	vmul.f32 v9, v5;
	v9 =	vadd.f32 v12, v4  }
0xa0: {  	(v2sf) =	vpush v2, $0x1;
	[tilespmem:s14+$0x4060] =	vst v11;
	v6 =	vmul.f32 v10, v6;
	v4 =	vadd.f32 v18, v4  }
0xa1: {  	(v2sf) =	vpush v1, $0x1;
	[tilespmem:s14+$0x6060] =	vst v5;
	v5 =	vmul.f32 v9, v7  }
0xa2: {  	(v2sf) =	vpush v0, $0x1;
	[tilespmem:s14+$0x70] =	vst v6;
	v4 =	vmul.f32 v4, v8  }
0xa3: {  	[tilespmem:s14+$0x2070] =	vst v5  }
0xa4: {  	[tilespmem:s14+$0x4070] =	vst v4;
	s14 =	simm.s32 $0x0  }
0xa5: {  	v4 =	vld [tilespmem:s14+$0x100F0]  }
0xa6: {  	v5 =	vld [tilespmem:s14+$0x60F0]  }
0xa7: {  	v9 =	vld [tilespmem:s14+$0x10080]  }
0xa8: {  	v6 =	vld [tilespmem:s14+$0x80]  }
0xa9: {  	v7 =	vld [tilespmem:s14+$0x2080]  }
0xaa: {  	v8 =	vld [tilespmem:s14+$0x4080]  }
0xab: {  	v10 =	vld [tilespmem:s14+$0x6080]  }
0xac: {  	v11 =	vld [tilespmem:s14+$0x10090]  }
0xad: {  	v12 =	vld [tilespmem:s14+$0x90]  }
0xae: {  	v13 =	vld [tilespmem:s14+$0x2090];
	s17 =	spop (v2sf)  }
0xaf: {  	v14 =	vld [tilespmem:s14+$0x4090];
	s18 =	spop (v2sf)  }
0xb0: {  	v15 =	vld [tilespmem:s14+$0x6090];
	p1 =	seq.s32 s17, $0x0;
	s17 =	simm.f32 $0.0e+00;
	s23 =	spop (v2sf)  }
0xb1: {  	v17 =	vld [tilespmem:s14+$0x100A0];
	v18 =	vadd.f32 v6, v9;
	s17 =	simm.s32 @!p1 $0x3F800000;
	s26 =	spop (v2sf)  }
0xb2: {  	v19 =	vld [tilespmem:s14+$0xA0];
	v16 =	vadd.f32 v5, v4;
	v12 =	vadd.f32 v12, v11;
	v6 =	vmov s17;
	p0 =	seq.s32 s26, $0x0;
	s26 =	simm.f32 $0.0e+00  }
0xb3: {  	v21 =	vld [tilespmem:s14+$0x20A0];
	v20 =	vadd.f32 v7, v9;
	v22 =	vadd.f32 v8, v9;
	v18 =	vmul.f32 v18, v6;
	s26 =	simm.s32 @!p0 $0x3F800000  }
0xb4: {  	v23 =	vld [tilespmem:s14+$0x40A0];
	v9 =	vadd.f32 v10, v9;
	v12 =	vmul.f32 v12, v6;
	p0 =	seq.s32 s18, $0x0;
	s18 =	simm.f32 $0.0e+00;
	v5 =	vmov s26  }
0xb5: {  	v61 =	vld [tilespmem:s14+$0x100B0];
	s18 =	simm.s32 @!p0 $0x3F800000;
	p0 =	seq.s32 s23, $0x0;
	s23 =	simm.f32 $0.0e+00;
	[tilespmem:s14+$0x80] =	vst v18;
	v16 =	vmul.f32 v16, v5  }
0xb6: {  	v62 =	vld [tilespmem:s14+$0xC0];
	[tilespmem:s14+$0x90] =	vst v12;
	s23 =	simm.s32 @!p0 $0x3F800000;
	v7 =	vmov s18;
	v9 =	vmul.f32 v9, v5  }
0xb7: {  	v10 =	vld [tilespmem:s14+$0x60A0];
	v13 =	vadd.f32 v13, v11;
	v8 =	vmov s23;
	[tilespmem:s14+$0x60F0] =	vst v16;
	v16 =	vmul.f32 v20, v7  }
0xb8: {  	v14 =	vadd.f32 v14, v11;
	v11 =	vadd.f32 v15, v11;
	v15 =	vld [tilespmem:s14+$0x60B0];
	v18 =	vmul.f32 v22, v8;
	[tilespmem:s14+$0x6080] =	vst v9  }
0xb9: {  	v9 =	vmul.f32 v13, v7;
	[tilespmem:s14+$0x2080] =	vst v16;
	v16 =	vld [tilespmem:s14+$0xB0]  }
0xba: {  	v12 =	vmul.f32 v14, v8;
	v14 =	vadd.f32 v19, v17;
	[tilespmem:s14+$0x4080] =	vst v18;
	v18 =	vld [tilespmem:s14+$0x20B0]  }
0xbb: {  	v13 =	vld [tilespmem:s14+$0x40B0];
	[tilespmem:s14+$0x2090] =	vst v9;
	v9 =	vmul.f32 v11, v5;
	v11 =	vadd.f32 v21, v17  }
0xbc: {  	v19 =	vld [tilespmem:s14+$0x100C0];
	[tilespmem:s14+$0x4090] =	vst v12;
	v12 =	vmul.f32 v14, v6;
	v14 =	vadd.f32 v23, v17  }
0xbd: {  	v10 =	vadd.f32 v10, v17;
	v17 =	vld [tilespmem:s14+$0x60C0];
	[tilespmem:s14+$0x6090] =	vst v9;
	v9 =	vmul.f32 v11, v7  }
0xbe: {  	v11 =	vld [tilespmem:s14+$0x20C0];
	[tilespmem:s14+$0xA0] =	vst v12;
	v12 =	vmul.f32 v14, v8;
	v14 =	vadd.f32 v16, v61  }
0xbf: {  	[tilespmem:s14+$0x20A0] =	vst v9;
	v9 =	vmul.f32 v10, v5;
	v16 =	vld [tilespmem:s14+$0x40C0];
	v10 =	vadd.f32 v18, v61  }
0xc0: {  	v13 =	vadd.f32 v13, v61;
	[tilespmem:s14+$0x40A0] =	vst v12;
	v18 =	vld [tilespmem:s14+$0x100D0];
	v12 =	vmul.f32 v14, v6  }
0xc1: {  	[tilespmem:s14+$0x60A0] =	vst v9;
	v9 =	vmul.f32 v10, v7;
	v10 =	vadd.f32 v15, v61;
	v15 =	vld [tilespmem:s14+$0x20D0]  }
0xc2: {  	v14 =	vld [tilespmem:s14+$0xD0];
	[tilespmem:s14+$0xB0] =	vst v12;
	v12 =	vmul.f32 v13, v8;
	v13 =	vadd.f32 v62, v19  }
0xc3: {  	v63 =	vld [tilespmem:s14+$0x40D0];
	[tilespmem:s14+$0x20B0] =	vst v9;
	v9 =	vmul.f32 v10, v5;
	v10 =	vadd.f32 v11, v19  }
0xc4: {  	[tilespmem:s14+$0x40B0] =	vst v12;
	v11 =	vmul.f32 v13, v6;
	v12 =	vadd.f32 v16, v19;
	v13 =	vld [tilespmem:s14+$0x60D0]  }
0xc5: {  	[tilespmem:s14+$0x60B0] =	vst v9;
	v10 =	vmul.f32 v10, v7;
	v16 =	vadd.f32 v17, v19;
	v9 =	vld [tilespmem:s14+$0x100E0]  }
0xc6: {  	v17 =	vld [tilespmem:s14+$0xE0];
	v15 =	vadd.f32 v15, v18;
	[tilespmem:s14+$0xC0] =	vst v11;
	v11 =	vmul.f32 v12, v8  }
0xc7: {  	v12 =	vadd.f32 v14, v18;
	[tilespmem:s14+$0x20C0] =	vst v10;
	v10 =	vmul.f32 v16, v5;
	v14 =	vld [tilespmem:s14+$0x20E0]  }
0xc8: {  	v16 =	vadd.f32 v63, v18;
	v15 =	vmul.f32 v15, v7;
	[tilespmem:s14+$0x40C0] =	vst v11;
	v11 =	vld [tilespmem:s14+$0x40E0]  }
0xc9: {  	v12 =	vmul.f32 v12, v6;
	[tilespmem:s14+$0x60C0] =	vst v10;
	v18 =	vadd.f32 v13, v18;
	v13 =	vld [tilespmem:s14+$0x60E0]  }
0xca: {  	v10 =	vld [tilespmem:s14+$0xF0];
	v16 =	vmul.f32 v16, v8;
	[tilespmem:s14+$0x20D0] =	vst v15  }
0xcb: {  	s17 =	simm.s32 $0x0;
	s18 =	simm.s32 $0x1000;
	v17 =	vadd.f32 v17, v9;
	[tilespmem:s14+$0xD0] =	vst v12;
	v12 =	vld [tilespmem:s14+$0x20F0];
	v15 =	vmul.f32 v18, v5  }
.LBB2_5:
0xcc: {  	s23 =	sshra.s32 s18, $0x2;
	[tilespmem:s14+$0x40D0] =	vst v16;
	v14 =	vadd.f32 v14, v9;
	v16 =	vld [tilespmem:s14+$0x40F0]  }
0xcd: {  	s17 =	sadd.s32 $0x8, s17;
	v18 =	vld [tilespmem:s23+$0x100F0];
	[tilespmem:s14+$0x60D0] =	vst v15;
	v15 =	vmul.f32 v17, v6;
	v11 =	vadd.f32 v11, v9  }
0xce: {  	p0 =	slt.u32 s17, $0x38;
	v17 =	vld [tilespmem:s23+$0x60F0];
	v14 =	vmul.f32 v14, v7;
	v9 =	vadd.f32 v13, v9  }
0xcf: {  	v13 =	vld [tilespmem:s23+$0x10080];
	[tilespmem:s14+$0xE0] =	vst v15;
	v11 =	vmul.f32 v11, v8;
	v10 =	vadd.f32 v10, v4  }
0xd0: {  	v15 =	vld [tilespmem:s23+$0x80];
	[tilespmem:s14+$0x20E0] =	vst v14;
	v9 =	vmul.f32 v9, v5;
	v12 =	vadd.f32 v12, v4  }
0xd1: {  	v14 =	vld [tilespmem:s23+$0x2080];
	[tilespmem:s14+$0x40E0] =	vst v11;
	v10 =	vmul.f32 v10, v6;
	v11 =	vadd.f32 v16, v4  }
0xd2: {  	v16 =	vld [tilespmem:s23+$0x4080];
	[tilespmem:s14+$0x60E0] =	vst v9;
	v9 =	vmul.f32 v12, v7;
	v4 =	vmov v18  }
0xd3: {  	v12 =	vld [tilespmem:s23+$0x6080];
	v17 =	vadd.f32 v17, v4;
	[tilespmem:s14+$0xF0] =	vst v10;
	v10 =	vmul.f32 v11, v8  }
0xd4: {  	v11 =	vld [tilespmem:s23+$0x10090];
	[tilespmem:s14+$0x20F0] =	vst v9  }
0xd5: {  	v9 =	vadd.f32 v15, v13;
	v15 =	vld [tilespmem:s23+$0x90];
	v17 =	vmul.f32 v17, v5;
	[tilespmem:s14+$0x40F0] =	vst v10;
	s14 =	smov.u32 s23  }
0xd6: {  	v10 =	vadd.f32 v14, v13;
	v14 =	vld [tilespmem:s14+$0x2090]  }
0xd7: {  	v9 =	vmul.f32 v9, v6;
	v16 =	vadd.f32 v16, v13;
	v18 =	vld [tilespmem:s14+$0x4090];
	[tilespmem:s14+$0x60F0] =	vst v17  }
0xd8: {  	v10 =	vmul.f32 v10, v7;
	v12 =	vadd.f32 v12, v13;
	v13 =	vld [tilespmem:s14+$0x6090]  }
0xd9: {  	[tilespmem:s14+$0x80] =	vst v9;
	v9 =	vmul.f32 v16, v8;
	v16 =	vld [tilespmem:s14+$0x100A0]  }
0xda: {  	[tilespmem:s14+$0x2080] =	vst v10;
	v10 =	vmul.f32 v12, v5;
	v12 =	vadd.f32 v15, v11;
	v15 =	vld [tilespmem:s14+$0xA0]  }
0xdb: {  	[tilespmem:s14+$0x4080] =	vst v9;
	v9 =	vadd.f32 v14, v11;
	v14 =	vld [tilespmem:s14+$0x20A0]  }
0xdc: {  	[tilespmem:s14+$0x6080] =	vst v10;
	v10 =	vmul.f32 v12, v6;
	v12 =	vadd.f32 v18, v11;
	v17 =	vld [tilespmem:s14+$0x40A0]  }
0xdd: {  	v9 =	vmul.f32 v9, v7;
	v11 =	vadd.f32 v13, v11;
	v13 =	vld [tilespmem:s14+$0x60A0]  }
0xde: {  	[tilespmem:s14+$0x90] =	vst v10;
	v10 =	vmul.f32 v12, v8;
	v12 =	vld [tilespmem:s14+$0x100B0]  }
0xdf: {  	[tilespmem:s14+$0x2090] =	vst v9;
	v9 =	vmul.f32 v11, v5;
	v11 =	vadd.f32 v15, v16;
	v15 =	vld [tilespmem:s14+$0xB0]  }
0xe0: {  	[tilespmem:s14+$0x4090] =	vst v10;
	v10 =	vadd.f32 v14, v16;
	v14 =	vld [tilespmem:s14+$0x20B0]  }
0xe1: {  	[tilespmem:s14+$0x6090] =	vst v9;
	v9 =	vmul.f32 v11, v6;
	v11 =	vadd.f32 v17, v16;
	v17 =	vld [tilespmem:s14+$0x40B0]  }
0xe2: {  	v10 =	vmul.f32 v10, v7;
	v13 =	vadd.f32 v13, v16;
	v16 =	vld [tilespmem:s14+$0x60B0]  }
0xe3: {  	[tilespmem:s14+$0xA0] =	vst v9;
	v9 =	vmul.f32 v11, v8;
	v11 =	vld [tilespmem:s14+$0x100C0]  }
0xe4: {  	[tilespmem:s14+$0x20A0] =	vst v10;
	v10 =	vmul.f32 v13, v5;
	v13 =	vadd.f32 v15, v12;
	v15 =	vld [tilespmem:s14+$0xC0]  }
0xe5: {  	[tilespmem:s14+$0x40A0] =	vst v9;
	v9 =	vadd.f32 v14, v12;
	v14 =	vld [tilespmem:s14+$0x20C0]  }
0xe6: {  	[tilespmem:s14+$0x60A0] =	vst v10;
	v10 =	vmul.f32 v13, v6;
	v13 =	vadd.f32 v17, v12;
	v17 =	vld [tilespmem:s14+$0x40C0]  }
0xe7: {  	v9 =	vmul.f32 v9, v7;
	v12 =	vadd.f32 v16, v12;
	v16 =	vld [tilespmem:s14+$0x60C0]  }
0xe8: {  	[tilespmem:s14+$0xB0] =	vst v10;
	v10 =	vmul.f32 v13, v8;
	v13 =	vld [tilespmem:s14+$0x100D0]  }
0xe9: {  	[tilespmem:s14+$0x20B0] =	vst v9;
	v9 =	vmul.f32 v12, v5;
	v12 =	vadd.f32 v15, v11;
	v15 =	vld [tilespmem:s14+$0xD0]  }
0xea: {  	[tilespmem:s14+$0x40B0] =	vst v10;
	v10 =	vadd.f32 v14, v11;
	v14 =	vld [tilespmem:s14+$0x20D0]  }
0xeb: {  	[tilespmem:s14+$0x60B0] =	vst v9;
	v9 =	vmul.f32 v12, v6;
	v12 =	vadd.f32 v17, v11;
	v17 =	vld [tilespmem:s14+$0x40D0]  }
0xec: {  	v10 =	vmul.f32 v10, v7;
	v11 =	vadd.f32 v16, v11;
	v16 =	vld [tilespmem:s14+$0x60D0]  }
0xed: {  	[tilespmem:s14+$0xC0] =	vst v9;
	v12 =	vmul.f32 v12, v8;
	v9 =	vld [tilespmem:s14+$0x100E0]  }
0xee: {  	[tilespmem:s14+$0x20C0] =	vst v10;
	v10 =	vmul.f32 v11, v5;
	v11 =	vadd.f32 v15, v13;
	v18 =	vld [tilespmem:s14+$0xE0]  }
.Ltmp3:
0xef: {  	[tilespmem:s14+$0x40C0] =	vst v12;
	v12 =	vadd.f32 v14, v13;
	v14 =	vld [tilespmem:s14+$0x20E0];
	(pc) =	sbr.rel @p0 .LBB2_5-.Ltmp3, $4  }
0xf0: {  	[tilespmem:s14+$0x60C0] =	vst v10;
	v10 =	vmul.f32 v11, v6;
	v15 =	vadd.f32 v17, v13;
	v11 =	vld [tilespmem:s14+$0x40E0]  }
0xf1: {  	v12 =	vmul.f32 v12, v7;
	v17 =	vadd.f32 v16, v13;
	v13 =	vld [tilespmem:s14+$0x60E0]  }
0xf2: {  	[tilespmem:s14+$0xD0] =	vst v10;
	v16 =	vmul.f32 v15, v8;
	v10 =	vld [tilespmem:s14+$0xF0]  }
0xf3: {  	s18 =	sadd.s32 $0x1000, s18;
	[tilespmem:s14+$0x20D0] =	vst v12;
	v15 =	vmul.f32 v17, v5;
	v17 =	vadd.f32 v18, v9;
	v12 =	vld [tilespmem:s14+$0x20F0]  }
0xf4: {  	v14 =	vadd.f32 v14, v9;
	v18 =	vld [tilespmem:s14+$0x40F0]  }
0xf5: {  	[tilespmem:s14+$0x40D0] =	vst v16;
	v16 =	vmul.f32 v17, v6;
	v11 =	vadd.f32 v11, v9  }
0xf6: {  	[tilespmem:s14+$0x60D0] =	vst v15;
	v14 =	vmul.f32 v14, v7;
	v9 =	vadd.f32 v13, v9  }
0xf7: {  	[tilespmem:s14+$0xE0] =	vst v16;
	v11 =	vmul.f32 v11, v8;
	v10 =	vadd.f32 v10, v4  }
0xf8: {  	(v2sf) =	vpush v3, $0x2;
	[tilespmem:s14+$0x20E0] =	vst v14;
	v5 =	vmul.f32 v9, v5;
	v9 =	vadd.f32 v12, v4  }
0xf9: {  	(v2sf) =	vpush v2, $0x2;
	[tilespmem:s14+$0x40E0] =	vst v11;
	v6 =	vmul.f32 v10, v6;
	v4 =	vadd.f32 v18, v4  }
0xfa: {  	(v2sf) =	vpush v1, $0x2;
	[tilespmem:s14+$0x60E0] =	vst v5;
	v5 =	vmul.f32 v9, v7  }
0xfb: {  	(v2sf) =	vpush v0, $0x2;
	[tilespmem:s14+$0xF0] =	vst v6;
	v4 =	vmul.f32 v4, v8  }
0xfc: {  	[tilespmem:s14+$0x20F0] =	vst v5  }
0xfd: {  	[tilespmem:s14+$0x40F0] =	vst v4;
	s14 =	simm.s32 $0x0  }
0xfe: {  	v4 =	vld [tilespmem:s14+$0x10170]  }
0xff: {  	v5 =	vld [tilespmem:s14+$0x6170]  }
0x100: {  	v9 =	vld [tilespmem:s14+$0x10100]  }
0x101: {  	v6 =	vld [tilespmem:s14+$0x100]  }
0x102: {  	v7 =	vld [tilespmem:s14+$0x2100]  }
0x103: {  	v8 =	vld [tilespmem:s14+$0x4100]  }
0x104: {  	v10 =	vld [tilespmem:s14+$0x6100]  }
0x105: {  	v11 =	vld [tilespmem:s14+$0x10110]  }
0x106: {  	v12 =	vld [tilespmem:s14+$0x110]  }
0x107: {  	v13 =	vld [tilespmem:s14+$0x2110];
	s17 =	spop (v2sf)  }
0x108: {  	v14 =	vld [tilespmem:s14+$0x4110];
	s18 =	spop (v2sf)  }
0x109: {  	v15 =	vld [tilespmem:s14+$0x6110];
	p1 =	seq.s32 s17, $0x0;
	s17 =	simm.f32 $0.0e+00;
	s23 =	spop (v2sf)  }
0x10a: {  	v17 =	vld [tilespmem:s14+$0x10120];
	v18 =	vadd.f32 v6, v9;
	s17 =	simm.s32 @!p1 $0x3F800000;
	s26 =	spop (v2sf)  }
0x10b: {  	v19 =	vld [tilespmem:s14+$0x120];
	v16 =	vadd.f32 v5, v4;
	v12 =	vadd.f32 v12, v11;
	v6 =	vmov s17;
	p0 =	seq.s32 s26, $0x0;
	s26 =	simm.f32 $0.0e+00  }
0x10c: {  	v21 =	vld [tilespmem:s14+$0x2120];
	v20 =	vadd.f32 v7, v9;
	v22 =	vadd.f32 v8, v9;
	v18 =	vmul.f32 v18, v6;
	s26 =	simm.s32 @!p0 $0x3F800000  }
0x10d: {  	v23 =	vld [tilespmem:s14+$0x4120];
	v9 =	vadd.f32 v10, v9;
	v12 =	vmul.f32 v12, v6;
	p0 =	seq.s32 s18, $0x0;
	s18 =	simm.f32 $0.0e+00;
	v5 =	vmov s26  }
0x10e: {  	v61 =	vld [tilespmem:s14+$0x10130];
	s18 =	simm.s32 @!p0 $0x3F800000;
	p0 =	seq.s32 s23, $0x0;
	s23 =	simm.f32 $0.0e+00;
	[tilespmem:s14+$0x100] =	vst v18;
	v16 =	vmul.f32 v16, v5  }
0x10f: {  	v62 =	vld [tilespmem:s14+$0x140];
	[tilespmem:s14+$0x110] =	vst v12;
	s23 =	simm.s32 @!p0 $0x3F800000;
	v7 =	vmov s18;
	v9 =	vmul.f32 v9, v5  }
0x110: {  	v10 =	vld [tilespmem:s14+$0x6120];
	v13 =	vadd.f32 v13, v11;
	v8 =	vmov s23;
	[tilespmem:s14+$0x6170] =	vst v16;
	v16 =	vmul.f32 v20, v7  }
0x111: {  	v14 =	vadd.f32 v14, v11;
	v11 =	vadd.f32 v15, v11;
	v15 =	vld [tilespmem:s14+$0x6130];
	v18 =	vmul.f32 v22, v8;
	[tilespmem:s14+$0x6100] =	vst v9  }
0x112: {  	v9 =	vmul.f32 v13, v7;
	[tilespmem:s14+$0x2100] =	vst v16;
	v16 =	vld [tilespmem:s14+$0x130]  }
0x113: {  	v12 =	vmul.f32 v14, v8;
	v14 =	vadd.f32 v19, v17;
	[tilespmem:s14+$0x4100] =	vst v18;
	v18 =	vld [tilespmem:s14+$0x2130]  }
0x114: {  	v13 =	vld [tilespmem:s14+$0x4130];
	[tilespmem:s14+$0x2110] =	vst v9;
	v9 =	vmul.f32 v11, v5;
	v11 =	vadd.f32 v21, v17  }
0x115: {  	v19 =	vld [tilespmem:s14+$0x10140];
	[tilespmem:s14+$0x4110] =	vst v12;
	v12 =	vmul.f32 v14, v6;
	v14 =	vadd.f32 v23, v17  }
0x116: {  	v10 =	vadd.f32 v10, v17;
	v17 =	vld [tilespmem:s14+$0x6140];
	[tilespmem:s14+$0x6110] =	vst v9;
	v9 =	vmul.f32 v11, v7  }
0x117: {  	v11 =	vld [tilespmem:s14+$0x2140];
	[tilespmem:s14+$0x120] =	vst v12;
	v12 =	vmul.f32 v14, v8;
	v14 =	vadd.f32 v16, v61  }
0x118: {  	[tilespmem:s14+$0x2120] =	vst v9;
	v9 =	vmul.f32 v10, v5;
	v16 =	vld [tilespmem:s14+$0x4140];
	v10 =	vadd.f32 v18, v61  }
0x119: {  	v13 =	vadd.f32 v13, v61;
	[tilespmem:s14+$0x4120] =	vst v12;
	v18 =	vld [tilespmem:s14+$0x10150];
	v12 =	vmul.f32 v14, v6  }
0x11a: {  	[tilespmem:s14+$0x6120] =	vst v9;
	v9 =	vmul.f32 v10, v7;
	v10 =	vadd.f32 v15, v61;
	v15 =	vld [tilespmem:s14+$0x2150]  }
0x11b: {  	v14 =	vld [tilespmem:s14+$0x150];
	[tilespmem:s14+$0x130] =	vst v12;
	v12 =	vmul.f32 v13, v8;
	v13 =	vadd.f32 v62, v19  }
0x11c: {  	v63 =	vld [tilespmem:s14+$0x4150];
	[tilespmem:s14+$0x2130] =	vst v9;
	v9 =	vmul.f32 v10, v5;
	v10 =	vadd.f32 v11, v19  }
0x11d: {  	[tilespmem:s14+$0x4130] =	vst v12;
	v11 =	vmul.f32 v13, v6;
	v12 =	vadd.f32 v16, v19;
	v13 =	vld [tilespmem:s14+$0x6150]  }
0x11e: {  	[tilespmem:s14+$0x6130] =	vst v9;
	v10 =	vmul.f32 v10, v7;
	v16 =	vadd.f32 v17, v19;
	v9 =	vld [tilespmem:s14+$0x10160]  }
0x11f: {  	v17 =	vld [tilespmem:s14+$0x160];
	v15 =	vadd.f32 v15, v18;
	[tilespmem:s14+$0x140] =	vst v11;
	v11 =	vmul.f32 v12, v8  }
0x120: {  	v12 =	vadd.f32 v14, v18;
	[tilespmem:s14+$0x2140] =	vst v10;
	v10 =	vmul.f32 v16, v5;
	v14 =	vld [tilespmem:s14+$0x2160]  }
0x121: {  	v16 =	vadd.f32 v63, v18;
	v15 =	vmul.f32 v15, v7;
	[tilespmem:s14+$0x4140] =	vst v11;
	v11 =	vld [tilespmem:s14+$0x4160]  }
0x122: {  	v12 =	vmul.f32 v12, v6;
	[tilespmem:s14+$0x6140] =	vst v10;
	v18 =	vadd.f32 v13, v18;
	v13 =	vld [tilespmem:s14+$0x6160]  }
0x123: {  	v10 =	vld [tilespmem:s14+$0x170];
	v16 =	vmul.f32 v16, v8;
	[tilespmem:s14+$0x2150] =	vst v15  }
0x124: {  	s17 =	simm.s32 $0x0;
	s18 =	simm.s32 $0x1000;
	v17 =	vadd.f32 v17, v9;
	[tilespmem:s14+$0x150] =	vst v12;
	v12 =	vld [tilespmem:s14+$0x2170];
	v15 =	vmul.f32 v18, v5  }
.LBB2_7:
0x125: {  	s23 =	sshra.s32 s18, $0x2;
	[tilespmem:s14+$0x4150] =	vst v16;
	v14 =	vadd.f32 v14, v9;
	v16 =	vld [tilespmem:s14+$0x4170]  }
0x126: {  	s17 =	sadd.s32 $0x8, s17;
	v18 =	vld [tilespmem:s23+$0x10170];
	[tilespmem:s14+$0x6150] =	vst v15;
	v15 =	vmul.f32 v17, v6;
	v11 =	vadd.f32 v11, v9  }
0x127: {  	p0 =	slt.u32 s17, $0x38;
	v17 =	vld [tilespmem:s23+$0x6170];
	v14 =	vmul.f32 v14, v7;
	v9 =	vadd.f32 v13, v9  }
0x128: {  	v13 =	vld [tilespmem:s23+$0x10100];
	[tilespmem:s14+$0x160] =	vst v15;
	v11 =	vmul.f32 v11, v8;
	v10 =	vadd.f32 v10, v4  }
0x129: {  	v15 =	vld [tilespmem:s23+$0x100];
	[tilespmem:s14+$0x2160] =	vst v14;
	v9 =	vmul.f32 v9, v5;
	v12 =	vadd.f32 v12, v4  }
0x12a: {  	v14 =	vld [tilespmem:s23+$0x2100];
	[tilespmem:s14+$0x4160] =	vst v11;
	v10 =	vmul.f32 v10, v6;
	v11 =	vadd.f32 v16, v4  }
0x12b: {  	v16 =	vld [tilespmem:s23+$0x4100];
	[tilespmem:s14+$0x6160] =	vst v9;
	v9 =	vmul.f32 v12, v7;
	v4 =	vmov v18  }
0x12c: {  	v12 =	vld [tilespmem:s23+$0x6100];
	v17 =	vadd.f32 v17, v4;
	[tilespmem:s14+$0x170] =	vst v10;
	v10 =	vmul.f32 v11, v8  }
0x12d: {  	v11 =	vld [tilespmem:s23+$0x10110];
	[tilespmem:s14+$0x2170] =	vst v9  }
0x12e: {  	v9 =	vadd.f32 v15, v13;
	v15 =	vld [tilespmem:s23+$0x110];
	v17 =	vmul.f32 v17, v5;
	[tilespmem:s14+$0x4170] =	vst v10;
	s14 =	smov.u32 s23  }
0x12f: {  	v10 =	vadd.f32 v14, v13;
	v14 =	vld [tilespmem:s14+$0x2110]  }
0x130: {  	v9 =	vmul.f32 v9, v6;
	v16 =	vadd.f32 v16, v13;
	v18 =	vld [tilespmem:s14+$0x4110];
	[tilespmem:s14+$0x6170] =	vst v17  }
0x131: {  	v10 =	vmul.f32 v10, v7;
	v12 =	vadd.f32 v12, v13;
	v13 =	vld [tilespmem:s14+$0x6110]  }
0x132: {  	[tilespmem:s14+$0x100] =	vst v9;
	v9 =	vmul.f32 v16, v8;
	v16 =	vld [tilespmem:s14+$0x10120]  }
0x133: {  	[tilespmem:s14+$0x2100] =	vst v10;
	v10 =	vmul.f32 v12, v5;
	v12 =	vadd.f32 v15, v11;
	v15 =	vld [tilespmem:s14+$0x120]  }
0x134: {  	[tilespmem:s14+$0x4100] =	vst v9;
	v9 =	vadd.f32 v14, v11;
	v14 =	vld [tilespmem:s14+$0x2120]  }
0x135: {  	[tilespmem:s14+$0x6100] =	vst v10;
	v10 =	vmul.f32 v12, v6;
	v12 =	vadd.f32 v18, v11;
	v17 =	vld [tilespmem:s14+$0x4120]  }
0x136: {  	v9 =	vmul.f32 v9, v7;
	v11 =	vadd.f32 v13, v11;
	v13 =	vld [tilespmem:s14+$0x6120]  }
0x137: {  	[tilespmem:s14+$0x110] =	vst v10;
	v10 =	vmul.f32 v12, v8;
	v12 =	vld [tilespmem:s14+$0x10130]  }
0x138: {  	[tilespmem:s14+$0x2110] =	vst v9;
	v9 =	vmul.f32 v11, v5;
	v11 =	vadd.f32 v15, v16;
	v15 =	vld [tilespmem:s14+$0x130]  }
0x139: {  	[tilespmem:s14+$0x4110] =	vst v10;
	v10 =	vadd.f32 v14, v16;
	v14 =	vld [tilespmem:s14+$0x2130]  }
0x13a: {  	[tilespmem:s14+$0x6110] =	vst v9;
	v9 =	vmul.f32 v11, v6;
	v11 =	vadd.f32 v17, v16;
	v17 =	vld [tilespmem:s14+$0x4130]  }
0x13b: {  	v10 =	vmul.f32 v10, v7;
	v13 =	vadd.f32 v13, v16;
	v16 =	vld [tilespmem:s14+$0x6130]  }
0x13c: {  	[tilespmem:s14+$0x120] =	vst v9;
	v9 =	vmul.f32 v11, v8;
	v11 =	vld [tilespmem:s14+$0x10140]  }
0x13d: {  	[tilespmem:s14+$0x2120] =	vst v10;
	v10 =	vmul.f32 v13, v5;
	v13 =	vadd.f32 v15, v12;
	v15 =	vld [tilespmem:s14+$0x140]  }
0x13e: {  	[tilespmem:s14+$0x4120] =	vst v9;
	v9 =	vadd.f32 v14, v12;
	v14 =	vld [tilespmem:s14+$0x2140]  }
0x13f: {  	[tilespmem:s14+$0x6120] =	vst v10;
	v10 =	vmul.f32 v13, v6;
	v13 =	vadd.f32 v17, v12;
	v17 =	vld [tilespmem:s14+$0x4140]  }
0x140: {  	v9 =	vmul.f32 v9, v7;
	v12 =	vadd.f32 v16, v12;
	v16 =	vld [tilespmem:s14+$0x6140]  }
0x141: {  	[tilespmem:s14+$0x130] =	vst v10;
	v10 =	vmul.f32 v13, v8;
	v13 =	vld [tilespmem:s14+$0x10150]  }
0x142: {  	[tilespmem:s14+$0x2130] =	vst v9;
	v9 =	vmul.f32 v12, v5;
	v12 =	vadd.f32 v15, v11;
	v15 =	vld [tilespmem:s14+$0x150]  }
0x143: {  	[tilespmem:s14+$0x4130] =	vst v10;
	v10 =	vadd.f32 v14, v11;
	v14 =	vld [tilespmem:s14+$0x2150]  }
0x144: {  	[tilespmem:s14+$0x6130] =	vst v9;
	v9 =	vmul.f32 v12, v6;
	v12 =	vadd.f32 v17, v11;
	v17 =	vld [tilespmem:s14+$0x4150]  }
0x145: {  	v10 =	vmul.f32 v10, v7;
	v11 =	vadd.f32 v16, v11;
	v16 =	vld [tilespmem:s14+$0x6150]  }
0x146: {  	[tilespmem:s14+$0x140] =	vst v9;
	v12 =	vmul.f32 v12, v8;
	v9 =	vld [tilespmem:s14+$0x10160]  }
0x147: {  	[tilespmem:s14+$0x2140] =	vst v10;
	v10 =	vmul.f32 v11, v5;
	v11 =	vadd.f32 v15, v13;
	v18 =	vld [tilespmem:s14+$0x160]  }
.Ltmp4:
0x148: {  	[tilespmem:s14+$0x4140] =	vst v12;
	v12 =	vadd.f32 v14, v13;
	v14 =	vld [tilespmem:s14+$0x2160];
	(pc) =	sbr.rel @p0 .LBB2_7-.Ltmp4, $4  }
0x149: {  	[tilespmem:s14+$0x6140] =	vst v10;
	v10 =	vmul.f32 v11, v6;
	v15 =	vadd.f32 v17, v13;
	v11 =	vld [tilespmem:s14+$0x4160]  }
0x14a: {  	v12 =	vmul.f32 v12, v7;
	v17 =	vadd.f32 v16, v13;
	v13 =	vld [tilespmem:s14+$0x6160]  }
0x14b: {  	[tilespmem:s14+$0x150] =	vst v10;
	v16 =	vmul.f32 v15, v8;
	v10 =	vld [tilespmem:s14+$0x170]  }
0x14c: {  	s18 =	sadd.s32 $0x1000, s18;
	[tilespmem:s14+$0x2150] =	vst v12;
	v15 =	vmul.f32 v17, v5;
	v17 =	vadd.f32 v18, v9;
	v12 =	vld [tilespmem:s14+$0x2170]  }
0x14d: {  	v14 =	vadd.f32 v14, v9;
	v18 =	vld [tilespmem:s14+$0x4170]  }
0x14e: {  	[tilespmem:s14+$0x4150] =	vst v16;
	v16 =	vmul.f32 v17, v6;
	v11 =	vadd.f32 v11, v9  }
0x14f: {  	[tilespmem:s14+$0x6150] =	vst v15;
	v14 =	vmul.f32 v14, v7;
	v9 =	vadd.f32 v13, v9  }
0x150: {  	[tilespmem:s14+$0x160] =	vst v16;
	v11 =	vmul.f32 v11, v8;
	v10 =	vadd.f32 v10, v4  }
0x151: {  	(v2sf) =	vpush v3, $0x3;
	[tilespmem:s14+$0x2160] =	vst v14;
	v5 =	vmul.f32 v9, v5;
	v9 =	vadd.f32 v12, v4  }
0x152: {  	(v2sf) =	vpush v2, $0x3;
	[tilespmem:s14+$0x4160] =	vst v11;
	v6 =	vmul.f32 v10, v6;
	v4 =	vadd.f32 v18, v4  }
0x153: {  	(v2sf) =	vpush v1, $0x3;
	[tilespmem:s14+$0x6160] =	vst v5;
	v5 =	vmul.f32 v9, v7  }
0x154: {  	(v2sf) =	vpush v0, $0x3;
	[tilespmem:s14+$0x170] =	vst v6;
	v4 =	vmul.f32 v4, v8  }
0x155: {  	[tilespmem:s14+$0x2170] =	vst v5  }
0x156: {  	[tilespmem:s14+$0x4170] =	vst v4;
	s14 =	simm.s32 $0x0  }
0x157: {  	v4 =	vld [tilespmem:s14+$0x101F0]  }
0x158: {  	v5 =	vld [tilespmem:s14+$0x61F0]  }
0x159: {  	v9 =	vld [tilespmem:s14+$0x10180]  }
0x15a: {  	v6 =	vld [tilespmem:s14+$0x180]  }
0x15b: {  	v7 =	vld [tilespmem:s14+$0x2180]  }
0x15c: {  	v8 =	vld [tilespmem:s14+$0x4180]  }
0x15d: {  	v10 =	vld [tilespmem:s14+$0x6180]  }
0x15e: {  	v11 =	vld [tilespmem:s14+$0x10190]  }
0x15f: {  	v12 =	vld [tilespmem:s14+$0x190]  }
0x160: {  	v13 =	vld [tilespmem:s14+$0x2190];
	s17 =	spop (v2sf)  }
0x161: {  	v14 =	vld [tilespmem:s14+$0x4190];
	s18 =	spop (v2sf)  }
0x162: {  	v15 =	vld [tilespmem:s14+$0x6190];
	p1 =	seq.s32 s17, $0x0;
	s17 =	simm.f32 $0.0e+00;
	s23 =	spop (v2sf)  }
0x163: {  	v17 =	vld [tilespmem:s14+$0x101A0];
	v18 =	vadd.f32 v6, v9;
	s17 =	simm.s32 @!p1 $0x3F800000;
	s26 =	spop (v2sf)  }
0x164: {  	v19 =	vld [tilespmem:s14+$0x1A0];
	v16 =	vadd.f32 v5, v4;
	v12 =	vadd.f32 v12, v11;
	v6 =	vmov s17;
	p0 =	seq.s32 s26, $0x0;
	s26 =	simm.f32 $0.0e+00  }
0x165: {  	v21 =	vld [tilespmem:s14+$0x21A0];
	v20 =	vadd.f32 v7, v9;
	v22 =	vadd.f32 v8, v9;
	v18 =	vmul.f32 v18, v6;
	s26 =	simm.s32 @!p0 $0x3F800000  }
0x166: {  	v23 =	vld [tilespmem:s14+$0x41A0];
	v9 =	vadd.f32 v10, v9;
	v12 =	vmul.f32 v12, v6;
	p0 =	seq.s32 s18, $0x0;
	s18 =	simm.f32 $0.0e+00;
	v5 =	vmov s26  }
0x167: {  	v61 =	vld [tilespmem:s14+$0x101B0];
	s18 =	simm.s32 @!p0 $0x3F800000;
	p0 =	seq.s32 s23, $0x0;
	s23 =	simm.f32 $0.0e+00;
	[tilespmem:s14+$0x180] =	vst v18;
	v16 =	vmul.f32 v16, v5  }
0x168: {  	v62 =	vld [tilespmem:s14+$0x1C0];
	[tilespmem:s14+$0x190] =	vst v12;
	s23 =	simm.s32 @!p0 $0x3F800000;
	v7 =	vmov s18;
	v9 =	vmul.f32 v9, v5  }
0x169: {  	v10 =	vld [tilespmem:s14+$0x61A0];
	v13 =	vadd.f32 v13, v11;
	v8 =	vmov s23;
	[tilespmem:s14+$0x61F0] =	vst v16;
	v16 =	vmul.f32 v20, v7  }
0x16a: {  	v14 =	vadd.f32 v14, v11;
	v11 =	vadd.f32 v15, v11;
	v15 =	vld [tilespmem:s14+$0x61B0];
	v18 =	vmul.f32 v22, v8;
	[tilespmem:s14+$0x6180] =	vst v9  }
0x16b: {  	v9 =	vmul.f32 v13, v7;
	[tilespmem:s14+$0x2180] =	vst v16;
	v16 =	vld [tilespmem:s14+$0x1B0]  }
0x16c: {  	v12 =	vmul.f32 v14, v8;
	v14 =	vadd.f32 v19, v17;
	[tilespmem:s14+$0x4180] =	vst v18;
	v18 =	vld [tilespmem:s14+$0x21B0]  }
0x16d: {  	v13 =	vld [tilespmem:s14+$0x41B0];
	[tilespmem:s14+$0x2190] =	vst v9;
	v9 =	vmul.f32 v11, v5;
	v11 =	vadd.f32 v21, v17  }
0x16e: {  	v19 =	vld [tilespmem:s14+$0x101C0];
	[tilespmem:s14+$0x4190] =	vst v12;
	v12 =	vmul.f32 v14, v6;
	v14 =	vadd.f32 v23, v17  }
0x16f: {  	v10 =	vadd.f32 v10, v17;
	v17 =	vld [tilespmem:s14+$0x61C0];
	[tilespmem:s14+$0x6190] =	vst v9;
	v9 =	vmul.f32 v11, v7  }
0x170: {  	v11 =	vld [tilespmem:s14+$0x21C0];
	[tilespmem:s14+$0x1A0] =	vst v12;
	v12 =	vmul.f32 v14, v8;
	v14 =	vadd.f32 v16, v61  }
0x171: {  	[tilespmem:s14+$0x21A0] =	vst v9;
	v9 =	vmul.f32 v10, v5;
	v16 =	vld [tilespmem:s14+$0x41C0];
	v10 =	vadd.f32 v18, v61  }
0x172: {  	v13 =	vadd.f32 v13, v61;
	[tilespmem:s14+$0x41A0] =	vst v12;
	v18 =	vld [tilespmem:s14+$0x101D0];
	v12 =	vmul.f32 v14, v6  }
0x173: {  	[tilespmem:s14+$0x61A0] =	vst v9;
	v9 =	vmul.f32 v10, v7;
	v10 =	vadd.f32 v15, v61;
	v15 =	vld [tilespmem:s14+$0x21D0]  }
0x174: {  	v14 =	vld [tilespmem:s14+$0x1D0];
	[tilespmem:s14+$0x1B0] =	vst v12;
	v12 =	vmul.f32 v13, v8;
	v13 =	vadd.f32 v62, v19  }
0x175: {  	v63 =	vld [tilespmem:s14+$0x41D0];
	[tilespmem:s14+$0x21B0] =	vst v9;
	v9 =	vmul.f32 v10, v5;
	v10 =	vadd.f32 v11, v19  }
0x176: {  	[tilespmem:s14+$0x41B0] =	vst v12;
	v11 =	vmul.f32 v13, v6;
	v12 =	vadd.f32 v16, v19;
	v13 =	vld [tilespmem:s14+$0x61D0]  }
0x177: {  	[tilespmem:s14+$0x61B0] =	vst v9;
	v10 =	vmul.f32 v10, v7;
	v16 =	vadd.f32 v17, v19;
	v9 =	vld [tilespmem:s14+$0x101E0]  }
0x178: {  	v17 =	vld [tilespmem:s14+$0x1E0];
	v15 =	vadd.f32 v15, v18;
	[tilespmem:s14+$0x1C0] =	vst v11;
	v11 =	vmul.f32 v12, v8  }
0x179: {  	v12 =	vadd.f32 v14, v18;
	[tilespmem:s14+$0x21C0] =	vst v10;
	v10 =	vmul.f32 v16, v5;
	v14 =	vld [tilespmem:s14+$0x21E0]  }
0x17a: {  	v16 =	vadd.f32 v63, v18;
	v15 =	vmul.f32 v15, v7;
	[tilespmem:s14+$0x41C0] =	vst v11;
	v11 =	vld [tilespmem:s14+$0x41E0]  }
0x17b: {  	v12 =	vmul.f32 v12, v6;
	[tilespmem:s14+$0x61C0] =	vst v10;
	v18 =	vadd.f32 v13, v18;
	v13 =	vld [tilespmem:s14+$0x61E0]  }
0x17c: {  	v10 =	vld [tilespmem:s14+$0x1F0];
	v16 =	vmul.f32 v16, v8;
	[tilespmem:s14+$0x21D0] =	vst v15  }
0x17d: {  	s17 =	simm.s32 $0x0;
	s18 =	simm.s32 $0x1000;
	v17 =	vadd.f32 v17, v9;
	[tilespmem:s14+$0x1D0] =	vst v12;
	v12 =	vld [tilespmem:s14+$0x21F0];
	v15 =	vmul.f32 v18, v5  }
.LBB2_9:
0x17e: {  	s23 =	sshra.s32 s18, $0x2;
	[tilespmem:s14+$0x41D0] =	vst v16;
	v14 =	vadd.f32 v14, v9;
	v16 =	vld [tilespmem:s14+$0x41F0]  }
0x17f: {  	s17 =	sadd.s32 $0x8, s17;
	v18 =	vld [tilespmem:s23+$0x101F0];
	[tilespmem:s14+$0x61D0] =	vst v15;
	v15 =	vmul.f32 v17, v6;
	v11 =	vadd.f32 v11, v9  }
0x180: {  	p0 =	slt.u32 s17, $0x38;
	v17 =	vld [tilespmem:s23+$0x61F0];
	v14 =	vmul.f32 v14, v7;
	v9 =	vadd.f32 v13, v9  }
0x181: {  	v13 =	vld [tilespmem:s23+$0x10180];
	[tilespmem:s14+$0x1E0] =	vst v15;
	v11 =	vmul.f32 v11, v8;
	v10 =	vadd.f32 v10, v4  }
0x182: {  	v15 =	vld [tilespmem:s23+$0x180];
	[tilespmem:s14+$0x21E0] =	vst v14;
	v9 =	vmul.f32 v9, v5;
	v12 =	vadd.f32 v12, v4  }
0x183: {  	v14 =	vld [tilespmem:s23+$0x2180];
	[tilespmem:s14+$0x41E0] =	vst v11;
	v10 =	vmul.f32 v10, v6;
	v11 =	vadd.f32 v16, v4  }
0x184: {  	v16 =	vld [tilespmem:s23+$0x4180];
	[tilespmem:s14+$0x61E0] =	vst v9;
	v9 =	vmul.f32 v12, v7;
	v4 =	vmov v18  }
0x185: {  	v12 =	vld [tilespmem:s23+$0x6180];
	v17 =	vadd.f32 v17, v4;
	[tilespmem:s14+$0x1F0] =	vst v10;
	v10 =	vmul.f32 v11, v8  }
0x186: {  	v11 =	vld [tilespmem:s23+$0x10190];
	[tilespmem:s14+$0x21F0] =	vst v9  }
0x187: {  	v9 =	vadd.f32 v15, v13;
	v15 =	vld [tilespmem:s23+$0x190];
	v17 =	vmul.f32 v17, v5;
	[tilespmem:s14+$0x41F0] =	vst v10;
	s14 =	smov.u32 s23  }
0x188: {  	v10 =	vadd.f32 v14, v13;
	v14 =	vld [tilespmem:s14+$0x2190]  }
0x189: {  	v9 =	vmul.f32 v9, v6;
	v16 =	vadd.f32 v16, v13;
	v18 =	vld [tilespmem:s14+$0x4190];
	[tilespmem:s14+$0x61F0] =	vst v17  }
0x18a: {  	v10 =	vmul.f32 v10, v7;
	v12 =	vadd.f32 v12, v13;
	v13 =	vld [tilespmem:s14+$0x6190]  }
0x18b: {  	[tilespmem:s14+$0x180] =	vst v9;
	v9 =	vmul.f32 v16, v8;
	v16 =	vld [tilespmem:s14+$0x101A0]  }
0x18c: {  	[tilespmem:s14+$0x2180] =	vst v10;
	v10 =	vmul.f32 v12, v5;
	v12 =	vadd.f32 v15, v11;
	v15 =	vld [tilespmem:s14+$0x1A0]  }
0x18d: {  	[tilespmem:s14+$0x4180] =	vst v9;
	v9 =	vadd.f32 v14, v11;
	v14 =	vld [tilespmem:s14+$0x21A0]  }
0x18e: {  	[tilespmem:s14+$0x6180] =	vst v10;
	v10 =	vmul.f32 v12, v6;
	v12 =	vadd.f32 v18, v11;
	v17 =	vld [tilespmem:s14+$0x41A0]  }
0x18f: {  	v9 =	vmul.f32 v9, v7;
	v11 =	vadd.f32 v13, v11;
	v13 =	vld [tilespmem:s14+$0x61A0]  }
0x190: {  	[tilespmem:s14+$0x190] =	vst v10;
	v10 =	vmul.f32 v12, v8;
	v12 =	vld [tilespmem:s14+$0x101B0]  }
0x191: {  	[tilespmem:s14+$0x2190] =	vst v9;
	v9 =	vmul.f32 v11, v5;
	v11 =	vadd.f32 v15, v16;
	v15 =	vld [tilespmem:s14+$0x1B0]  }
0x192: {  	[tilespmem:s14+$0x4190] =	vst v10;
	v10 =	vadd.f32 v14, v16;
	v14 =	vld [tilespmem:s14+$0x21B0]  }
0x193: {  	[tilespmem:s14+$0x6190] =	vst v9;
	v9 =	vmul.f32 v11, v6;
	v11 =	vadd.f32 v17, v16;
	v17 =	vld [tilespmem:s14+$0x41B0]  }
0x194: {  	v10 =	vmul.f32 v10, v7;
	v13 =	vadd.f32 v13, v16;
	v16 =	vld [tilespmem:s14+$0x61B0]  }
0x195: {  	[tilespmem:s14+$0x1A0] =	vst v9;
	v9 =	vmul.f32 v11, v8;
	v11 =	vld [tilespmem:s14+$0x101C0]  }
0x196: {  	[tilespmem:s14+$0x21A0] =	vst v10;
	v10 =	vmul.f32 v13, v5;
	v13 =	vadd.f32 v15, v12;
	v15 =	vld [tilespmem:s14+$0x1C0]  }
0x197: {  	[tilespmem:s14+$0x41A0] =	vst v9;
	v9 =	vadd.f32 v14, v12;
	v14 =	vld [tilespmem:s14+$0x21C0]  }
0x198: {  	[tilespmem:s14+$0x61A0] =	vst v10;
	v10 =	vmul.f32 v13, v6;
	v13 =	vadd.f32 v17, v12;
	v17 =	vld [tilespmem:s14+$0x41C0]  }
0x199: {  	v9 =	vmul.f32 v9, v7;
	v12 =	vadd.f32 v16, v12;
	v16 =	vld [tilespmem:s14+$0x61C0]  }
0x19a: {  	[tilespmem:s14+$0x1B0] =	vst v10;
	v10 =	vmul.f32 v13, v8;
	v13 =	vld [tilespmem:s14+$0x101D0]  }
0x19b: {  	[tilespmem:s14+$0x21B0] =	vst v9;
	v9 =	vmul.f32 v12, v5;
	v12 =	vadd.f32 v15, v11;
	v15 =	vld [tilespmem:s14+$0x1D0]  }
0x19c: {  	[tilespmem:s14+$0x41B0] =	vst v10;
	v10 =	vadd.f32 v14, v11;
	v14 =	vld [tilespmem:s14+$0x21D0]  }
0x19d: {  	[tilespmem:s14+$0x61B0] =	vst v9;
	v9 =	vmul.f32 v12, v6;
	v12 =	vadd.f32 v17, v11;
	v17 =	vld [tilespmem:s14+$0x41D0]  }
0x19e: {  	v10 =	vmul.f32 v10, v7;
	v11 =	vadd.f32 v16, v11;
	v16 =	vld [tilespmem:s14+$0x61D0]  }
0x19f: {  	[tilespmem:s14+$0x1C0] =	vst v9;
	v12 =	vmul.f32 v12, v8;
	v9 =	vld [tilespmem:s14+$0x101E0]  }
0x1a0: {  	[tilespmem:s14+$0x21C0] =	vst v10;
	v10 =	vmul.f32 v11, v5;
	v11 =	vadd.f32 v15, v13;
	v18 =	vld [tilespmem:s14+$0x1E0]  }
.Ltmp5:
0x1a1: {  	[tilespmem:s14+$0x41C0] =	vst v12;
	v12 =	vadd.f32 v14, v13;
	v14 =	vld [tilespmem:s14+$0x21E0];
	(pc) =	sbr.rel @p0 .LBB2_9-.Ltmp5, $4  }
0x1a2: {  	[tilespmem:s14+$0x61C0] =	vst v10;
	v10 =	vmul.f32 v11, v6;
	v15 =	vadd.f32 v17, v13;
	v11 =	vld [tilespmem:s14+$0x41E0]  }
0x1a3: {  	v12 =	vmul.f32 v12, v7;
	v17 =	vadd.f32 v16, v13;
	v13 =	vld [tilespmem:s14+$0x61E0]  }
0x1a4: {  	[tilespmem:s14+$0x1D0] =	vst v10;
	v16 =	vmul.f32 v15, v8;
	v10 =	vld [tilespmem:s14+$0x1F0]  }
0x1a5: {  	s18 =	sadd.s32 $0x1000, s18;
	[tilespmem:s14+$0x21D0] =	vst v12;
	v15 =	vmul.f32 v17, v5;
	v17 =	vadd.f32 v18, v9;
	v12 =	vld [tilespmem:s14+$0x21F0]  }
0x1a6: {  	v14 =	vadd.f32 v14, v9;
	v18 =	vld [tilespmem:s14+$0x41F0]  }
0x1a7: {  	[tilespmem:s14+$0x41D0] =	vst v16;
	v16 =	vmul.f32 v17, v6;
	v11 =	vadd.f32 v11, v9  }
0x1a8: {  	[tilespmem:s14+$0x61D0] =	vst v15;
	v14 =	vmul.f32 v14, v7;
	v9 =	vadd.f32 v13, v9  }
0x1a9: {  	[tilespmem:s14+$0x1E0] =	vst v16;
	v11 =	vmul.f32 v11, v8;
	v10 =	vadd.f32 v10, v4  }
0x1aa: {  	(v2sf) =	vpush v3, $0x4;
	[tilespmem:s14+$0x21E0] =	vst v14;
	v5 =	vmul.f32 v9, v5;
	v9 =	vadd.f32 v12, v4  }
0x1ab: {  	(v2sf) =	vpush v2, $0x4;
	[tilespmem:s14+$0x41E0] =	vst v11;
	v6 =	vmul.f32 v10, v6;
	v4 =	vadd.f32 v18, v4  }
0x1ac: {  	(v2sf) =	vpush v1, $0x4;
	[tilespmem:s14+$0x61E0] =	vst v5;
	v5 =	vmul.f32 v9, v7  }
0x1ad: {  	(v2sf) =	vpush v0, $0x4;
	[tilespmem:s14+$0x1F0] =	vst v6;
	v4 =	vmul.f32 v4, v8  }
0x1ae: {  	[tilespmem:s14+$0x21F0] =	vst v5  }
0x1af: {  	[tilespmem:s14+$0x41F0] =	vst v4;
	s14 =	simm.s32 $0x0  }
0x1b0: {  	v4 =	vld [tilespmem:s14+$0x10270]  }
0x1b1: {  	v5 =	vld [tilespmem:s14+$0x6270]  }
0x1b2: {  	v9 =	vld [tilespmem:s14+$0x10200]  }
0x1b3: {  	v6 =	vld [tilespmem:s14+$0x200]  }
0x1b4: {  	v7 =	vld [tilespmem:s14+$0x2200]  }
0x1b5: {  	v8 =	vld [tilespmem:s14+$0x4200]  }
0x1b6: {  	v10 =	vld [tilespmem:s14+$0x6200]  }
0x1b7: {  	v11 =	vld [tilespmem:s14+$0x10210]  }
0x1b8: {  	v12 =	vld [tilespmem:s14+$0x210]  }
0x1b9: {  	v13 =	vld [tilespmem:s14+$0x2210];
	s17 =	spop (v2sf)  }
0x1ba: {  	v14 =	vld [tilespmem:s14+$0x4210];
	s18 =	spop (v2sf)  }
0x1bb: {  	v15 =	vld [tilespmem:s14+$0x6210];
	p1 =	seq.s32 s17, $0x0;
	s17 =	simm.f32 $0.0e+00;
	s23 =	spop (v2sf)  }
0x1bc: {  	v17 =	vld [tilespmem:s14+$0x10220];
	v18 =	vadd.f32 v6, v9;
	s17 =	simm.s32 @!p1 $0x3F800000;
	s26 =	spop (v2sf)  }
0x1bd: {  	v19 =	vld [tilespmem:s14+$0x220];
	v16 =	vadd.f32 v5, v4;
	v12 =	vadd.f32 v12, v11;
	v6 =	vmov s17;
	p0 =	seq.s32 s26, $0x0;
	s26 =	simm.f32 $0.0e+00  }
0x1be: {  	v21 =	vld [tilespmem:s14+$0x2220];
	v20 =	vadd.f32 v7, v9;
	v22 =	vadd.f32 v8, v9;
	v18 =	vmul.f32 v18, v6;
	s26 =	simm.s32 @!p0 $0x3F800000  }
0x1bf: {  	v23 =	vld [tilespmem:s14+$0x4220];
	v9 =	vadd.f32 v10, v9;
	v12 =	vmul.f32 v12, v6;
	p0 =	seq.s32 s18, $0x0;
	s18 =	simm.f32 $0.0e+00;
	v5 =	vmov s26  }
0x1c0: {  	v61 =	vld [tilespmem:s14+$0x10230];
	s18 =	simm.s32 @!p0 $0x3F800000;
	p0 =	seq.s32 s23, $0x0;
	s23 =	simm.f32 $0.0e+00;
	[tilespmem:s14+$0x200] =	vst v18;
	v16 =	vmul.f32 v16, v5  }
0x1c1: {  	v62 =	vld [tilespmem:s14+$0x240];
	[tilespmem:s14+$0x210] =	vst v12;
	s23 =	simm.s32 @!p0 $0x3F800000;
	v7 =	vmov s18;
	v9 =	vmul.f32 v9, v5  }
0x1c2: {  	v10 =	vld [tilespmem:s14+$0x6220];
	v13 =	vadd.f32 v13, v11;
	v8 =	vmov s23;
	[tilespmem:s14+$0x6270] =	vst v16;
	v16 =	vmul.f32 v20, v7  }
0x1c3: {  	v14 =	vadd.f32 v14, v11;
	v11 =	vadd.f32 v15, v11;
	v15 =	vld [tilespmem:s14+$0x6230];
	v18 =	vmul.f32 v22, v8;
	[tilespmem:s14+$0x6200] =	vst v9  }
0x1c4: {  	v9 =	vmul.f32 v13, v7;
	[tilespmem:s14+$0x2200] =	vst v16;
	v16 =	vld [tilespmem:s14+$0x230]  }
0x1c5: {  	v12 =	vmul.f32 v14, v8;
	v14 =	vadd.f32 v19, v17;
	[tilespmem:s14+$0x4200] =	vst v18;
	v18 =	vld [tilespmem:s14+$0x2230]  }
0x1c6: {  	v13 =	vld [tilespmem:s14+$0x4230];
	[tilespmem:s14+$0x2210] =	vst v9;
	v9 =	vmul.f32 v11, v5;
	v11 =	vadd.f32 v21, v17  }
0x1c7: {  	v19 =	vld [tilespmem:s14+$0x10240];
	[tilespmem:s14+$0x4210] =	vst v12;
	v12 =	vmul.f32 v14, v6;
	v14 =	vadd.f32 v23, v17  }
0x1c8: {  	v10 =	vadd.f32 v10, v17;
	v17 =	vld [tilespmem:s14+$0x6240];
	[tilespmem:s14+$0x6210] =	vst v9;
	v9 =	vmul.f32 v11, v7  }
0x1c9: {  	v11 =	vld [tilespmem:s14+$0x2240];
	[tilespmem:s14+$0x220] =	vst v12;
	v12 =	vmul.f32 v14, v8;
	v14 =	vadd.f32 v16, v61  }
0x1ca: {  	[tilespmem:s14+$0x2220] =	vst v9;
	v9 =	vmul.f32 v10, v5;
	v16 =	vld [tilespmem:s14+$0x4240];
	v10 =	vadd.f32 v18, v61  }
0x1cb: {  	v13 =	vadd.f32 v13, v61;
	[tilespmem:s14+$0x4220] =	vst v12;
	v18 =	vld [tilespmem:s14+$0x10250];
	v12 =	vmul.f32 v14, v6  }
0x1cc: {  	[tilespmem:s14+$0x6220] =	vst v9;
	v9 =	vmul.f32 v10, v7;
	v10 =	vadd.f32 v15, v61;
	v15 =	vld [tilespmem:s14+$0x2250]  }
0x1cd: {  	v14 =	vld [tilespmem:s14+$0x250];
	[tilespmem:s14+$0x230] =	vst v12;
	v12 =	vmul.f32 v13, v8;
	v13 =	vadd.f32 v62, v19  }
0x1ce: {  	v63 =	vld [tilespmem:s14+$0x4250];
	[tilespmem:s14+$0x2230] =	vst v9;
	v9 =	vmul.f32 v10, v5;
	v10 =	vadd.f32 v11, v19  }
0x1cf: {  	[tilespmem:s14+$0x4230] =	vst v12;
	v11 =	vmul.f32 v13, v6;
	v12 =	vadd.f32 v16, v19;
	v13 =	vld [tilespmem:s14+$0x6250]  }
0x1d0: {  	[tilespmem:s14+$0x6230] =	vst v9;
	v10 =	vmul.f32 v10, v7;
	v16 =	vadd.f32 v17, v19;
	v9 =	vld [tilespmem:s14+$0x10260]  }
0x1d1: {  	v17 =	vld [tilespmem:s14+$0x260];
	v15 =	vadd.f32 v15, v18;
	[tilespmem:s14+$0x240] =	vst v11;
	v11 =	vmul.f32 v12, v8  }
0x1d2: {  	v12 =	vadd.f32 v14, v18;
	[tilespmem:s14+$0x2240] =	vst v10;
	v10 =	vmul.f32 v16, v5;
	v14 =	vld [tilespmem:s14+$0x2260]  }
0x1d3: {  	v16 =	vadd.f32 v63, v18;
	v15 =	vmul.f32 v15, v7;
	[tilespmem:s14+$0x4240] =	vst v11;
	v11 =	vld [tilespmem:s14+$0x4260]  }
0x1d4: {  	v12 =	vmul.f32 v12, v6;
	[tilespmem:s14+$0x6240] =	vst v10;
	v18 =	vadd.f32 v13, v18;
	v13 =	vld [tilespmem:s14+$0x6260]  }
0x1d5: {  	v10 =	vld [tilespmem:s14+$0x270];
	v16 =	vmul.f32 v16, v8;
	[tilespmem:s14+$0x2250] =	vst v15  }
0x1d6: {  	s17 =	simm.s32 $0x0;
	s18 =	simm.s32 $0x1000;
	v17 =	vadd.f32 v17, v9;
	[tilespmem:s14+$0x250] =	vst v12;
	v12 =	vld [tilespmem:s14+$0x2270];
	v15 =	vmul.f32 v18, v5  }
.LBB2_11:
0x1d7: {  	s23 =	sshra.s32 s18, $0x2;
	[tilespmem:s14+$0x4250] =	vst v16;
	v14 =	vadd.f32 v14, v9;
	v16 =	vld [tilespmem:s14+$0x4270]  }
0x1d8: {  	s17 =	sadd.s32 $0x8, s17;
	v18 =	vld [tilespmem:s23+$0x10270];
	[tilespmem:s14+$0x6250] =	vst v15;
	v15 =	vmul.f32 v17, v6;
	v11 =	vadd.f32 v11, v9  }
0x1d9: {  	p0 =	slt.u32 s17, $0x38;
	v17 =	vld [tilespmem:s23+$0x6270];
	v14 =	vmul.f32 v14, v7;
	v9 =	vadd.f32 v13, v9  }
0x1da: {  	v13 =	vld [tilespmem:s23+$0x10200];
	[tilespmem:s14+$0x260] =	vst v15;
	v11 =	vmul.f32 v11, v8;
	v10 =	vadd.f32 v10, v4  }
0x1db: {  	v15 =	vld [tilespmem:s23+$0x200];
	[tilespmem:s14+$0x2260] =	vst v14;
	v9 =	vmul.f32 v9, v5;
	v12 =	vadd.f32 v12, v4  }
0x1dc: {  	v14 =	vld [tilespmem:s23+$0x2200];
	[tilespmem:s14+$0x4260] =	vst v11;
	v10 =	vmul.f32 v10, v6;
	v11 =	vadd.f32 v16, v4  }
0x1dd: {  	v16 =	vld [tilespmem:s23+$0x4200];
	[tilespmem:s14+$0x6260] =	vst v9;
	v9 =	vmul.f32 v12, v7;
	v4 =	vmov v18  }
0x1de: {  	v12 =	vld [tilespmem:s23+$0x6200];
	v17 =	vadd.f32 v17, v4;
	[tilespmem:s14+$0x270] =	vst v10;
	v10 =	vmul.f32 v11, v8  }
0x1df: {  	v11 =	vld [tilespmem:s23+$0x10210];
	[tilespmem:s14+$0x2270] =	vst v9  }
0x1e0: {  	v9 =	vadd.f32 v15, v13;
	v15 =	vld [tilespmem:s23+$0x210];
	v17 =	vmul.f32 v17, v5;
	[tilespmem:s14+$0x4270] =	vst v10;
	s14 =	smov.u32 s23  }
0x1e1: {  	v10 =	vadd.f32 v14, v13;
	v14 =	vld [tilespmem:s14+$0x2210]  }
0x1e2: {  	v9 =	vmul.f32 v9, v6;
	v16 =	vadd.f32 v16, v13;
	v18 =	vld [tilespmem:s14+$0x4210];
	[tilespmem:s14+$0x6270] =	vst v17  }
0x1e3: {  	v10 =	vmul.f32 v10, v7;
	v12 =	vadd.f32 v12, v13;
	v13 =	vld [tilespmem:s14+$0x6210]  }
0x1e4: {  	[tilespmem:s14+$0x200] =	vst v9;
	v9 =	vmul.f32 v16, v8;
	v16 =	vld [tilespmem:s14+$0x10220]  }
0x1e5: {  	[tilespmem:s14+$0x2200] =	vst v10;
	v10 =	vmul.f32 v12, v5;
	v12 =	vadd.f32 v15, v11;
	v15 =	vld [tilespmem:s14+$0x220]  }
0x1e6: {  	[tilespmem:s14+$0x4200] =	vst v9;
	v9 =	vadd.f32 v14, v11;
	v14 =	vld [tilespmem:s14+$0x2220]  }
0x1e7: {  	[tilespmem:s14+$0x6200] =	vst v10;
	v10 =	vmul.f32 v12, v6;
	v12 =	vadd.f32 v18, v11;
	v17 =	vld [tilespmem:s14+$0x4220]  }
0x1e8: {  	v9 =	vmul.f32 v9, v7;
	v11 =	vadd.f32 v13, v11;
	v13 =	vld [tilespmem:s14+$0x6220]  }
0x1e9: {  	[tilespmem:s14+$0x210] =	vst v10;
	v10 =	vmul.f32 v12, v8;
	v12 =	vld [tilespmem:s14+$0x10230]  }
0x1ea: {  	[tilespmem:s14+$0x2210] =	vst v9;
	v9 =	vmul.f32 v11, v5;
	v11 =	vadd.f32 v15, v16;
	v15 =	vld [tilespmem:s14+$0x230]  }
0x1eb: {  	[tilespmem:s14+$0x4210] =	vst v10;
	v10 =	vadd.f32 v14, v16;
	v14 =	vld [tilespmem:s14+$0x2230]  }
0x1ec: {  	[tilespmem:s14+$0x6210] =	vst v9;
	v9 =	vmul.f32 v11, v6;
	v11 =	vadd.f32 v17, v16;
	v17 =	vld [tilespmem:s14+$0x4230]  }
0x1ed: {  	v10 =	vmul.f32 v10, v7;
	v13 =	vadd.f32 v13, v16;
	v16 =	vld [tilespmem:s14+$0x6230]  }
0x1ee: {  	[tilespmem:s14+$0x220] =	vst v9;
	v9 =	vmul.f32 v11, v8;
	v11 =	vld [tilespmem:s14+$0x10240]  }
0x1ef: {  	[tilespmem:s14+$0x2220] =	vst v10;
	v10 =	vmul.f32 v13, v5;
	v13 =	vadd.f32 v15, v12;
	v15 =	vld [tilespmem:s14+$0x240]  }
0x1f0: {  	[tilespmem:s14+$0x4220] =	vst v9;
	v9 =	vadd.f32 v14, v12;
	v14 =	vld [tilespmem:s14+$0x2240]  }
0x1f1: {  	[tilespmem:s14+$0x6220] =	vst v10;
	v10 =	vmul.f32 v13, v6;
	v13 =	vadd.f32 v17, v12;
	v17 =	vld [tilespmem:s14+$0x4240]  }
0x1f2: {  	v9 =	vmul.f32 v9, v7;
	v12 =	vadd.f32 v16, v12;
	v16 =	vld [tilespmem:s14+$0x6240]  }
0x1f3: {  	[tilespmem:s14+$0x230] =	vst v10;
	v10 =	vmul.f32 v13, v8;
	v13 =	vld [tilespmem:s14+$0x10250]  }
0x1f4: {  	[tilespmem:s14+$0x2230] =	vst v9;
	v9 =	vmul.f32 v12, v5;
	v12 =	vadd.f32 v15, v11;
	v15 =	vld [tilespmem:s14+$0x250]  }
0x1f5: {  	[tilespmem:s14+$0x4230] =	vst v10;
	v10 =	vadd.f32 v14, v11;
	v14 =	vld [tilespmem:s14+$0x2250]  }
0x1f6: {  	[tilespmem:s14+$0x6230] =	vst v9;
	v9 =	vmul.f32 v12, v6;
	v12 =	vadd.f32 v17, v11;
	v17 =	vld [tilespmem:s14+$0x4250]  }
0x1f7: {  	v10 =	vmul.f32 v10, v7;
	v11 =	vadd.f32 v16, v11;
	v16 =	vld [tilespmem:s14+$0x6250]  }
0x1f8: {  	[tilespmem:s14+$0x240] =	vst v9;
	v12 =	vmul.f32 v12, v8;
	v9 =	vld [tilespmem:s14+$0x10260]  }
0x1f9: {  	[tilespmem:s14+$0x2240] =	vst v10;
	v10 =	vmul.f32 v11, v5;
	v11 =	vadd.f32 v15, v13;
	v18 =	vld [tilespmem:s14+$0x260]  }
.Ltmp6:
0x1fa: {  	[tilespmem:s14+$0x4240] =	vst v12;
	v12 =	vadd.f32 v14, v13;
	v14 =	vld [tilespmem:s14+$0x2260];
	(pc) =	sbr.rel @p0 .LBB2_11-.Ltmp6, $4  }
0x1fb: {  	[tilespmem:s14+$0x6240] =	vst v10;
	v10 =	vmul.f32 v11, v6;
	v15 =	vadd.f32 v17, v13;
	v11 =	vld [tilespmem:s14+$0x4260]  }
0x1fc: {  	v12 =	vmul.f32 v12, v7;
	v17 =	vadd.f32 v16, v13;
	v13 =	vld [tilespmem:s14+$0x6260]  }
0x1fd: {  	[tilespmem:s14+$0x250] =	vst v10;
	v16 =	vmul.f32 v15, v8;
	v10 =	vld [tilespmem:s14+$0x270]  }
0x1fe: {  	s18 =	sadd.s32 $0x1000, s18;
	[tilespmem:s14+$0x2250] =	vst v12;
	v15 =	vmul.f32 v17, v5;
	v17 =	vadd.f32 v18, v9;
	v12 =	vld [tilespmem:s14+$0x2270]  }
0x1ff: {  	v14 =	vadd.f32 v14, v9;
	v18 =	vld [tilespmem:s14+$0x4270]  }
0x200: {  	[tilespmem:s14+$0x4250] =	vst v16;
	v16 =	vmul.f32 v17, v6;
	v11 =	vadd.f32 v11, v9  }
0x201: {  	[tilespmem:s14+$0x6250] =	vst v15;
	v14 =	vmul.f32 v14, v7;
	v9 =	vadd.f32 v13, v9  }
0x202: {  	[tilespmem:s14+$0x260] =	vst v16;
	v11 =	vmul.f32 v11, v8;
	v10 =	vadd.f32 v10, v4  }
0x203: {  	(v2sf) =	vpush v3, $0x5;
	[tilespmem:s14+$0x2260] =	vst v14;
	v5 =	vmul.f32 v9, v5;
	v9 =	vadd.f32 v12, v4  }
0x204: {  	(v2sf) =	vpush v2, $0x5;
	[tilespmem:s14+$0x4260] =	vst v11;
	v6 =	vmul.f32 v10, v6;
	v4 =	vadd.f32 v18, v4  }
0x205: {  	(v2sf) =	vpush v1, $0x5;
	[tilespmem:s14+$0x6260] =	vst v5;
	v5 =	vmul.f32 v9, v7  }
0x206: {  	(v2sf) =	vpush v0, $0x5;
	[tilespmem:s14+$0x270] =	vst v6;
	v4 =	vmul.f32 v4, v8  }
0x207: {  	[tilespmem:s14+$0x2270] =	vst v5  }
0x208: {  	[tilespmem:s14+$0x4270] =	vst v4;
	s14 =	simm.s32 $0x0  }
0x209: {  	v4 =	vld [tilespmem:s14+$0x102F0]  }
0x20a: {  	v5 =	vld [tilespmem:s14+$0x62F0]  }
0x20b: {  	v9 =	vld [tilespmem:s14+$0x10280]  }
0x20c: {  	v6 =	vld [tilespmem:s14+$0x280]  }
0x20d: {  	v7 =	vld [tilespmem:s14+$0x2280]  }
0x20e: {  	v8 =	vld [tilespmem:s14+$0x4280]  }
0x20f: {  	v10 =	vld [tilespmem:s14+$0x6280]  }
0x210: {  	v11 =	vld [tilespmem:s14+$0x10290]  }
0x211: {  	v12 =	vld [tilespmem:s14+$0x290]  }
0x212: {  	v13 =	vld [tilespmem:s14+$0x2290];
	s17 =	spop (v2sf)  }
0x213: {  	v14 =	vld [tilespmem:s14+$0x4290];
	s18 =	spop (v2sf)  }
0x214: {  	v15 =	vld [tilespmem:s14+$0x6290];
	p1 =	seq.s32 s17, $0x0;
	s17 =	simm.f32 $0.0e+00;
	s23 =	spop (v2sf)  }
0x215: {  	v17 =	vld [tilespmem:s14+$0x102A0];
	v18 =	vadd.f32 v6, v9;
	s17 =	simm.s32 @!p1 $0x3F800000;
	s26 =	spop (v2sf)  }
0x216: {  	v19 =	vld [tilespmem:s14+$0x2A0];
	v16 =	vadd.f32 v5, v4;
	v12 =	vadd.f32 v12, v11;
	v6 =	vmov s17;
	p0 =	seq.s32 s26, $0x0;
	s26 =	simm.f32 $0.0e+00  }
0x217: {  	v21 =	vld [tilespmem:s14+$0x22A0];
	v20 =	vadd.f32 v7, v9;
	v22 =	vadd.f32 v8, v9;
	v18 =	vmul.f32 v18, v6;
	s26 =	simm.s32 @!p0 $0x3F800000  }
0x218: {  	v23 =	vld [tilespmem:s14+$0x42A0];
	v9 =	vadd.f32 v10, v9;
	v12 =	vmul.f32 v12, v6;
	p0 =	seq.s32 s18, $0x0;
	s18 =	simm.f32 $0.0e+00;
	v5 =	vmov s26  }
0x219: {  	v61 =	vld [tilespmem:s14+$0x102B0];
	s18 =	simm.s32 @!p0 $0x3F800000;
	p0 =	seq.s32 s23, $0x0;
	s23 =	simm.f32 $0.0e+00;
	[tilespmem:s14+$0x280] =	vst v18;
	v16 =	vmul.f32 v16, v5  }
0x21a: {  	v62 =	vld [tilespmem:s14+$0x2C0];
	[tilespmem:s14+$0x290] =	vst v12;
	s23 =	simm.s32 @!p0 $0x3F800000;
	v7 =	vmov s18;
	v9 =	vmul.f32 v9, v5  }
0x21b: {  	v10 =	vld [tilespmem:s14+$0x62A0];
	v13 =	vadd.f32 v13, v11;
	v8 =	vmov s23;
	[tilespmem:s14+$0x62F0] =	vst v16;
	v16 =	vmul.f32 v20, v7  }
0x21c: {  	v14 =	vadd.f32 v14, v11;
	v11 =	vadd.f32 v15, v11;
	v15 =	vld [tilespmem:s14+$0x62B0];
	v18 =	vmul.f32 v22, v8;
	[tilespmem:s14+$0x6280] =	vst v9  }
0x21d: {  	v9 =	vmul.f32 v13, v7;
	[tilespmem:s14+$0x2280] =	vst v16;
	v16 =	vld [tilespmem:s14+$0x2B0]  }
0x21e: {  	v12 =	vmul.f32 v14, v8;
	v14 =	vadd.f32 v19, v17;
	[tilespmem:s14+$0x4280] =	vst v18;
	v18 =	vld [tilespmem:s14+$0x22B0]  }
0x21f: {  	v13 =	vld [tilespmem:s14+$0x42B0];
	[tilespmem:s14+$0x2290] =	vst v9;
	v9 =	vmul.f32 v11, v5;
	v11 =	vadd.f32 v21, v17  }
0x220: {  	v19 =	vld [tilespmem:s14+$0x102C0];
	[tilespmem:s14+$0x4290] =	vst v12;
	v12 =	vmul.f32 v14, v6;
	v14 =	vadd.f32 v23, v17  }
0x221: {  	v10 =	vadd.f32 v10, v17;
	v17 =	vld [tilespmem:s14+$0x62C0];
	[tilespmem:s14+$0x6290] =	vst v9;
	v9 =	vmul.f32 v11, v7  }
0x222: {  	v11 =	vld [tilespmem:s14+$0x22C0];
	[tilespmem:s14+$0x2A0] =	vst v12;
	v12 =	vmul.f32 v14, v8;
	v14 =	vadd.f32 v16, v61  }
0x223: {  	[tilespmem:s14+$0x22A0] =	vst v9;
	v9 =	vmul.f32 v10, v5;
	v16 =	vld [tilespmem:s14+$0x42C0];
	v10 =	vadd.f32 v18, v61  }
0x224: {  	v13 =	vadd.f32 v13, v61;
	[tilespmem:s14+$0x42A0] =	vst v12;
	v18 =	vld [tilespmem:s14+$0x102D0];
	v12 =	vmul.f32 v14, v6  }
0x225: {  	[tilespmem:s14+$0x62A0] =	vst v9;
	v9 =	vmul.f32 v10, v7;
	v10 =	vadd.f32 v15, v61;
	v15 =	vld [tilespmem:s14+$0x22D0]  }
0x226: {  	v14 =	vld [tilespmem:s14+$0x2D0];
	[tilespmem:s14+$0x2B0] =	vst v12;
	v12 =	vmul.f32 v13, v8;
	v13 =	vadd.f32 v62, v19  }
0x227: {  	v63 =	vld [tilespmem:s14+$0x42D0];
	[tilespmem:s14+$0x22B0] =	vst v9;
	v9 =	vmul.f32 v10, v5;
	v10 =	vadd.f32 v11, v19  }
0x228: {  	[tilespmem:s14+$0x42B0] =	vst v12;
	v11 =	vmul.f32 v13, v6;
	v12 =	vadd.f32 v16, v19;
	v13 =	vld [tilespmem:s14+$0x62D0]  }
0x229: {  	[tilespmem:s14+$0x62B0] =	vst v9;
	v10 =	vmul.f32 v10, v7;
	v16 =	vadd.f32 v17, v19;
	v9 =	vld [tilespmem:s14+$0x102E0]  }
0x22a: {  	v17 =	vld [tilespmem:s14+$0x2E0];
	v15 =	vadd.f32 v15, v18;
	[tilespmem:s14+$0x2C0] =	vst v11;
	v11 =	vmul.f32 v12, v8  }
0x22b: {  	v12 =	vadd.f32 v14, v18;
	[tilespmem:s14+$0x22C0] =	vst v10;
	v10 =	vmul.f32 v16, v5;
	v14 =	vld [tilespmem:s14+$0x22E0]  }
0x22c: {  	v16 =	vadd.f32 v63, v18;
	v15 =	vmul.f32 v15, v7;
	[tilespmem:s14+$0x42C0] =	vst v11;
	v11 =	vld [tilespmem:s14+$0x42E0]  }
0x22d: {  	v12 =	vmul.f32 v12, v6;
	[tilespmem:s14+$0x62C0] =	vst v10;
	v18 =	vadd.f32 v13, v18;
	v13 =	vld [tilespmem:s14+$0x62E0]  }
0x22e: {  	v10 =	vld [tilespmem:s14+$0x2F0];
	v16 =	vmul.f32 v16, v8;
	[tilespmem:s14+$0x22D0] =	vst v15  }
0x22f: {  	s17 =	simm.s32 $0x0;
	s18 =	simm.s32 $0x1000;
	v17 =	vadd.f32 v17, v9;
	[tilespmem:s14+$0x2D0] =	vst v12;
	v12 =	vld [tilespmem:s14+$0x22F0];
	v15 =	vmul.f32 v18, v5  }
.LBB2_13:
0x230: {  	s23 =	sshra.s32 s18, $0x2;
	[tilespmem:s14+$0x42D0] =	vst v16;
	v14 =	vadd.f32 v14, v9;
	v16 =	vld [tilespmem:s14+$0x42F0]  }
0x231: {  	s17 =	sadd.s32 $0x8, s17;
	v18 =	vld [tilespmem:s23+$0x102F0];
	[tilespmem:s14+$0x62D0] =	vst v15;
	v15 =	vmul.f32 v17, v6;
	v11 =	vadd.f32 v11, v9  }
0x232: {  	p0 =	slt.u32 s17, $0x38;
	v17 =	vld [tilespmem:s23+$0x62F0];
	v14 =	vmul.f32 v14, v7;
	v9 =	vadd.f32 v13, v9  }
0x233: {  	v13 =	vld [tilespmem:s23+$0x10280];
	[tilespmem:s14+$0x2E0] =	vst v15;
	v11 =	vmul.f32 v11, v8;
	v10 =	vadd.f32 v10, v4  }
0x234: {  	v15 =	vld [tilespmem:s23+$0x280];
	[tilespmem:s14+$0x22E0] =	vst v14;
	v9 =	vmul.f32 v9, v5;
	v12 =	vadd.f32 v12, v4  }
0x235: {  	v14 =	vld [tilespmem:s23+$0x2280];
	[tilespmem:s14+$0x42E0] =	vst v11;
	v10 =	vmul.f32 v10, v6;
	v11 =	vadd.f32 v16, v4  }
0x236: {  	v16 =	vld [tilespmem:s23+$0x4280];
	[tilespmem:s14+$0x62E0] =	vst v9;
	v9 =	vmul.f32 v12, v7;
	v4 =	vmov v18  }
0x237: {  	v12 =	vld [tilespmem:s23+$0x6280];
	v17 =	vadd.f32 v17, v4;
	[tilespmem:s14+$0x2F0] =	vst v10;
	v10 =	vmul.f32 v11, v8  }
0x238: {  	v11 =	vld [tilespmem:s23+$0x10290];
	[tilespmem:s14+$0x22F0] =	vst v9  }
0x239: {  	v9 =	vadd.f32 v15, v13;
	v15 =	vld [tilespmem:s23+$0x290];
	v17 =	vmul.f32 v17, v5;
	[tilespmem:s14+$0x42F0] =	vst v10;
	s14 =	smov.u32 s23  }
0x23a: {  	v10 =	vadd.f32 v14, v13;
	v14 =	vld [tilespmem:s14+$0x2290]  }
0x23b: {  	v9 =	vmul.f32 v9, v6;
	v16 =	vadd.f32 v16, v13;
	v18 =	vld [tilespmem:s14+$0x4290];
	[tilespmem:s14+$0x62F0] =	vst v17  }
0x23c: {  	v10 =	vmul.f32 v10, v7;
	v12 =	vadd.f32 v12, v13;
	v13 =	vld [tilespmem:s14+$0x6290]  }
0x23d: {  	[tilespmem:s14+$0x280] =	vst v9;
	v9 =	vmul.f32 v16, v8;
	v16 =	vld [tilespmem:s14+$0x102A0]  }
0x23e: {  	[tilespmem:s14+$0x2280] =	vst v10;
	v10 =	vmul.f32 v12, v5;
	v12 =	vadd.f32 v15, v11;
	v15 =	vld [tilespmem:s14+$0x2A0]  }
0x23f: {  	[tilespmem:s14+$0x4280] =	vst v9;
	v9 =	vadd.f32 v14, v11;
	v14 =	vld [tilespmem:s14+$0x22A0]  }
0x240: {  	[tilespmem:s14+$0x6280] =	vst v10;
	v10 =	vmul.f32 v12, v6;
	v12 =	vadd.f32 v18, v11;
	v17 =	vld [tilespmem:s14+$0x42A0]  }
0x241: {  	v9 =	vmul.f32 v9, v7;
	v11 =	vadd.f32 v13, v11;
	v13 =	vld [tilespmem:s14+$0x62A0]  }
0x242: {  	[tilespmem:s14+$0x290] =	vst v10;
	v10 =	vmul.f32 v12, v8;
	v12 =	vld [tilespmem:s14+$0x102B0]  }
0x243: {  	[tilespmem:s14+$0x2290] =	vst v9;
	v9 =	vmul.f32 v11, v5;
	v11 =	vadd.f32 v15, v16;
	v15 =	vld [tilespmem:s14+$0x2B0]  }
0x244: {  	[tilespmem:s14+$0x4290] =	vst v10;
	v10 =	vadd.f32 v14, v16;
	v14 =	vld [tilespmem:s14+$0x22B0]  }
0x245: {  	[tilespmem:s14+$0x6290] =	vst v9;
	v9 =	vmul.f32 v11, v6;
	v11 =	vadd.f32 v17, v16;
	v17 =	vld [tilespmem:s14+$0x42B0]  }
0x246: {  	v10 =	vmul.f32 v10, v7;
	v13 =	vadd.f32 v13, v16;
	v16 =	vld [tilespmem:s14+$0x62B0]  }
0x247: {  	[tilespmem:s14+$0x2A0] =	vst v9;
	v9 =	vmul.f32 v11, v8;
	v11 =	vld [tilespmem:s14+$0x102C0]  }
0x248: {  	[tilespmem:s14+$0x22A0] =	vst v10;
	v10 =	vmul.f32 v13, v5;
	v13 =	vadd.f32 v15, v12;
	v15 =	vld [tilespmem:s14+$0x2C0]  }
0x249: {  	[tilespmem:s14+$0x42A0] =	vst v9;
	v9 =	vadd.f32 v14, v12;
	v14 =	vld [tilespmem:s14+$0x22C0]  }
0x24a: {  	[tilespmem:s14+$0x62A0] =	vst v10;
	v10 =	vmul.f32 v13, v6;
	v13 =	vadd.f32 v17, v12;
	v17 =	vld [tilespmem:s14+$0x42C0]  }
0x24b: {  	v9 =	vmul.f32 v9, v7;
	v12 =	vadd.f32 v16, v12;
	v16 =	vld [tilespmem:s14+$0x62C0]  }
0x24c: {  	[tilespmem:s14+$0x2B0] =	vst v10;
	v10 =	vmul.f32 v13, v8;
	v13 =	vld [tilespmem:s14+$0x102D0]  }
0x24d: {  	[tilespmem:s14+$0x22B0] =	vst v9;
	v9 =	vmul.f32 v12, v5;
	v12 =	vadd.f32 v15, v11;
	v15 =	vld [tilespmem:s14+$0x2D0]  }
0x24e: {  	[tilespmem:s14+$0x42B0] =	vst v10;
	v10 =	vadd.f32 v14, v11;
	v14 =	vld [tilespmem:s14+$0x22D0]  }
0x24f: {  	[tilespmem:s14+$0x62B0] =	vst v9;
	v9 =	vmul.f32 v12, v6;
	v12 =	vadd.f32 v17, v11;
	v17 =	vld [tilespmem:s14+$0x42D0]  }
0x250: {  	v10 =	vmul.f32 v10, v7;
	v11 =	vadd.f32 v16, v11;
	v16 =	vld [tilespmem:s14+$0x62D0]  }
0x251: {  	[tilespmem:s14+$0x2C0] =	vst v9;
	v12 =	vmul.f32 v12, v8;
	v9 =	vld [tilespmem:s14+$0x102E0]  }
0x252: {  	[tilespmem:s14+$0x22C0] =	vst v10;
	v10 =	vmul.f32 v11, v5;
	v11 =	vadd.f32 v15, v13;
	v18 =	vld [tilespmem:s14+$0x2E0]  }
.Ltmp7:
0x253: {  	[tilespmem:s14+$0x42C0] =	vst v12;
	v12 =	vadd.f32 v14, v13;
	v14 =	vld [tilespmem:s14+$0x22E0];
	(pc) =	sbr.rel @p0 .LBB2_13-.Ltmp7, $4  }
0x254: {  	[tilespmem:s14+$0x62C0] =	vst v10;
	v10 =	vmul.f32 v11, v6;
	v15 =	vadd.f32 v17, v13;
	v11 =	vld [tilespmem:s14+$0x42E0]  }
0x255: {  	v12 =	vmul.f32 v12, v7;
	v17 =	vadd.f32 v16, v13;
	v13 =	vld [tilespmem:s14+$0x62E0]  }
0x256: {  	[tilespmem:s14+$0x2D0] =	vst v10;
	v16 =	vmul.f32 v15, v8;
	v10 =	vld [tilespmem:s14+$0x2F0]  }
0x257: {  	s18 =	sadd.s32 $0x1000, s18;
	[tilespmem:s14+$0x22D0] =	vst v12;
	v15 =	vmul.f32 v17, v5;
	v17 =	vadd.f32 v18, v9;
	v12 =	vld [tilespmem:s14+$0x22F0]  }
0x258: {  	v14 =	vadd.f32 v14, v9;
	v18 =	vld [tilespmem:s14+$0x42F0]  }
0x259: {  	[tilespmem:s14+$0x42D0] =	vst v16;
	v16 =	vmul.f32 v17, v6;
	v11 =	vadd.f32 v11, v9  }
0x25a: {  	[tilespmem:s14+$0x62D0] =	vst v15;
	v14 =	vmul.f32 v14, v7;
	v9 =	vadd.f32 v13, v9  }
0x25b: {  	[tilespmem:s14+$0x2E0] =	vst v16;
	v11 =	vmul.f32 v11, v8;
	v10 =	vadd.f32 v10, v4  }
0x25c: {  	(v2sf) =	vpush v3, $0x6;
	[tilespmem:s14+$0x22E0] =	vst v14;
	v5 =	vmul.f32 v9, v5;
	v9 =	vadd.f32 v12, v4  }
0x25d: {  	(v2sf) =	vpush v2, $0x6;
	[tilespmem:s14+$0x42E0] =	vst v11;
	v6 =	vmul.f32 v10, v6;
	v4 =	vadd.f32 v18, v4  }
0x25e: {  	(v2sf) =	vpush v1, $0x6;
	[tilespmem:s14+$0x62E0] =	vst v5;
	v5 =	vmul.f32 v9, v7  }
0x25f: {  	(v2sf) =	vpush v0, $0x6;
	[tilespmem:s14+$0x2F0] =	vst v6;
	v4 =	vmul.f32 v4, v8  }
0x260: {  	[tilespmem:s14+$0x22F0] =	vst v5  }
0x261: {  	[tilespmem:s14+$0x42F0] =	vst v4;
	s14 =	simm.s32 $0x0  }
0x262: {  	v4 =	vld [tilespmem:s14+$0x10370]  }
0x263: {  	v5 =	vld [tilespmem:s14+$0x6370]  }
0x264: {  	v9 =	vld [tilespmem:s14+$0x10300]  }
0x265: {  	v6 =	vld [tilespmem:s14+$0x300]  }
0x266: {  	v7 =	vld [tilespmem:s14+$0x2300]  }
0x267: {  	v8 =	vld [tilespmem:s14+$0x4300]  }
0x268: {  	v10 =	vld [tilespmem:s14+$0x6300]  }
0x269: {  	v11 =	vld [tilespmem:s14+$0x10310]  }
0x26a: {  	v12 =	vld [tilespmem:s14+$0x310]  }
0x26b: {  	v13 =	vld [tilespmem:s14+$0x2310];
	s17 =	spop (v2sf)  }
0x26c: {  	v14 =	vld [tilespmem:s14+$0x4310];
	s18 =	spop (v2sf)  }
0x26d: {  	v15 =	vld [tilespmem:s14+$0x6310];
	p1 =	seq.s32 s17, $0x0;
	s17 =	simm.f32 $0.0e+00;
	s23 =	spop (v2sf)  }
0x26e: {  	v17 =	vld [tilespmem:s14+$0x10320];
	v18 =	vadd.f32 v6, v9;
	s17 =	simm.s32 @!p1 $0x3F800000;
	s26 =	spop (v2sf)  }
0x26f: {  	v19 =	vld [tilespmem:s14+$0x320];
	v16 =	vadd.f32 v5, v4;
	v12 =	vadd.f32 v12, v11;
	v6 =	vmov s17;
	p0 =	seq.s32 s26, $0x0;
	s26 =	simm.f32 $0.0e+00  }
0x270: {  	v21 =	vld [tilespmem:s14+$0x2320];
	v20 =	vadd.f32 v7, v9;
	v22 =	vadd.f32 v8, v9;
	v18 =	vmul.f32 v18, v6;
	s26 =	simm.s32 @!p0 $0x3F800000  }
0x271: {  	v23 =	vld [tilespmem:s14+$0x4320];
	v9 =	vadd.f32 v10, v9;
	v12 =	vmul.f32 v12, v6;
	p0 =	seq.s32 s18, $0x0;
	s18 =	simm.f32 $0.0e+00;
	v5 =	vmov s26  }
0x272: {  	v61 =	vld [tilespmem:s14+$0x10330];
	s18 =	simm.s32 @!p0 $0x3F800000;
	p0 =	seq.s32 s23, $0x0;
	s23 =	simm.f32 $0.0e+00;
	[tilespmem:s14+$0x300] =	vst v18;
	v16 =	vmul.f32 v16, v5  }
0x273: {  	v62 =	vld [tilespmem:s14+$0x340];
	[tilespmem:s14+$0x310] =	vst v12;
	s23 =	simm.s32 @!p0 $0x3F800000;
	v7 =	vmov s18;
	v9 =	vmul.f32 v9, v5  }
0x274: {  	v10 =	vld [tilespmem:s14+$0x6320];
	v13 =	vadd.f32 v13, v11;
	v8 =	vmov s23;
	[tilespmem:s14+$0x6370] =	vst v16;
	v16 =	vmul.f32 v20, v7  }
0x275: {  	v14 =	vadd.f32 v14, v11;
	v11 =	vadd.f32 v15, v11;
	v15 =	vld [tilespmem:s14+$0x6330];
	v18 =	vmul.f32 v22, v8;
	[tilespmem:s14+$0x6300] =	vst v9  }
0x276: {  	v9 =	vmul.f32 v13, v7;
	[tilespmem:s14+$0x2300] =	vst v16;
	v16 =	vld [tilespmem:s14+$0x330]  }
0x277: {  	v12 =	vmul.f32 v14, v8;
	v14 =	vadd.f32 v19, v17;
	[tilespmem:s14+$0x4300] =	vst v18;
	v18 =	vld [tilespmem:s14+$0x2330]  }
0x278: {  	v13 =	vld [tilespmem:s14+$0x4330];
	[tilespmem:s14+$0x2310] =	vst v9;
	v9 =	vmul.f32 v11, v5;
	v11 =	vadd.f32 v21, v17  }
0x279: {  	v19 =	vld [tilespmem:s14+$0x10340];
	[tilespmem:s14+$0x4310] =	vst v12;
	v12 =	vmul.f32 v14, v6;
	v14 =	vadd.f32 v23, v17  }
0x27a: {  	v10 =	vadd.f32 v10, v17;
	v17 =	vld [tilespmem:s14+$0x6340];
	[tilespmem:s14+$0x6310] =	vst v9;
	v9 =	vmul.f32 v11, v7  }
0x27b: {  	v11 =	vld [tilespmem:s14+$0x2340];
	[tilespmem:s14+$0x320] =	vst v12;
	v12 =	vmul.f32 v14, v8;
	v14 =	vadd.f32 v16, v61  }
0x27c: {  	[tilespmem:s14+$0x2320] =	vst v9;
	v9 =	vmul.f32 v10, v5;
	v16 =	vld [tilespmem:s14+$0x4340];
	v10 =	vadd.f32 v18, v61  }
0x27d: {  	v13 =	vadd.f32 v13, v61;
	[tilespmem:s14+$0x4320] =	vst v12;
	v18 =	vld [tilespmem:s14+$0x10350];
	v12 =	vmul.f32 v14, v6  }
0x27e: {  	[tilespmem:s14+$0x6320] =	vst v9;
	v9 =	vmul.f32 v10, v7;
	v10 =	vadd.f32 v15, v61;
	v15 =	vld [tilespmem:s14+$0x2350]  }
0x27f: {  	v14 =	vld [tilespmem:s14+$0x350];
	[tilespmem:s14+$0x330] =	vst v12;
	v12 =	vmul.f32 v13, v8;
	v13 =	vadd.f32 v62, v19  }
0x280: {  	v63 =	vld [tilespmem:s14+$0x4350];
	[tilespmem:s14+$0x2330] =	vst v9;
	v9 =	vmul.f32 v10, v5;
	v10 =	vadd.f32 v11, v19  }
0x281: {  	[tilespmem:s14+$0x4330] =	vst v12;
	v11 =	vmul.f32 v13, v6;
	v12 =	vadd.f32 v16, v19;
	v13 =	vld [tilespmem:s14+$0x6350]  }
0x282: {  	[tilespmem:s14+$0x6330] =	vst v9;
	v10 =	vmul.f32 v10, v7;
	v16 =	vadd.f32 v17, v19;
	v9 =	vld [tilespmem:s14+$0x10360]  }
0x283: {  	v17 =	vld [tilespmem:s14+$0x360];
	v15 =	vadd.f32 v15, v18;
	[tilespmem:s14+$0x340] =	vst v11;
	v11 =	vmul.f32 v12, v8  }
0x284: {  	v12 =	vadd.f32 v14, v18;
	[tilespmem:s14+$0x2340] =	vst v10;
	v10 =	vmul.f32 v16, v5;
	v14 =	vld [tilespmem:s14+$0x2360]  }
0x285: {  	v16 =	vadd.f32 v63, v18;
	v15 =	vmul.f32 v15, v7;
	[tilespmem:s14+$0x4340] =	vst v11;
	v11 =	vld [tilespmem:s14+$0x4360]  }
0x286: {  	v12 =	vmul.f32 v12, v6;
	[tilespmem:s14+$0x6340] =	vst v10;
	v18 =	vadd.f32 v13, v18;
	v13 =	vld [tilespmem:s14+$0x6360]  }
0x287: {  	v10 =	vld [tilespmem:s14+$0x370];
	v16 =	vmul.f32 v16, v8;
	[tilespmem:s14+$0x2350] =	vst v15  }
0x288: {  	s17 =	simm.s32 $0x0;
	s18 =	simm.s32 $0x1000;
	v17 =	vadd.f32 v17, v9;
	[tilespmem:s14+$0x350] =	vst v12;
	v12 =	vld [tilespmem:s14+$0x2370];
	v15 =	vmul.f32 v18, v5  }
.LBB2_15:
0x289: {  	s23 =	sshra.s32 s18, $0x2;
	[tilespmem:s14+$0x4350] =	vst v16;
	v14 =	vadd.f32 v14, v9;
	v16 =	vld [tilespmem:s14+$0x4370]  }
0x28a: {  	s17 =	sadd.s32 $0x8, s17;
	v18 =	vld [tilespmem:s23+$0x10370];
	[tilespmem:s14+$0x6350] =	vst v15;
	v15 =	vmul.f32 v17, v6;
	v11 =	vadd.f32 v11, v9  }
0x28b: {  	p0 =	slt.u32 s17, $0x38;
	v17 =	vld [tilespmem:s23+$0x6370];
	v14 =	vmul.f32 v14, v7;
	v9 =	vadd.f32 v13, v9  }
0x28c: {  	v13 =	vld [tilespmem:s23+$0x10300];
	[tilespmem:s14+$0x360] =	vst v15;
	v11 =	vmul.f32 v11, v8;
	v10 =	vadd.f32 v10, v4  }
0x28d: {  	v15 =	vld [tilespmem:s23+$0x300];
	[tilespmem:s14+$0x2360] =	vst v14;
	v9 =	vmul.f32 v9, v5;
	v12 =	vadd.f32 v12, v4  }
0x28e: {  	v14 =	vld [tilespmem:s23+$0x2300];
	[tilespmem:s14+$0x4360] =	vst v11;
	v10 =	vmul.f32 v10, v6;
	v11 =	vadd.f32 v16, v4  }
0x28f: {  	v16 =	vld [tilespmem:s23+$0x4300];
	[tilespmem:s14+$0x6360] =	vst v9;
	v9 =	vmul.f32 v12, v7;
	v4 =	vmov v18  }
0x290: {  	v12 =	vld [tilespmem:s23+$0x6300];
	v17 =	vadd.f32 v17, v4;
	[tilespmem:s14+$0x370] =	vst v10;
	v10 =	vmul.f32 v11, v8  }
0x291: {  	v11 =	vld [tilespmem:s23+$0x10310];
	[tilespmem:s14+$0x2370] =	vst v9  }
0x292: {  	v9 =	vadd.f32 v15, v13;
	v15 =	vld [tilespmem:s23+$0x310];
	v17 =	vmul.f32 v17, v5;
	[tilespmem:s14+$0x4370] =	vst v10;
	s14 =	smov.u32 s23  }
0x293: {  	v10 =	vadd.f32 v14, v13;
	v14 =	vld [tilespmem:s14+$0x2310]  }
0x294: {  	v9 =	vmul.f32 v9, v6;
	v16 =	vadd.f32 v16, v13;
	v18 =	vld [tilespmem:s14+$0x4310];
	[tilespmem:s14+$0x6370] =	vst v17  }
0x295: {  	v10 =	vmul.f32 v10, v7;
	v12 =	vadd.f32 v12, v13;
	v13 =	vld [tilespmem:s14+$0x6310]  }
0x296: {  	[tilespmem:s14+$0x300] =	vst v9;
	v9 =	vmul.f32 v16, v8;
	v16 =	vld [tilespmem:s14+$0x10320]  }
0x297: {  	[tilespmem:s14+$0x2300] =	vst v10;
	v10 =	vmul.f32 v12, v5;
	v12 =	vadd.f32 v15, v11;
	v15 =	vld [tilespmem:s14+$0x320]  }
0x298: {  	[tilespmem:s14+$0x4300] =	vst v9;
	v9 =	vadd.f32 v14, v11;
	v14 =	vld [tilespmem:s14+$0x2320]  }
0x299: {  	[tilespmem:s14+$0x6300] =	vst v10;
	v10 =	vmul.f32 v12, v6;
	v12 =	vadd.f32 v18, v11;
	v17 =	vld [tilespmem:s14+$0x4320]  }
0x29a: {  	v9 =	vmul.f32 v9, v7;
	v11 =	vadd.f32 v13, v11;
	v13 =	vld [tilespmem:s14+$0x6320]  }
0x29b: {  	[tilespmem:s14+$0x310] =	vst v10;
	v10 =	vmul.f32 v12, v8;
	v12 =	vld [tilespmem:s14+$0x10330]  }
0x29c: {  	[tilespmem:s14+$0x2310] =	vst v9;
	v9 =	vmul.f32 v11, v5;
	v11 =	vadd.f32 v15, v16;
	v15 =	vld [tilespmem:s14+$0x330]  }
0x29d: {  	[tilespmem:s14+$0x4310] =	vst v10;
	v10 =	vadd.f32 v14, v16;
	v14 =	vld [tilespmem:s14+$0x2330]  }
0x29e: {  	[tilespmem:s14+$0x6310] =	vst v9;
	v9 =	vmul.f32 v11, v6;
	v11 =	vadd.f32 v17, v16;
	v17 =	vld [tilespmem:s14+$0x4330]  }
0x29f: {  	v10 =	vmul.f32 v10, v7;
	v13 =	vadd.f32 v13, v16;
	v16 =	vld [tilespmem:s14+$0x6330]  }
0x2a0: {  	[tilespmem:s14+$0x320] =	vst v9;
	v9 =	vmul.f32 v11, v8;
	v11 =	vld [tilespmem:s14+$0x10340]  }
0x2a1: {  	[tilespmem:s14+$0x2320] =	vst v10;
	v10 =	vmul.f32 v13, v5;
	v13 =	vadd.f32 v15, v12;
	v15 =	vld [tilespmem:s14+$0x340]  }
0x2a2: {  	[tilespmem:s14+$0x4320] =	vst v9;
	v9 =	vadd.f32 v14, v12;
	v14 =	vld [tilespmem:s14+$0x2340]  }
0x2a3: {  	[tilespmem:s14+$0x6320] =	vst v10;
	v10 =	vmul.f32 v13, v6;
	v13 =	vadd.f32 v17, v12;
	v17 =	vld [tilespmem:s14+$0x4340]  }
0x2a4: {  	v9 =	vmul.f32 v9, v7;
	v12 =	vadd.f32 v16, v12;
	v16 =	vld [tilespmem:s14+$0x6340]  }
0x2a5: {  	[tilespmem:s14+$0x330] =	vst v10;
	v10 =	vmul.f32 v13, v8;
	v13 =	vld [tilespmem:s14+$0x10350]  }
0x2a6: {  	[tilespmem:s14+$0x2330] =	vst v9;
	v9 =	vmul.f32 v12, v5;
	v12 =	vadd.f32 v15, v11;
	v15 =	vld [tilespmem:s14+$0x350]  }
0x2a7: {  	[tilespmem:s14+$0x4330] =	vst v10;
	v10 =	vadd.f32 v14, v11;
	v14 =	vld [tilespmem:s14+$0x2350]  }
0x2a8: {  	[tilespmem:s14+$0x6330] =	vst v9;
	v9 =	vmul.f32 v12, v6;
	v12 =	vadd.f32 v17, v11;
	v17 =	vld [tilespmem:s14+$0x4350]  }
0x2a9: {  	v10 =	vmul.f32 v10, v7;
	v11 =	vadd.f32 v16, v11;
	v16 =	vld [tilespmem:s14+$0x6350]  }
0x2aa: {  	[tilespmem:s14+$0x340] =	vst v9;
	v12 =	vmul.f32 v12, v8;
	v9 =	vld [tilespmem:s14+$0x10360]  }
0x2ab: {  	[tilespmem:s14+$0x2340] =	vst v10;
	v10 =	vmul.f32 v11, v5;
	v11 =	vadd.f32 v15, v13;
	v18 =	vld [tilespmem:s14+$0x360]  }
.Ltmp8:
0x2ac: {  	[tilespmem:s14+$0x4340] =	vst v12;
	v12 =	vadd.f32 v14, v13;
	v14 =	vld [tilespmem:s14+$0x2360];
	(pc) =	sbr.rel @p0 .LBB2_15-.Ltmp8, $4  }
0x2ad: {  	[tilespmem:s14+$0x6340] =	vst v10;
	v10 =	vmul.f32 v11, v6;
	v15 =	vadd.f32 v17, v13;
	v11 =	vld [tilespmem:s14+$0x4360]  }
0x2ae: {  	v12 =	vmul.f32 v12, v7;
	v17 =	vadd.f32 v16, v13;
	v13 =	vld [tilespmem:s14+$0x6360]  }
0x2af: {  	[tilespmem:s14+$0x350] =	vst v10;
	v16 =	vmul.f32 v15, v8;
	v10 =	vld [tilespmem:s14+$0x370]  }
0x2b0: {  	s18 =	sadd.s32 $0x1000, s18;
	[tilespmem:s14+$0x2350] =	vst v12;
	v15 =	vmul.f32 v17, v5;
	v17 =	vadd.f32 v18, v9;
	v12 =	vld [tilespmem:s14+$0x2370]  }
0x2b1: {  	v14 =	vadd.f32 v14, v9;
	v18 =	vld [tilespmem:s14+$0x4370]  }
0x2b2: {  	[tilespmem:s14+$0x4350] =	vst v16;
	v16 =	vmul.f32 v17, v6;
	v11 =	vadd.f32 v11, v9  }
0x2b3: {  	[tilespmem:s14+$0x6350] =	vst v15;
	v14 =	vmul.f32 v14, v7;
	v9 =	vadd.f32 v13, v9  }
0x2b4: {  	[tilespmem:s14+$0x360] =	vst v16;
	v11 =	vmul.f32 v11, v8;
	v10 =	vadd.f32 v10, v4  }
0x2b5: {  	(v2sf) =	vpush v3, $0x7;
	[tilespmem:s14+$0x2360] =	vst v14;
	v5 =	vmul.f32 v9, v5;
	v9 =	vadd.f32 v12, v4  }
0x2b6: {  	(v2sf) =	vpush v2, $0x7;
	[tilespmem:s14+$0x4360] =	vst v11;
	v6 =	vmul.f32 v10, v6;
	v4 =	vadd.f32 v18, v4  }
0x2b7: {  	(v2sf) =	vpush v1, $0x7;
	[tilespmem:s14+$0x6360] =	vst v5;
	v5 =	vmul.f32 v9, v7  }
0x2b8: {  	(v2sf) =	vpush v0, $0x7;
	[tilespmem:s14+$0x370] =	vst v6;
	v4 =	vmul.f32 v4, v8  }
0x2b9: {  	[tilespmem:s14+$0x2370] =	vst v5  }
0x2ba: {  	[tilespmem:s14+$0x4370] =	vst v4;
	s14 =	simm.s32 $0x0  }
0x2bb: {  	v4 =	vld [tilespmem:s14+$0x103F0]  }
0x2bc: {  	v5 =	vld [tilespmem:s14+$0x63F0]  }
0x2bd: {  	v9 =	vld [tilespmem:s14+$0x10380]  }
0x2be: {  	v6 =	vld [tilespmem:s14+$0x380]  }
0x2bf: {  	v7 =	vld [tilespmem:s14+$0x2380]  }
0x2c0: {  	v8 =	vld [tilespmem:s14+$0x4380]  }
0x2c1: {  	v10 =	vld [tilespmem:s14+$0x6380]  }
0x2c2: {  	v11 =	vld [tilespmem:s14+$0x10390]  }
0x2c3: {  	v12 =	vld [tilespmem:s14+$0x390]  }
0x2c4: {  	v13 =	vld [tilespmem:s14+$0x2390];
	s17 =	spop (v2sf)  }
0x2c5: {  	v14 =	vld [tilespmem:s14+$0x4390];
	s18 =	spop (v2sf)  }
0x2c6: {  	v15 =	vld [tilespmem:s14+$0x6390];
	p1 =	seq.s32 s17, $0x0;
	s17 =	simm.f32 $0.0e+00;
	s23 =	spop (v2sf)  }
0x2c7: {  	v17 =	vld [tilespmem:s14+$0x103A0];
	v18 =	vadd.f32 v6, v9;
	s17 =	simm.s32 @!p1 $0x3F800000;
	s26 =	spop (v2sf)  }
0x2c8: {  	v19 =	vld [tilespmem:s14+$0x3A0];
	v16 =	vadd.f32 v5, v4;
	v12 =	vadd.f32 v12, v11;
	v6 =	vmov s17;
	p0 =	seq.s32 s26, $0x0;
	s26 =	simm.f32 $0.0e+00  }
0x2c9: {  	v21 =	vld [tilespmem:s14+$0x23A0];
	v20 =	vadd.f32 v7, v9;
	v22 =	vadd.f32 v8, v9;
	v18 =	vmul.f32 v18, v6;
	s26 =	simm.s32 @!p0 $0x3F800000  }
0x2ca: {  	v23 =	vld [tilespmem:s14+$0x43A0];
	v9 =	vadd.f32 v10, v9;
	v12 =	vmul.f32 v12, v6;
	p0 =	seq.s32 s18, $0x0;
	s18 =	simm.f32 $0.0e+00;
	v5 =	vmov s26  }
0x2cb: {  	v61 =	vld [tilespmem:s14+$0x103B0];
	s18 =	simm.s32 @!p0 $0x3F800000;
	p0 =	seq.s32 s23, $0x0;
	s23 =	simm.f32 $0.0e+00;
	[tilespmem:s14+$0x380] =	vst v18;
	v16 =	vmul.f32 v16, v5  }
0x2cc: {  	v62 =	vld [tilespmem:s14+$0x3C0];
	[tilespmem:s14+$0x390] =	vst v12;
	s23 =	simm.s32 @!p0 $0x3F800000;
	v7 =	vmov s18;
	v9 =	vmul.f32 v9, v5  }
0x2cd: {  	v10 =	vld [tilespmem:s14+$0x63A0];
	v13 =	vadd.f32 v13, v11;
	v8 =	vmov s23;
	[tilespmem:s14+$0x63F0] =	vst v16;
	v16 =	vmul.f32 v20, v7  }
0x2ce: {  	v14 =	vadd.f32 v14, v11;
	v11 =	vadd.f32 v15, v11;
	v15 =	vld [tilespmem:s14+$0x63B0];
	v18 =	vmul.f32 v22, v8;
	[tilespmem:s14+$0x6380] =	vst v9  }
0x2cf: {  	v9 =	vmul.f32 v13, v7;
	[tilespmem:s14+$0x2380] =	vst v16;
	v16 =	vld [tilespmem:s14+$0x3B0]  }
0x2d0: {  	v12 =	vmul.f32 v14, v8;
	v14 =	vadd.f32 v19, v17;
	[tilespmem:s14+$0x4380] =	vst v18;
	v18 =	vld [tilespmem:s14+$0x23B0]  }
0x2d1: {  	v13 =	vld [tilespmem:s14+$0x43B0];
	[tilespmem:s14+$0x2390] =	vst v9;
	v9 =	vmul.f32 v11, v5;
	v11 =	vadd.f32 v21, v17  }
0x2d2: {  	v19 =	vld [tilespmem:s14+$0x103C0];
	[tilespmem:s14+$0x4390] =	vst v12;
	v12 =	vmul.f32 v14, v6;
	v14 =	vadd.f32 v23, v17  }
0x2d3: {  	v10 =	vadd.f32 v10, v17;
	v17 =	vld [tilespmem:s14+$0x63C0];
	[tilespmem:s14+$0x6390] =	vst v9;
	v9 =	vmul.f32 v11, v7  }
0x2d4: {  	v11 =	vld [tilespmem:s14+$0x23C0];
	[tilespmem:s14+$0x3A0] =	vst v12;
	v12 =	vmul.f32 v14, v8;
	v14 =	vadd.f32 v16, v61  }
0x2d5: {  	[tilespmem:s14+$0x23A0] =	vst v9;
	v9 =	vmul.f32 v10, v5;
	v16 =	vld [tilespmem:s14+$0x43C0];
	v10 =	vadd.f32 v18, v61  }
0x2d6: {  	v13 =	vadd.f32 v13, v61;
	[tilespmem:s14+$0x43A0] =	vst v12;
	v18 =	vld [tilespmem:s14+$0x103D0];
	v12 =	vmul.f32 v14, v6  }
0x2d7: {  	[tilespmem:s14+$0x63A0] =	vst v9;
	v9 =	vmul.f32 v10, v7;
	v10 =	vadd.f32 v15, v61;
	v14 =	vld [tilespmem:s14+$0x3D0]  }
0x2d8: {  	v15 =	vld [tilespmem:s14+$0x23D0];
	[tilespmem:s14+$0x3B0] =	vst v12;
	v12 =	vmul.f32 v13, v8;
	v13 =	vadd.f32 v62, v19  }
0x2d9: {  	v63 =	vld [tilespmem:s14+$0x43D0];
	[tilespmem:s14+$0x23B0] =	vst v9;
	v9 =	vmul.f32 v10, v5;
	v10 =	vadd.f32 v11, v19  }
0x2da: {  	[tilespmem:s14+$0x43B0] =	vst v12;
	v11 =	vmul.f32 v13, v6;
	v12 =	vadd.f32 v16, v19;
	v13 =	vld [tilespmem:s14+$0x63D0]  }
0x2db: {  	[tilespmem:s14+$0x63B0] =	vst v9;
	v10 =	vmul.f32 v10, v7;
	v16 =	vadd.f32 v17, v19;
	v9 =	vld [tilespmem:s14+$0x103E0]  }
0x2dc: {  	v17 =	vld [tilespmem:s14+$0x3E0];
	[tilespmem:s14+$0x3C0] =	vst v11;
	v11 =	vmul.f32 v12, v8;
	v12 =	vadd.f32 v14, v18  }
0x2dd: {  	v15 =	vadd.f32 v15, v18;
	[tilespmem:s14+$0x23C0] =	vst v10;
	v10 =	vmul.f32 v16, v5;
	v14 =	vld [tilespmem:s14+$0x23E0]  }
0x2de: {  	v19 =	vadd.f32 v63, v18;
	[tilespmem:s14+$0x43C0] =	vst v11;
	v16 =	vmul.f32 v12, v6;
	v11 =	vld [tilespmem:s14+$0x43E0]  }
0x2df: {  	v15 =	vmul.f32 v15, v7;
	[tilespmem:s14+$0x63C0] =	vst v10;
	v12 =	vld [tilespmem:s14+$0x63E0];
	v13 =	vadd.f32 v13, v18  }
0x2e0: {  	v10 =	vld [tilespmem:s14+$0x3F0];
	[tilespmem:s14+$0x3D0] =	vst v16;
	v16 =	vmul.f32 v19, v8  }
0x2e1: {  	s17 =	simm.s32 $0x0;
	s18 =	simm.s32 $0x1000;
	[tilespmem:s14+$0x23D0] =	vst v15;
	v17 =	vadd.f32 v17, v9;
	v15 =	vmul.f32 v13, v5;
	v13 =	vld [tilespmem:s14+$0x23F0]  }
.LBB2_17:
0x2e2: {  	s23 =	sshra.s32 s18, $0x2;
	[tilespmem:s14+$0x43D0] =	vst v16;
	v14 =	vadd.f32 v14, v9;
	v16 =	vld [tilespmem:s14+$0x43F0]  }
0x2e3: {  	s17 =	sadd.s32 $0x8, s17;
	v18 =	vld [tilespmem:s23+$0x103F0];
	[tilespmem:s14+$0x63D0] =	vst v15;
	v15 =	vmul.f32 v17, v6;
	v11 =	vadd.f32 v11, v9  }
0x2e4: {  	p0 =	slt.u32 s17, $0x38;
	v17 =	vld [tilespmem:s23+$0x63F0];
	v14 =	vmul.f32 v14, v7;
	v9 =	vadd.f32 v12, v9  }
0x2e5: {  	v12 =	vld [tilespmem:s23+$0x10380];
	[tilespmem:s14+$0x3E0] =	vst v15;
	v11 =	vmul.f32 v11, v8;
	v10 =	vadd.f32 v10, v4  }
0x2e6: {  	v15 =	vld [tilespmem:s23+$0x380];
	[tilespmem:s14+$0x23E0] =	vst v14;
	v9 =	vmul.f32 v9, v5;
	v13 =	vadd.f32 v13, v4  }
0x2e7: {  	v14 =	vld [tilespmem:s23+$0x2380];
	[tilespmem:s14+$0x43E0] =	vst v11;
	v10 =	vmul.f32 v10, v6;
	v11 =	vadd.f32 v16, v4  }
0x2e8: {  	v16 =	vld [tilespmem:s23+$0x4380];
	[tilespmem:s14+$0x63E0] =	vst v9;
	v9 =	vmul.f32 v13, v7;
	v4 =	vmov v18  }
0x2e9: {  	v13 =	vld [tilespmem:s23+$0x6380];
	v17 =	vadd.f32 v17, v4;
	[tilespmem:s14+$0x3F0] =	vst v10;
	v10 =	vmul.f32 v11, v8  }
0x2ea: {  	v11 =	vld [tilespmem:s23+$0x10390];
	[tilespmem:s14+$0x23F0] =	vst v9  }
0x2eb: {  	v9 =	vadd.f32 v15, v12;
	v15 =	vld [tilespmem:s23+$0x390];
	v17 =	vmul.f32 v17, v5;
	[tilespmem:s14+$0x43F0] =	vst v10;
	s14 =	smov.u32 s23  }
0x2ec: {  	v10 =	vadd.f32 v14, v12;
	v14 =	vld [tilespmem:s14+$0x2390]  }
0x2ed: {  	v9 =	vmul.f32 v9, v6;
	v16 =	vadd.f32 v16, v12;
	v18 =	vld [tilespmem:s14+$0x4390];
	[tilespmem:s14+$0x63F0] =	vst v17  }
0x2ee: {  	v10 =	vmul.f32 v10, v7;
	v12 =	vadd.f32 v13, v12;
	v13 =	vld [tilespmem:s14+$0x6390]  }
0x2ef: {  	[tilespmem:s14+$0x380] =	vst v9;
	v9 =	vmul.f32 v16, v8;
	v16 =	vld [tilespmem:s14+$0x103A0]  }
0x2f0: {  	[tilespmem:s14+$0x2380] =	vst v10;
	v10 =	vmul.f32 v12, v5;
	v12 =	vadd.f32 v15, v11;
	v15 =	vld [tilespmem:s14+$0x3A0]  }
0x2f1: {  	[tilespmem:s14+$0x4380] =	vst v9;
	v9 =	vadd.f32 v14, v11;
	v14 =	vld [tilespmem:s14+$0x23A0]  }
0x2f2: {  	[tilespmem:s14+$0x6380] =	vst v10;
	v10 =	vmul.f32 v12, v6;
	v12 =	vadd.f32 v18, v11;
	v17 =	vld [tilespmem:s14+$0x43A0]  }
0x2f3: {  	v9 =	vmul.f32 v9, v7;
	v11 =	vadd.f32 v13, v11;
	v13 =	vld [tilespmem:s14+$0x63A0]  }
0x2f4: {  	[tilespmem:s14+$0x390] =	vst v10;
	v10 =	vmul.f32 v12, v8;
	v12 =	vld [tilespmem:s14+$0x103B0]  }
0x2f5: {  	[tilespmem:s14+$0x2390] =	vst v9;
	v9 =	vmul.f32 v11, v5;
	v11 =	vadd.f32 v15, v16;
	v15 =	vld [tilespmem:s14+$0x3B0]  }
0x2f6: {  	[tilespmem:s14+$0x4390] =	vst v10;
	v10 =	vadd.f32 v14, v16;
	v14 =	vld [tilespmem:s14+$0x23B0]  }
0x2f7: {  	[tilespmem:s14+$0x6390] =	vst v9;
	v9 =	vmul.f32 v11, v6;
	v11 =	vadd.f32 v17, v16;
	v17 =	vld [tilespmem:s14+$0x43B0]  }
0x2f8: {  	v10 =	vmul.f32 v10, v7;
	v13 =	vadd.f32 v13, v16;
	v16 =	vld [tilespmem:s14+$0x63B0]  }
0x2f9: {  	[tilespmem:s14+$0x3A0] =	vst v9;
	v9 =	vmul.f32 v11, v8;
	v11 =	vld [tilespmem:s14+$0x103C0]  }
0x2fa: {  	[tilespmem:s14+$0x23A0] =	vst v10;
	v10 =	vmul.f32 v13, v5;
	v13 =	vadd.f32 v15, v12;
	v15 =	vld [tilespmem:s14+$0x3C0]  }
0x2fb: {  	[tilespmem:s14+$0x43A0] =	vst v9;
	v9 =	vadd.f32 v14, v12;
	v14 =	vld [tilespmem:s14+$0x23C0]  }
0x2fc: {  	[tilespmem:s14+$0x63A0] =	vst v10;
	v10 =	vmul.f32 v13, v6;
	v13 =	vadd.f32 v17, v12;
	v17 =	vld [tilespmem:s14+$0x43C0]  }
0x2fd: {  	v9 =	vmul.f32 v9, v7;
	v12 =	vadd.f32 v16, v12;
	v16 =	vld [tilespmem:s14+$0x63C0]  }
0x2fe: {  	[tilespmem:s14+$0x3B0] =	vst v10;
	v10 =	vmul.f32 v13, v8;
	v13 =	vld [tilespmem:s14+$0x103D0]  }
0x2ff: {  	[tilespmem:s14+$0x23B0] =	vst v9;
	v9 =	vmul.f32 v12, v5;
	v12 =	vadd.f32 v15, v11;
	v15 =	vld [tilespmem:s14+$0x3D0]  }
0x300: {  	[tilespmem:s14+$0x43B0] =	vst v10;
	v10 =	vadd.f32 v14, v11;
	v14 =	vld [tilespmem:s14+$0x23D0]  }
0x301: {  	[tilespmem:s14+$0x63B0] =	vst v9;
	v9 =	vmul.f32 v12, v6;
	v12 =	vadd.f32 v17, v11;
	v17 =	vld [tilespmem:s14+$0x43D0]  }
0x302: {  	v10 =	vmul.f32 v10, v7;
	v11 =	vadd.f32 v16, v11;
	v16 =	vld [tilespmem:s14+$0x63D0]  }
0x303: {  	[tilespmem:s14+$0x3C0] =	vst v9;
	v12 =	vmul.f32 v12, v8;
	v9 =	vld [tilespmem:s14+$0x103E0]  }
0x304: {  	[tilespmem:s14+$0x23C0] =	vst v10;
	v10 =	vmul.f32 v11, v5;
	v11 =	vadd.f32 v15, v13;
	v18 =	vld [tilespmem:s14+$0x3E0]  }
.Ltmp9:
0x305: {  	[tilespmem:s14+$0x43C0] =	vst v12;
	v12 =	vadd.f32 v14, v13;
	v14 =	vld [tilespmem:s14+$0x23E0];
	(pc) =	sbr.rel @p0 .LBB2_17-.Ltmp9, $4  }
0x306: {  	[tilespmem:s14+$0x63C0] =	vst v10;
	v10 =	vmul.f32 v11, v6;
	v15 =	vadd.f32 v17, v13;
	v11 =	vld [tilespmem:s14+$0x43E0]  }
0x307: {  	v17 =	vmul.f32 v12, v7;
	v13 =	vadd.f32 v16, v13;
	v12 =	vld [tilespmem:s14+$0x63E0]  }
0x308: {  	[tilespmem:s14+$0x3D0] =	vst v10;
	v16 =	vmul.f32 v15, v8;
	v10 =	vld [tilespmem:s14+$0x3F0]  }
0x309: {  	s18 =	sadd.s32 $0x1000, s18;
	[tilespmem:s14+$0x23D0] =	vst v17;
	v15 =	vmul.f32 v13, v5;
	v17 =	vadd.f32 v18, v9;
	v13 =	vld [tilespmem:s14+$0x23F0]  }
0x30a: {  	v14 =	vadd.f32 v14, v9;
	v18 =	vld [tilespmem:s14+$0x43F0]  }
0x30b: {  	[tilespmem:s14+$0x43D0] =	vst v16;
	v16 =	vmul.f32 v17, v6;
	v11 =	vadd.f32 v11, v9  }
0x30c: {  	[tilespmem:s14+$0x63D0] =	vst v15;
	v14 =	vmul.f32 v14, v7;
	v9 =	vadd.f32 v12, v9  }
0x30d: {  	[tilespmem:s14+$0x3E0] =	vst v16;
	v11 =	vmul.f32 v11, v8;
	v10 =	vadd.f32 v10, v4  }
0x30e: {  	[tilespmem:s14+$0x23E0] =	vst v14;
	v5 =	vmul.f32 v9, v5;
	v9 =	vadd.f32 v13, v4  }
0x30f: {  	[tilespmem:s14+$0x43E0] =	vst v11;
	v6 =	vmul.f32 v10, v6;
	v4 =	vadd.f32 v18, v4  }
0x310: {  	[tilespmem:s14+$0x63E0] =	vst v5;
	v5 =	vmul.f32 v9, v7  }
0x311: {  	s17 =	sadd.s32 s6, s13;
	[tilespmem:s14+$0x3F0] =	vst v6;
	v4 =	vmul.f32 v4, v8  }
0x312: {  	s17 =	sshll.u32 s17, $0x7;
	[tilespmem:s14+$0x23F0] =	vst v5  }
0x313: {  	s26 =	simm.s32 $0x0;
	s23 =	sadd.s32 s4, s17;
	[tilespmem:s14+$0x43F0] =	vst v4  }
0x314: {  	[hbm4b:s23+s1] =	stream.strided.scatter [tilespmem:s26], [sflag:$0x5], $0x8000, s2, s1, $0x38;
	[tilespmem:$0x14400] =	vst v63  }
0x315: {  	_ =	swait.ge [sflag:s25], $0x2000  }
0x316: {  	[sflag:s25] =	ssyncset.done $0x0  }
0x317: {  	[sflag:s25] =	ssyncadd.s32 $0xFFFFE000  }
0x318: {  	_ =	swait.ge [sflag:s28], $0x8000  }
0x319: {  	(v2sf) =	vpush v3, $0x8  }
0x31a: {  	(v2sf) =	vpush v2, $0x8  }
0x31b: {  	(v2sf) =	vpush v1, $0x8  }
0x31c: {  	(v2sf) =	vpush v0, $0x8  }
0x31d: {  	[sflag:s28] =	ssyncset.done $0x0  }
0x31e: {  	s14 =	simm.s32 $0x0;
	[sflag:s28] =	ssyncadd.s32 $0xFFFF8000  }
0x31f: {  	v4 =	vld [tilespmem:s14+$0x12070]  }
0x320: {  	v5 =	vld [tilespmem:s14+$0xE070]  }
0x321: {  	v9 =	vld [tilespmem:s14+$0x12000]  }
0x322: {  	v6 =	vld [tilespmem:s14+$0x8000]  }
0x323: {  	v7 =	vld [tilespmem:s14+$0xA000]  }
0x324: {  	v8 =	vld [tilespmem:s14+$0xC000]  }
0x325: {  	v10 =	vld [tilespmem:s14+$0xE000]  }
0x326: {  	v11 =	vld [tilespmem:s14+$0x12010]  }
0x327: {  	v12 =	vld [tilespmem:s14+$0x8010]  }
0x328: {  	v13 =	vld [tilespmem:s14+$0xA010];
	s17 =	spop (v2sf)  }
0x329: {  	v14 =	vld [tilespmem:s14+$0xC010];
	s18 =	spop (v2sf)  }
0x32a: {  	v15 =	vld [tilespmem:s14+$0xE010];
	p1 =	seq.s32 s17, $0x0;
	s17 =	simm.f32 $0.0e+00;
	s23 =	spop (v2sf)  }
0x32b: {  	v17 =	vld [tilespmem:s14+$0x12020];
	v18 =	vadd.f32 v6, v9;
	s17 =	simm.s32 @!p1 $0x3F800000;
	s26 =	spop (v2sf)  }
0x32c: {  	v19 =	vld [tilespmem:s14+$0x8020];
	v16 =	vadd.f32 v5, v4;
	v12 =	vadd.f32 v12, v11;
	v6 =	vmov s17;
	p0 =	seq.s32 s26, $0x0;
	s26 =	simm.f32 $0.0e+00  }
0x32d: {  	v21 =	vld [tilespmem:s14+$0xA020];
	v20 =	vadd.f32 v7, v9;
	v22 =	vadd.f32 v8, v9;
	v18 =	vmul.f32 v18, v6;
	s26 =	simm.s32 @!p0 $0x3F800000  }
0x32e: {  	v23 =	vld [tilespmem:s14+$0xC020];
	v9 =	vadd.f32 v10, v9;
	v12 =	vmul.f32 v12, v6;
	p0 =	seq.s32 s18, $0x0;
	s18 =	simm.f32 $0.0e+00;
	v5 =	vmov s26  }
0x32f: {  	v61 =	vld [tilespmem:s14+$0x12030];
	s18 =	simm.s32 @!p0 $0x3F800000;
	p0 =	seq.s32 s23, $0x0;
	s23 =	simm.f32 $0.0e+00;
	[tilespmem:s14+$0x8000] =	vst v18;
	v16 =	vmul.f32 v16, v5  }
0x330: {  	v62 =	vld [tilespmem:s14+$0x8040];
	[tilespmem:s14+$0x8010] =	vst v12;
	s23 =	simm.s32 @!p0 $0x3F800000;
	v7 =	vmov s18;
	v9 =	vmul.f32 v9, v5  }
0x331: {  	v10 =	vld [tilespmem:s14+$0xE020];
	v13 =	vadd.f32 v13, v11;
	v8 =	vmov s23;
	[tilespmem:s14+$0xE070] =	vst v16;
	v16 =	vmul.f32 v20, v7  }
0x332: {  	v14 =	vadd.f32 v14, v11;
	v11 =	vadd.f32 v15, v11;
	v15 =	vld [tilespmem:s14+$0xE030];
	v18 =	vmul.f32 v22, v8;
	[tilespmem:s14+$0xE000] =	vst v9  }
0x333: {  	v9 =	vmul.f32 v13, v7;
	[tilespmem:s14+$0xA000] =	vst v16;
	v16 =	vld [tilespmem:s14+$0x8030]  }
0x334: {  	v12 =	vmul.f32 v14, v8;
	v14 =	vadd.f32 v19, v17;
	[tilespmem:s14+$0xC000] =	vst v18;
	v18 =	vld [tilespmem:s14+$0xA030]  }
0x335: {  	v13 =	vld [tilespmem:s14+$0xC030];
	[tilespmem:s14+$0xA010] =	vst v9;
	v9 =	vmul.f32 v11, v5;
	v11 =	vadd.f32 v21, v17  }
0x336: {  	v19 =	vld [tilespmem:s14+$0x12040];
	[tilespmem:s14+$0xC010] =	vst v12;
	v12 =	vmul.f32 v14, v6;
	v14 =	vadd.f32 v23, v17  }
0x337: {  	v10 =	vadd.f32 v10, v17;
	v17 =	vld [tilespmem:s14+$0xE040];
	[tilespmem:s14+$0xE010] =	vst v9;
	v9 =	vmul.f32 v11, v7  }
0x338: {  	v11 =	vld [tilespmem:s14+$0xA040];
	[tilespmem:s14+$0x8020] =	vst v12;
	v12 =	vmul.f32 v14, v8;
	v14 =	vadd.f32 v16, v61  }
0x339: {  	[tilespmem:s14+$0xA020] =	vst v9;
	v9 =	vmul.f32 v10, v5;
	v16 =	vld [tilespmem:s14+$0xC040];
	v10 =	vadd.f32 v18, v61  }
0x33a: {  	v13 =	vadd.f32 v13, v61;
	[tilespmem:s14+$0xC020] =	vst v12;
	v18 =	vld [tilespmem:s14+$0x12050];
	v12 =	vmul.f32 v14, v6  }
0x33b: {  	[tilespmem:s14+$0xE020] =	vst v9;
	v9 =	vmul.f32 v10, v7;
	v10 =	vadd.f32 v15, v61;
	v15 =	vld [tilespmem:s14+$0xA050]  }
0x33c: {  	v14 =	vld [tilespmem:s14+$0x8050];
	[tilespmem:s14+$0x8030] =	vst v12;
	v12 =	vmul.f32 v13, v8;
	v13 =	vadd.f32 v62, v19  }
0x33d: {  	v63 =	vld [tilespmem:s14+$0xC050];
	[tilespmem:s14+$0xA030] =	vst v9;
	v9 =	vmul.f32 v10, v5;
	v10 =	vadd.f32 v11, v19  }
0x33e: {  	[tilespmem:s14+$0xC030] =	vst v12;
	v11 =	vmul.f32 v13, v6;
	v12 =	vadd.f32 v16, v19;
	v13 =	vld [tilespmem:s14+$0xE050]  }
0x33f: {  	[tilespmem:s14+$0xE030] =	vst v9;
	v10 =	vmul.f32 v10, v7;
	v16 =	vadd.f32 v17, v19;
	v9 =	vld [tilespmem:s14+$0x12060]  }
0x340: {  	v17 =	vld [tilespmem:s14+$0x8060];
	v15 =	vadd.f32 v15, v18;
	[tilespmem:s14+$0x8040] =	vst v11;
	v11 =	vmul.f32 v12, v8  }
0x341: {  	v12 =	vadd.f32 v14, v18;
	[tilespmem:s14+$0xA040] =	vst v10;
	v10 =	vmul.f32 v16, v5;
	v14 =	vld [tilespmem:s14+$0xA060]  }
0x342: {  	v16 =	vadd.f32 v63, v18;
	v15 =	vmul.f32 v15, v7;
	[tilespmem:s14+$0xC040] =	vst v11;
	v11 =	vld [tilespmem:s14+$0xC060]  }
0x343: {  	v12 =	vmul.f32 v12, v6;
	[tilespmem:s14+$0xE040] =	vst v10;
	v18 =	vadd.f32 v13, v18;
	v13 =	vld [tilespmem:s14+$0xE060]  }
0x344: {  	v10 =	vld [tilespmem:s14+$0x8070];
	v16 =	vmul.f32 v16, v8;
	[tilespmem:s14+$0xA050] =	vst v15  }
0x345: {  	s17 =	simm.s32 $0x0;
	s18 =	simm.s32 $0x1000;
	v17 =	vadd.f32 v17, v9;
	[tilespmem:s14+$0x8050] =	vst v12;
	v12 =	vld [tilespmem:s14+$0xA070];
	v15 =	vmul.f32 v18, v5  }
.LBB2_19:
0x346: {  	s23 =	sshra.s32 s18, $0x2;
	[tilespmem:s14+$0xC050] =	vst v16;
	v14 =	vadd.f32 v14, v9;
	v16 =	vld [tilespmem:s14+$0xC070]  }
0x347: {  	s17 =	sadd.s32 $0x8, s17;
	v18 =	vld [tilespmem:s23+$0x12070];
	[tilespmem:s14+$0xE050] =	vst v15;
	v15 =	vmul.f32 v17, v6;
	v11 =	vadd.f32 v11, v9  }
0x348: {  	p0 =	slt.u32 s17, $0x38;
	v17 =	vld [tilespmem:s23+$0xE070];
	v14 =	vmul.f32 v14, v7;
	v9 =	vadd.f32 v13, v9  }
0x349: {  	v13 =	vld [tilespmem:s23+$0x12000];
	[tilespmem:s14+$0x8060] =	vst v15;
	v11 =	vmul.f32 v11, v8;
	v10 =	vadd.f32 v10, v4  }
0x34a: {  	v15 =	vld [tilespmem:s23+$0x8000];
	[tilespmem:s14+$0xA060] =	vst v14;
	v9 =	vmul.f32 v9, v5;
	v12 =	vadd.f32 v12, v4  }
0x34b: {  	v14 =	vld [tilespmem:s23+$0xA000];
	[tilespmem:s14+$0xC060] =	vst v11;
	v10 =	vmul.f32 v10, v6;
	v11 =	vadd.f32 v16, v4  }
0x34c: {  	v16 =	vld [tilespmem:s23+$0xC000];
	[tilespmem:s14+$0xE060] =	vst v9;
	v9 =	vmul.f32 v12, v7;
	v4 =	vmov v18  }
0x34d: {  	v12 =	vld [tilespmem:s23+$0xE000];
	v17 =	vadd.f32 v17, v4;
	[tilespmem:s14+$0x8070] =	vst v10;
	v10 =	vmul.f32 v11, v8  }
0x34e: {  	v11 =	vld [tilespmem:s23+$0x12010];
	[tilespmem:s14+$0xA070] =	vst v9  }
0x34f: {  	v9 =	vadd.f32 v15, v13;
	v15 =	vld [tilespmem:s23+$0x8010];
	v17 =	vmul.f32 v17, v5;
	[tilespmem:s14+$0xC070] =	vst v10;
	s14 =	smov.u32 s23  }
0x350: {  	v10 =	vadd.f32 v14, v13;
	v14 =	vld [tilespmem:s14+$0xA010]  }
0x351: {  	v9 =	vmul.f32 v9, v6;
	v16 =	vadd.f32 v16, v13;
	v18 =	vld [tilespmem:s14+$0xC010];
	[tilespmem:s14+$0xE070] =	vst v17  }
0x352: {  	v10 =	vmul.f32 v10, v7;
	v12 =	vadd.f32 v12, v13;
	v13 =	vld [tilespmem:s14+$0xE010]  }
0x353: {  	[tilespmem:s14+$0x8000] =	vst v9;
	v9 =	vmul.f32 v16, v8;
	v16 =	vld [tilespmem:s14+$0x12020]  }
0x354: {  	[tilespmem:s14+$0xA000] =	vst v10;
	v10 =	vmul.f32 v12, v5;
	v12 =	vadd.f32 v15, v11;
	v15 =	vld [tilespmem:s14+$0x8020]  }
0x355: {  	[tilespmem:s14+$0xC000] =	vst v9;
	v9 =	vadd.f32 v14, v11;
	v14 =	vld [tilespmem:s14+$0xA020]  }
0x356: {  	[tilespmem:s14+$0xE000] =	vst v10;
	v10 =	vmul.f32 v12, v6;
	v12 =	vadd.f32 v18, v11;
	v17 =	vld [tilespmem:s14+$0xC020]  }
0x357: {  	v9 =	vmul.f32 v9, v7;
	v11 =	vadd.f32 v13, v11;
	v13 =	vld [tilespmem:s14+$0xE020]  }
0x358: {  	[tilespmem:s14+$0x8010] =	vst v10;
	v10 =	vmul.f32 v12, v8;
	v12 =	vld [tilespmem:s14+$0x12030]  }
0x359: {  	[tilespmem:s14+$0xA010] =	vst v9;
	v9 =	vmul.f32 v11, v5;
	v11 =	vadd.f32 v15, v16;
	v15 =	vld [tilespmem:s14+$0x8030]  }
0x35a: {  	[tilespmem:s14+$0xC010] =	vst v10;
	v10 =	vadd.f32 v14, v16;
	v14 =	vld [tilespmem:s14+$0xA030]  }
0x35b: {  	[tilespmem:s14+$0xE010] =	vst v9;
	v9 =	vmul.f32 v11, v6;
	v11 =	vadd.f32 v17, v16;
	v17 =	vld [tilespmem:s14+$0xC030]  }
0x35c: {  	v10 =	vmul.f32 v10, v7;
	v13 =	vadd.f32 v13, v16;
	v16 =	vld [tilespmem:s14+$0xE030]  }
0x35d: {  	[tilespmem:s14+$0x8020] =	vst v9;
	v9 =	vmul.f32 v11, v8;
	v11 =	vld [tilespmem:s14+$0x12040]  }
0x35e: {  	[tilespmem:s14+$0xA020] =	vst v10;
	v10 =	vmul.f32 v13, v5;
	v13 =	vadd.f32 v15, v12;
	v15 =	vld [tilespmem:s14+$0x8040]  }
0x35f: {  	[tilespmem:s14+$0xC020] =	vst v9;
	v9 =	vadd.f32 v14, v12;
	v14 =	vld [tilespmem:s14+$0xA040]  }
0x360: {  	[tilespmem:s14+$0xE020] =	vst v10;
	v10 =	vmul.f32 v13, v6;
	v13 =	vadd.f32 v17, v12;
	v17 =	vld [tilespmem:s14+$0xC040]  }
0x361: {  	v9 =	vmul.f32 v9, v7;
	v12 =	vadd.f32 v16, v12;
	v16 =	vld [tilespmem:s14+$0xE040]  }
0x362: {  	[tilespmem:s14+$0x8030] =	vst v10;
	v10 =	vmul.f32 v13, v8;
	v13 =	vld [tilespmem:s14+$0x12050]  }
0x363: {  	[tilespmem:s14+$0xA030] =	vst v9;
	v9 =	vmul.f32 v12, v5;
	v12 =	vadd.f32 v15, v11;
	v15 =	vld [tilespmem:s14+$0x8050]  }
0x364: {  	[tilespmem:s14+$0xC030] =	vst v10;
	v10 =	vadd.f32 v14, v11;
	v14 =	vld [tilespmem:s14+$0xA050]  }
0x365: {  	[tilespmem:s14+$0xE030] =	vst v9;
	v9 =	vmul.f32 v12, v6;
	v12 =	vadd.f32 v17, v11;
	v17 =	vld [tilespmem:s14+$0xC050]  }
0x366: {  	v10 =	vmul.f32 v10, v7;
	v11 =	vadd.f32 v16, v11;
	v16 =	vld [tilespmem:s14+$0xE050]  }
0x367: {  	[tilespmem:s14+$0x8040] =	vst v9;
	v12 =	vmul.f32 v12, v8;
	v9 =	vld [tilespmem:s14+$0x12060]  }
0x368: {  	[tilespmem:s14+$0xA040] =	vst v10;
	v10 =	vmul.f32 v11, v5;
	v11 =	vadd.f32 v15, v13;
	v18 =	vld [tilespmem:s14+$0x8060]  }
.Ltmp10:
0x369: {  	[tilespmem:s14+$0xC040] =	vst v12;
	v12 =	vadd.f32 v14, v13;
	v14 =	vld [tilespmem:s14+$0xA060];
	(pc) =	sbr.rel @p0 .LBB2_19-.Ltmp10, $4  }
0x36a: {  	[tilespmem:s14+$0xE040] =	vst v10;
	v10 =	vmul.f32 v11, v6;
	v15 =	vadd.f32 v17, v13;
	v11 =	vld [tilespmem:s14+$0xC060]  }
0x36b: {  	v12 =	vmul.f32 v12, v7;
	v17 =	vadd.f32 v16, v13;
	v13 =	vld [tilespmem:s14+$0xE060]  }
0x36c: {  	[tilespmem:s14+$0x8050] =	vst v10;
	v16 =	vmul.f32 v15, v8;
	v10 =	vld [tilespmem:s14+$0x8070]  }
0x36d: {  	s18 =	sadd.s32 $0x1000, s18;
	[tilespmem:s14+$0xA050] =	vst v12;
	v15 =	vmul.f32 v17, v5;
	v17 =	vadd.f32 v18, v9;
	v12 =	vld [tilespmem:s14+$0xA070]  }
0x36e: {  	v14 =	vadd.f32 v14, v9;
	v18 =	vld [tilespmem:s14+$0xC070]  }
0x36f: {  	[tilespmem:s14+$0xC050] =	vst v16;
	v16 =	vmul.f32 v17, v6;
	v11 =	vadd.f32 v11, v9  }
0x370: {  	[tilespmem:s14+$0xE050] =	vst v15;
	v14 =	vmul.f32 v14, v7;
	v9 =	vadd.f32 v13, v9  }
0x371: {  	[tilespmem:s14+$0x8060] =	vst v16;
	v11 =	vmul.f32 v11, v8;
	v10 =	vadd.f32 v10, v4  }
0x372: {  	(v2sf) =	vpush v3, $0x9;
	[tilespmem:s14+$0xA060] =	vst v14;
	v5 =	vmul.f32 v9, v5;
	v9 =	vadd.f32 v12, v4  }
0x373: {  	(v2sf) =	vpush v2, $0x9;
	[tilespmem:s14+$0xC060] =	vst v11;
	v6 =	vmul.f32 v10, v6;
	v4 =	vadd.f32 v18, v4  }
0x374: {  	(v2sf) =	vpush v1, $0x9;
	[tilespmem:s14+$0xE060] =	vst v5;
	v5 =	vmul.f32 v9, v7  }
0x375: {  	(v2sf) =	vpush v0, $0x9;
	[tilespmem:s14+$0x8070] =	vst v6;
	v4 =	vmul.f32 v4, v8  }
0x376: {  	[tilespmem:s14+$0xA070] =	vst v5  }
0x377: {  	[tilespmem:s14+$0xC070] =	vst v4;
	s14 =	simm.s32 $0x0  }
0x378: {  	v4 =	vld [tilespmem:s14+$0x120F0]  }
0x379: {  	v5 =	vld [tilespmem:s14+$0xE0F0]  }
0x37a: {  	v9 =	vld [tilespmem:s14+$0x12080]  }
0x37b: {  	v6 =	vld [tilespmem:s14+$0x8080]  }
0x37c: {  	v7 =	vld [tilespmem:s14+$0xA080]  }
0x37d: {  	v8 =	vld [tilespmem:s14+$0xC080]  }
0x37e: {  	v10 =	vld [tilespmem:s14+$0xE080]  }
0x37f: {  	v11 =	vld [tilespmem:s14+$0x12090]  }
0x380: {  	v12 =	vld [tilespmem:s14+$0x8090]  }
0x381: {  	v13 =	vld [tilespmem:s14+$0xA090];
	s17 =	spop (v2sf)  }
0x382: {  	v14 =	vld [tilespmem:s14+$0xC090];
	s18 =	spop (v2sf)  }
0x383: {  	v15 =	vld [tilespmem:s14+$0xE090];
	p1 =	seq.s32 s17, $0x0;
	s17 =	simm.f32 $0.0e+00;
	s23 =	spop (v2sf)  }
0x384: {  	v17 =	vld [tilespmem:s14+$0x120A0];
	v18 =	vadd.f32 v6, v9;
	s17 =	simm.s32 @!p1 $0x3F800000;
	s26 =	spop (v2sf)  }
0x385: {  	v19 =	vld [tilespmem:s14+$0x80A0];
	v16 =	vadd.f32 v5, v4;
	v12 =	vadd.f32 v12, v11;
	v6 =	vmov s17;
	p0 =	seq.s32 s26, $0x0;
	s26 =	simm.f32 $0.0e+00  }
0x386: {  	v21 =	vld [tilespmem:s14+$0xA0A0];
	v20 =	vadd.f32 v7, v9;
	v22 =	vadd.f32 v8, v9;
	v18 =	vmul.f32 v18, v6;
	s26 =	simm.s32 @!p0 $0x3F800000  }
0x387: {  	v23 =	vld [tilespmem:s14+$0xC0A0];
	v9 =	vadd.f32 v10, v9;
	v12 =	vmul.f32 v12, v6;
	p0 =	seq.s32 s18, $0x0;
	s18 =	simm.f32 $0.0e+00;
	v5 =	vmov s26  }
0x388: {  	v61 =	vld [tilespmem:s14+$0x120B0];
	s18 =	simm.s32 @!p0 $0x3F800000;
	p0 =	seq.s32 s23, $0x0;
	s23 =	simm.f32 $0.0e+00;
	[tilespmem:s14+$0x8080] =	vst v18;
	v16 =	vmul.f32 v16, v5  }
0x389: {  	v62 =	vld [tilespmem:s14+$0x80C0];
	[tilespmem:s14+$0x8090] =	vst v12;
	s23 =	simm.s32 @!p0 $0x3F800000;
	v7 =	vmov s18;
	v9 =	vmul.f32 v9, v5  }
0x38a: {  	v10 =	vld [tilespmem:s14+$0xE0A0];
	v13 =	vadd.f32 v13, v11;
	v8 =	vmov s23;
	[tilespmem:s14+$0xE0F0] =	vst v16;
	v16 =	vmul.f32 v20, v7  }
0x38b: {  	v14 =	vadd.f32 v14, v11;
	v11 =	vadd.f32 v15, v11;
	v15 =	vld [tilespmem:s14+$0xE0B0];
	v18 =	vmul.f32 v22, v8;
	[tilespmem:s14+$0xE080] =	vst v9  }
0x38c: {  	v9 =	vmul.f32 v13, v7;
	[tilespmem:s14+$0xA080] =	vst v16;
	v16 =	vld [tilespmem:s14+$0x80B0]  }
0x38d: {  	v12 =	vmul.f32 v14, v8;
	v14 =	vadd.f32 v19, v17;
	[tilespmem:s14+$0xC080] =	vst v18;
	v18 =	vld [tilespmem:s14+$0xA0B0]  }
0x38e: {  	v13 =	vld [tilespmem:s14+$0xC0B0];
	[tilespmem:s14+$0xA090] =	vst v9;
	v9 =	vmul.f32 v11, v5;
	v11 =	vadd.f32 v21, v17  }
0x38f: {  	v19 =	vld [tilespmem:s14+$0x120C0];
	[tilespmem:s14+$0xC090] =	vst v12;
	v12 =	vmul.f32 v14, v6;
	v14 =	vadd.f32 v23, v17  }
0x390: {  	v10 =	vadd.f32 v10, v17;
	v17 =	vld [tilespmem:s14+$0xE0C0];
	[tilespmem:s14+$0xE090] =	vst v9;
	v9 =	vmul.f32 v11, v7  }
0x391: {  	v11 =	vld [tilespmem:s14+$0xA0C0];
	[tilespmem:s14+$0x80A0] =	vst v12;
	v12 =	vmul.f32 v14, v8;
	v14 =	vadd.f32 v16, v61  }
0x392: {  	[tilespmem:s14+$0xA0A0] =	vst v9;
	v9 =	vmul.f32 v10, v5;
	v16 =	vld [tilespmem:s14+$0xC0C0];
	v10 =	vadd.f32 v18, v61  }
0x393: {  	v13 =	vadd.f32 v13, v61;
	[tilespmem:s14+$0xC0A0] =	vst v12;
	v18 =	vld [tilespmem:s14+$0x120D0];
	v12 =	vmul.f32 v14, v6  }
0x394: {  	[tilespmem:s14+$0xE0A0] =	vst v9;
	v9 =	vmul.f32 v10, v7;
	v10 =	vadd.f32 v15, v61;
	v15 =	vld [tilespmem:s14+$0xA0D0]  }
0x395: {  	v14 =	vld [tilespmem:s14+$0x80D0];
	[tilespmem:s14+$0x80B0] =	vst v12;
	v12 =	vmul.f32 v13, v8;
	v13 =	vadd.f32 v62, v19  }
0x396: {  	v63 =	vld [tilespmem:s14+$0xC0D0];
	[tilespmem:s14+$0xA0B0] =	vst v9;
	v9 =	vmul.f32 v10, v5;
	v10 =	vadd.f32 v11, v19  }
0x397: {  	[tilespmem:s14+$0xC0B0] =	vst v12;
	v11 =	vmul.f32 v13, v6;
	v12 =	vadd.f32 v16, v19;
	v13 =	vld [tilespmem:s14+$0xE0D0]  }
0x398: {  	[tilespmem:s14+$0xE0B0] =	vst v9;
	v10 =	vmul.f32 v10, v7;
	v16 =	vadd.f32 v17, v19;
	v9 =	vld [tilespmem:s14+$0x120E0]  }
0x399: {  	v17 =	vld [tilespmem:s14+$0x80E0];
	v15 =	vadd.f32 v15, v18;
	[tilespmem:s14+$0x80C0] =	vst v11;
	v11 =	vmul.f32 v12, v8  }
0x39a: {  	v12 =	vadd.f32 v14, v18;
	[tilespmem:s14+$0xA0C0] =	vst v10;
	v10 =	vmul.f32 v16, v5;
	v14 =	vld [tilespmem:s14+$0xA0E0]  }
0x39b: {  	v16 =	vadd.f32 v63, v18;
	v15 =	vmul.f32 v15, v7;
	[tilespmem:s14+$0xC0C0] =	vst v11;
	v11 =	vld [tilespmem:s14+$0xC0E0]  }
0x39c: {  	v12 =	vmul.f32 v12, v6;
	[tilespmem:s14+$0xE0C0] =	vst v10;
	v18 =	vadd.f32 v13, v18;
	v13 =	vld [tilespmem:s14+$0xE0E0]  }
0x39d: {  	v10 =	vld [tilespmem:s14+$0x80F0];
	v16 =	vmul.f32 v16, v8;
	[tilespmem:s14+$0xA0D0] =	vst v15  }
0x39e: {  	s17 =	simm.s32 $0x0;
	s18 =	simm.s32 $0x1000;
	v17 =	vadd.f32 v17, v9;
	[tilespmem:s14+$0x80D0] =	vst v12;
	v12 =	vld [tilespmem:s14+$0xA0F0];
	v15 =	vmul.f32 v18, v5  }
.LBB2_21:
0x39f: {  	s23 =	sshra.s32 s18, $0x2;
	[tilespmem:s14+$0xC0D0] =	vst v16;
	v14 =	vadd.f32 v14, v9;
	v16 =	vld [tilespmem:s14+$0xC0F0]  }
0x3a0: {  	s17 =	sadd.s32 $0x8, s17;
	v18 =	vld [tilespmem:s23+$0x120F0];
	[tilespmem:s14+$0xE0D0] =	vst v15;
	v15 =	vmul.f32 v17, v6;
	v11 =	vadd.f32 v11, v9  }
0x3a1: {  	p0 =	slt.u32 s17, $0x38;
	v17 =	vld [tilespmem:s23+$0xE0F0];
	v14 =	vmul.f32 v14, v7;
	v9 =	vadd.f32 v13, v9  }
0x3a2: {  	v13 =	vld [tilespmem:s23+$0x12080];
	[tilespmem:s14+$0x80E0] =	vst v15;
	v11 =	vmul.f32 v11, v8;
	v10 =	vadd.f32 v10, v4  }
0x3a3: {  	v15 =	vld [tilespmem:s23+$0x8080];
	[tilespmem:s14+$0xA0E0] =	vst v14;
	v9 =	vmul.f32 v9, v5;
	v12 =	vadd.f32 v12, v4  }
0x3a4: {  	v14 =	vld [tilespmem:s23+$0xA080];
	[tilespmem:s14+$0xC0E0] =	vst v11;
	v10 =	vmul.f32 v10, v6;
	v11 =	vadd.f32 v16, v4  }
0x3a5: {  	v16 =	vld [tilespmem:s23+$0xC080];
	[tilespmem:s14+$0xE0E0] =	vst v9;
	v9 =	vmul.f32 v12, v7;
	v4 =	vmov v18  }
0x3a6: {  	v12 =	vld [tilespmem:s23+$0xE080];
	v17 =	vadd.f32 v17, v4;
	[tilespmem:s14+$0x80F0] =	vst v10;
	v10 =	vmul.f32 v11, v8  }
0x3a7: {  	v11 =	vld [tilespmem:s23+$0x12090];
	[tilespmem:s14+$0xA0F0] =	vst v9  }
0x3a8: {  	v9 =	vadd.f32 v15, v13;
	v15 =	vld [tilespmem:s23+$0x8090];
	v17 =	vmul.f32 v17, v5;
	[tilespmem:s14+$0xC0F0] =	vst v10;
	s14 =	smov.u32 s23  }
0x3a9: {  	v10 =	vadd.f32 v14, v13;
	v14 =	vld [tilespmem:s14+$0xA090]  }
0x3aa: {  	v9 =	vmul.f32 v9, v6;
	v16 =	vadd.f32 v16, v13;
	v18 =	vld [tilespmem:s14+$0xC090];
	[tilespmem:s14+$0xE0F0] =	vst v17  }
0x3ab: {  	v10 =	vmul.f32 v10, v7;
	v12 =	vadd.f32 v12, v13;
	v13 =	vld [tilespmem:s14+$0xE090]  }
0x3ac: {  	[tilespmem:s14+$0x8080] =	vst v9;
	v9 =	vmul.f32 v16, v8;
	v16 =	vld [tilespmem:s14+$0x120A0]  }
0x3ad: {  	[tilespmem:s14+$0xA080] =	vst v10;
	v10 =	vmul.f32 v12, v5;
	v12 =	vadd.f32 v15, v11;
	v15 =	vld [tilespmem:s14+$0x80A0]  }
0x3ae: {  	[tilespmem:s14+$0xC080] =	vst v9;
	v9 =	vadd.f32 v14, v11;
	v14 =	vld [tilespmem:s14+$0xA0A0]  }
0x3af: {  	[tilespmem:s14+$0xE080] =	vst v10;
	v10 =	vmul.f32 v12, v6;
	v12 =	vadd.f32 v18, v11;
	v17 =	vld [tilespmem:s14+$0xC0A0]  }
0x3b0: {  	v9 =	vmul.f32 v9, v7;
	v11 =	vadd.f32 v13, v11;
	v13 =	vld [tilespmem:s14+$0xE0A0]  }
0x3b1: {  	[tilespmem:s14+$0x8090] =	vst v10;
	v10 =	vmul.f32 v12, v8;
	v12 =	vld [tilespmem:s14+$0x120B0]  }
0x3b2: {  	[tilespmem:s14+$0xA090] =	vst v9;
	v9 =	vmul.f32 v11, v5;
	v11 =	vadd.f32 v15, v16;
	v15 =	vld [tilespmem:s14+$0x80B0]  }
0x3b3: {  	[tilespmem:s14+$0xC090] =	vst v10;
	v10 =	vadd.f32 v14, v16;
	v14 =	vld [tilespmem:s14+$0xA0B0]  }
0x3b4: {  	[tilespmem:s14+$0xE090] =	vst v9;
	v9 =	vmul.f32 v11, v6;
	v11 =	vadd.f32 v17, v16;
	v17 =	vld [tilespmem:s14+$0xC0B0]  }
0x3b5: {  	v10 =	vmul.f32 v10, v7;
	v13 =	vadd.f32 v13, v16;
	v16 =	vld [tilespmem:s14+$0xE0B0]  }
0x3b6: {  	[tilespmem:s14+$0x80A0] =	vst v9;
	v9 =	vmul.f32 v11, v8;
	v11 =	vld [tilespmem:s14+$0x120C0]  }
0x3b7: {  	[tilespmem:s14+$0xA0A0] =	vst v10;
	v10 =	vmul.f32 v13, v5;
	v13 =	vadd.f32 v15, v12;
	v15 =	vld [tilespmem:s14+$0x80C0]  }
0x3b8: {  	[tilespmem:s14+$0xC0A0] =	vst v9;
	v9 =	vadd.f32 v14, v12;
	v14 =	vld [tilespmem:s14+$0xA0C0]  }
0x3b9: {  	[tilespmem:s14+$0xE0A0] =	vst v10;
	v10 =	vmul.f32 v13, v6;
	v13 =	vadd.f32 v17, v12;
	v17 =	vld [tilespmem:s14+$0xC0C0]  }
0x3ba: {  	v9 =	vmul.f32 v9, v7;
	v12 =	vadd.f32 v16, v12;
	v16 =	vld [tilespmem:s14+$0xE0C0]  }
0x3bb: {  	[tilespmem:s14+$0x80B0] =	vst v10;
	v10 =	vmul.f32 v13, v8;
	v13 =	vld [tilespmem:s14+$0x120D0]  }
0x3bc: {  	[tilespmem:s14+$0xA0B0] =	vst v9;
	v9 =	vmul.f32 v12, v5;
	v12 =	vadd.f32 v15, v11;
	v15 =	vld [tilespmem:s14+$0x80D0]  }
0x3bd: {  	[tilespmem:s14+$0xC0B0] =	vst v10;
	v10 =	vadd.f32 v14, v11;
	v14 =	vld [tilespmem:s14+$0xA0D0]  }
0x3be: {  	[tilespmem:s14+$0xE0B0] =	vst v9;
	v9 =	vmul.f32 v12, v6;
	v12 =	vadd.f32 v17, v11;
	v17 =	vld [tilespmem:s14+$0xC0D0]  }
0x3bf: {  	v10 =	vmul.f32 v10, v7;
	v11 =	vadd.f32 v16, v11;
	v16 =	vld [tilespmem:s14+$0xE0D0]  }
0x3c0: {  	[tilespmem:s14+$0x80C0] =	vst v9;
	v12 =	vmul.f32 v12, v8;
	v9 =	vld [tilespmem:s14+$0x120E0]  }
0x3c1: {  	[tilespmem:s14+$0xA0C0] =	vst v10;
	v10 =	vmul.f32 v11, v5;
	v11 =	vadd.f32 v15, v13;
	v18 =	vld [tilespmem:s14+$0x80E0]  }
.Ltmp11:
0x3c2: {  	[tilespmem:s14+$0xC0C0] =	vst v12;
	v12 =	vadd.f32 v14, v13;
	v14 =	vld [tilespmem:s14+$0xA0E0];
	(pc) =	sbr.rel @p0 .LBB2_21-.Ltmp11, $4  }
0x3c3: {  	[tilespmem:s14+$0xE0C0] =	vst v10;
	v10 =	vmul.f32 v11, v6;
	v15 =	vadd.f32 v17, v13;
	v11 =	vld [tilespmem:s14+$0xC0E0]  }
0x3c4: {  	v12 =	vmul.f32 v12, v7;
	v17 =	vadd.f32 v16, v13;
	v13 =	vld [tilespmem:s14+$0xE0E0]  }
0x3c5: {  	[tilespmem:s14+$0x80D0] =	vst v10;
	v16 =	vmul.f32 v15, v8;
	v10 =	vld [tilespmem:s14+$0x80F0]  }
0x3c6: {  	s18 =	sadd.s32 $0x1000, s18;
	[tilespmem:s14+$0xA0D0] =	vst v12;
	v15 =	vmul.f32 v17, v5;
	v17 =	vadd.f32 v18, v9;
	v12 =	vld [tilespmem:s14+$0xA0F0]  }
0x3c7: {  	v14 =	vadd.f32 v14, v9;
	v18 =	vld [tilespmem:s14+$0xC0F0]  }
0x3c8: {  	[tilespmem:s14+$0xC0D0] =	vst v16;
	v16 =	vmul.f32 v17, v6;
	v11 =	vadd.f32 v11, v9  }
0x3c9: {  	[tilespmem:s14+$0xE0D0] =	vst v15;
	v14 =	vmul.f32 v14, v7;
	v9 =	vadd.f32 v13, v9  }
0x3ca: {  	[tilespmem:s14+$0x80E0] =	vst v16;
	v11 =	vmul.f32 v11, v8;
	v10 =	vadd.f32 v10, v4  }
0x3cb: {  	(v2sf) =	vpush v3, $0xA;
	[tilespmem:s14+$0xA0E0] =	vst v14;
	v5 =	vmul.f32 v9, v5;
	v9 =	vadd.f32 v12, v4  }
0x3cc: {  	(v2sf) =	vpush v2, $0xA;
	[tilespmem:s14+$0xC0E0] =	vst v11;
	v6 =	vmul.f32 v10, v6;
	v4 =	vadd.f32 v18, v4  }
0x3cd: {  	(v2sf) =	vpush v1, $0xA;
	[tilespmem:s14+$0xE0E0] =	vst v5;
	v5 =	vmul.f32 v9, v7  }
0x3ce: {  	(v2sf) =	vpush v0, $0xA;
	[tilespmem:s14+$0x80F0] =	vst v6;
	v4 =	vmul.f32 v4, v8  }
0x3cf: {  	[tilespmem:s14+$0xA0F0] =	vst v5  }
0x3d0: {  	[tilespmem:s14+$0xC0F0] =	vst v4;
	s14 =	simm.s32 $0x0  }
0x3d1: {  	v4 =	vld [tilespmem:s14+$0x12170]  }
0x3d2: {  	v5 =	vld [tilespmem:s14+$0xE170]  }
0x3d3: {  	v9 =	vld [tilespmem:s14+$0x12100]  }
0x3d4: {  	v6 =	vld [tilespmem:s14+$0x8100]  }
0x3d5: {  	v7 =	vld [tilespmem:s14+$0xA100]  }
0x3d6: {  	v8 =	vld [tilespmem:s14+$0xC100]  }
0x3d7: {  	v10 =	vld [tilespmem:s14+$0xE100]  }
0x3d8: {  	v11 =	vld [tilespmem:s14+$0x12110]  }
0x3d9: {  	v12 =	vld [tilespmem:s14+$0x8110]  }
0x3da: {  	v13 =	vld [tilespmem:s14+$0xA110];
	s17 =	spop (v2sf)  }
0x3db: {  	v14 =	vld [tilespmem:s14+$0xC110];
	s18 =	spop (v2sf)  }
0x3dc: {  	v15 =	vld [tilespmem:s14+$0xE110];
	p1 =	seq.s32 s17, $0x0;
	s17 =	simm.f32 $0.0e+00;
	s23 =	spop (v2sf)  }
0x3dd: {  	v17 =	vld [tilespmem:s14+$0x12120];
	v18 =	vadd.f32 v6, v9;
	s17 =	simm.s32 @!p1 $0x3F800000;
	s26 =	spop (v2sf)  }
0x3de: {  	v19 =	vld [tilespmem:s14+$0x8120];
	v16 =	vadd.f32 v5, v4;
	v12 =	vadd.f32 v12, v11;
	v6 =	vmov s17;
	p0 =	seq.s32 s26, $0x0;
	s26 =	simm.f32 $0.0e+00  }
0x3df: {  	v21 =	vld [tilespmem:s14+$0xA120];
	v20 =	vadd.f32 v7, v9;
	v22 =	vadd.f32 v8, v9;
	v18 =	vmul.f32 v18, v6;
	s26 =	simm.s32 @!p0 $0x3F800000  }
0x3e0: {  	v23 =	vld [tilespmem:s14+$0xC120];
	v9 =	vadd.f32 v10, v9;
	v12 =	vmul.f32 v12, v6;
	p0 =	seq.s32 s18, $0x0;
	s18 =	simm.f32 $0.0e+00;
	v5 =	vmov s26  }
0x3e1: {  	v61 =	vld [tilespmem:s14+$0x12130];
	s18 =	simm.s32 @!p0 $0x3F800000;
	p0 =	seq.s32 s23, $0x0;
	s23 =	simm.f32 $0.0e+00;
	[tilespmem:s14+$0x8100] =	vst v18;
	v16 =	vmul.f32 v16, v5  }
0x3e2: {  	v62 =	vld [tilespmem:s14+$0x8140];
	[tilespmem:s14+$0x8110] =	vst v12;
	s23 =	simm.s32 @!p0 $0x3F800000;
	v7 =	vmov s18;
	v9 =	vmul.f32 v9, v5  }
0x3e3: {  	v10 =	vld [tilespmem:s14+$0xE120];
	v13 =	vadd.f32 v13, v11;
	v8 =	vmov s23;
	[tilespmem:s14+$0xE170] =	vst v16;
	v16 =	vmul.f32 v20, v7  }
0x3e4: {  	v14 =	vadd.f32 v14, v11;
	v11 =	vadd.f32 v15, v11;
	v15 =	vld [tilespmem:s14+$0xE130];
	v18 =	vmul.f32 v22, v8;
	[tilespmem:s14+$0xE100] =	vst v9  }
0x3e5: {  	v9 =	vmul.f32 v13, v7;
	[tilespmem:s14+$0xA100] =	vst v16;
	v16 =	vld [tilespmem:s14+$0x8130]  }
0x3e6: {  	v12 =	vmul.f32 v14, v8;
	v14 =	vadd.f32 v19, v17;
	[tilespmem:s14+$0xC100] =	vst v18;
	v18 =	vld [tilespmem:s14+$0xA130]  }
0x3e7: {  	v13 =	vld [tilespmem:s14+$0xC130];
	[tilespmem:s14+$0xA110] =	vst v9;
	v9 =	vmul.f32 v11, v5;
	v11 =	vadd.f32 v21, v17  }
0x3e8: {  	v19 =	vld [tilespmem:s14+$0x12140];
	[tilespmem:s14+$0xC110] =	vst v12;
	v12 =	vmul.f32 v14, v6;
	v14 =	vadd.f32 v23, v17  }
0x3e9: {  	v10 =	vadd.f32 v10, v17;
	v17 =	vld [tilespmem:s14+$0xE140];
	[tilespmem:s14+$0xE110] =	vst v9;
	v9 =	vmul.f32 v11, v7  }
0x3ea: {  	v11 =	vld [tilespmem:s14+$0xA140];
	[tilespmem:s14+$0x8120] =	vst v12;
	v12 =	vmul.f32 v14, v8;
	v14 =	vadd.f32 v16, v61  }
0x3eb: {  	[tilespmem:s14+$0xA120] =	vst v9;
	v9 =	vmul.f32 v10, v5;
	v16 =	vld [tilespmem:s14+$0xC140];
	v10 =	vadd.f32 v18, v61  }
0x3ec: {  	v13 =	vadd.f32 v13, v61;
	[tilespmem:s14+$0xC120] =	vst v12;
	v18 =	vld [tilespmem:s14+$0x12150];
	v12 =	vmul.f32 v14, v6  }
0x3ed: {  	[tilespmem:s14+$0xE120] =	vst v9;
	v9 =	vmul.f32 v10, v7;
	v10 =	vadd.f32 v15, v61;
	v15 =	vld [tilespmem:s14+$0xA150]  }
0x3ee: {  	v14 =	vld [tilespmem:s14+$0x8150];
	[tilespmem:s14+$0x8130] =	vst v12;
	v12 =	vmul.f32 v13, v8;
	v13 =	vadd.f32 v62, v19  }
0x3ef: {  	v63 =	vld [tilespmem:s14+$0xC150];
	[tilespmem:s14+$0xA130] =	vst v9;
	v9 =	vmul.f32 v10, v5;
	v10 =	vadd.f32 v11, v19  }
0x3f0: {  	[tilespmem:s14+$0xC130] =	vst v12;
	v11 =	vmul.f32 v13, v6;
	v12 =	vadd.f32 v16, v19;
	v13 =	vld [tilespmem:s14+$0xE150]  }
0x3f1: {  	[tilespmem:s14+$0xE130] =	vst v9;
	v10 =	vmul.f32 v10, v7;
	v16 =	vadd.f32 v17, v19;
	v9 =	vld [tilespmem:s14+$0x12160]  }
0x3f2: {  	v17 =	vld [tilespmem:s14+$0x8160];
	v15 =	vadd.f32 v15, v18;
	[tilespmem:s14+$0x8140] =	vst v11;
	v11 =	vmul.f32 v12, v8  }
0x3f3: {  	v12 =	vadd.f32 v14, v18;
	[tilespmem:s14+$0xA140] =	vst v10;
	v10 =	vmul.f32 v16, v5;
	v14 =	vld [tilespmem:s14+$0xA160]  }
0x3f4: {  	v16 =	vadd.f32 v63, v18;
	v15 =	vmul.f32 v15, v7;
	[tilespmem:s14+$0xC140] =	vst v11;
	v11 =	vld [tilespmem:s14+$0xC160]  }
0x3f5: {  	v12 =	vmul.f32 v12, v6;
	[tilespmem:s14+$0xE140] =	vst v10;
	v18 =	vadd.f32 v13, v18;
	v13 =	vld [tilespmem:s14+$0xE160]  }
0x3f6: {  	v10 =	vld [tilespmem:s14+$0x8170];
	v16 =	vmul.f32 v16, v8;
	[tilespmem:s14+$0xA150] =	vst v15  }
0x3f7: {  	s17 =	simm.s32 $0x0;
	s18 =	simm.s32 $0x1000;
	v17 =	vadd.f32 v17, v9;
	[tilespmem:s14+$0x8150] =	vst v12;
	v12 =	vld [tilespmem:s14+$0xA170];
	v15 =	vmul.f32 v18, v5  }
.LBB2_23:
0x3f8: {  	s23 =	sshra.s32 s18, $0x2;
	[tilespmem:s14+$0xC150] =	vst v16;
	v14 =	vadd.f32 v14, v9;
	v16 =	vld [tilespmem:s14+$0xC170]  }
0x3f9: {  	s17 =	sadd.s32 $0x8, s17;
	v18 =	vld [tilespmem:s23+$0x12170];
	[tilespmem:s14+$0xE150] =	vst v15;
	v15 =	vmul.f32 v17, v6;
	v11 =	vadd.f32 v11, v9  }
0x3fa: {  	p0 =	slt.u32 s17, $0x38;
	v17 =	vld [tilespmem:s23+$0xE170];
	v14 =	vmul.f32 v14, v7;
	v9 =	vadd.f32 v13, v9  }
0x3fb: {  	v13 =	vld [tilespmem:s23+$0x12100];
	[tilespmem:s14+$0x8160] =	vst v15;
	v11 =	vmul.f32 v11, v8;
	v10 =	vadd.f32 v10, v4  }
0x3fc: {  	v15 =	vld [tilespmem:s23+$0x8100];
	[tilespmem:s14+$0xA160] =	vst v14;
	v9 =	vmul.f32 v9, v5;
	v12 =	vadd.f32 v12, v4  }
0x3fd: {  	v14 =	vld [tilespmem:s23+$0xA100];
	[tilespmem:s14+$0xC160] =	vst v11;
	v10 =	vmul.f32 v10, v6;
	v11 =	vadd.f32 v16, v4  }
0x3fe: {  	v16 =	vld [tilespmem:s23+$0xC100];
	[tilespmem:s14+$0xE160] =	vst v9;
	v9 =	vmul.f32 v12, v7;
	v4 =	vmov v18  }
0x3ff: {  	v12 =	vld [tilespmem:s23+$0xE100];
	v17 =	vadd.f32 v17, v4;
	[tilespmem:s14+$0x8170] =	vst v10;
	v10 =	vmul.f32 v11, v8  }
0x400: {  	v11 =	vld [tilespmem:s23+$0x12110];
	[tilespmem:s14+$0xA170] =	vst v9  }
0x401: {  	v9 =	vadd.f32 v15, v13;
	v15 =	vld [tilespmem:s23+$0x8110];
	v17 =	vmul.f32 v17, v5;
	[tilespmem:s14+$0xC170] =	vst v10;
	s14 =	smov.u32 s23  }
0x402: {  	v10 =	vadd.f32 v14, v13;
	v14 =	vld [tilespmem:s14+$0xA110]  }
0x403: {  	v9 =	vmul.f32 v9, v6;
	v16 =	vadd.f32 v16, v13;
	v18 =	vld [tilespmem:s14+$0xC110];
	[tilespmem:s14+$0xE170] =	vst v17  }
0x404: {  	v10 =	vmul.f32 v10, v7;
	v12 =	vadd.f32 v12, v13;
	v13 =	vld [tilespmem:s14+$0xE110]  }
0x405: {  	[tilespmem:s14+$0x8100] =	vst v9;
	v9 =	vmul.f32 v16, v8;
	v16 =	vld [tilespmem:s14+$0x12120]  }
0x406: {  	[tilespmem:s14+$0xA100] =	vst v10;
	v10 =	vmul.f32 v12, v5;
	v12 =	vadd.f32 v15, v11;
	v15 =	vld [tilespmem:s14+$0x8120]  }
0x407: {  	[tilespmem:s14+$0xC100] =	vst v9;
	v9 =	vadd.f32 v14, v11;
	v14 =	vld [tilespmem:s14+$0xA120]  }
0x408: {  	[tilespmem:s14+$0xE100] =	vst v10;
	v10 =	vmul.f32 v12, v6;
	v12 =	vadd.f32 v18, v11;
	v17 =	vld [tilespmem:s14+$0xC120]  }
0x409: {  	v9 =	vmul.f32 v9, v7;
	v11 =	vadd.f32 v13, v11;
	v13 =	vld [tilespmem:s14+$0xE120]  }
0x40a: {  	[tilespmem:s14+$0x8110] =	vst v10;
	v10 =	vmul.f32 v12, v8;
	v12 =	vld [tilespmem:s14+$0x12130]  }
0x40b: {  	[tilespmem:s14+$0xA110] =	vst v9;
	v9 =	vmul.f32 v11, v5;
	v11 =	vadd.f32 v15, v16;
	v15 =	vld [tilespmem:s14+$0x8130]  }
0x40c: {  	[tilespmem:s14+$0xC110] =	vst v10;
	v10 =	vadd.f32 v14, v16;
	v14 =	vld [tilespmem:s14+$0xA130]  }
0x40d: {  	[tilespmem:s14+$0xE110] =	vst v9;
	v9 =	vmul.f32 v11, v6;
	v11 =	vadd.f32 v17, v16;
	v17 =	vld [tilespmem:s14+$0xC130]  }
0x40e: {  	v10 =	vmul.f32 v10, v7;
	v13 =	vadd.f32 v13, v16;
	v16 =	vld [tilespmem:s14+$0xE130]  }
0x40f: {  	[tilespmem:s14+$0x8120] =	vst v9;
	v9 =	vmul.f32 v11, v8;
	v11 =	vld [tilespmem:s14+$0x12140]  }
0x410: {  	[tilespmem:s14+$0xA120] =	vst v10;
	v10 =	vmul.f32 v13, v5;
	v13 =	vadd.f32 v15, v12;
	v15 =	vld [tilespmem:s14+$0x8140]  }
0x411: {  	[tilespmem:s14+$0xC120] =	vst v9;
	v9 =	vadd.f32 v14, v12;
	v14 =	vld [tilespmem:s14+$0xA140]  }
0x412: {  	[tilespmem:s14+$0xE120] =	vst v10;
	v10 =	vmul.f32 v13, v6;
	v13 =	vadd.f32 v17, v12;
	v17 =	vld [tilespmem:s14+$0xC140]  }
0x413: {  	v9 =	vmul.f32 v9, v7;
	v12 =	vadd.f32 v16, v12;
	v16 =	vld [tilespmem:s14+$0xE140]  }
0x414: {  	[tilespmem:s14+$0x8130] =	vst v10;
	v10 =	vmul.f32 v13, v8;
	v13 =	vld [tilespmem:s14+$0x12150]  }
0x415: {  	[tilespmem:s14+$0xA130] =	vst v9;
	v9 =	vmul.f32 v12, v5;
	v12 =	vadd.f32 v15, v11;
	v15 =	vld [tilespmem:s14+$0x8150]  }
0x416: {  	[tilespmem:s14+$0xC130] =	vst v10;
	v10 =	vadd.f32 v14, v11;
	v14 =	vld [tilespmem:s14+$0xA150]  }
0x417: {  	[tilespmem:s14+$0xE130] =	vst v9;
	v9 =	vmul.f32 v12, v6;
	v12 =	vadd.f32 v17, v11;
	v17 =	vld [tilespmem:s14+$0xC150]  }
0x418: {  	v10 =	vmul.f32 v10, v7;
	v11 =	vadd.f32 v16, v11;
	v16 =	vld [tilespmem:s14+$0xE150]  }
0x419: {  	[tilespmem:s14+$0x8140] =	vst v9;
	v12 =	vmul.f32 v12, v8;
	v9 =	vld [tilespmem:s14+$0x12160]  }
0x41a: {  	[tilespmem:s14+$0xA140] =	vst v10;
	v10 =	vmul.f32 v11, v5;
	v11 =	vadd.f32 v15, v13;
	v18 =	vld [tilespmem:s14+$0x8160]  }
.Ltmp12:
0x41b: {  	[tilespmem:s14+$0xC140] =	vst v12;
	v12 =	vadd.f32 v14, v13;
	v14 =	vld [tilespmem:s14+$0xA160];
	(pc) =	sbr.rel @p0 .LBB2_23-.Ltmp12, $4  }
0x41c: {  	[tilespmem:s14+$0xE140] =	vst v10;
	v10 =	vmul.f32 v11, v6;
	v15 =	vadd.f32 v17, v13;
	v11 =	vld [tilespmem:s14+$0xC160]  }
0x41d: {  	v12 =	vmul.f32 v12, v7;
	v17 =	vadd.f32 v16, v13;
	v13 =	vld [tilespmem:s14+$0xE160]  }
0x41e: {  	[tilespmem:s14+$0x8150] =	vst v10;
	v16 =	vmul.f32 v15, v8;
	v10 =	vld [tilespmem:s14+$0x8170]  }
0x41f: {  	s18 =	sadd.s32 $0x1000, s18;
	[tilespmem:s14+$0xA150] =	vst v12;
	v15 =	vmul.f32 v17, v5;
	v17 =	vadd.f32 v18, v9;
	v12 =	vld [tilespmem:s14+$0xA170]  }
0x420: {  	v14 =	vadd.f32 v14, v9;
	v18 =	vld [tilespmem:s14+$0xC170]  }
0x421: {  	[tilespmem:s14+$0xC150] =	vst v16;
	v16 =	vmul.f32 v17, v6;
	v11 =	vadd.f32 v11, v9  }
0x422: {  	[tilespmem:s14+$0xE150] =	vst v15;
	v14 =	vmul.f32 v14, v7;
	v9 =	vadd.f32 v13, v9  }
0x423: {  	[tilespmem:s14+$0x8160] =	vst v16;
	v11 =	vmul.f32 v11, v8;
	v10 =	vadd.f32 v10, v4  }
0x424: {  	(v2sf) =	vpush v3, $0xB;
	[tilespmem:s14+$0xA160] =	vst v14;
	v5 =	vmul.f32 v9, v5;
	v9 =	vadd.f32 v12, v4  }
0x425: {  	(v2sf) =	vpush v2, $0xB;
	[tilespmem:s14+$0xC160] =	vst v11;
	v6 =	vmul.f32 v10, v6;
	v4 =	vadd.f32 v18, v4  }
0x426: {  	(v2sf) =	vpush v1, $0xB;
	[tilespmem:s14+$0xE160] =	vst v5;
	v5 =	vmul.f32 v9, v7  }
0x427: {  	(v2sf) =	vpush v0, $0xB;
	[tilespmem:s14+$0x8170] =	vst v6;
	v4 =	vmul.f32 v4, v8  }
0x428: {  	[tilespmem:s14+$0xA170] =	vst v5  }
0x429: {  	[tilespmem:s14+$0xC170] =	vst v4;
	s14 =	simm.s32 $0x0  }
0x42a: {  	v4 =	vld [tilespmem:s14+$0x121F0]  }
0x42b: {  	v5 =	vld [tilespmem:s14+$0xE1F0]  }
0x42c: {  	v9 =	vld [tilespmem:s14+$0x12180]  }
0x42d: {  	v6 =	vld [tilespmem:s14+$0x8180]  }
0x42e: {  	v7 =	vld [tilespmem:s14+$0xA180]  }
0x42f: {  	v8 =	vld [tilespmem:s14+$0xC180]  }
0x430: {  	v10 =	vld [tilespmem:s14+$0xE180]  }
0x431: {  	v11 =	vld [tilespmem:s14+$0x12190]  }
0x432: {  	v12 =	vld [tilespmem:s14+$0x8190]  }
0x433: {  	v13 =	vld [tilespmem:s14+$0xA190];
	s17 =	spop (v2sf)  }
0x434: {  	v14 =	vld [tilespmem:s14+$0xC190];
	s18 =	spop (v2sf)  }
0x435: {  	v15 =	vld [tilespmem:s14+$0xE190];
	p1 =	seq.s32 s17, $0x0;
	s17 =	simm.f32 $0.0e+00;
	s23 =	spop (v2sf)  }
0x436: {  	v17 =	vld [tilespmem:s14+$0x121A0];
	v18 =	vadd.f32 v6, v9;
	s17 =	simm.s32 @!p1 $0x3F800000;
	s26 =	spop (v2sf)  }
0x437: {  	v19 =	vld [tilespmem:s14+$0x81A0];
	v16 =	vadd.f32 v5, v4;
	v12 =	vadd.f32 v12, v11;
	v6 =	vmov s17;
	p0 =	seq.s32 s26, $0x0;
	s26 =	simm.f32 $0.0e+00  }
0x438: {  	v21 =	vld [tilespmem:s14+$0xA1A0];
	v20 =	vadd.f32 v7, v9;
	v22 =	vadd.f32 v8, v9;
	v18 =	vmul.f32 v18, v6;
	s26 =	simm.s32 @!p0 $0x3F800000  }
0x439: {  	v23 =	vld [tilespmem:s14+$0xC1A0];
	v9 =	vadd.f32 v10, v9;
	v12 =	vmul.f32 v12, v6;
	p0 =	seq.s32 s18, $0x0;
	s18 =	simm.f32 $0.0e+00;
	v5 =	vmov s26  }
0x43a: {  	v61 =	vld [tilespmem:s14+$0x121B0];
	s18 =	simm.s32 @!p0 $0x3F800000;
	p0 =	seq.s32 s23, $0x0;
	s23 =	simm.f32 $0.0e+00;
	[tilespmem:s14+$0x8180] =	vst v18;
	v16 =	vmul.f32 v16, v5  }
0x43b: {  	v62 =	vld [tilespmem:s14+$0x81C0];
	[tilespmem:s14+$0x8190] =	vst v12;
	s23 =	simm.s32 @!p0 $0x3F800000;
	v7 =	vmov s18;
	v9 =	vmul.f32 v9, v5  }
0x43c: {  	v10 =	vld [tilespmem:s14+$0xE1A0];
	v13 =	vadd.f32 v13, v11;
	v8 =	vmov s23;
	[tilespmem:s14+$0xE1F0] =	vst v16;
	v16 =	vmul.f32 v20, v7  }
0x43d: {  	v14 =	vadd.f32 v14, v11;
	v11 =	vadd.f32 v15, v11;
	v15 =	vld [tilespmem:s14+$0xE1B0];
	v18 =	vmul.f32 v22, v8;
	[tilespmem:s14+$0xE180] =	vst v9  }
0x43e: {  	v9 =	vmul.f32 v13, v7;
	[tilespmem:s14+$0xA180] =	vst v16;
	v16 =	vld [tilespmem:s14+$0x81B0]  }
0x43f: {  	v12 =	vmul.f32 v14, v8;
	v14 =	vadd.f32 v19, v17;
	[tilespmem:s14+$0xC180] =	vst v18;
	v18 =	vld [tilespmem:s14+$0xA1B0]  }
0x440: {  	v13 =	vld [tilespmem:s14+$0xC1B0];
	[tilespmem:s14+$0xA190] =	vst v9;
	v9 =	vmul.f32 v11, v5;
	v11 =	vadd.f32 v21, v17  }
0x441: {  	v19 =	vld [tilespmem:s14+$0x121C0];
	[tilespmem:s14+$0xC190] =	vst v12;
	v12 =	vmul.f32 v14, v6;
	v14 =	vadd.f32 v23, v17  }
0x442: {  	v10 =	vadd.f32 v10, v17;
	v17 =	vld [tilespmem:s14+$0xE1C0];
	[tilespmem:s14+$0xE190] =	vst v9;
	v9 =	vmul.f32 v11, v7  }
0x443: {  	v11 =	vld [tilespmem:s14+$0xA1C0];
	[tilespmem:s14+$0x81A0] =	vst v12;
	v12 =	vmul.f32 v14, v8;
	v14 =	vadd.f32 v16, v61  }
0x444: {  	[tilespmem:s14+$0xA1A0] =	vst v9;
	v9 =	vmul.f32 v10, v5;
	v16 =	vld [tilespmem:s14+$0xC1C0];
	v10 =	vadd.f32 v18, v61  }
0x445: {  	v13 =	vadd.f32 v13, v61;
	[tilespmem:s14+$0xC1A0] =	vst v12;
	v18 =	vld [tilespmem:s14+$0x121D0];
	v12 =	vmul.f32 v14, v6  }
0x446: {  	[tilespmem:s14+$0xE1A0] =	vst v9;
	v9 =	vmul.f32 v10, v7;
	v10 =	vadd.f32 v15, v61;
	v15 =	vld [tilespmem:s14+$0xA1D0]  }
0x447: {  	v14 =	vld [tilespmem:s14+$0x81D0];
	[tilespmem:s14+$0x81B0] =	vst v12;
	v12 =	vmul.f32 v13, v8;
	v13 =	vadd.f32 v62, v19  }
0x448: {  	v63 =	vld [tilespmem:s14+$0xC1D0];
	[tilespmem:s14+$0xA1B0] =	vst v9;
	v9 =	vmul.f32 v10, v5;
	v10 =	vadd.f32 v11, v19  }
0x449: {  	[tilespmem:s14+$0xC1B0] =	vst v12;
	v11 =	vmul.f32 v13, v6;
	v12 =	vadd.f32 v16, v19;
	v13 =	vld [tilespmem:s14+$0xE1D0]  }
0x44a: {  	[tilespmem:s14+$0xE1B0] =	vst v9;
	v10 =	vmul.f32 v10, v7;
	v16 =	vadd.f32 v17, v19;
	v9 =	vld [tilespmem:s14+$0x121E0]  }
0x44b: {  	v17 =	vld [tilespmem:s14+$0x81E0];
	v15 =	vadd.f32 v15, v18;
	[tilespmem:s14+$0x81C0] =	vst v11;
	v11 =	vmul.f32 v12, v8  }
0x44c: {  	v12 =	vadd.f32 v14, v18;
	[tilespmem:s14+$0xA1C0] =	vst v10;
	v10 =	vmul.f32 v16, v5;
	v14 =	vld [tilespmem:s14+$0xA1E0]  }
0x44d: {  	v16 =	vadd.f32 v63, v18;
	v15 =	vmul.f32 v15, v7;
	[tilespmem:s14+$0xC1C0] =	vst v11;
	v11 =	vld [tilespmem:s14+$0xC1E0]  }
0x44e: {  	v12 =	vmul.f32 v12, v6;
	[tilespmem:s14+$0xE1C0] =	vst v10;
	v18 =	vadd.f32 v13, v18;
	v13 =	vld [tilespmem:s14+$0xE1E0]  }
0x44f: {  	v10 =	vld [tilespmem:s14+$0x81F0];
	v16 =	vmul.f32 v16, v8;
	[tilespmem:s14+$0xA1D0] =	vst v15  }
0x450: {  	s17 =	simm.s32 $0x0;
	s18 =	simm.s32 $0x1000;
	v17 =	vadd.f32 v17, v9;
	[tilespmem:s14+$0x81D0] =	vst v12;
	v12 =	vld [tilespmem:s14+$0xA1F0];
	v15 =	vmul.f32 v18, v5  }
.LBB2_25:
0x451: {  	s23 =	sshra.s32 s18, $0x2;
	[tilespmem:s14+$0xC1D0] =	vst v16;
	v14 =	vadd.f32 v14, v9;
	v16 =	vld [tilespmem:s14+$0xC1F0]  }
0x452: {  	s17 =	sadd.s32 $0x8, s17;
	v18 =	vld [tilespmem:s23+$0x121F0];
	[tilespmem:s14+$0xE1D0] =	vst v15;
	v15 =	vmul.f32 v17, v6;
	v11 =	vadd.f32 v11, v9  }
0x453: {  	p0 =	slt.u32 s17, $0x38;
	v17 =	vld [tilespmem:s23+$0xE1F0];
	v14 =	vmul.f32 v14, v7;
	v9 =	vadd.f32 v13, v9  }
0x454: {  	v13 =	vld [tilespmem:s23+$0x12180];
	[tilespmem:s14+$0x81E0] =	vst v15;
	v11 =	vmul.f32 v11, v8;
	v10 =	vadd.f32 v10, v4  }
0x455: {  	v15 =	vld [tilespmem:s23+$0x8180];
	[tilespmem:s14+$0xA1E0] =	vst v14;
	v9 =	vmul.f32 v9, v5;
	v12 =	vadd.f32 v12, v4  }
0x456: {  	v14 =	vld [tilespmem:s23+$0xA180];
	[tilespmem:s14+$0xC1E0] =	vst v11;
	v10 =	vmul.f32 v10, v6;
	v11 =	vadd.f32 v16, v4  }
0x457: {  	v16 =	vld [tilespmem:s23+$0xC180];
	[tilespmem:s14+$0xE1E0] =	vst v9;
	v9 =	vmul.f32 v12, v7;
	v4 =	vmov v18  }
0x458: {  	v12 =	vld [tilespmem:s23+$0xE180];
	v17 =	vadd.f32 v17, v4;
	[tilespmem:s14+$0x81F0] =	vst v10;
	v10 =	vmul.f32 v11, v8  }
0x459: {  	v11 =	vld [tilespmem:s23+$0x12190];
	[tilespmem:s14+$0xA1F0] =	vst v9  }
0x45a: {  	v9 =	vadd.f32 v15, v13;
	v15 =	vld [tilespmem:s23+$0x8190];
	v17 =	vmul.f32 v17, v5;
	[tilespmem:s14+$0xC1F0] =	vst v10;
	s14 =	smov.u32 s23  }
0x45b: {  	v10 =	vadd.f32 v14, v13;
	v14 =	vld [tilespmem:s14+$0xA190]  }
0x45c: {  	v9 =	vmul.f32 v9, v6;
	v16 =	vadd.f32 v16, v13;
	v18 =	vld [tilespmem:s14+$0xC190];
	[tilespmem:s14+$0xE1F0] =	vst v17  }
0x45d: {  	v10 =	vmul.f32 v10, v7;
	v12 =	vadd.f32 v12, v13;
	v13 =	vld [tilespmem:s14+$0xE190]  }
0x45e: {  	[tilespmem:s14+$0x8180] =	vst v9;
	v9 =	vmul.f32 v16, v8;
	v16 =	vld [tilespmem:s14+$0x121A0]  }
0x45f: {  	[tilespmem:s14+$0xA180] =	vst v10;
	v10 =	vmul.f32 v12, v5;
	v12 =	vadd.f32 v15, v11;
	v15 =	vld [tilespmem:s14+$0x81A0]  }
0x460: {  	[tilespmem:s14+$0xC180] =	vst v9;
	v9 =	vadd.f32 v14, v11;
	v14 =	vld [tilespmem:s14+$0xA1A0]  }
0x461: {  	[tilespmem:s14+$0xE180] =	vst v10;
	v10 =	vmul.f32 v12, v6;
	v12 =	vadd.f32 v18, v11;
	v17 =	vld [tilespmem:s14+$0xC1A0]  }
0x462: {  	v9 =	vmul.f32 v9, v7;
	v11 =	vadd.f32 v13, v11;
	v13 =	vld [tilespmem:s14+$0xE1A0]  }
0x463: {  	[tilespmem:s14+$0x8190] =	vst v10;
	v10 =	vmul.f32 v12, v8;
	v12 =	vld [tilespmem:s14+$0x121B0]  }
0x464: {  	[tilespmem:s14+$0xA190] =	vst v9;
	v9 =	vmul.f32 v11, v5;
	v11 =	vadd.f32 v15, v16;
	v15 =	vld [tilespmem:s14+$0x81B0]  }
0x465: {  	[tilespmem:s14+$0xC190] =	vst v10;
	v10 =	vadd.f32 v14, v16;
	v14 =	vld [tilespmem:s14+$0xA1B0]  }
0x466: {  	[tilespmem:s14+$0xE190] =	vst v9;
	v9 =	vmul.f32 v11, v6;
	v11 =	vadd.f32 v17, v16;
	v17 =	vld [tilespmem:s14+$0xC1B0]  }
0x467: {  	v10 =	vmul.f32 v10, v7;
	v13 =	vadd.f32 v13, v16;
	v16 =	vld [tilespmem:s14+$0xE1B0]  }
0x468: {  	[tilespmem:s14+$0x81A0] =	vst v9;
	v9 =	vmul.f32 v11, v8;
	v11 =	vld [tilespmem:s14+$0x121C0]  }
0x469: {  	[tilespmem:s14+$0xA1A0] =	vst v10;
	v10 =	vmul.f32 v13, v5;
	v13 =	vadd.f32 v15, v12;
	v15 =	vld [tilespmem:s14+$0x81C0]  }
0x46a: {  	[tilespmem:s14+$0xC1A0] =	vst v9;
	v9 =	vadd.f32 v14, v12;
	v14 =	vld [tilespmem:s14+$0xA1C0]  }
0x46b: {  	[tilespmem:s14+$0xE1A0] =	vst v10;
	v10 =	vmul.f32 v13, v6;
	v13 =	vadd.f32 v17, v12;
	v17 =	vld [tilespmem:s14+$0xC1C0]  }
0x46c: {  	v9 =	vmul.f32 v9, v7;
	v12 =	vadd.f32 v16, v12;
	v16 =	vld [tilespmem:s14+$0xE1C0]  }
0x46d: {  	[tilespmem:s14+$0x81B0] =	vst v10;
	v10 =	vmul.f32 v13, v8;
	v13 =	vld [tilespmem:s14+$0x121D0]  }
0x46e: {  	[tilespmem:s14+$0xA1B0] =	vst v9;
	v9 =	vmul.f32 v12, v5;
	v12 =	vadd.f32 v15, v11;
	v15 =	vld [tilespmem:s14+$0x81D0]  }
0x46f: {  	[tilespmem:s14+$0xC1B0] =	vst v10;
	v10 =	vadd.f32 v14, v11;
	v14 =	vld [tilespmem:s14+$0xA1D0]  }
0x470: {  	[tilespmem:s14+$0xE1B0] =	vst v9;
	v9 =	vmul.f32 v12, v6;
	v12 =	vadd.f32 v17, v11;
	v17 =	vld [tilespmem:s14+$0xC1D0]  }
0x471: {  	v10 =	vmul.f32 v10, v7;
	v11 =	vadd.f32 v16, v11;
	v16 =	vld [tilespmem:s14+$0xE1D0]  }
0x472: {  	[tilespmem:s14+$0x81C0] =	vst v9;
	v12 =	vmul.f32 v12, v8;
	v9 =	vld [tilespmem:s14+$0x121E0]  }
0x473: {  	[tilespmem:s14+$0xA1C0] =	vst v10;
	v10 =	vmul.f32 v11, v5;
	v11 =	vadd.f32 v15, v13;
	v18 =	vld [tilespmem:s14+$0x81E0]  }
.Ltmp13:
0x474: {  	[tilespmem:s14+$0xC1C0] =	vst v12;
	v12 =	vadd.f32 v14, v13;
	v14 =	vld [tilespmem:s14+$0xA1E0];
	(pc) =	sbr.rel @p0 .LBB2_25-.Ltmp13, $4  }
0x475: {  	[tilespmem:s14+$0xE1C0] =	vst v10;
	v10 =	vmul.f32 v11, v6;
	v15 =	vadd.f32 v17, v13;
	v11 =	vld [tilespmem:s14+$0xC1E0]  }
0x476: {  	v12 =	vmul.f32 v12, v7;
	v17 =	vadd.f32 v16, v13;
	v13 =	vld [tilespmem:s14+$0xE1E0]  }
0x477: {  	[tilespmem:s14+$0x81D0] =	vst v10;
	v16 =	vmul.f32 v15, v8;
	v10 =	vld [tilespmem:s14+$0x81F0]  }
0x478: {  	s18 =	sadd.s32 $0x1000, s18;
	[tilespmem:s14+$0xA1D0] =	vst v12;
	v15 =	vmul.f32 v17, v5;
	v17 =	vadd.f32 v18, v9;
	v12 =	vld [tilespmem:s14+$0xA1F0]  }
0x479: {  	v14 =	vadd.f32 v14, v9;
	v18 =	vld [tilespmem:s14+$0xC1F0]  }
0x47a: {  	[tilespmem:s14+$0xC1D0] =	vst v16;
	v16 =	vmul.f32 v17, v6;
	v11 =	vadd.f32 v11, v9  }
0x47b: {  	[tilespmem:s14+$0xE1D0] =	vst v15;
	v14 =	vmul.f32 v14, v7;
	v9 =	vadd.f32 v13, v9  }
0x47c: {  	[tilespmem:s14+$0x81E0] =	vst v16;
	v11 =	vmul.f32 v11, v8;
	v10 =	vadd.f32 v10, v4  }
0x47d: {  	(v2sf) =	vpush v3, $0xC;
	[tilespmem:s14+$0xA1E0] =	vst v14;
	v5 =	vmul.f32 v9, v5;
	v9 =	vadd.f32 v12, v4  }
0x47e: {  	(v2sf) =	vpush v2, $0xC;
	[tilespmem:s14+$0xC1E0] =	vst v11;
	v6 =	vmul.f32 v10, v6;
	v4 =	vadd.f32 v18, v4  }
0x47f: {  	(v2sf) =	vpush v1, $0xC;
	[tilespmem:s14+$0xE1E0] =	vst v5;
	v5 =	vmul.f32 v9, v7  }
0x480: {  	(v2sf) =	vpush v0, $0xC;
	[tilespmem:s14+$0x81F0] =	vst v6;
	v4 =	vmul.f32 v4, v8  }
0x481: {  	[tilespmem:s14+$0xA1F0] =	vst v5  }
0x482: {  	[tilespmem:s14+$0xC1F0] =	vst v4;
	s14 =	simm.s32 $0x0  }
0x483: {  	v4 =	vld [tilespmem:s14+$0x12270]  }
0x484: {  	v5 =	vld [tilespmem:s14+$0xE270]  }
0x485: {  	v9 =	vld [tilespmem:s14+$0x12200]  }
0x486: {  	v6 =	vld [tilespmem:s14+$0x8200]  }
0x487: {  	v7 =	vld [tilespmem:s14+$0xA200]  }
0x488: {  	v8 =	vld [tilespmem:s14+$0xC200]  }
0x489: {  	v10 =	vld [tilespmem:s14+$0xE200]  }
0x48a: {  	v11 =	vld [tilespmem:s14+$0x12210]  }
0x48b: {  	v12 =	vld [tilespmem:s14+$0x8210]  }
0x48c: {  	v13 =	vld [tilespmem:s14+$0xA210];
	s17 =	spop (v2sf)  }
0x48d: {  	v14 =	vld [tilespmem:s14+$0xC210];
	s18 =	spop (v2sf)  }
0x48e: {  	v15 =	vld [tilespmem:s14+$0xE210];
	p1 =	seq.s32 s17, $0x0;
	s17 =	simm.f32 $0.0e+00;
	s23 =	spop (v2sf)  }
0x48f: {  	v17 =	vld [tilespmem:s14+$0x12220];
	v18 =	vadd.f32 v6, v9;
	s17 =	simm.s32 @!p1 $0x3F800000;
	s26 =	spop (v2sf)  }
0x490: {  	v19 =	vld [tilespmem:s14+$0x8220];
	v16 =	vadd.f32 v5, v4;
	v12 =	vadd.f32 v12, v11;
	v6 =	vmov s17;
	p0 =	seq.s32 s26, $0x0;
	s26 =	simm.f32 $0.0e+00  }
0x491: {  	v21 =	vld [tilespmem:s14+$0xA220];
	v20 =	vadd.f32 v7, v9;
	v22 =	vadd.f32 v8, v9;
	v18 =	vmul.f32 v18, v6;
	s26 =	simm.s32 @!p0 $0x3F800000  }
0x492: {  	v23 =	vld [tilespmem:s14+$0xC220];
	v9 =	vadd.f32 v10, v9;
	v12 =	vmul.f32 v12, v6;
	p0 =	seq.s32 s18, $0x0;
	s18 =	simm.f32 $0.0e+00;
	v5 =	vmov s26  }
0x493: {  	v61 =	vld [tilespmem:s14+$0x12230];
	s18 =	simm.s32 @!p0 $0x3F800000;
	p0 =	seq.s32 s23, $0x0;
	s23 =	simm.f32 $0.0e+00;
	[tilespmem:s14+$0x8200] =	vst v18;
	v16 =	vmul.f32 v16, v5  }
0x494: {  	v62 =	vld [tilespmem:s14+$0x8240];
	[tilespmem:s14+$0x8210] =	vst v12;
	s23 =	simm.s32 @!p0 $0x3F800000;
	v7 =	vmov s18;
	v9 =	vmul.f32 v9, v5  }
0x495: {  	v10 =	vld [tilespmem:s14+$0xE220];
	v13 =	vadd.f32 v13, v11;
	v8 =	vmov s23;
	[tilespmem:s14+$0xE270] =	vst v16;
	v16 =	vmul.f32 v20, v7  }
0x496: {  	v14 =	vadd.f32 v14, v11;
	v11 =	vadd.f32 v15, v11;
	v15 =	vld [tilespmem:s14+$0xE230];
	v18 =	vmul.f32 v22, v8;
	[tilespmem:s14+$0xE200] =	vst v9  }
0x497: {  	v9 =	vmul.f32 v13, v7;
	[tilespmem:s14+$0xA200] =	vst v16;
	v16 =	vld [tilespmem:s14+$0x8230]  }
0x498: {  	v12 =	vmul.f32 v14, v8;
	v14 =	vadd.f32 v19, v17;
	[tilespmem:s14+$0xC200] =	vst v18;
	v18 =	vld [tilespmem:s14+$0xA230]  }
0x499: {  	v13 =	vld [tilespmem:s14+$0xC230];
	[tilespmem:s14+$0xA210] =	vst v9;
	v9 =	vmul.f32 v11, v5;
	v11 =	vadd.f32 v21, v17  }
0x49a: {  	v19 =	vld [tilespmem:s14+$0x12240];
	[tilespmem:s14+$0xC210] =	vst v12;
	v12 =	vmul.f32 v14, v6;
	v14 =	vadd.f32 v23, v17  }
0x49b: {  	v10 =	vadd.f32 v10, v17;
	v17 =	vld [tilespmem:s14+$0xE240];
	[tilespmem:s14+$0xE210] =	vst v9;
	v9 =	vmul.f32 v11, v7  }
0x49c: {  	v11 =	vld [tilespmem:s14+$0xA240];
	[tilespmem:s14+$0x8220] =	vst v12;
	v12 =	vmul.f32 v14, v8;
	v14 =	vadd.f32 v16, v61  }
0x49d: {  	[tilespmem:s14+$0xA220] =	vst v9;
	v9 =	vmul.f32 v10, v5;
	v16 =	vld [tilespmem:s14+$0xC240];
	v10 =	vadd.f32 v18, v61  }
0x49e: {  	v13 =	vadd.f32 v13, v61;
	[tilespmem:s14+$0xC220] =	vst v12;
	v18 =	vld [tilespmem:s14+$0x12250];
	v12 =	vmul.f32 v14, v6  }
0x49f: {  	[tilespmem:s14+$0xE220] =	vst v9;
	v9 =	vmul.f32 v10, v7;
	v10 =	vadd.f32 v15, v61;
	v15 =	vld [tilespmem:s14+$0xA250]  }
0x4a0: {  	v14 =	vld [tilespmem:s14+$0x8250];
	[tilespmem:s14+$0x8230] =	vst v12;
	v12 =	vmul.f32 v13, v8;
	v13 =	vadd.f32 v62, v19  }
0x4a1: {  	v63 =	vld [tilespmem:s14+$0xC250];
	[tilespmem:s14+$0xA230] =	vst v9;
	v9 =	vmul.f32 v10, v5;
	v10 =	vadd.f32 v11, v19  }
0x4a2: {  	[tilespmem:s14+$0xC230] =	vst v12;
	v11 =	vmul.f32 v13, v6;
	v12 =	vadd.f32 v16, v19;
	v13 =	vld [tilespmem:s14+$0xE250]  }
0x4a3: {  	[tilespmem:s14+$0xE230] =	vst v9;
	v10 =	vmul.f32 v10, v7;
	v16 =	vadd.f32 v17, v19;
	v9 =	vld [tilespmem:s14+$0x12260]  }
0x4a4: {  	v17 =	vld [tilespmem:s14+$0x8260];
	v15 =	vadd.f32 v15, v18;
	[tilespmem:s14+$0x8240] =	vst v11;
	v11 =	vmul.f32 v12, v8  }
0x4a5: {  	v12 =	vadd.f32 v14, v18;
	[tilespmem:s14+$0xA240] =	vst v10;
	v10 =	vmul.f32 v16, v5;
	v14 =	vld [tilespmem:s14+$0xA260]  }
0x4a6: {  	v16 =	vadd.f32 v63, v18;
	v15 =	vmul.f32 v15, v7;
	[tilespmem:s14+$0xC240] =	vst v11;
	v11 =	vld [tilespmem:s14+$0xC260]  }
0x4a7: {  	v12 =	vmul.f32 v12, v6;
	[tilespmem:s14+$0xE240] =	vst v10;
	v18 =	vadd.f32 v13, v18;
	v13 =	vld [tilespmem:s14+$0xE260]  }
0x4a8: {  	v10 =	vld [tilespmem:s14+$0x8270];
	v16 =	vmul.f32 v16, v8;
	[tilespmem:s14+$0xA250] =	vst v15  }
0x4a9: {  	s17 =	simm.s32 $0x0;
	s18 =	simm.s32 $0x1000;
	v17 =	vadd.f32 v17, v9;
	[tilespmem:s14+$0x8250] =	vst v12;
	v12 =	vld [tilespmem:s14+$0xA270];
	v15 =	vmul.f32 v18, v5  }
.LBB2_27:
0x4aa: {  	s23 =	sshra.s32 s18, $0x2;
	[tilespmem:s14+$0xC250] =	vst v16;
	v14 =	vadd.f32 v14, v9;
	v16 =	vld [tilespmem:s14+$0xC270]  }
0x4ab: {  	s17 =	sadd.s32 $0x8, s17;
	v18 =	vld [tilespmem:s23+$0x12270];
	[tilespmem:s14+$0xE250] =	vst v15;
	v15 =	vmul.f32 v17, v6;
	v11 =	vadd.f32 v11, v9  }
0x4ac: {  	p0 =	slt.u32 s17, $0x38;
	v17 =	vld [tilespmem:s23+$0xE270];
	v14 =	vmul.f32 v14, v7;
	v9 =	vadd.f32 v13, v9  }
0x4ad: {  	v13 =	vld [tilespmem:s23+$0x12200];
	[tilespmem:s14+$0x8260] =	vst v15;
	v11 =	vmul.f32 v11, v8;
	v10 =	vadd.f32 v10, v4  }
0x4ae: {  	v15 =	vld [tilespmem:s23+$0x8200];
	[tilespmem:s14+$0xA260] =	vst v14;
	v9 =	vmul.f32 v9, v5;
	v12 =	vadd.f32 v12, v4  }
0x4af: {  	v14 =	vld [tilespmem:s23+$0xA200];
	[tilespmem:s14+$0xC260] =	vst v11;
	v10 =	vmul.f32 v10, v6;
	v11 =	vadd.f32 v16, v4  }
0x4b0: {  	v16 =	vld [tilespmem:s23+$0xC200];
	[tilespmem:s14+$0xE260] =	vst v9;
	v9 =	vmul.f32 v12, v7;
	v4 =	vmov v18  }
0x4b1: {  	v12 =	vld [tilespmem:s23+$0xE200];
	v17 =	vadd.f32 v17, v4;
	[tilespmem:s14+$0x8270] =	vst v10;
	v10 =	vmul.f32 v11, v8  }
0x4b2: {  	v11 =	vld [tilespmem:s23+$0x12210];
	[tilespmem:s14+$0xA270] =	vst v9  }
0x4b3: {  	v9 =	vadd.f32 v15, v13;
	v15 =	vld [tilespmem:s23+$0x8210];
	v17 =	vmul.f32 v17, v5;
	[tilespmem:s14+$0xC270] =	vst v10;
	s14 =	smov.u32 s23  }
0x4b4: {  	v10 =	vadd.f32 v14, v13;
	v14 =	vld [tilespmem:s14+$0xA210]  }
0x4b5: {  	v9 =	vmul.f32 v9, v6;
	v16 =	vadd.f32 v16, v13;
	v18 =	vld [tilespmem:s14+$0xC210];
	[tilespmem:s14+$0xE270] =	vst v17  }
0x4b6: {  	v10 =	vmul.f32 v10, v7;
	v12 =	vadd.f32 v12, v13;
	v13 =	vld [tilespmem:s14+$0xE210]  }
0x4b7: {  	[tilespmem:s14+$0x8200] =	vst v9;
	v9 =	vmul.f32 v16, v8;
	v16 =	vld [tilespmem:s14+$0x12220]  }
0x4b8: {  	[tilespmem:s14+$0xA200] =	vst v10;
	v10 =	vmul.f32 v12, v5;
	v12 =	vadd.f32 v15, v11;
	v15 =	vld [tilespmem:s14+$0x8220]  }
0x4b9: {  	[tilespmem:s14+$0xC200] =	vst v9;
	v9 =	vadd.f32 v14, v11;
	v14 =	vld [tilespmem:s14+$0xA220]  }
0x4ba: {  	[tilespmem:s14+$0xE200] =	vst v10;
	v10 =	vmul.f32 v12, v6;
	v12 =	vadd.f32 v18, v11;
	v17 =	vld [tilespmem:s14+$0xC220]  }
0x4bb: {  	v9 =	vmul.f32 v9, v7;
	v11 =	vadd.f32 v13, v11;
	v13 =	vld [tilespmem:s14+$0xE220]  }
0x4bc: {  	[tilespmem:s14+$0x8210] =	vst v10;
	v10 =	vmul.f32 v12, v8;
	v12 =	vld [tilespmem:s14+$0x12230]  }
0x4bd: {  	[tilespmem:s14+$0xA210] =	vst v9;
	v9 =	vmul.f32 v11, v5;
	v11 =	vadd.f32 v15, v16;
	v15 =	vld [tilespmem:s14+$0x8230]  }
0x4be: {  	[tilespmem:s14+$0xC210] =	vst v10;
	v10 =	vadd.f32 v14, v16;
	v14 =	vld [tilespmem:s14+$0xA230]  }
0x4bf: {  	[tilespmem:s14+$0xE210] =	vst v9;
	v9 =	vmul.f32 v11, v6;
	v11 =	vadd.f32 v17, v16;
	v17 =	vld [tilespmem:s14+$0xC230]  }
0x4c0: {  	v10 =	vmul.f32 v10, v7;
	v13 =	vadd.f32 v13, v16;
	v16 =	vld [tilespmem:s14+$0xE230]  }
0x4c1: {  	[tilespmem:s14+$0x8220] =	vst v9;
	v9 =	vmul.f32 v11, v8;
	v11 =	vld [tilespmem:s14+$0x12240]  }
0x4c2: {  	[tilespmem:s14+$0xA220] =	vst v10;
	v10 =	vmul.f32 v13, v5;
	v13 =	vadd.f32 v15, v12;
	v15 =	vld [tilespmem:s14+$0x8240]  }
0x4c3: {  	[tilespmem:s14+$0xC220] =	vst v9;
	v9 =	vadd.f32 v14, v12;
	v14 =	vld [tilespmem:s14+$0xA240]  }
0x4c4: {  	[tilespmem:s14+$0xE220] =	vst v10;
	v10 =	vmul.f32 v13, v6;
	v13 =	vadd.f32 v17, v12;
	v17 =	vld [tilespmem:s14+$0xC240]  }
0x4c5: {  	v9 =	vmul.f32 v9, v7;
	v12 =	vadd.f32 v16, v12;
	v16 =	vld [tilespmem:s14+$0xE240]  }
0x4c6: {  	[tilespmem:s14+$0x8230] =	vst v10;
	v10 =	vmul.f32 v13, v8;
	v13 =	vld [tilespmem:s14+$0x12250]  }
0x4c7: {  	[tilespmem:s14+$0xA230] =	vst v9;
	v9 =	vmul.f32 v12, v5;
	v12 =	vadd.f32 v15, v11;
	v15 =	vld [tilespmem:s14+$0x8250]  }
0x4c8: {  	[tilespmem:s14+$0xC230] =	vst v10;
	v10 =	vadd.f32 v14, v11;
	v14 =	vld [tilespmem:s14+$0xA250]  }
0x4c9: {  	[tilespmem:s14+$0xE230] =	vst v9;
	v9 =	vmul.f32 v12, v6;
	v12 =	vadd.f32 v17, v11;
	v17 =	vld [tilespmem:s14+$0xC250]  }
0x4ca: {  	v10 =	vmul.f32 v10, v7;
	v11 =	vadd.f32 v16, v11;
	v16 =	vld [tilespmem:s14+$0xE250]  }
0x4cb: {  	[tilespmem:s14+$0x8240] =	vst v9;
	v12 =	vmul.f32 v12, v8;
	v9 =	vld [tilespmem:s14+$0x12260]  }
0x4cc: {  	[tilespmem:s14+$0xA240] =	vst v10;
	v10 =	vmul.f32 v11, v5;
	v11 =	vadd.f32 v15, v13;
	v18 =	vld [tilespmem:s14+$0x8260]  }
.Ltmp14:
0x4cd: {  	[tilespmem:s14+$0xC240] =	vst v12;
	v12 =	vadd.f32 v14, v13;
	v14 =	vld [tilespmem:s14+$0xA260];
	(pc) =	sbr.rel @p0 .LBB2_27-.Ltmp14, $4  }
0x4ce: {  	[tilespmem:s14+$0xE240] =	vst v10;
	v10 =	vmul.f32 v11, v6;
	v15 =	vadd.f32 v17, v13;
	v11 =	vld [tilespmem:s14+$0xC260]  }
0x4cf: {  	v12 =	vmul.f32 v12, v7;
	v17 =	vadd.f32 v16, v13;
	v13 =	vld [tilespmem:s14+$0xE260]  }
0x4d0: {  	[tilespmem:s14+$0x8250] =	vst v10;
	v16 =	vmul.f32 v15, v8;
	v10 =	vld [tilespmem:s14+$0x8270]  }
0x4d1: {  	s18 =	sadd.s32 $0x1000, s18;
	[tilespmem:s14+$0xA250] =	vst v12;
	v15 =	vmul.f32 v17, v5;
	v17 =	vadd.f32 v18, v9;
	v12 =	vld [tilespmem:s14+$0xA270]  }
0x4d2: {  	v14 =	vadd.f32 v14, v9;
	v18 =	vld [tilespmem:s14+$0xC270]  }
0x4d3: {  	[tilespmem:s14+$0xC250] =	vst v16;
	v16 =	vmul.f32 v17, v6;
	v11 =	vadd.f32 v11, v9  }
0x4d4: {  	[tilespmem:s14+$0xE250] =	vst v15;
	v14 =	vmul.f32 v14, v7;
	v9 =	vadd.f32 v13, v9  }
0x4d5: {  	[tilespmem:s14+$0x8260] =	vst v16;
	v11 =	vmul.f32 v11, v8;
	v10 =	vadd.f32 v10, v4  }
0x4d6: {  	(v2sf) =	vpush v3, $0xD;
	[tilespmem:s14+$0xA260] =	vst v14;
	v5 =	vmul.f32 v9, v5;
	v9 =	vadd.f32 v12, v4  }
0x4d7: {  	(v2sf) =	vpush v2, $0xD;
	[tilespmem:s14+$0xC260] =	vst v11;
	v6 =	vmul.f32 v10, v6;
	v4 =	vadd.f32 v18, v4  }
0x4d8: {  	(v2sf) =	vpush v1, $0xD;
	[tilespmem:s14+$0xE260] =	vst v5;
	v5 =	vmul.f32 v9, v7  }
0x4d9: {  	(v2sf) =	vpush v0, $0xD;
	[tilespmem:s14+$0x8270] =	vst v6;
	v4 =	vmul.f32 v4, v8  }
0x4da: {  	[tilespmem:s14+$0xA270] =	vst v5  }
0x4db: {  	[tilespmem:s14+$0xC270] =	vst v4;
	s14 =	simm.s32 $0x0  }
0x4dc: {  	v4 =	vld [tilespmem:s14+$0x122F0]  }
0x4dd: {  	v5 =	vld [tilespmem:s14+$0xE2F0]  }
0x4de: {  	v9 =	vld [tilespmem:s14+$0x12280]  }
0x4df: {  	v6 =	vld [tilespmem:s14+$0x8280]  }
0x4e0: {  	v7 =	vld [tilespmem:s14+$0xA280]  }
0x4e1: {  	v8 =	vld [tilespmem:s14+$0xC280]  }
0x4e2: {  	v10 =	vld [tilespmem:s14+$0xE280]  }
0x4e3: {  	v11 =	vld [tilespmem:s14+$0x12290]  }
0x4e4: {  	v12 =	vld [tilespmem:s14+$0x8290]  }
0x4e5: {  	v13 =	vld [tilespmem:s14+$0xA290];
	s17 =	spop (v2sf)  }
0x4e6: {  	v14 =	vld [tilespmem:s14+$0xC290];
	s18 =	spop (v2sf)  }
0x4e7: {  	v15 =	vld [tilespmem:s14+$0xE290];
	p1 =	seq.s32 s17, $0x0;
	s17 =	simm.f32 $0.0e+00;
	s23 =	spop (v2sf)  }
0x4e8: {  	v17 =	vld [tilespmem:s14+$0x122A0];
	v18 =	vadd.f32 v6, v9;
	s17 =	simm.s32 @!p1 $0x3F800000;
	s26 =	spop (v2sf)  }
0x4e9: {  	v19 =	vld [tilespmem:s14+$0x82A0];
	v16 =	vadd.f32 v5, v4;
	v12 =	vadd.f32 v12, v11;
	v6 =	vmov s17;
	p0 =	seq.s32 s26, $0x0;
	s26 =	simm.f32 $0.0e+00  }
0x4ea: {  	v21 =	vld [tilespmem:s14+$0xA2A0];
	v20 =	vadd.f32 v7, v9;
	v22 =	vadd.f32 v8, v9;
	v18 =	vmul.f32 v18, v6;
	s26 =	simm.s32 @!p0 $0x3F800000  }
0x4eb: {  	v23 =	vld [tilespmem:s14+$0xC2A0];
	v9 =	vadd.f32 v10, v9;
	v12 =	vmul.f32 v12, v6;
	p0 =	seq.s32 s18, $0x0;
	s18 =	simm.f32 $0.0e+00;
	v5 =	vmov s26  }
0x4ec: {  	v61 =	vld [tilespmem:s14+$0x122B0];
	s18 =	simm.s32 @!p0 $0x3F800000;
	p0 =	seq.s32 s23, $0x0;
	s23 =	simm.f32 $0.0e+00;
	[tilespmem:s14+$0x8280] =	vst v18;
	v16 =	vmul.f32 v16, v5  }
0x4ed: {  	v62 =	vld [tilespmem:s14+$0x82C0];
	[tilespmem:s14+$0x8290] =	vst v12;
	s23 =	simm.s32 @!p0 $0x3F800000;
	v7 =	vmov s18;
	v9 =	vmul.f32 v9, v5  }
0x4ee: {  	v10 =	vld [tilespmem:s14+$0xE2A0];
	v13 =	vadd.f32 v13, v11;
	v8 =	vmov s23;
	[tilespmem:s14+$0xE2F0] =	vst v16;
	v16 =	vmul.f32 v20, v7  }
0x4ef: {  	v14 =	vadd.f32 v14, v11;
	v11 =	vadd.f32 v15, v11;
	v15 =	vld [tilespmem:s14+$0xE2B0];
	v18 =	vmul.f32 v22, v8;
	[tilespmem:s14+$0xE280] =	vst v9  }
0x4f0: {  	v9 =	vmul.f32 v13, v7;
	[tilespmem:s14+$0xA280] =	vst v16;
	v16 =	vld [tilespmem:s14+$0x82B0]  }
0x4f1: {  	v12 =	vmul.f32 v14, v8;
	v14 =	vadd.f32 v19, v17;
	[tilespmem:s14+$0xC280] =	vst v18;
	v18 =	vld [tilespmem:s14+$0xA2B0]  }
0x4f2: {  	v13 =	vld [tilespmem:s14+$0xC2B0];
	[tilespmem:s14+$0xA290] =	vst v9;
	v9 =	vmul.f32 v11, v5;
	v11 =	vadd.f32 v21, v17  }
0x4f3: {  	v19 =	vld [tilespmem:s14+$0x122C0];
	[tilespmem:s14+$0xC290] =	vst v12;
	v12 =	vmul.f32 v14, v6;
	v14 =	vadd.f32 v23, v17  }
0x4f4: {  	v10 =	vadd.f32 v10, v17;
	v17 =	vld [tilespmem:s14+$0xE2C0];
	[tilespmem:s14+$0xE290] =	vst v9;
	v9 =	vmul.f32 v11, v7  }
0x4f5: {  	v11 =	vld [tilespmem:s14+$0xA2C0];
	[tilespmem:s14+$0x82A0] =	vst v12;
	v12 =	vmul.f32 v14, v8;
	v14 =	vadd.f32 v16, v61  }
0x4f6: {  	[tilespmem:s14+$0xA2A0] =	vst v9;
	v9 =	vmul.f32 v10, v5;
	v16 =	vld [tilespmem:s14+$0xC2C0];
	v10 =	vadd.f32 v18, v61  }
0x4f7: {  	v13 =	vadd.f32 v13, v61;
	[tilespmem:s14+$0xC2A0] =	vst v12;
	v18 =	vld [tilespmem:s14+$0x122D0];
	v12 =	vmul.f32 v14, v6  }
0x4f8: {  	[tilespmem:s14+$0xE2A0] =	vst v9;
	v9 =	vmul.f32 v10, v7;
	v10 =	vadd.f32 v15, v61;
	v15 =	vld [tilespmem:s14+$0xA2D0]  }
0x4f9: {  	v14 =	vld [tilespmem:s14+$0x82D0];
	[tilespmem:s14+$0x82B0] =	vst v12;
	v12 =	vmul.f32 v13, v8;
	v13 =	vadd.f32 v62, v19  }
0x4fa: {  	v63 =	vld [tilespmem:s14+$0xC2D0];
	[tilespmem:s14+$0xA2B0] =	vst v9;
	v9 =	vmul.f32 v10, v5;
	v10 =	vadd.f32 v11, v19  }
0x4fb: {  	[tilespmem:s14+$0xC2B0] =	vst v12;
	v11 =	vmul.f32 v13, v6;
	v12 =	vadd.f32 v16, v19;
	v13 =	vld [tilespmem:s14+$0xE2D0]  }
0x4fc: {  	[tilespmem:s14+$0xE2B0] =	vst v9;
	v10 =	vmul.f32 v10, v7;
	v16 =	vadd.f32 v17, v19;
	v9 =	vld [tilespmem:s14+$0x122E0]  }
0x4fd: {  	v17 =	vld [tilespmem:s14+$0x82E0];
	v15 =	vadd.f32 v15, v18;
	[tilespmem:s14+$0x82C0] =	vst v11;
	v11 =	vmul.f32 v12, v8  }
0x4fe: {  	v12 =	vadd.f32 v14, v18;
	[tilespmem:s14+$0xA2C0] =	vst v10;
	v10 =	vmul.f32 v16, v5;
	v14 =	vld [tilespmem:s14+$0xA2E0]  }
0x4ff: {  	v16 =	vadd.f32 v63, v18;
	v15 =	vmul.f32 v15, v7;
	[tilespmem:s14+$0xC2C0] =	vst v11;
	v11 =	vld [tilespmem:s14+$0xC2E0]  }
0x500: {  	v12 =	vmul.f32 v12, v6;
	[tilespmem:s14+$0xE2C0] =	vst v10;
	v18 =	vadd.f32 v13, v18;
	v13 =	vld [tilespmem:s14+$0xE2E0]  }
0x501: {  	v10 =	vld [tilespmem:s14+$0x82F0];
	v16 =	vmul.f32 v16, v8;
	[tilespmem:s14+$0xA2D0] =	vst v15  }
0x502: {  	s17 =	simm.s32 $0x0;
	s18 =	simm.s32 $0x1000;
	v17 =	vadd.f32 v17, v9;
	[tilespmem:s14+$0x82D0] =	vst v12;
	v12 =	vld [tilespmem:s14+$0xA2F0];
	v15 =	vmul.f32 v18, v5  }
.LBB2_29:
0x503: {  	s23 =	sshra.s32 s18, $0x2;
	[tilespmem:s14+$0xC2D0] =	vst v16;
	v14 =	vadd.f32 v14, v9;
	v16 =	vld [tilespmem:s14+$0xC2F0]  }
0x504: {  	s17 =	sadd.s32 $0x8, s17;
	v18 =	vld [tilespmem:s23+$0x122F0];
	[tilespmem:s14+$0xE2D0] =	vst v15;
	v15 =	vmul.f32 v17, v6;
	v11 =	vadd.f32 v11, v9  }
0x505: {  	p0 =	slt.u32 s17, $0x38;
	v17 =	vld [tilespmem:s23+$0xE2F0];
	v14 =	vmul.f32 v14, v7;
	v9 =	vadd.f32 v13, v9  }
0x506: {  	v13 =	vld [tilespmem:s23+$0x12280];
	[tilespmem:s14+$0x82E0] =	vst v15;
	v11 =	vmul.f32 v11, v8;
	v10 =	vadd.f32 v10, v4  }
0x507: {  	v15 =	vld [tilespmem:s23+$0x8280];
	[tilespmem:s14+$0xA2E0] =	vst v14;
	v9 =	vmul.f32 v9, v5;
	v12 =	vadd.f32 v12, v4  }
0x508: {  	v14 =	vld [tilespmem:s23+$0xA280];
	[tilespmem:s14+$0xC2E0] =	vst v11;
	v10 =	vmul.f32 v10, v6;
	v11 =	vadd.f32 v16, v4  }
0x509: {  	v16 =	vld [tilespmem:s23+$0xC280];
	[tilespmem:s14+$0xE2E0] =	vst v9;
	v9 =	vmul.f32 v12, v7;
	v4 =	vmov v18  }
0x50a: {  	v12 =	vld [tilespmem:s23+$0xE280];
	v17 =	vadd.f32 v17, v4;
	[tilespmem:s14+$0x82F0] =	vst v10;
	v10 =	vmul.f32 v11, v8  }
0x50b: {  	v11 =	vld [tilespmem:s23+$0x12290];
	[tilespmem:s14+$0xA2F0] =	vst v9  }
0x50c: {  	v9 =	vadd.f32 v15, v13;
	v15 =	vld [tilespmem:s23+$0x8290];
	v17 =	vmul.f32 v17, v5;
	[tilespmem:s14+$0xC2F0] =	vst v10;
	s14 =	smov.u32 s23  }
0x50d: {  	v10 =	vadd.f32 v14, v13;
	v14 =	vld [tilespmem:s14+$0xA290]  }
0x50e: {  	v9 =	vmul.f32 v9, v6;
	v16 =	vadd.f32 v16, v13;
	v18 =	vld [tilespmem:s14+$0xC290];
	[tilespmem:s14+$0xE2F0] =	vst v17  }
0x50f: {  	v10 =	vmul.f32 v10, v7;
	v12 =	vadd.f32 v12, v13;
	v13 =	vld [tilespmem:s14+$0xE290]  }
0x510: {  	[tilespmem:s14+$0x8280] =	vst v9;
	v9 =	vmul.f32 v16, v8;
	v16 =	vld [tilespmem:s14+$0x122A0]  }
0x511: {  	[tilespmem:s14+$0xA280] =	vst v10;
	v10 =	vmul.f32 v12, v5;
	v12 =	vadd.f32 v15, v11;
	v15 =	vld [tilespmem:s14+$0x82A0]  }
0x512: {  	[tilespmem:s14+$0xC280] =	vst v9;
	v9 =	vadd.f32 v14, v11;
	v14 =	vld [tilespmem:s14+$0xA2A0]  }
0x513: {  	[tilespmem:s14+$0xE280] =	vst v10;
	v10 =	vmul.f32 v12, v6;
	v12 =	vadd.f32 v18, v11;
	v17 =	vld [tilespmem:s14+$0xC2A0]  }
0x514: {  	v9 =	vmul.f32 v9, v7;
	v11 =	vadd.f32 v13, v11;
	v13 =	vld [tilespmem:s14+$0xE2A0]  }
0x515: {  	[tilespmem:s14+$0x8290] =	vst v10;
	v10 =	vmul.f32 v12, v8;
	v12 =	vld [tilespmem:s14+$0x122B0]  }
0x516: {  	[tilespmem:s14+$0xA290] =	vst v9;
	v9 =	vmul.f32 v11, v5;
	v11 =	vadd.f32 v15, v16;
	v15 =	vld [tilespmem:s14+$0x82B0]  }
0x517: {  	[tilespmem:s14+$0xC290] =	vst v10;
	v10 =	vadd.f32 v14, v16;
	v14 =	vld [tilespmem:s14+$0xA2B0]  }
0x518: {  	[tilespmem:s14+$0xE290] =	vst v9;
	v9 =	vmul.f32 v11, v6;
	v11 =	vadd.f32 v17, v16;
	v17 =	vld [tilespmem:s14+$0xC2B0]  }
0x519: {  	v10 =	vmul.f32 v10, v7;
	v13 =	vadd.f32 v13, v16;
	v16 =	vld [tilespmem:s14+$0xE2B0]  }
0x51a: {  	[tilespmem:s14+$0x82A0] =	vst v9;
	v9 =	vmul.f32 v11, v8;
	v11 =	vld [tilespmem:s14+$0x122C0]  }
0x51b: {  	[tilespmem:s14+$0xA2A0] =	vst v10;
	v10 =	vmul.f32 v13, v5;
	v13 =	vadd.f32 v15, v12;
	v15 =	vld [tilespmem:s14+$0x82C0]  }
0x51c: {  	[tilespmem:s14+$0xC2A0] =	vst v9;
	v9 =	vadd.f32 v14, v12;
	v14 =	vld [tilespmem:s14+$0xA2C0]  }
0x51d: {  	[tilespmem:s14+$0xE2A0] =	vst v10;
	v10 =	vmul.f32 v13, v6;
	v13 =	vadd.f32 v17, v12;
	v17 =	vld [tilespmem:s14+$0xC2C0]  }
0x51e: {  	v9 =	vmul.f32 v9, v7;
	v12 =	vadd.f32 v16, v12;
	v16 =	vld [tilespmem:s14+$0xE2C0]  }
0x51f: {  	[tilespmem:s14+$0x82B0] =	vst v10;
	v10 =	vmul.f32 v13, v8;
	v13 =	vld [tilespmem:s14+$0x122D0]  }
0x520: {  	[tilespmem:s14+$0xA2B0] =	vst v9;
	v9 =	vmul.f32 v12, v5;
	v12 =	vadd.f32 v15, v11;
	v15 =	vld [tilespmem:s14+$0x82D0]  }
0x521: {  	[tilespmem:s14+$0xC2B0] =	vst v10;
	v10 =	vadd.f32 v14, v11;
	v14 =	vld [tilespmem:s14+$0xA2D0]  }
0x522: {  	[tilespmem:s14+$0xE2B0] =	vst v9;
	v9 =	vmul.f32 v12, v6;
	v12 =	vadd.f32 v17, v11;
	v17 =	vld [tilespmem:s14+$0xC2D0]  }
0x523: {  	v10 =	vmul.f32 v10, v7;
	v11 =	vadd.f32 v16, v11;
	v16 =	vld [tilespmem:s14+$0xE2D0]  }
0x524: {  	[tilespmem:s14+$0x82C0] =	vst v9;
	v12 =	vmul.f32 v12, v8;
	v9 =	vld [tilespmem:s14+$0x122E0]  }
0x525: {  	[tilespmem:s14+$0xA2C0] =	vst v10;
	v10 =	vmul.f32 v11, v5;
	v11 =	vadd.f32 v15, v13;
	v18 =	vld [tilespmem:s14+$0x82E0]  }
.Ltmp15:
0x526: {  	[tilespmem:s14+$0xC2C0] =	vst v12;
	v12 =	vadd.f32 v14, v13;
	v14 =	vld [tilespmem:s14+$0xA2E0];
	(pc) =	sbr.rel @p0 .LBB2_29-.Ltmp15, $4  }
0x527: {  	[tilespmem:s14+$0xE2C0] =	vst v10;
	v10 =	vmul.f32 v11, v6;
	v15 =	vadd.f32 v17, v13;
	v11 =	vld [tilespmem:s14+$0xC2E0]  }
0x528: {  	v12 =	vmul.f32 v12, v7;
	v17 =	vadd.f32 v16, v13;
	v13 =	vld [tilespmem:s14+$0xE2E0]  }
0x529: {  	[tilespmem:s14+$0x82D0] =	vst v10;
	v16 =	vmul.f32 v15, v8;
	v10 =	vld [tilespmem:s14+$0x82F0]  }
0x52a: {  	s18 =	sadd.s32 $0x1000, s18;
	[tilespmem:s14+$0xA2D0] =	vst v12;
	v15 =	vmul.f32 v17, v5;
	v17 =	vadd.f32 v18, v9;
	v12 =	vld [tilespmem:s14+$0xA2F0]  }
0x52b: {  	v14 =	vadd.f32 v14, v9;
	v18 =	vld [tilespmem:s14+$0xC2F0]  }
0x52c: {  	[tilespmem:s14+$0xC2D0] =	vst v16;
	v16 =	vmul.f32 v17, v6;
	v11 =	vadd.f32 v11, v9  }
0x52d: {  	[tilespmem:s14+$0xE2D0] =	vst v15;
	v14 =	vmul.f32 v14, v7;
	v9 =	vadd.f32 v13, v9  }
0x52e: {  	[tilespmem:s14+$0x82E0] =	vst v16;
	v11 =	vmul.f32 v11, v8;
	v10 =	vadd.f32 v10, v4  }
0x52f: {  	(v2sf) =	vpush v3, $0xE;
	[tilespmem:s14+$0xA2E0] =	vst v14;
	v5 =	vmul.f32 v9, v5;
	v9 =	vadd.f32 v12, v4  }
0x530: {  	(v2sf) =	vpush v2, $0xE;
	[tilespmem:s14+$0xC2E0] =	vst v11;
	v6 =	vmul.f32 v10, v6;
	v4 =	vadd.f32 v18, v4  }
0x531: {  	(v2sf) =	vpush v1, $0xE;
	[tilespmem:s14+$0xE2E0] =	vst v5;
	v5 =	vmul.f32 v9, v7  }
0x532: {  	(v2sf) =	vpush v0, $0xE;
	[tilespmem:s14+$0x82F0] =	vst v6;
	v4 =	vmul.f32 v4, v8  }
0x533: {  	[tilespmem:s14+$0xA2F0] =	vst v5  }
0x534: {  	[tilespmem:s14+$0xC2F0] =	vst v4;
	s14 =	simm.s32 $0x0  }
0x535: {  	v4 =	vld [tilespmem:s14+$0x12370]  }
0x536: {  	v5 =	vld [tilespmem:s14+$0xE370]  }
0x537: {  	v9 =	vld [tilespmem:s14+$0x12300]  }
0x538: {  	v6 =	vld [tilespmem:s14+$0x8300]  }
0x539: {  	v7 =	vld [tilespmem:s14+$0xA300]  }
0x53a: {  	v8 =	vld [tilespmem:s14+$0xC300]  }
0x53b: {  	v10 =	vld [tilespmem:s14+$0xE300]  }
0x53c: {  	v11 =	vld [tilespmem:s14+$0x12310]  }
0x53d: {  	v12 =	vld [tilespmem:s14+$0x8310]  }
0x53e: {  	v13 =	vld [tilespmem:s14+$0xA310];
	s17 =	spop (v2sf)  }
0x53f: {  	v14 =	vld [tilespmem:s14+$0xC310];
	s18 =	spop (v2sf)  }
0x540: {  	v15 =	vld [tilespmem:s14+$0xE310];
	p1 =	seq.s32 s17, $0x0;
	s17 =	simm.f32 $0.0e+00;
	s23 =	spop (v2sf)  }
0x541: {  	v17 =	vld [tilespmem:s14+$0x12320];
	v18 =	vadd.f32 v6, v9;
	s17 =	simm.s32 @!p1 $0x3F800000;
	s26 =	spop (v2sf)  }
0x542: {  	v19 =	vld [tilespmem:s14+$0x8320];
	v16 =	vadd.f32 v5, v4;
	v12 =	vadd.f32 v12, v11;
	v6 =	vmov s17;
	p0 =	seq.s32 s26, $0x0;
	s26 =	simm.f32 $0.0e+00  }
0x543: {  	v21 =	vld [tilespmem:s14+$0xA320];
	v20 =	vadd.f32 v7, v9;
	v22 =	vadd.f32 v8, v9;
	v18 =	vmul.f32 v18, v6;
	s26 =	simm.s32 @!p0 $0x3F800000  }
0x544: {  	v23 =	vld [tilespmem:s14+$0xC320];
	v9 =	vadd.f32 v10, v9;
	v12 =	vmul.f32 v12, v6;
	p0 =	seq.s32 s18, $0x0;
	s18 =	simm.f32 $0.0e+00;
	v5 =	vmov s26  }
0x545: {  	v61 =	vld [tilespmem:s14+$0x12330];
	s18 =	simm.s32 @!p0 $0x3F800000;
	p0 =	seq.s32 s23, $0x0;
	s23 =	simm.f32 $0.0e+00;
	[tilespmem:s14+$0x8300] =	vst v18;
	v16 =	vmul.f32 v16, v5  }
0x546: {  	v62 =	vld [tilespmem:s14+$0x8340];
	[tilespmem:s14+$0x8310] =	vst v12;
	s23 =	simm.s32 @!p0 $0x3F800000;
	v7 =	vmov s18;
	v9 =	vmul.f32 v9, v5  }
0x547: {  	v10 =	vld [tilespmem:s14+$0xE320];
	v13 =	vadd.f32 v13, v11;
	v8 =	vmov s23;
	[tilespmem:s14+$0xE370] =	vst v16;
	v16 =	vmul.f32 v20, v7  }
0x548: {  	v14 =	vadd.f32 v14, v11;
	v11 =	vadd.f32 v15, v11;
	v15 =	vld [tilespmem:s14+$0xE330];
	v18 =	vmul.f32 v22, v8;
	[tilespmem:s14+$0xE300] =	vst v9  }
0x549: {  	v9 =	vmul.f32 v13, v7;
	[tilespmem:s14+$0xA300] =	vst v16;
	v16 =	vld [tilespmem:s14+$0x8330]  }
0x54a: {  	v12 =	vmul.f32 v14, v8;
	v14 =	vadd.f32 v19, v17;
	[tilespmem:s14+$0xC300] =	vst v18;
	v18 =	vld [tilespmem:s14+$0xA330]  }
0x54b: {  	v13 =	vld [tilespmem:s14+$0xC330];
	[tilespmem:s14+$0xA310] =	vst v9;
	v9 =	vmul.f32 v11, v5;
	v11 =	vadd.f32 v21, v17  }
0x54c: {  	v19 =	vld [tilespmem:s14+$0x12340];
	[tilespmem:s14+$0xC310] =	vst v12;
	v12 =	vmul.f32 v14, v6;
	v14 =	vadd.f32 v23, v17  }
0x54d: {  	v10 =	vadd.f32 v10, v17;
	v17 =	vld [tilespmem:s14+$0xE340];
	[tilespmem:s14+$0xE310] =	vst v9;
	v9 =	vmul.f32 v11, v7  }
0x54e: {  	v11 =	vld [tilespmem:s14+$0xA340];
	[tilespmem:s14+$0x8320] =	vst v12;
	v12 =	vmul.f32 v14, v8;
	v14 =	vadd.f32 v16, v61  }
0x54f: {  	[tilespmem:s14+$0xA320] =	vst v9;
	v9 =	vmul.f32 v10, v5;
	v16 =	vld [tilespmem:s14+$0xC340];
	v10 =	vadd.f32 v18, v61  }
0x550: {  	v13 =	vadd.f32 v13, v61;
	[tilespmem:s14+$0xC320] =	vst v12;
	v18 =	vld [tilespmem:s14+$0x12350];
	v12 =	vmul.f32 v14, v6  }
0x551: {  	[tilespmem:s14+$0xE320] =	vst v9;
	v9 =	vmul.f32 v10, v7;
	v10 =	vadd.f32 v15, v61;
	v15 =	vld [tilespmem:s14+$0xA350]  }
0x552: {  	v14 =	vld [tilespmem:s14+$0x8350];
	[tilespmem:s14+$0x8330] =	vst v12;
	v12 =	vmul.f32 v13, v8;
	v13 =	vadd.f32 v62, v19  }
0x553: {  	v63 =	vld [tilespmem:s14+$0xC350];
	[tilespmem:s14+$0xA330] =	vst v9;
	v9 =	vmul.f32 v10, v5;
	v10 =	vadd.f32 v11, v19  }
0x554: {  	[tilespmem:s14+$0xC330] =	vst v12;
	v11 =	vmul.f32 v13, v6;
	v12 =	vadd.f32 v16, v19;
	v13 =	vld [tilespmem:s14+$0xE350]  }
0x555: {  	[tilespmem:s14+$0xE330] =	vst v9;
	v10 =	vmul.f32 v10, v7;
	v16 =	vadd.f32 v17, v19;
	v9 =	vld [tilespmem:s14+$0x12360]  }
0x556: {  	v17 =	vld [tilespmem:s14+$0x8360];
	v15 =	vadd.f32 v15, v18;
	[tilespmem:s14+$0x8340] =	vst v11;
	v11 =	vmul.f32 v12, v8  }
0x557: {  	v12 =	vadd.f32 v14, v18;
	[tilespmem:s14+$0xA340] =	vst v10;
	v10 =	vmul.f32 v16, v5;
	v14 =	vld [tilespmem:s14+$0xA360]  }
0x558: {  	v16 =	vadd.f32 v63, v18;
	v15 =	vmul.f32 v15, v7;
	[tilespmem:s14+$0xC340] =	vst v11;
	v11 =	vld [tilespmem:s14+$0xC360]  }
0x559: {  	v12 =	vmul.f32 v12, v6;
	[tilespmem:s14+$0xE340] =	vst v10;
	v18 =	vadd.f32 v13, v18;
	v13 =	vld [tilespmem:s14+$0xE360]  }
0x55a: {  	v10 =	vld [tilespmem:s14+$0x8370];
	v16 =	vmul.f32 v16, v8;
	[tilespmem:s14+$0xA350] =	vst v15  }
0x55b: {  	s17 =	simm.s32 $0x0;
	s18 =	simm.s32 $0x1000;
	v17 =	vadd.f32 v17, v9;
	[tilespmem:s14+$0x8350] =	vst v12;
	v12 =	vld [tilespmem:s14+$0xA370];
	v15 =	vmul.f32 v18, v5  }
.LBB2_31:
0x55c: {  	s23 =	sshra.s32 s18, $0x2;
	[tilespmem:s14+$0xC350] =	vst v16;
	v14 =	vadd.f32 v14, v9;
	v16 =	vld [tilespmem:s14+$0xC370]  }
0x55d: {  	s17 =	sadd.s32 $0x8, s17;
	v18 =	vld [tilespmem:s23+$0x12370];
	[tilespmem:s14+$0xE350] =	vst v15;
	v15 =	vmul.f32 v17, v6;
	v11 =	vadd.f32 v11, v9  }
0x55e: {  	p0 =	slt.u32 s17, $0x38;
	v17 =	vld [tilespmem:s23+$0xE370];
	v14 =	vmul.f32 v14, v7;
	v9 =	vadd.f32 v13, v9  }
0x55f: {  	v13 =	vld [tilespmem:s23+$0x12300];
	[tilespmem:s14+$0x8360] =	vst v15;
	v11 =	vmul.f32 v11, v8;
	v10 =	vadd.f32 v10, v4  }
0x560: {  	v15 =	vld [tilespmem:s23+$0x8300];
	[tilespmem:s14+$0xA360] =	vst v14;
	v9 =	vmul.f32 v9, v5;
	v12 =	vadd.f32 v12, v4  }
0x561: {  	v14 =	vld [tilespmem:s23+$0xA300];
	[tilespmem:s14+$0xC360] =	vst v11;
	v10 =	vmul.f32 v10, v6;
	v11 =	vadd.f32 v16, v4  }
0x562: {  	v16 =	vld [tilespmem:s23+$0xC300];
	[tilespmem:s14+$0xE360] =	vst v9;
	v9 =	vmul.f32 v12, v7;
	v4 =	vmov v18  }
0x563: {  	v12 =	vld [tilespmem:s23+$0xE300];
	v17 =	vadd.f32 v17, v4;
	[tilespmem:s14+$0x8370] =	vst v10;
	v10 =	vmul.f32 v11, v8  }
0x564: {  	v11 =	vld [tilespmem:s23+$0x12310];
	[tilespmem:s14+$0xA370] =	vst v9  }
0x565: {  	v9 =	vadd.f32 v15, v13;
	v15 =	vld [tilespmem:s23+$0x8310];
	v17 =	vmul.f32 v17, v5;
	[tilespmem:s14+$0xC370] =	vst v10;
	s14 =	smov.u32 s23  }
0x566: {  	v10 =	vadd.f32 v14, v13;
	v14 =	vld [tilespmem:s14+$0xA310]  }
0x567: {  	v9 =	vmul.f32 v9, v6;
	v16 =	vadd.f32 v16, v13;
	v18 =	vld [tilespmem:s14+$0xC310];
	[tilespmem:s14+$0xE370] =	vst v17  }
0x568: {  	v10 =	vmul.f32 v10, v7;
	v12 =	vadd.f32 v12, v13;
	v13 =	vld [tilespmem:s14+$0xE310]  }
0x569: {  	[tilespmem:s14+$0x8300] =	vst v9;
	v9 =	vmul.f32 v16, v8;
	v16 =	vld [tilespmem:s14+$0x12320]  }
0x56a: {  	[tilespmem:s14+$0xA300] =	vst v10;
	v10 =	vmul.f32 v12, v5;
	v12 =	vadd.f32 v15, v11;
	v15 =	vld [tilespmem:s14+$0x8320]  }
0x56b: {  	[tilespmem:s14+$0xC300] =	vst v9;
	v9 =	vadd.f32 v14, v11;
	v14 =	vld [tilespmem:s14+$0xA320]  }
0x56c: {  	[tilespmem:s14+$0xE300] =	vst v10;
	v10 =	vmul.f32 v12, v6;
	v12 =	vadd.f32 v18, v11;
	v17 =	vld [tilespmem:s14+$0xC320]  }
0x56d: {  	v9 =	vmul.f32 v9, v7;
	v11 =	vadd.f32 v13, v11;
	v13 =	vld [tilespmem:s14+$0xE320]  }
0x56e: {  	[tilespmem:s14+$0x8310] =	vst v10;
	v10 =	vmul.f32 v12, v8;
	v12 =	vld [tilespmem:s14+$0x12330]  }
0x56f: {  	[tilespmem:s14+$0xA310] =	vst v9;
	v9 =	vmul.f32 v11, v5;
	v11 =	vadd.f32 v15, v16;
	v15 =	vld [tilespmem:s14+$0x8330]  }
0x570: {  	[tilespmem:s14+$0xC310] =	vst v10;
	v10 =	vadd.f32 v14, v16;
	v14 =	vld [tilespmem:s14+$0xA330]  }
0x571: {  	[tilespmem:s14+$0xE310] =	vst v9;
	v9 =	vmul.f32 v11, v6;
	v11 =	vadd.f32 v17, v16;
	v17 =	vld [tilespmem:s14+$0xC330]  }
0x572: {  	v10 =	vmul.f32 v10, v7;
	v13 =	vadd.f32 v13, v16;
	v16 =	vld [tilespmem:s14+$0xE330]  }
0x573: {  	[tilespmem:s14+$0x8320] =	vst v9;
	v9 =	vmul.f32 v11, v8;
	v11 =	vld [tilespmem:s14+$0x12340]  }
0x574: {  	[tilespmem:s14+$0xA320] =	vst v10;
	v10 =	vmul.f32 v13, v5;
	v13 =	vadd.f32 v15, v12;
	v15 =	vld [tilespmem:s14+$0x8340]  }
0x575: {  	[tilespmem:s14+$0xC320] =	vst v9;
	v9 =	vadd.f32 v14, v12;
	v14 =	vld [tilespmem:s14+$0xA340]  }
0x576: {  	[tilespmem:s14+$0xE320] =	vst v10;
	v10 =	vmul.f32 v13, v6;
	v13 =	vadd.f32 v17, v12;
	v17 =	vld [tilespmem:s14+$0xC340]  }
0x577: {  	v9 =	vmul.f32 v9, v7;
	v12 =	vadd.f32 v16, v12;
	v16 =	vld [tilespmem:s14+$0xE340]  }
0x578: {  	[tilespmem:s14+$0x8330] =	vst v10;
	v10 =	vmul.f32 v13, v8;
	v13 =	vld [tilespmem:s14+$0x12350]  }
0x579: {  	[tilespmem:s14+$0xA330] =	vst v9;
	v9 =	vmul.f32 v12, v5;
	v12 =	vadd.f32 v15, v11;
	v15 =	vld [tilespmem:s14+$0x8350]  }
0x57a: {  	[tilespmem:s14+$0xC330] =	vst v10;
	v10 =	vadd.f32 v14, v11;
	v14 =	vld [tilespmem:s14+$0xA350]  }
0x57b: {  	[tilespmem:s14+$0xE330] =	vst v9;
	v9 =	vmul.f32 v12, v6;
	v12 =	vadd.f32 v17, v11;
	v17 =	vld [tilespmem:s14+$0xC350]  }
0x57c: {  	v10 =	vmul.f32 v10, v7;
	v11 =	vadd.f32 v16, v11;
	v16 =	vld [tilespmem:s14+$0xE350]  }
0x57d: {  	[tilespmem:s14+$0x8340] =	vst v9;
	v12 =	vmul.f32 v12, v8;
	v9 =	vld [tilespmem:s14+$0x12360]  }
0x57e: {  	[tilespmem:s14+$0xA340] =	vst v10;
	v10 =	vmul.f32 v11, v5;
	v11 =	vadd.f32 v15, v13;
	v18 =	vld [tilespmem:s14+$0x8360]  }
.Ltmp16:
0x57f: {  	[tilespmem:s14+$0xC340] =	vst v12;
	v12 =	vadd.f32 v14, v13;
	v14 =	vld [tilespmem:s14+$0xA360];
	(pc) =	sbr.rel @p0 .LBB2_31-.Ltmp16, $4  }
0x580: {  	[tilespmem:s14+$0xE340] =	vst v10;
	v10 =	vmul.f32 v11, v6;
	v15 =	vadd.f32 v17, v13;
	v11 =	vld [tilespmem:s14+$0xC360]  }
0x581: {  	v12 =	vmul.f32 v12, v7;
	v17 =	vadd.f32 v16, v13;
	v13 =	vld [tilespmem:s14+$0xE360]  }
0x582: {  	[tilespmem:s14+$0x8350] =	vst v10;
	v16 =	vmul.f32 v15, v8;
	v10 =	vld [tilespmem:s14+$0x8370]  }
0x583: {  	s18 =	sadd.s32 $0x1000, s18;
	[tilespmem:s14+$0xA350] =	vst v12;
	v15 =	vmul.f32 v17, v5;
	v17 =	vadd.f32 v18, v9;
	v12 =	vld [tilespmem:s14+$0xA370]  }
0x584: {  	v14 =	vadd.f32 v14, v9;
	v18 =	vld [tilespmem:s14+$0xC370]  }
0x585: {  	[tilespmem:s14+$0xC350] =	vst v16;
	v57 =	vmul.f32 v17, v6;
	v11 =	vadd.f32 v11, v9  }
0x586: {  	[tilespmem:s14+$0xE350] =	vst v15;
	v14 =	vmul.f32 v14, v7;
	v9 =	vadd.f32 v13, v9  }
0x587: {  	(v2sf) =	vpush v3, $0xF;
	[tilespmem:s14+$0x8360] =	vst v57;
	v3 =	vmul.f32 v11, v8;
	v10 =	vadd.f32 v10, v4  }
0x588: {  	(v2sf) =	vpush v2, $0xF;
	[tilespmem:s14+$0xA360] =	vst v14;
	v2 =	vmul.f32 v9, v5;
	v5 =	vadd.f32 v12, v4  }
0x589: {  	(v2sf) =	vpush v1, $0xF;
	[tilespmem:s14+$0xC360] =	vst v3;
	v1 =	vmul.f32 v10, v6;
	v3 =	vadd.f32 v18, v4  }
0x58a: {  	(v2sf) =	vpush v0, $0xF;
	[tilespmem:s14+$0xE360] =	vst v2;
	v0 =	vmul.f32 v5, v7  }
0x58b: {  	[tilespmem:s14+$0x8370] =	vst v1;
	v1 =	vmul.f32 v3, v8  }
0x58c: {  	[tilespmem:s14+$0xA370] =	vst v0  }
0x58d: {  	[tilespmem:s14+$0xC370] =	vst v1;
	s14 =	simm.s32 $0x0  }
0x58e: {  	v0 =	vld [tilespmem:s14+$0x123F0]  }
0x58f: {  	v1 =	vld [tilespmem:s14+$0xE3F0]  }
0x590: {  	v5 =	vld [tilespmem:s14+$0x12380]  }
0x591: {  	v2 =	vld [tilespmem:s14+$0x8380]  }
0x592: {  	v3 =	vld [tilespmem:s14+$0xA380]  }
0x593: {  	v4 =	vld [tilespmem:s14+$0xC380]  }
0x594: {  	v6 =	vld [tilespmem:s14+$0xE380]  }
0x595: {  	v7 =	vld [tilespmem:s14+$0x12390]  }
0x596: {  	v8 =	vld [tilespmem:s14+$0x8390]  }
0x597: {  	v9 =	vld [tilespmem:s14+$0xA390];
	s17 =	spop (v2sf)  }
0x598: {  	v10 =	vld [tilespmem:s14+$0xC390];
	s18 =	spop (v2sf)  }
0x599: {  	v11 =	vld [tilespmem:s14+$0xE390];
	p1 =	seq.s32 s17, $0x0;
	s17 =	simm.f32 $0.0e+00;
	s23 =	spop (v2sf)  }
0x59a: {  	v13 =	vld [tilespmem:s14+$0x123A0];
	v14 =	vadd.f32 v2, v5;
	s17 =	simm.s32 @!p1 $0x3F800000;
	s26 =	spop (v2sf)  }
0x59b: {  	v15 =	vld [tilespmem:s14+$0x83A0];
	v12 =	vadd.f32 v1, v0;
	v8 =	vadd.f32 v8, v7;
	v2 =	vmov s17;
	p0 =	seq.s32 s26, $0x0;
	s26 =	simm.f32 $0.0e+00  }
0x59c: {  	v59 =	vld [tilespmem:s14+$0xA3A0];
	v58 =	vadd.f32 v3, v5;
	v60 =	vadd.f32 v4, v5;
	v14 =	vmul.f32 v14, v2;
	s26 =	simm.s32 @!p0 $0x3F800000  }
0x59d: {  	v19 =	vld [tilespmem:s14+$0xC3A0];
	v5 =	vadd.f32 v6, v5;
	v8 =	vmul.f32 v8, v2;
	p0 =	seq.s32 s18, $0x0;
	s18 =	simm.f32 $0.0e+00;
	v1 =	vmov s26  }
0x59e: {  	v61 =	vld [tilespmem:s14+$0x123B0];
	s18 =	simm.s32 @!p0 $0x3F800000;
	p0 =	seq.s32 s23, $0x0;
	s23 =	simm.f32 $0.0e+00;
	[tilespmem:s14+$0x8380] =	vst v14;
	v12 =	vmul.f32 v12, v1  }
0x59f: {  	v62 =	vld [tilespmem:s14+$0x83C0];
	[tilespmem:s14+$0x8390] =	vst v8;
	s23 =	simm.s32 @!p0 $0x3F800000;
	v3 =	vmov s18;
	v5 =	vmul.f32 v5, v1  }
0x5a0: {  	v6 =	vld [tilespmem:s14+$0xE3A0];
	v9 =	vadd.f32 v9, v7;
	v4 =	vmov s23;
	[tilespmem:s14+$0xE3F0] =	vst v12;
	v12 =	vmul.f32 v58, v3  }
0x5a1: {  	v10 =	vadd.f32 v10, v7;
	v7 =	vadd.f32 v11, v7;
	v11 =	vld [tilespmem:s14+$0xE3B0];
	v14 =	vmul.f32 v60, v4;
	[tilespmem:s14+$0xE380] =	vst v5  }
0x5a2: {  	v5 =	vmul.f32 v9, v3;
	[tilespmem:s14+$0xA380] =	vst v12;
	v12 =	vld [tilespmem:s14+$0x83B0]  }
0x5a3: {  	v8 =	vmul.f32 v10, v4;
	v10 =	vadd.f32 v15, v13;
	[tilespmem:s14+$0xC380] =	vst v14;
	v14 =	vld [tilespmem:s14+$0xA3B0]  }
0x5a4: {  	v9 =	vld [tilespmem:s14+$0xC3B0];
	[tilespmem:s14+$0xA390] =	vst v5;
	v5 =	vmul.f32 v7, v1;
	v7 =	vadd.f32 v59, v13  }
0x5a5: {  	v15 =	vld [tilespmem:s14+$0x123C0];
	[tilespmem:s14+$0xC390] =	vst v8;
	v8 =	vmul.f32 v10, v2;
	v10 =	vadd.f32 v19, v13  }
0x5a6: {  	v6 =	vadd.f32 v6, v13;
	v13 =	vld [tilespmem:s14+$0xE3C0];
	[tilespmem:s14+$0xE390] =	vst v5;
	v5 =	vmul.f32 v7, v3  }
0x5a7: {  	v7 =	vld [tilespmem:s14+$0xA3C0];
	[tilespmem:s14+$0x83A0] =	vst v8;
	v8 =	vmul.f32 v10, v4;
	v10 =	vadd.f32 v12, v61  }
0x5a8: {  	[tilespmem:s14+$0xA3A0] =	vst v5;
	v5 =	vmul.f32 v6, v1;
	v12 =	vld [tilespmem:s14+$0xC3C0];
	v6 =	vadd.f32 v14, v61  }
0x5a9: {  	v9 =	vadd.f32 v9, v61;
	[tilespmem:s14+$0xC3A0] =	vst v8;
	v14 =	vld [tilespmem:s14+$0x123D0];
	v8 =	vmul.f32 v10, v2  }
0x5aa: {  	[tilespmem:s14+$0xE3A0] =	vst v5;
	v5 =	vmul.f32 v6, v3;
	v6 =	vadd.f32 v11, v61;
	v10 =	vld [tilespmem:s14+$0x83D0]  }
0x5ab: {  	v11 =	vld [tilespmem:s14+$0xA3D0];
	[tilespmem:s14+$0x83B0] =	vst v8;
	v8 =	vmul.f32 v9, v4;
	v9 =	vadd.f32 v62, v15  }
0x5ac: {  	v63 =	vld [tilespmem:s14+$0xC3D0];
	[tilespmem:s14+$0xA3B0] =	vst v5;
	v5 =	vmul.f32 v6, v1;
	v6 =	vadd.f32 v7, v15  }
0x5ad: {  	[tilespmem:s14+$0xC3B0] =	vst v8;
	v7 =	vmul.f32 v9, v2;
	v8 =	vadd.f32 v12, v15;
	v9 =	vld [tilespmem:s14+$0xE3D0]  }
0x5ae: {  	[tilespmem:s14+$0xE3B0] =	vst v5;
	v6 =	vmul.f32 v6, v3;
	v12 =	vadd.f32 v13, v15;
	v5 =	vld [tilespmem:s14+$0x123E0]  }
0x5af: {  	v13 =	vld [tilespmem:s14+$0x83E0];
	[tilespmem:s14+$0x83C0] =	vst v7;
	v7 =	vmul.f32 v8, v4;
	v8 =	vadd.f32 v10, v14  }
0x5b0: {  	v11 =	vadd.f32 v11, v14;
	[tilespmem:s14+$0xA3C0] =	vst v6;
	v6 =	vmul.f32 v12, v1;
	v10 =	vld [tilespmem:s14+$0xA3E0]  }
0x5b1: {  	v15 =	vadd.f32 v63, v14;
	[tilespmem:s14+$0xC3C0] =	vst v7;
	v12 =	vmul.f32 v8, v2;
	v7 =	vld [tilespmem:s14+$0xC3E0]  }
0x5b2: {  	v11 =	vmul.f32 v11, v3;
	[tilespmem:s14+$0xE3C0] =	vst v6;
	v8 =	vld [tilespmem:s14+$0xE3E0];
	v9 =	vadd.f32 v9, v14  }
0x5b3: {  	v6 =	vld [tilespmem:s14+$0x83F0];
	[tilespmem:s14+$0x83D0] =	vst v12;
	v12 =	vmul.f32 v15, v4  }
0x5b4: {  	s17 =	simm.s32 $0x0;
	s18 =	simm.s32 $0x1000;
	[tilespmem:s14+$0xA3D0] =	vst v11;
	v13 =	vadd.f32 v13, v5;
	v11 =	vmul.f32 v9, v1;
	v9 =	vld [tilespmem:s14+$0xA3F0]  }
.LBB2_33:
0x5b5: {  	s23 =	sshra.s32 s18, $0x2;
	[tilespmem:s14+$0xC3D0] =	vst v12;
	v10 =	vadd.f32 v10, v5;
	v12 =	vld [tilespmem:s14+$0xC3F0]  }
0x5b6: {  	s17 =	sadd.s32 $0x8, s17;
	v14 =	vld [tilespmem:s23+$0x123F0];
	[tilespmem:s14+$0xE3D0] =	vst v11;
	v11 =	vmul.f32 v13, v2;
	v7 =	vadd.f32 v7, v5  }
0x5b7: {  	p0 =	slt.u32 s17, $0x38;
	v13 =	vld [tilespmem:s23+$0xE3F0];
	v10 =	vmul.f32 v10, v3;
	v5 =	vadd.f32 v8, v5  }
0x5b8: {  	v8 =	vld [tilespmem:s23+$0x12380];
	[tilespmem:s14+$0x83E0] =	vst v11;
	v7 =	vmul.f32 v7, v4;
	v6 =	vadd.f32 v6, v0  }
0x5b9: {  	v11 =	vld [tilespmem:s23+$0x8380];
	[tilespmem:s14+$0xA3E0] =	vst v10;
	v5 =	vmul.f32 v5, v1;
	v9 =	vadd.f32 v9, v0  }
0x5ba: {  	v10 =	vld [tilespmem:s23+$0xA380];
	[tilespmem:s14+$0xC3E0] =	vst v7;
	v6 =	vmul.f32 v6, v2;
	v7 =	vadd.f32 v12, v0  }
0x5bb: {  	v12 =	vld [tilespmem:s23+$0xC380];
	[tilespmem:s14+$0xE3E0] =	vst v5;
	v5 =	vmul.f32 v9, v3;
	v0 =	vmov v14  }
0x5bc: {  	v9 =	vld [tilespmem:s23+$0xE380];
	v13 =	vadd.f32 v13, v0;
	[tilespmem:s14+$0x83F0] =	vst v6;
	v6 =	vmul.f32 v7, v4  }
0x5bd: {  	v7 =	vld [tilespmem:s23+$0x12390];
	[tilespmem:s14+$0xA3F0] =	vst v5  }
0x5be: {  	v5 =	vadd.f32 v11, v8;
	v11 =	vld [tilespmem:s23+$0x8390];
	v13 =	vmul.f32 v13, v1;
	[tilespmem:s14+$0xC3F0] =	vst v6;
	s14 =	smov.u32 s23  }
0x5bf: {  	v6 =	vadd.f32 v10, v8;
	v10 =	vld [tilespmem:s14+$0xA390]  }
0x5c0: {  	v5 =	vmul.f32 v5, v2;
	v12 =	vadd.f32 v12, v8;
	v14 =	vld [tilespmem:s14+$0xC390];
	[tilespmem:s14+$0xE3F0] =	vst v13  }
0x5c1: {  	v6 =	vmul.f32 v6, v3;
	v8 =	vadd.f32 v9, v8;
	v9 =	vld [tilespmem:s14+$0xE390]  }
0x5c2: {  	[tilespmem:s14+$0x8380] =	vst v5;
	v5 =	vmul.f32 v12, v4;
	v12 =	vld [tilespmem:s14+$0x123A0]  }
0x5c3: {  	[tilespmem:s14+$0xA380] =	vst v6;
	v6 =	vmul.f32 v8, v1;
	v8 =	vadd.f32 v11, v7;
	v11 =	vld [tilespmem:s14+$0x83A0]  }
0x5c4: {  	[tilespmem:s14+$0xC380] =	vst v5;
	v5 =	vadd.f32 v10, v7;
	v10 =	vld [tilespmem:s14+$0xA3A0]  }
0x5c5: {  	[tilespmem:s14+$0xE380] =	vst v6;
	v6 =	vmul.f32 v8, v2;
	v8 =	vadd.f32 v14, v7;
	v13 =	vld [tilespmem:s14+$0xC3A0]  }
0x5c6: {  	v5 =	vmul.f32 v5, v3;
	v7 =	vadd.f32 v9, v7;
	v9 =	vld [tilespmem:s14+$0xE3A0]  }
0x5c7: {  	[tilespmem:s14+$0x8390] =	vst v6;
	v6 =	vmul.f32 v8, v4;
	v8 =	vld [tilespmem:s14+$0x123B0]  }
0x5c8: {  	[tilespmem:s14+$0xA390] =	vst v5;
	v5 =	vmul.f32 v7, v1;
	v7 =	vadd.f32 v11, v12;
	v11 =	vld [tilespmem:s14+$0x83B0]  }
0x5c9: {  	[tilespmem:s14+$0xC390] =	vst v6;
	v6 =	vadd.f32 v10, v12;
	v10 =	vld [tilespmem:s14+$0xA3B0]  }
0x5ca: {  	[tilespmem:s14+$0xE390] =	vst v5;
	v5 =	vmul.f32 v7, v2;
	v7 =	vadd.f32 v13, v12;
	v13 =	vld [tilespmem:s14+$0xC3B0]  }
0x5cb: {  	v6 =	vmul.f32 v6, v3;
	v9 =	vadd.f32 v9, v12;
	v12 =	vld [tilespmem:s14+$0xE3B0]  }
0x5cc: {  	[tilespmem:s14+$0x83A0] =	vst v5;
	v5 =	vmul.f32 v7, v4;
	v7 =	vld [tilespmem:s14+$0x123C0]  }
0x5cd: {  	[tilespmem:s14+$0xA3A0] =	vst v6;
	v6 =	vmul.f32 v9, v1;
	v9 =	vadd.f32 v11, v8;
	v11 =	vld [tilespmem:s14+$0x83C0]  }
0x5ce: {  	[tilespmem:s14+$0xC3A0] =	vst v5;
	v5 =	vadd.f32 v10, v8;
	v10 =	vld [tilespmem:s14+$0xA3C0]  }
0x5cf: {  	[tilespmem:s14+$0xE3A0] =	vst v6;
	v6 =	vmul.f32 v9, v2;
	v9 =	vadd.f32 v13, v8;
	v13 =	vld [tilespmem:s14+$0xC3C0]  }
0x5d0: {  	v5 =	vmul.f32 v5, v3;
	v8 =	vadd.f32 v12, v8;
	v12 =	vld [tilespmem:s14+$0xE3C0]  }
0x5d1: {  	[tilespmem:s14+$0x83B0] =	vst v6;
	v6 =	vmul.f32 v9, v4;
	v9 =	vld [tilespmem:s14+$0x123D0]  }
0x5d2: {  	[tilespmem:s14+$0xA3B0] =	vst v5;
	v5 =	vmul.f32 v8, v1;
	v8 =	vadd.f32 v11, v7;
	v11 =	vld [tilespmem:s14+$0x83D0]  }
0x5d3: {  	[tilespmem:s14+$0xC3B0] =	vst v6;
	v6 =	vadd.f32 v10, v7;
	v10 =	vld [tilespmem:s14+$0xA3D0]  }
0x5d4: {  	[tilespmem:s14+$0xE3B0] =	vst v5;
	v5 =	vmul.f32 v8, v2;
	v8 =	vadd.f32 v13, v7;
	v13 =	vld [tilespmem:s14+$0xC3D0]  }
0x5d5: {  	v6 =	vmul.f32 v6, v3;
	v7 =	vadd.f32 v12, v7;
	v12 =	vld [tilespmem:s14+$0xE3D0]  }
0x5d6: {  	[tilespmem:s14+$0x83C0] =	vst v5;
	v8 =	vmul.f32 v8, v4;
	v5 =	vld [tilespmem:s14+$0x123E0]  }
0x5d7: {  	[tilespmem:s14+$0xA3C0] =	vst v6;
	v6 =	vmul.f32 v7, v1;
	v7 =	vadd.f32 v11, v9;
	v14 =	vld [tilespmem:s14+$0x83E0]  }
.Ltmp17:
0x5d8: {  	[tilespmem:s14+$0xC3C0] =	vst v8;
	v8 =	vadd.f32 v10, v9;
	v10 =	vld [tilespmem:s14+$0xA3E0];
	(pc) =	sbr.rel @p0 .LBB2_33-.Ltmp17, $4  }
0x5d9: {  	[tilespmem:s14+$0xE3C0] =	vst v6;
	v6 =	vmul.f32 v7, v2;
	v11 =	vadd.f32 v13, v9;
	v7 =	vld [tilespmem:s14+$0xC3E0]  }
0x5da: {  	v13 =	vmul.f32 v8, v3;
	v9 =	vadd.f32 v12, v9;
	v8 =	vld [tilespmem:s14+$0xE3E0]  }
0x5db: {  	[tilespmem:s14+$0x83D0] =	vst v6;
	v12 =	vmul.f32 v11, v4;
	v6 =	vld [tilespmem:s14+$0x83F0]  }
0x5dc: {  	s18 =	sadd.s32 $0x1000, s18;
	[tilespmem:s14+$0xA3D0] =	vst v13;
	v11 =	vmul.f32 v9, v1;
	v13 =	vadd.f32 v14, v5;
	v9 =	vld [tilespmem:s14+$0xA3F0]  }
0x5dd: {  	v10 =	vadd.f32 v10, v5;
	v14 =	vld [tilespmem:s14+$0xC3F0]  }
0x5de: {  	[tilespmem:s14+$0xC3D0] =	vst v12;
	v58 =	vmul.f32 v13, v2;
	v7 =	vadd.f32 v7, v5  }
0x5df: {  	[tilespmem:s14+$0xE3D0] =	vst v11;
	v10 =	vmul.f32 v10, v3;
	v59 =	vadd.f32 v8, v5  }
0x5e0: {  	[tilespmem:s14+$0x83E0] =	vst v58;
	v7 =	vmul.f32 v7, v4;
	v6 =	vadd.f32 v6, v0  }
0x5e1: {  	[tilespmem:s14+$0xA3E0] =	vst v10;
	v1 =	vmul.f32 v59, v1;
	v60 =	vadd.f32 v9, v0  }
0x5e2: {  	[tilespmem:s14+$0xC3E0] =	vst v7;
	v61 =	vmul.f32 v6, v2;
	v62 =	vadd.f32 v14, v0  }
0x5e3: {  	s17 =	sadd.s32 s13, s6;
	[tilespmem:s14+$0xE3E0] =	vst v1;
	v63 =	vmul.f32 v60, v3  }
0x5e4: {  	s17 =	sshll.u32 s17, $0x7;
	[tilespmem:s14+$0x83F0] =	vst v61;
	v0 =	vmul.f32 v62, v4  }
0x5e5: {  	p0 =	seq.s32 s12, $0xF;
	s17 =	sadd.s32 s4, s17;
	[tilespmem:s14+$0xA3F0] =	vst v63  }
.Ltmp18:
0x5e6: {  	s26 =	sadd.s32 $0x400, s17;
	[tilespmem:s14+$0xC3F0] =	vst v0;
	(pc) =	sbr.rel @p0 .LBB2_36-.Ltmp18, $4  }
0x5e7: {  	[hbm4b:s26+s1] =	stream.strided.scatter [tilespmem:s20], [sflag:$0x6], $0x8000, s2, s1, $0x38;
	[tilespmem:$0x14400] =	vst v63  }
0x5e8: {  	_ =	swait.ge [sflag:s29], $0x8000  }
0x5e9: {  	[sflag:s29] =	ssyncset.done $0x0  }
0x5ea: {  	[sflag:s29] =	ssyncadd.s32 $0xFFFF8000  }
0x5eb: {  	s14 =	sadd.s32 s13, s15  }
0x5ec: {  	s14 =	sshll.u32 s14, $0x7  }
0x5ed: {  	s17 =	sadd.s32 s3, s14  }
0x5ee: {  	[tilespmem:s31], [sflag:$0x3] =	stream.linear.gather [hbm4b:s17+s5], $0x2000, $0x38;
	[tilespmem:$0x14400] =	vst v63  }
0x5ef: {  	s14 =	sadd.s32 s0, s14  }
0x5f0: {  	[tilespmem:s5], [sflag:$0x1] =	stream.strided.gather [hbm4b:s14+s1], $0x8000, s2, s1, $0x38;
	[tilespmem:$0x14400] =	vst v63  }
0x5f1: {  	s23 =	sadd.s32 s13, s16;
	_ =	swait.ge [sflag:s30], $0x8000  }
.Ltmp19:
0x5f2: {  	s13 =	sshll.u32 s23, $0x7;
	[sflag:s30] =	ssyncset.done $0x0;
	(pc) =	sbr.rel .LBB2_2-.Ltmp19, $4  }
0x5f3: {  	s26 =	sadd.s32 s3, s13;
	[sflag:s30] =	ssyncadd.s32 $0xFFFF8000  }
0x5f4: {  	[tilespmem:s19], [sflag:$0x4] =	stream.linear.gather [hbm4b:s26+s5], $0x2000, $0x38;
	[tilespmem:$0x14400] =	vst v63  }
0x5f5: {  	s12 =	sadd.s32 $0x1, s12;
	s13 =	sadd.s32 s0, s13  }
0x5f6: {  	[tilespmem:s20], [sflag:$0x2] =	stream.strided.gather [hbm4b:s13+s1], $0x8000, s2, s1, $0x38;
	[tilespmem:$0x14400] =	vst v63  }
.LBB2_37:
0x5f7: {  	_ =	sfence.sel $0x180000  }
0x5f8: {  	[bflag:$0x0] =	sbarrier.arrive $0xFFFF  }
0x5f9: {  	_ =	strace $0x90000047  }
0x5fa: {  	s0 =	stileid.u32;
	[bflag:$0x2] =	sbarrier.arrive $0xFFFF  }
0x5fb: {  	p0 =	sne.s32 s0, $0x0;
	s0 =	rddreg [dreg:$0x4]  }
0x5fc: {  	s0 =	sadd.s32 @!p0 $0x100000, s0  }
0x5fd: {  	[sflag:s0] =	ssyncadd.tile.s32 @!p0 $0x1;
	_ =	shalt  }
.Lfunc_end2:
_tile_overlayer_lowered:
.L_overlay_start_2:
0x5fe: {  	(tag) =	ssettag $0x2  }
0x5ff: {  	s0 =	rddreg [dreg:$0x0];
	s2 =	stileid.u32  }
0x600: {  	s1 =	rddreg [dreg:$0x1];
	p0 =	sne.s32 s2, $0x0  }
0x601: {  	s3 =	rddreg [dreg:$0x2];
	[bflag:$0x3] =	sbarrier.arrive $0xFFFF;
	s2 =	simm.s32 @!p0 $0x1C07  }
0x602: {  	[timem:s3], [sflag:s2] =	dma.local @!p0 [hbm:s0], s1  }
0x603: {  	s0 =	simm.s32 @!p0 $0x7  }
0x604: {  	_ =	swait.ge @!p0 [sflag:s0], s1  }
0x605: {  	s1 =	ssub.s32 @!p0 $0x0, s1;
	[sflag:s0] =	ssyncset.done @!p0 $0x0  }
0x606: {  	[sflag:s0] =	ssyncadd.s32 @!p0 s1  }
0x607: {  	[bflag:$0x3] =	sbarrier.arrive $0xFFFF  }
0x608: {  	_ =	shalt  }

</sc_bundles>
